<compile_context>
chip_gen: v7x
topology: tpu7x:2x2x1
jax: 0.10.2.dev20260603
libtpu: 0.0.44.dev20260713+nightly
codegen_flags: <defaults>
</compile_context>

<pallas_src>
import functools

import jax
import jax.numpy as jnp
import numpy as np
from jax import lax
from jax.experimental import pallas as pl
from jax.experimental.pallas import tpu as pltpu
from jax.experimental.pallas import tpu_sc as plsc

N_DATA = 100000
BATCH = 16384
NC, NS, L = 2, 16, 16
NW = NC * NS
BPW = BATCH // NW
NT = BATCH // 128
CPAD = 4
SLAB = (BPW // 128) * CPAD * 128

_HALF_PI = np.float32(np.pi / 2)
_S3, _S5, _S7, _S9, _S11 = (np.float32(-1 / 6), np.float32(1 / 120),
                            np.float32(-1 / 5040), np.float32(1 / 362880),
                            np.float32(-1 / 39916800))
_C2, _C4, _C6, _C8, _C10 = (np.float32(-1 / 2), np.float32(1 / 24),
                            np.float32(-1 / 720), np.float32(1 / 40320),
                            np.float32(-1 / 3628800))


@functools.partial(
    pl.kernel,
    mesh=plsc.VectorSubcoreMesh(core_axis_name="c", subcore_axis_name="s"),
    out_type=jax.ShapeDtypeStruct((3 * CPAD * BATCH,), jnp.float32),
    scratch_types=[
        pltpu.VMEM((BPW,), jnp.int32),
        pltpu.VMEM((5 * BPW + 3 * SLAB,), jnp.float32),
        pltpu.SemaphoreType.DMA,
        pltpu.SemaphoreType.DMA,
        pltpu.SemaphoreType.DMA,
        pltpu.SemaphoreType.DMA,
        pltpu.SemaphoreType.DMA,
    ],
    compiler_params=pltpu.CompilerParams(
        needs_layout_passes=False,
        skip_device_barrier=True,
        disable_bounds_checks=True,
        disable_semaphore_checks=True,
    ),
)
def _euler_rot_sc(idx_hbm, pc_hbm, ps_hbm, th_hbm, fc_hbm, fs_hbm, out_hbm,
                  idx_v, buf_v, isem0, isem1, gsem0, gsem1, osem):
    wid = lax.axis_index("s") * NC + lax.axis_index("c")
    base = wid * BPW
    tabs = (pc_hbm, ps_hbm, th_hbm, fc_hbm, fs_hbm)
    H = BPW // 2
    OUT0 = 5 * BPW

    idx0 = pltpu.async_copy(idx_hbm.at[pl.ds(base, H)],
                            idx_v.at[pl.ds(0, H)], isem0)
    idx1 = pltpu.async_copy(idx_hbm.at[pl.ds(base + H, H)],
                            idx_v.at[pl.ds(H, H)], isem1)

    idx0.wait()
    gath = [
        [pltpu.async_copy(t.at[idx_v.at[pl.ds(0, H)]],
                          buf_v.at[pl.ds(k * BPW, H)], gsem0)
         for k, t in enumerate(tabs)]
    ]
    idx1.wait()
    gath.append(
        [pltpu.async_copy(t.at[idx_v.at[pl.ds(H, H)]],
                          buf_v.at[pl.ds(k * BPW + H, H)], gsem1)
         for k, t in enumerate(tabs)]
    )

    def chunk(i):
        s = i * L
        c1 = buf_v[pl.ds(s, L)]
        s1 = buf_v[pl.ds(BPW + s, L)]
        th = buf_v[pl.ds(2 * BPW + s, L)]
        c2 = buf_v[pl.ds(3 * BPW + s, L)]
        s2 = buf_v[pl.ds(4 * BPW + s, L)]

        x = th - _HALF_PI
        x2 = x * x
        sinx = x * (1.0 + x2 * (_S3 + x2 * (_S5 + x2 * (_S7 + x2 * (_S9 + x2 * _S11)))))
        cosx = 1.0 + x2 * (_C2 + x2 * (_C4 + x2 * (_C6 + x2 * (_C8 + x2 * _C10))))
        ct = -sinx
        st = cosx

        a = c1 * ct
        b = s1 * ct
        entries = (
            (0, 0, a * c2 - s1 * s2),
            (0, 1, -(a * s2) - s1 * c2),
            (0, 2, c1 * st),
            (1, 0, b * c2 + c1 * s2),
            (1, 1, c1 * c2 - b * s2),
            (1, 2, s1 * st),
            (2, 0, -(st * c2)),
            (2, 1, st * s2),
            (2, 2, ct),
        )
        off = (i // 8) * (CPAD * 128) + (i % 8) * L
        for r, c, val in entries:
            buf_v[pl.ds(OUT0 + r * SLAB + off + c * 128, L)] = val

    SUB = CPAD * 128
    outs = []

    def flush(t_local):
        for r in range(3):
            src = OUT0 + r * SLAB + t_local * SUB
            dst = r * (CPAD * BATCH) + wid * SLAB + t_local * SUB
            outs.append(pltpu.async_copy(
                buf_v.at[pl.ds(src, SUB)], out_hbm.at[pl.ds(dst, SUB)], osem))

    for h in range(2):
        for c in gath[h]:
            c.wait()
        for i in range(h * (H // L), (h + 1) * (H // L)):
            chunk(i)
            if i % 8 == 7:
                flush(i // 8)
    for o in outs:
        o.wait()


def kernel(idx, psi_cos, psi_sin, theta, phi_cos, phi_sin):
    flat = _euler_rot_sc(idx.astype(jnp.int32), psi_cos, psi_sin, theta,
                         phi_cos, phi_sin)
    grid = flat.reshape(3, NT, CPAD, 128)
    return grid.transpose(1, 3, 0, 2).reshape(BATCH, 3, CPAD)[:, :, :3]

# --- scband reference (transcript-rebuilt; emitter-appended) ---
"""Pipeline reference for scband-circular-euler-rot-model-13769665151019 (READ-ONLY COPY).

The authoritative reference and input builder live on the scoring server;
editing this copy changes nothing except your own understanding.
"""

import jax, jax.numpy as jnp
import numpy as np

N_DATA = 100000
BATCH = 16384


def _rot_z(a):
    c = jnp.cos(a)
    s = jnp.sin(a)
    z = jnp.zeros_like(a)
    o = jnp.ones_like(a)
    m = jnp.stack([c, -s, z, s, c, z, z, z, o], axis=-1)
    return m.reshape(a.shape + (3, 3))


def _rot_y(a):
    c = jnp.cos(a)
    s = jnp.sin(a)
    z = jnp.zeros_like(a)
    o = jnp.ones_like(a)
    m = jnp.stack([c, z, s, z, o, z, -s, z, c], axis=-1)
    return m.reshape(a.shape + (3, 3))


def setup_inputs(seed: int = 0) -> dict:
    key = jax.random.key(seed)
    k0, k1, k2, k3 = jax.random.split(key, 4)
    # Parameters as the torch module stores them: circular parameterization of
    # ZYZ Euler angles derived from random rotations.
    psi = jax.random.uniform(k0, (N_DATA,), minval=-np.pi, maxval=np.pi, dtype=jnp.float32)
    theta = jax.random.uniform(k1, (N_DATA,), minval=0.0, maxval=np.pi, dtype=jnp.float32)
    phi = jax.random.uniform(k2, (N_DATA,), minval=-np.pi, maxval=np.pi, dtype=jnp.float32)
    idx = jax.random.randint(k3, (BATCH,), 0, N_DATA, dtype=jnp.int64) if jax.config.read('jax_enable_x64') else jax.random.randint(k3, (BATCH,), 0, N_DATA, dtype=jnp.int32)
    return {
        'idx': idx,
        'psi_cos': jnp.cos(psi),
        'psi_sin': jnp.sin(psi),
        'theta': theta,
        'phi_cos': jnp.cos(phi),
        'phi_sin': jnp.sin(phi),
    }


def reference(idx, psi_cos, psi_sin, theta, phi_cos, phi_sin):
    # Gather circular params (embedding-style lookup)
    psi = jnp.arctan2(jnp.take(psi_sin, idx, axis=0), jnp.take(psi_cos, idx, axis=0))
    th = jnp.take(theta, idx, axis=0)
    phi = jnp.arctan2(jnp.take(phi_sin, idx, axis=0), jnp.take(phi_cos, idx, axis=0))
    # euler_angles_to_matrix with convention 'ZYZ':
    # R = Rz(psi) @ Ry(theta) @ Rz(phi)
    R = jnp.matmul(_rot_z(psi), jnp.matmul(_rot_y(th), _rot_z(phi)))
    return R

if __name__ == "__main__":
    import jax
    _d = setup_inputs()
    print(jax.jit(kernel)(*tuple(_d.values())))

</pallas_src>

<mosaic_0001>
#map = affine_map<(d0, d1) -> (0)>
module attributes {stable_mosaic.version = 14 : i64} {
  func.func @_euler_rot_sc(%arg0: i32, %arg1: i32, %arg2: memref<16384xi32, #tpu.memory_space<hbm>>, %arg3: memref<100000xf32, #tpu.memory_space<hbm>>, %arg4: memref<100000xf32, #tpu.memory_space<hbm>>, %arg5: memref<100000xf32, #tpu.memory_space<hbm>>, %arg6: memref<100000xf32, #tpu.memory_space<hbm>>, %arg7: memref<100000xf32, #tpu.memory_space<hbm>>, %arg8: memref<196608xf32, #tpu.memory_space<hbm>>, %arg9: memref<512xi32, #tpu.memory_space<vmem>>, %arg10: memref<8704xf32, #tpu.memory_space<vmem>>, %arg11: memref<!tpu.dma_semaphore, #tpu.memory_space<semaphore_mem>>, %arg12: memref<!tpu.dma_semaphore, #tpu.memory_space<semaphore_mem>>, %arg13: memref<!tpu.dma_semaphore, #tpu.memory_space<semaphore_mem>>, %arg14: memref<!tpu.dma_semaphore, #tpu.memory_space<semaphore_mem>>, %arg15: memref<!tpu.dma_semaphore, #tpu.memory_space<semaphore_mem>>) attributes {dimension_semantics = [#tpu.dimension_semantics<core_parallel>, #tpu.dimension_semantics<subcore_parallel>], iteration_bounds = array<i64: 2, 16>, scalar_prefetch = 0 : i64, scratch_operands = 7 : i64, tpu.core_type = #tpu.core_type<sc_vector_subcore>, window_params = [{transform_indices = #map}, {transform_indices = #map}, {transform_indices = #map}, {transform_indices = #map}, {transform_indices = #map}, {transform_indices = #map}, {transform_indices = #map}]} {
    %mul3A = arith.constant 2 : i32
    %mul3A_0 = arith.muli %arg1, %mul3A : i32
    %add3A = arith.addi %mul3A_0, %arg0 : i32
    %mul3A_1 = arith.constant 512 : i32
    %mul3A_2 = arith.muli %add3A, %mul3A_1 : i32
    %dma_start3A = arith.constant 0 : i32
    %dma_start3A_3 = tpu.memref_slice %arg9[%dma_start3A] : memref<512xi32, #tpu.memory_space<vmem>> -> memref<256xi32, #tpu.memory_space<vmem>>
    %dma_start3A_4 = tpu.memref_slice %arg2[%mul3A_2] : memref<16384xi32, #tpu.memory_space<hbm>> -> memref<256xi32, #tpu.memory_space<hbm>>
    %dma_start3A_5 = arith.constant 0 : i32
    %dma_start3A_6 = tpu.memref_slice %arg9[%dma_start3A_5] : memref<512xi32, #tpu.memory_space<vmem>> -> memref<256xi32, #tpu.memory_space<vmem>>
    %dma_start3A_7 = tpu.memref_slice %arg2[%mul3A_2] : memref<16384xi32, #tpu.memory_space<hbm>> -> memref<256xi32, #tpu.memory_space<hbm>>
    tpu.enqueue_dma source(%dma_start3A_7 : memref<256xi32, #tpu.memory_space<hbm>>) target(%dma_start3A_6 : memref<256xi32, #tpu.memory_space<vmem>>) target_semaphore(%arg11 : memref<!tpu.dma_semaphore, #tpu.memory_space<semaphore_mem>>)
    %add3A_8 = arith.constant 256 : i32
    %add3A_9 = arith.addi %mul3A_2, %add3A_8 : i32
    %dma_start3A_10 = arith.constant 256 : i32
    %dma_start3A_11 = tpu.memref_slice %arg9[%dma_start3A_10] : memref<512xi32, #tpu.memory_space<vmem>> -> memref<256xi32, #tpu.memory_space<vmem>>
    %dma_start3A_12 = tpu.memref_slice %arg2[%add3A_9] : memref<16384xi32, #tpu.memory_space<hbm>> -> memref<256xi32, #tpu.memory_space<hbm>>
    %dma_start3A_13 = arith.constant 256 : i32
    %dma_start3A_14 = tpu.memref_slice %arg9[%dma_start3A_13] : memref<512xi32, #tpu.memory_space<vmem>> -> memref<256xi32, #tpu.memory_space<vmem>>
    %dma_start3A_15 = tpu.memref_slice %arg2[%add3A_9] : memref<16384xi32, #tpu.memory_space<hbm>> -> memref<256xi32, #tpu.memory_space<hbm>>
    tpu.enqueue_dma source(%dma_start3A_15 : memref<256xi32, #tpu.memory_space<hbm>>) target(%dma_start3A_14 : memref<256xi32, #tpu.memory_space<vmem>>) target_semaphore(%arg12 : memref<!tpu.dma_semaphore, #tpu.memory_space<semaphore_mem>>)
    %dma_wait3A = arith.constant 0 : i32
    %dma_wait3A_16 = tpu.memref_slice %arg9[%dma_wait3A] : memref<512xi32, #tpu.memory_space<vmem>> -> memref<256xi32, #tpu.memory_space<vmem>>
    %dma_wait3A_17 = tpu.memref_slice %arg2[%mul3A_2] : memref<16384xi32, #tpu.memory_space<hbm>> -> memref<256xi32, #tpu.memory_space<hbm>>
    %dma_wait3A_18 = arith.constant 0 : i32
    %dma_wait3A_19 = tpu.memref_slice %arg9[%dma_wait3A_18] : memref<512xi32, #tpu.memory_space<vmem>> -> memref<256xi32, #tpu.memory_space<vmem>>
    %dma_wait3A_20 = tpu.memref_slice %arg2[%mul3A_2] : memref<16384xi32, #tpu.memory_space<hbm>> -> memref<256xi32, #tpu.memory_space<hbm>>
    tpu.wait_dma2 semaphore(%arg11 : memref<!tpu.dma_semaphore, #tpu.memory_space<semaphore_mem>>) src(%dma_wait3A_20 : memref<256xi32, #tpu.memory_space<hbm>>) dst(%dma_wait3A_19 : memref<256xi32, #tpu.memory_space<vmem>>)
    %dma_start3A_21 = arith.constant 0 : i32
    %dma_start3A_22 = tpu.memref_slice %arg10[%dma_start3A_21] : memref<8704xf32, #tpu.memory_space<vmem>> -> memref<256xf32, #tpu.memory_space<vmem>>
    %dma_start3A_23 = arith.constant 0 : i32
    %dma_start3A_24 = tpu.memref_slice %arg9[%dma_start3A_23] : memref<512xi32, #tpu.memory_space<vmem>> -> memref<256xi32, #tpu.memory_space<vmem>>
    %dma_start3A_25 = arith.constant 0 : i32
    %dma_start3A_26 = tpu.memref_slice %arg3[%dma_start3A_25] : memref<100000xf32, #tpu.memory_space<hbm>> -> memref<100000xf32, #tpu.memory_space<hbm>>
    tpu.enqueue_indirect_dma source(%dma_start3A_26 : memref<100000xf32, #tpu.memory_space<hbm>>) target(%dma_start3A_22 : memref<256xf32, #tpu.memory_space<vmem>>) offsets(%dma_start3A_24 : memref<256xi32, #tpu.memory_space<vmem>>) semaphore(%arg13 : memref<!tpu.dma_semaphore, #tpu.memory_space<semaphore_mem>>)
    %dma_start3A_27 = arith.constant 512 : i32
    %dma_start3A_28 = tpu.memref_slice %arg10[%dma_start3A_27] : memref<8704xf32, #tpu.memory_space<vmem>> -> memref<256xf32, #tpu.memory_space<vmem>>
    %dma_start3A_29 = arith.constant 0 : i32
    %dma_start3A_30 = tpu.memref_slice %arg9[%dma_start3A_29] : memref<512xi32, #tpu.memory_space<vmem>> -> memref<256xi32, #tpu.memory_space<vmem>>
    %dma_start3A_31 = arith.constant 0 : i32
    %dma_start3A_32 = tpu.memref_slice %arg4[%dma_start3A_31] : memref<100000xf32, #tpu.memory_space<hbm>> -> memref<100000xf32, #tpu.memory_space<hbm>>
    tpu.enqueue_indirect_dma source(%dma_start3A_32 : memref<100000xf32, #tpu.memory_space<hbm>>) target(%dma_start3A_28 : memref<256xf32, #tpu.memory_space<vmem>>) offsets(%dma_start3A_30 : memref<256xi32, #tpu.memory_space<vmem>>) semaphore(%arg13 : memref<!tpu.dma_semaphore, #tpu.memory_space<semaphore_mem>>)
    %dma_start3A_33 = arith.constant 1024 : i32
    %dma_start3A_34 = tpu.memref_slice %arg10[%dma_start3A_33] : memref<8704xf32, #tpu.memory_space<vmem>> -> memref<256xf32, #tpu.memory_space<vmem>>
    %dma_start3A_35 = arith.constant 0 : i32
    %dma_start3A_36 = tpu.memref_slice %arg9[%dma_start3A_35] : memref<512xi32, #tpu.memory_space<vmem>> -> memref<256xi32, #tpu.memory_space<vmem>>
    %dma_start3A_37 = arith.constant 0 : i32
    %dma_start3A_38 = tpu.memref_slice %arg5[%dma_start3A_37] : memref<100000xf32, #tpu.memory_space<hbm>> -> memref<100000xf32, #tpu.memory_space<hbm>>
    tpu.enqueue_indirect_dma source(%dma_start3A_38 : memref<100000xf32, #tpu.memory_space<hbm>>) target(%dma_start3A_34 : memref<256xf32, #tpu.memory_space<vmem>>) offsets(%dma_start3A_36 : memref<256xi32, #tpu.memory_space<vmem>>) semaphore(%arg13 : memref<!tpu.dma_semaphore, #tpu.memory_space<semaphore_mem>>)
    %dma_start3A_39 = arith.constant 1536 : i32
    %dma_start3A_40 = tpu.memref_slice %arg10[%dma_start3A_39] : memref<8704xf32, #tpu.memory_space<vmem>> -> memref<256xf32, #tpu.memory_space<vmem>>
    %dma_start3A_41 = arith.constant 0 : i32
    %dma_start3A_42 = tpu.memref_slice %arg9[%dma_start3A_41] : memref<512xi32, #tpu.memory_space<vmem>> -> memref<256xi32, #tpu.memory_space<vmem>>
    %dma_start3A_43 = arith.constant 0 : i32
    %dma_start3A_44 = tpu.memref_slice %arg6[%dma_start3A_43] : memref<100000xf32, #tpu.memory_space<hbm>> -> memref<100000xf32, #tpu.memory_space<hbm>>
    tpu.enqueue_indirect_dma source(%dma_start3A_44 : memref<100000xf32, #tpu.memory_space<hbm>>) target(%dma_start3A_40 : memref<256xf32, #tpu.memory_space<vmem>>) offsets(%dma_start3A_42 : memref<256xi32, #tpu.memory_space<vmem>>) semaphore(%arg13 : memref<!tpu.dma_semaphore, #tpu.memory_space<semaphore_mem>>)
    %dma_start3A_45 = arith.constant 2048 : i32
    %dma_start3A_46 = tpu.memref_slice %arg10[%dma_start3A_45] : memref<8704xf32, #tpu.memory_space<vmem>> -> memref<256xf32, #tpu.memory_space<vmem>>
    %dma_start3A_47 = arith.constant 0 : i32
    %dma_start3A_48 = tpu.memref_slice %arg9[%dma_start3A_47] : memref<512xi32, #tpu.memory_space<vmem>> -> memref<256xi32, #tpu.memory_space<vmem>>
    %dma_start3A_49 = arith.constant 0 : i32
    %dma_start3A_50 = tpu.memref_slice %arg7[%dma_start3A_49] : memref<100000xf32, #tpu.memory_space<hbm>> -> memref<100000xf32, #tpu.memory_space<hbm>>
    tpu.enqueue_indirect_dma source(%dma_start3A_50 : memref<100000xf32, #tpu.memory_space<hbm>>) target(%dma_start3A_46 : memref<256xf32, #tpu.memory_space<vmem>>) offsets(%dma_start3A_48 : memref<256xi32, #tpu.memory_space<vmem>>) semaphore(%arg13 : memref<!tpu.dma_semaphore, #tpu.memory_space<semaphore_mem>>)
    %dma_wait3A_51 = arith.constant 256 : i32
    %dma_wait3A_52 = tpu.memref_slice %arg9[%dma_wait3A_51] : memref<512xi32, #tpu.memory_space<vmem>> -> memref<256xi32, #tpu.memory_space<vmem>>
    %dma_wait3A_53 = tpu.memref_slice %arg2[%add3A_9] : memref<16384xi32, #tpu.memory_space<hbm>> -> memref<256xi32, #tpu.memory_space<hbm>>
    %dma_wait3A_54 = arith.constant 256 : i32
    %dma_wait3A_55 = tpu.memref_slice %arg9[%dma_wait3A_54] : memref<512xi32, #tpu.memory_space<vmem>> -> memref<256xi32, #tpu.memory_space<vmem>>
    %dma_wait3A_56 = tpu.memref_slice %arg2[%add3A_9] : memref<16384xi32, #tpu.memory_space<hbm>> -> memref<256xi32, #tpu.memory_space<hbm>>
    tpu.wait_dma2 semaphore(%arg12 : memref<!tpu.dma_semaphore, #tpu.memory_space<semaphore_mem>>) src(%dma_wait3A_56 : memref<256xi32, #tpu.memory_space<hbm>>) dst(%dma_wait3A_55 : memref<256xi32, #tpu.memory_space<vmem>>)
    %dma_start3A_57 = arith.constant 256 : i32
    %dma_start3A_58 = tpu.memref_slice %arg10[%dma_start3A_57] : memref<8704xf32, #tpu.memory_space<vmem>> -> memref<256xf32, #tpu.memory_space<vmem>>
    %dma_start3A_59 = arith.constant 256 : i32
    %dma_start3A_60 = tpu.memref_slice %arg9[%dma_start3A_59] : memref<512xi32, #tpu.memory_space<vmem>> -> memref<256xi32, #tpu.memory_space<vmem>>
    %dma_start3A_61 = arith.constant 0 : i32
    %dma_start3A_62 = tpu.memref_slice %arg3[%dma_start3A_61] : memref<100000xf32, #tpu.memory_space<hbm>> -> memref<100000xf32, #tpu.memory_space<hbm>>
    tpu.enqueue_indirect_dma source(%dma_start3A_62 : memref<100000xf32, #tpu.memory_space<hbm>>) target(%dma_start3A_58 : memref<256xf32, #tpu.memory_space<vmem>>) offsets(%dma_start3A_60 : memref<256xi32, #tpu.memory_space<vmem>>) semaphore(%arg14 : memref<!tpu.dma_semaphore, #tpu.memory_space<semaphore_mem>>)
    %dma_start3A_63 = arith.constant 768 : i32
    %dma_start3A_64 = tpu.memref_slice %arg10[%dma_start3A_63] : memref<8704xf32, #tpu.memory_space<vmem>> -> memref<256xf32, #tpu.memory_space<vmem>>
    %dma_start3A_65 = arith.constant 256 : i32
    %dma_start3A_66 = tpu.memref_slice %arg9[%dma_start3A_65] : memref<512xi32, #tpu.memory_space<vmem>> -> memref<256xi32, #tpu.memory_space<vmem>>
    %dma_start3A_67 = arith.constant 0 : i32
    %dma_start3A_68 = tpu.memref_slice %arg4[%dma_start3A_67] : memref<100000xf32, #tpu.memory_space<hbm>> -> memref<100000xf32, #tpu.memory_space<hbm>>
    tpu.enqueue_indirect_dma source(%dma_start3A_68 : memref<100000xf32, #tpu.memory_space<hbm>>) target(%dma_start3A_64 : memref<256xf32, #tpu.memory_space<vmem>>) offsets(%dma_start3A_66 : memref<256xi32, #tpu.memory_space<vmem>>) semaphore(%arg14 : memref<!tpu.dma_semaphore, #tpu.memory_space<semaphore_mem>>)
    %dma_start3A_69 = arith.constant 1280 : i32
    %dma_start3A_70 = tpu.memref_slice %arg10[%dma_start3A_69] : memref<8704xf32, #tpu.memory_space<vmem>> -> memref<256xf32, #tpu.memory_space<vmem>>
    %dma_start3A_71 = arith.constant 256 : i32
    %dma_start3A_72 = tpu.memref_slice %arg9[%dma_start3A_71] : memref<512xi32, #tpu.memory_space<vmem>> -> memref<256xi32, #tpu.memory_space<vmem>>
    %dma_start3A_73 = arith.constant 0 : i32
    %dma_start3A_74 = tpu.memref_slice %arg5[%dma_start3A_73] : memref<100000xf32, #tpu.memory_space<hbm>> -> memref<100000xf32, #tpu.memory_space<hbm>>
    tpu.enqueue_indirect_dma source(%dma_start3A_74 : memref<100000xf32, #tpu.memory_space<hbm>>) target(%dma_start3A_70 : memref<256xf32, #tpu.memory_space<vmem>>) offsets(%dma_start3A_72 : memref<256xi32, #tpu.memory_space<vmem>>) semaphore(%arg14 : memref<!tpu.dma_semaphore, #tpu.memory_space<semaphore_mem>>)
    %dma_start3A_75 = arith.constant 1792 : i32
    %dma_start3A_76 = tpu.memref_slice %arg10[%dma_start3A_75] : memref<8704xf32, #tpu.memory_space<vmem>> -> memref<256xf32, #tpu.memory_space<vmem>>
    %dma_start3A_77 = arith.constant 256 : i32
    %dma_start3A_78 = tpu.memref_slice %arg9[%dma_start3A_77] : memref<512xi32, #tpu.memory_space<vmem>> -> memref<256xi32, #tpu.memory_space<vmem>>
    %dma_start3A_79 = arith.constant 0 : i32
    %dma_start3A_80 = tpu.memref_slice %arg6[%dma_start3A_79] : memref<100000xf32, #tpu.memory_space<hbm>> -> memref<100000xf32, #tpu.memory_space<hbm>>
    tpu.enqueue_indirect_dma source(%dma_start3A_80 : memref<100000xf32, #tpu.memory_space<hbm>>) target(%dma_start3A_76 : memref<256xf32, #tpu.memory_space<vmem>>) offsets(%dma_start3A_78 : memref<256xi32, #tpu.memory_space<vmem>>) semaphore(%arg14 : memref<!tpu.dma_semaphore, #tpu.memory_space<semaphore_mem>>)
    %dma_start3A_81 = arith.constant 2304 : i32
    %dma_start3A_82 = tpu.memref_slice %arg10[%dma_start3A_81] : memref<8704xf32, #tpu.memory_space<vmem>> -> memref<256xf32, #tpu.memory_space<vmem>>
    %dma_start3A_83 = arith.constant 256 : i32
    %dma_start3A_84 = tpu.memref_slice %arg9[%dma_start3A_83] : memref<512xi32, #tpu.memory_space<vmem>> -> memref<256xi32, #tpu.memory_space<vmem>>
    %dma_start3A_85 = arith.constant 0 : i32
    %dma_start3A_86 = tpu.memref_slice %arg7[%dma_start3A_85] : memref<100000xf32, #tpu.memory_space<hbm>> -> memref<100000xf32, #tpu.memory_space<hbm>>
    tpu.enqueue_indirect_dma source(%dma_start3A_86 : memref<100000xf32, #tpu.memory_space<hbm>>) target(%dma_start3A_82 : memref<256xf32, #tpu.memory_space<vmem>>) offsets(%dma_start3A_84 : memref<256xi32, #tpu.memory_space<vmem>>) semaphore(%arg14 : memref<!tpu.dma_semaphore, #tpu.memory_space<semaphore_mem>>)
    %dma_wait3A_87 = arith.constant 0 : i32
    %dma_wait3A_88 = tpu.memref_slice %arg10[%dma_wait3A_87] : memref<8704xf32, #tpu.memory_space<vmem>> -> memref<256xf32, #tpu.memory_space<vmem>>
    %dma_wait3A_89 = arith.constant 0 : i32
    %dma_wait3A_90 = tpu.memref_slice %arg9[%dma_wait3A_89] : memref<512xi32, #tpu.memory_space<vmem>> -> memref<256xi32, #tpu.memory_space<vmem>>
    %dma_wait3A_91 = arith.constant 0 : i32
    %dma_wait3A_92 = tpu.memref_slice %arg3[%dma_wait3A_91] : memref<100000xf32, #tpu.memory_space<hbm>> -> memref<100000xf32, #tpu.memory_space<hbm>>
    tpu.wait_indirect_dma semaphore(%arg13 : memref<!tpu.dma_semaphore, #tpu.memory_space<semaphore_mem>>) src(%dma_wait3A_92 : memref<100000xf32, #tpu.memory_space<hbm>>) dst(%dma_wait3A_88 : memref<256xf32, #tpu.memory_space<vmem>>)
    %dma_wait3A_93 = arith.constant 512 : i32
    %dma_wait3A_94 = tpu.memref_slice %arg10[%dma_wait3A_93] : memref<8704xf32, #tpu.memory_space<vmem>> -> memref<256xf32, #tpu.memory_space<vmem>>
    %dma_wait3A_95 = arith.constant 0 : i32
    %dma_wait3A_96 = tpu.memref_slice %arg9[%dma_wait3A_95] : memref<512xi32, #tpu.memory_space<vmem>> -> memref<256xi32, #tpu.memory_space<vmem>>
    %dma_wait3A_97 = arith.constant 0 : i32
    %dma_wait3A_98 = tpu.memref_slice %arg4[%dma_wait3A_97] : memref<100000xf32, #tpu.memory_space<hbm>> -> memref<100000xf32, #tpu.memory_space<hbm>>
    tpu.wait_indirect_dma semaphore(%arg13 : memref<!tpu.dma_semaphore, #tpu.memory_space<semaphore_mem>>) src(%dma_wait3A_98 : memref<100000xf32, #tpu.memory_space<hbm>>) dst(%dma_wait3A_94 : memref<256xf32, #tpu.memory_space<vmem>>)
    %dma_wait3A_99 = arith.constant 1024 : i32
    %dma_wait3A_100 = tpu.memref_slice %arg10[%dma_wait3A_99] : memref<8704xf32, #tpu.memory_space<vmem>> -> memref<256xf32, #tpu.memory_space<vmem>>
    %dma_wait3A_101 = arith.constant 0 : i32
    %dma_wait3A_102 = tpu.memref_slice %arg9[%dma_wait3A_101] : memref<512xi32, #tpu.memory_space<vmem>> -> memref<256xi32, #tpu.memory_space<vmem>>
    %dma_wait3A_103 = arith.constant 0 : i32
    %dma_wait3A_104 = tpu.memref_slice %arg5[%dma_wait3A_103] : memref<100000xf32, #tpu.memory_space<hbm>> -> memref<100000xf32, #tpu.memory_space<hbm>>
    tpu.wait_indirect_dma semaphore(%arg13 : memref<!tpu.dma_semaphore, #tpu.memory_space<semaphore_mem>>) src(%dma_wait3A_104 : memref<100000xf32, #tpu.memory_space<hbm>>) dst(%dma_wait3A_100 : memref<256xf32, #tpu.memory_space<vmem>>)
    %dma_wait3A_105 = arith.constant 1536 : i32
    %dma_wait3A_106 = tpu.memref_slice %arg10[%dma_wait3A_105] : memref<8704xf32, #tpu.memory_space<vmem>> -> memref<256xf32, #tpu.memory_space<vmem>>
    %dma_wait3A_107 = arith.constant 0 : i32
    %dma_wait3A_108 = tpu.memref_slice %arg9[%dma_wait3A_107] : memref<512xi32, #tpu.memory_space<vmem>> -> memref<256xi32, #tpu.memory_space<vmem>>
    %dma_wait3A_109 = arith.constant 0 : i32
    %dma_wait3A_110 = tpu.memref_slice %arg6[%dma_wait3A_109] : memref<100000xf32, #tpu.memory_space<hbm>> -> memref<100000xf32, #tpu.memory_space<hbm>>
    tpu.wait_indirect_dma semaphore(%arg13 : memref<!tpu.dma_semaphore, #tpu.memory_space<semaphore_mem>>) src(%dma_wait3A_110 : memref<100000xf32, #tpu.memory_space<hbm>>) dst(%dma_wait3A_106 : memref<256xf32, #tpu.memory_space<vmem>>)
    %dma_wait3A_111 = arith.constant 2048 : i32
    %dma_wait3A_112 = tpu.memref_slice %arg10[%dma_wait3A_111] : memref<8704xf32, #tpu.memory_space<vmem>> -> memref<256xf32, #tpu.memory_space<vmem>>
    %dma_wait3A_113 = arith.constant 0 : i32
    %dma_wait3A_114 = tpu.memref_slice %arg9[%dma_wait3A_113] : memref<512xi32, #tpu.memory_space<vmem>> -> memref<256xi32, #tpu.memory_space<vmem>>
    %dma_wait3A_115 = arith.constant 0 : i32
    %dma_wait3A_116 = tpu.memref_slice %arg7[%dma_wait3A_115] : memref<100000xf32, #tpu.memory_space<hbm>> -> memref<100000xf32, #tpu.memory_space<hbm>>
    tpu.wait_indirect_dma semaphore(%arg13 : memref<!tpu.dma_semaphore, #tpu.memory_space<semaphore_mem>>) src(%dma_wait3A_116 : memref<100000xf32, #tpu.memory_space<hbm>>) dst(%dma_wait3A_112 : memref<256xf32, #tpu.memory_space<vmem>>)
    %get3A = arith.constant 0 : index
    %get3A_117 = tpu.vector_load %arg10[%get3A] {strides = array<i32>} : memref<8704xf32, #tpu.memory_space<vmem>>, vector<16xf32>,
    %get3A_118 = arith.constant 512 : index
    %get3A_119 = tpu.vector_load %arg10[%get3A_118] {strides = array<i32>} : memref<8704xf32, #tpu.memory_space<vmem>>, vector<16xf32>,
    %get3A_120 = arith.constant 1024 : index
    %get3A_121 = tpu.vector_load %arg10[%get3A_120] {strides = array<i32>} : memref<8704xf32, #tpu.memory_space<vmem>>, vector<16xf32>,
    %get3A_122 = arith.constant 1536 : index
    %get3A_123 = tpu.vector_load %arg10[%get3A_122] {strides = array<i32>} : memref<8704xf32, #tpu.memory_space<vmem>>, vector<16xf32>,
    %get3A_124 = arith.constant 2048 : index
    %get3A_125 = tpu.vector_load %arg10[%get3A_124] {strides = array<i32>} : memref<8704xf32, #tpu.memory_space<vmem>>, vector<16xf32>,
    %sub3A = arith.constant 1.57079637 : f32
    %sub3A_126 = vector.broadcast %sub3A : f32 to vector<16xf32>
    %sub3A_127 = arith.subf %get3A_121, %sub3A_126 : vector<16xf32>
    %mul3A_128 = arith.mulf %sub3A_127, %sub3A_127 : vector<16xf32>
    %mul3A_129 = arith.constant -2.50521079E-8 : f32
    %mul3A_130 = vector.broadcast %mul3A_129 : f32 to vector<16xf32>
    %mul3A_131 = arith.mulf %mul3A_128, %mul3A_130 : vector<16xf32>
    %add3A_132 = arith.constant 2.75573188E-6 : f32
    %add3A_133 = vector.broadcast %add3A_132 : f32 to vector<16xf32>
    %add3A_134 = arith.addf %add3A_133, %mul3A_131 : vector<16xf32>
    %mul3A_135 = arith.mulf %mul3A_128, %add3A_134 : vector<16xf32>
    %add3A_136 = arith.constant -1.98412701E-4 : f32
    %add3A_137 = vector.broadcast %add3A_136 : f32 to vector<16xf32>
    %add3A_138 = arith.addf %add3A_137, %mul3A_135 : vector<16xf32>
    %mul3A_139 = arith.mulf %mul3A_128, %add3A_138 : vector<16xf32>
    %add3A_140 = arith.constant 0.00833333377 : f32
    %add3A_141 = vector.broadcast %add3A_140 : f32 to vector<16xf32>
    %add3A_142 = arith.addf %add3A_141, %mul3A_139 : vector<16xf32>
    %mul3A_143 = arith.mulf %mul3A_128, %add3A_142 : vector<16xf32>
    %add3A_144 = arith.constant -0.166666672 : f32
    %add3A_145 = vector.broadcast %add3A_144 : f32 to vector<16xf32>
    %add3A_146 = arith.addf %add3A_145, %mul3A_143 : vector<16xf32>
    %mul3A_147 = arith.mulf %mul3A_128, %add3A_146 : vector<16xf32>
    %add3A_148 = arith.constant 1.000000e+00 : f32
    %add3A_149 = vector.broadcast %add3A_148 : f32 to vector<16xf32>
    %add3A_150 = arith.addf %add3A_149, %mul3A_147 : vector<16xf32>
    %mul3A_151 = arith.mulf %sub3A_127, %add3A_150 : vector<16xf32>
    %mul3A_152 = arith.constant -2.755732E-7 : f32
    %mul3A_153 = vector.broadcast %mul3A_152 : f32 to vector<16xf32>
    %mul3A_154 = arith.mulf %mul3A_128, %mul3A_153 : vector<16xf32>
    %add3A_155 = arith.constant 2.48015876E-5 : f32
    %add3A_156 = vector.broadcast %add3A_155 : f32 to vector<16xf32>
    %add3A_157 = arith.addf %add3A_156, %mul3A_154 : vector<16xf32>
    %mul3A_158 = arith.mulf %mul3A_128, %add3A_157 : vector<16xf32>
    %add3A_159 = arith.constant -0.00138888892 : f32
    %add3A_160 = vector.broadcast %add3A_159 : f32 to vector<16xf32>
    %add3A_161 = arith.addf %add3A_160, %mul3A_158 : vector<16xf32>
    %mul3A_162 = arith.mulf %mul3A_128, %add3A_161 : vector<16xf32>
    %add3A_163 = arith.constant 0.0416666679 : f32
    %add3A_164 = vector.broadcast %add3A_163 : f32 to vector<16xf32>
    %add3A_165 = arith.addf %add3A_164, %mul3A_162 : vector<16xf32>
    %mul3A_166 = arith.mulf %mul3A_128, %add3A_165 : vector<16xf32>
    %add3A_167 = arith.constant -5.000000e-01 : f32
    %add3A_168 = vector.broadcast %add3A_167 : f32 to vector<16xf32>
    %add3A_169 = arith.addf %add3A_168, %mul3A_166 : vector<16xf32>
    %mul3A_170 = arith.mulf %mul3A_128, %add3A_169 : vector<16xf32>
    %add3A_171 = arith.constant 1.000000e+00 : f32
    %add3A_172 = vector.broadcast %add3A_171 : f32 to vector<16xf32>
    %add3A_173 = arith.addf %add3A_172, %mul3A_170 : vector<16xf32>
    %neg3A = arith.constant 0.000000e+00 : f32
    %neg3A_174 = vector.broadcast %neg3A : f32 to vector<16xf32>
    %neg3A_175 = arith.subf %neg3A_174, %mul3A_151 : vector<16xf32>
    %mul3A_176 = arith.mulf %get3A_117, %neg3A_175 : vector<16xf32>
    %mul3A_177 = arith.mulf %get3A_119, %neg3A_175 : vector<16xf32>
    %mul3A_178 = arith.mulf %mul3A_176, %get3A_123 : vector<16xf32>
    %mul3A_179 = arith.mulf %get3A_119, %get3A_125 : vector<16xf32>
    %sub3A_180 = arith.subf %mul3A_178, %mul3A_179 : vector<16xf32>
    %mul3A_181 = arith.mulf %mul3A_176, %get3A_125 : vector<16xf32>
    %neg3A_182 = arith.constant 0.000000e+00 : f32
    %neg3A_183 = vector.broadcast %neg3A_182 : f32 to vector<16xf32>
    %neg3A_184 = arith.subf %neg3A_183, %mul3A_181 : vector<16xf32>
    %mul3A_185 = arith.mulf %get3A_119, %get3A_123 : vector<16xf32>
    %sub3A_186 = arith.subf %neg3A_184, %mul3A_185 : vector<16xf32>
    %mul3A_187 = arith.mulf %get3A_117, %add3A_173 : vector<16xf32>
    %mul3A_188 = arith.mulf %mul3A_177, %get3A_123 : vector<16xf32>
    %mul3A_189 = arith.mulf %get3A_117, %get3A_125 : vector<16xf32>
    %add3A_190 = arith.addf %mul3A_188, %mul3A_189 : vector<16xf32>
    %mul3A_191 = arith.mulf %get3A_117, %get3A_123 : vector<16xf32>
    %mul3A_192 = arith.mulf %mul3A_177, %get3A_125 : vector<16xf32>
    %sub3A_193 = arith.subf %mul3A_191, %mul3A_192 : vector<16xf32>
    %mul3A_194 = arith.mulf %get3A_119, %add3A_173 : vector<16xf32>
    %mul3A_195 = arith.mulf %add3A_173, %get3A_123 : vector<16xf32>
    %neg3A_196 = arith.constant 0.000000e+00 : f32
    %neg3A_197 = vector.broadcast %neg3A_196 : f32 to vector<16xf32>
    %neg3A_198 = arith.subf %neg3A_197, %mul3A_195 : vector<16xf32>
    %mul3A_199 = arith.mulf %add3A_173, %get3A_125 : vector<16xf32>
    %swap3A = arith.constant 2560 : index
    %swap3A_200 = tpu.vector_load %arg10[%swap3A] {strides = array<i32>} : memref<8704xf32, #tpu.memory_space<vmem>>, vector<16xf32>,
    tpu.vector_store %arg10[%swap3A], %sub3A_180 {strides = array<i32>} : memref<8704xf32, #tpu.memory_space<vmem>>, vector<16xf32>,
    %swap3A_201 = arith.constant 2688 : index
    %swap3A_202 = tpu.vector_load %arg10[%swap3A_201] {strides = array<i32>} : memref<8704xf32, #tpu.memory_space<vmem>>, vector<16xf32>,
    tpu.vector_store %arg10[%swap3A_201], %sub3A_186 {strides = array<i32>} : memref<8704xf32, #tpu.memory_space<vmem>>, vector<16xf32>,
    %swap3A_203 = arith.constant 2816 : index
    %swap3A_204 = tpu.vector_load %arg10[%swap3A_203] {strides = array<i32>} : memref<8704xf32, #tpu.memory_space<vmem>>, vector<16xf32>,
    tpu.vector_store %arg10[%swap3A_203], %mul3A_187 {strides = array<i32>} : memref<8704xf32, #tpu.memory_space<vmem>>, vector<16xf32>,
    %swap3A_205 = arith.constant 4608 : index
    %swap3A_206 = tpu.vector_load %arg10[%swap3A_205] {strides = array<i32>} : memref<8704xf32, #tpu.memory_space<vmem>>, vector<16xf32>,
    tpu.vector_store %arg10[%swap3A_205], %add3A_190 {strides = array<i32>} : memref<8704xf32, #tpu.memory_space<vmem>>, vector<16xf32>,
    %swap3A_207 = arith.constant 4736 : index
    %swap3A_208 = tpu.vector_load %arg10[%swap3A_207] {strides = array<i32>} : memref<8704xf32, #tpu.memory_space<vmem>>, vector<16xf32>,
    tpu.vector_store %arg10[%swap3A_207], %sub3A_193 {strides = array<i32>} : memref<8704xf32, #tpu.memory_space<vmem>>, vector<16xf32>,
    %swap3A_209 = arith.constant 4864 : index
    %swap3A_210 = tpu.vector_load %arg10[%swap3A_209] {strides = array<i32>} : memref<8704xf32, #tpu.memory_space<vmem>>, vector<16xf32>,
    tpu.vector_store %arg10[%swap3A_209], %mul3A_194 {strides = array<i32>} : memref<8704xf32, #tpu.memory_space<vmem>>, vector<16xf32>,
    %swap3A_211 = arith.constant 6656 : index
    %swap3A_212 = tpu.vector_load %arg10[%swap3A_211] {strides = array<i32>} : memref<8704xf32, #tpu.memory_space<vmem>>, vector<16xf32>,
    tpu.vector_store %arg10[%swap3A_211], %neg3A_198 {strides = array<i32>} : memref<8704xf32, #tpu.memory_space<vmem>>, vector<16xf32>,
    %swap3A_213 = arith.constant 6784 : index
    %swap3A_214 = tpu.vector_load %arg10[%swap3A_213] {strides = array<i32>} : memref<8704xf32, #tpu.memory_space<vmem>>, vector<16xf32>,
    tpu.vector_store %arg10[%swap3A_213], %mul3A_199 {strides = array<i32>} : memref<8704xf32, #tpu.memory_space<vmem>>, vector<16xf32>,
    %swap3A_215 = arith.constant 6912 : index
    %swap3A_216 = tpu.vector_load %arg10[%swap3A_215] {strides = array<i32>} : memref<8704xf32, #tpu.memory_space<vmem>>, vector<16xf32>,
    tpu.vector_store %arg10[%swap3A_215], %neg3A_175 {strides = array<i32>} : memref<8704xf32, #tpu.memory_space<vmem>>, vector<16xf32>,
    %get3A_217 = arith.constant 16 : index
    %get3A_218 = tpu.vector_load %arg10[%get3A_217] {strides = array<i32>} : memref<8704xf32, #tpu.memory_space<vmem>>, vector<16xf32>,
    %get3A_219 = arith.constant 528 : index
    %get3A_220 = tpu.vector_load %arg10[%get3A_219] {strides = array<i32>} : memref<8704xf32, #tpu.memory_space<vmem>>, vector<16xf32>,
    %get3A_221 = arith.constant 1040 : index
    %get3A_222 = tpu.vector_load %arg10[%get3A_221] {strides = array<i32>} : memref<8704xf32, #tpu.memory_space<vmem>>, vector<16xf32>,
    %get3A_223 = arith.constant 1552 : index
    %get3A_224 = tpu.vector_load %arg10[%get3A_223] {strides = array<i32>} : memref<8704xf32, #tpu.memory_space<vmem>>, vector<16xf32>,
    %get3A_225 = arith.constant 2064 : index
    %get3A_226 = tpu.vector_load %arg10[%get3A_225] {strides = array<i32>} : memref<8704xf32, #tpu.memory_space<vmem>>, vector<16xf32>,
    %sub3A_227 = arith.constant 1.57079637 : f32
    %sub3A_228 = vector.broadcast %sub3A_227 : f32 to vector<16xf32>
    %sub3A_229 = arith.subf %get3A_222, %sub3A_228 : vector<16xf32>
    %mul3A_230 = arith.mulf %sub3A_229, %sub3A_229 : vector<16xf32>
    %mul3A_231 = arith.constant -2.50521079E-8 : f32
    %mul3A_232 = vector.broadcast %mul3A_231 : f32 to vector<16xf32>
    %mul3A_233 = arith.mulf %mul3A_230, %mul3A_232 : vector<16xf32>
    %add3A_234 = arith.constant 2.75573188E-6 : f32
    %add3A_235 = vector.broadcast %add3A_234 : f32 to vector<16xf32>
    %add3A_236 = arith.addf %add3A_235, %mul3A_233 : vector<16xf32>
    %mul3A_237 = arith.mulf %mul3A_230, %add3A_236 : vector<16xf32>
    %add3A_238 = arith.constant -1.98412701E-4 : f32
    %add3A_239 = vector.broadcast %add3A_238 : f32 to vector<16xf32>
    %add3A_240 = arith.addf %add3A_239, %mul3A_237 : vector<16xf32>
    %mul3A_241 = arith.mulf %mul3A_230, %add3A_240 : vector<16xf32>
    %add3A_242 = arith.constant 0.00833333377 : f32
    %add3A_243 = vector.broadcast %add3A_242 : f32 to vector<16xf32>
    %add3A_244 = arith.addf %add3A_243, %mul3A_241 : vector<16xf32>
    %mul3A_245 = arith.mulf %mul3A_230, %add3A_244 : vector<16xf32>
    %add3A_246 = arith.constant -0.166666672 : f32
    %add3A_247 = vector.broadcast %add3A_246 : f32 to vector<16xf32>
    %add3A_248 = arith.addf %add3A_247, %mul3A_245 : vector<16xf32>
    %mul3A_249 = arith.mulf %mul3A_230, %add3A_248 : vector<16xf32>
    %add3A_250 = arith.constant 1.000000e+00 : f32
    %add3A_251 = vector.broadcast %add3A_250 : f32 to vector<16xf32>
    %add3A_252 = arith.addf %add3A_251, %mul3A_249 : vector<16xf32>
    %mul3A_253 = arith.mulf %sub3A_229, %add3A_252 : vector<16xf32>
    %mul3A_254 = arith.constant -2.755732E-7 : f32
    %mul3A_255 = vector.broadcast %mul3A_254 : f32 to vector<16xf32>
    %mul3A_256 = arith.mulf %mul3A_230, %mul3A_255 : vector<16xf32>
    %add3A_257 = arith.constant 2.48015876E-5 : f32
    %add3A_258 = vector.broadcast %add3A_257 : f32 to vector<16xf32>
    %add3A_259 = arith.addf %add3A_258, %mul3A_256 : vector<16xf32>
    %mul3A_260 = arith.mulf %mul3A_230, %add3A_259 : vector<16xf32>
    %add3A_261 = arith.constant -0.00138888892 : f32
    %add3A_262 = vector.broadcast %add3A_261 : f32 to vector<16xf32>
    %add3A_263 = arith.addf %add3A_262, %mul3A_260 : vector<16xf32>
    %mul3A_264 = arith.mulf %mul3A_230, %add3A_263 : vector<16xf32>
    %add3A_265 = arith.constant 0.0416666679 : f32
    %add3A_266 = vector.broadcast %add3A_265 : f32 to vector<16xf32>
    %add3A_267 = arith.addf %add3A_266, %mul3A_264 : vector<16xf32>
    %mul3A_268 = arith.mulf %mul3A_230, %add3A_267 : vector<16xf32>
    %add3A_269 = arith.constant -5.000000e-01 : f32
    %add3A_270 = vector.broadcast %add3A_269 : f32 to vector<16xf32>
    %add3A_271 = arith.addf %add3A_270, %mul3A_268 : vector<16xf32>
    %mul3A_272 = arith.mulf %mul3A_230, %add3A_271 : vector<16xf32>
    %add3A_273 = arith.constant 1.000000e+00 : f32
    %add3A_274 = vector.broadcast %add3A_273 : f32 to vector<16xf32>
    %add3A_275 = arith.addf %add3A_274, %mul3A_272 : vector<16xf32>
    %neg3A_276 = arith.constant 0.000000e+00 : f32
    %neg3A_277 = vector.broadcast %neg3A_276 : f32 to vector<16xf32>
    %neg3A_278 = arith.subf %neg3A_277, %mul3A_253 : vector<16xf32>
    %mul3A_279 = arith.mulf %get3A_218, %neg3A_278 : vector<16xf32>
    %mul3A_280 = arith.mulf %get3A_220, %neg3A_278 : vector<16xf32>
    %mul3A_281 = arith.mulf %mul3A_279, %get3A_224 : vector<16xf32>
    %mul3A_282 = arith.mulf %get3A_220, %get3A_226 : vector<16xf32>
    %sub3A_283 = arith.subf %mul3A_281, %mul3A_282 : vector<16xf32>
    %mul3A_284 = arith.mulf %mul3A_279, %get3A_226 : vector<16xf32>
    %neg3A_285 = arith.constant 0.000000e+00 : f32
    %neg3A_286 = vector.broadcast %neg3A_285 : f32 to vector<16xf32>
    %neg3A_287 = arith.subf %neg3A_286, %mul3A_284 : vector<16xf32>
    %mul3A_288 = arith.mulf %get3A_220, %get3A_224 : vector<16xf32>
    %sub3A_289 = arith.subf %neg3A_287, %mul3A_288 : vector<16xf32>
    %mul3A_290 = arith.mulf %get3A_218, %add3A_275 : vector<16xf32>
    %mul3A_291 = arith.mulf %mul3A_280, %get3A_224 : vector<16xf32>
    %mul3A_292 = arith.mulf %get3A_218, %get3A_226 : vector<16xf32>
    %add3A_293 = arith.addf %mul3A_291, %mul3A_292 : vector<16xf32>
    %mul3A_294 = arith.mulf %get3A_218, %get3A_224 : vector<16xf32>
    %mul3A_295 = arith.mulf %mul3A_280, %get3A_226 : vector<16xf32>
    %sub3A_296 = arith.subf %mul3A_294, %mul3A_295 : vector<16xf32>
    %mul3A_297 = arith.mulf %get3A_220, %add3A_275 : vector<16xf32>
    %mul3A_298 = arith.mulf %add3A_275, %get3A_224 : vector<16xf32>
    %neg3A_299 = arith.constant 0.000000e+00 : f32
    %neg3A_300 = vector.broadcast %neg3A_299 : f32 to vector<16xf32>
    %neg3A_301 = arith.subf %neg3A_300, %mul3A_298 : vector<16xf32>
    %mul3A_302 = arith.mulf %add3A_275, %get3A_226 : vector<16xf32>
    %swap3A_303 = arith.constant 2576 : index
    %swap3A_304 = tpu.vector_load %arg10[%swap3A_303] {strides = array<i32>} : memref<8704xf32, #tpu.memory_space<vmem>>, vector<16xf32>,
    tpu.vector_store %arg10[%swap3A_303], %sub3A_283 {strides = array<i32>} : memref<8704xf32, #tpu.memory_space<vmem>>, vector<16xf32>,
    %swap3A_305 = arith.constant 2704 : index
    %swap3A_306 = tpu.vector_load %arg10[%swap3A_305] {strides = array<i32>} : memref<8704xf32, #tpu.memory_space<vmem>>, vector<16xf32>,
    tpu.vector_store %arg10[%swap3A_305], %sub3A_289 {strides = array<i32>} : memref<8704xf32, #tpu.memory_space<vmem>>, vector<16xf32>,
    %swap3A_307 = arith.constant 2832 : index
    %swap3A_308 = tpu.vector_load %arg10[%swap3A_307] {strides = array<i32>} : memref<8704xf32, #tpu.memory_space<vmem>>, vector<16xf32>,
    tpu.vector_store %arg10[%swap3A_307], %mul3A_290 {strides = array<i32>} : memref<8704xf32, #tpu.memory_space<vmem>>, vector<16xf32>,
    %swap3A_309 = arith.constant 4624 : index
    %swap3A_310 = tpu.vector_load %arg10[%swap3A_309] {strides = array<i32>} : memref<8704xf32, #tpu.memory_space<vmem>>, vector<16xf32>,
    tpu.vector_store %arg10[%swap3A_309], %add3A_293 {strides = array<i32>} : memref<8704xf32, #tpu.memory_space<vmem>>, vector<16xf32>,
    %swap3A_311 = arith.constant 4752 : index
    %swap3A_312 = tpu.vector_load %arg10[%swap3A_311] {strides = array<i32>} : memref<8704xf32, #tpu.memory_space<vmem>>, vector<16xf32>,
    tpu.vector_store %arg10[%swap3A_311], %sub3A_296 {strides = array<i32>} : memref<8704xf32, #tpu.memory_space<vmem>>, vector<16xf32>,
    %swap3A_313 = arith.constant 4880 : index
    %swap3A_314 = tpu.vector_load %arg10[%swap3A_313] {strides = array<i32>} : memref<8704xf32, #tpu.memory_space<vmem>>, vector<16xf32>,
    tpu.vector_store %arg10[%swap3A_313], %mul3A_297 {strides = array<i32>} : memref<8704xf32, #tpu.memory_space<vmem>>, vector<16xf32>,
    %swap3A_315 = arith.constant 6672 : index
    %swap3A_316 = tpu.vector_load %arg10[%swap3A_315] {strides = array<i32>} : memref<8704xf32, #tpu.memory_space<vmem>>, vector<16xf32>,
    tpu.vector_store %arg10[%swap3A_315], %neg3A_301 {strides = array<i32>} : memref<8704xf32, #tpu.memory_space<vmem>>, vector<16xf32>,
    %swap3A_317 = arith.constant 6800 : index
    %swap3A_318 = tpu.vector_load %arg10[%swap3A_317] {strides = array<i32>} : memref<8704xf32, #tpu.memory_space<vmem>>, vector<16xf32>,
    tpu.vector_store %arg10[%swap3A_317], %mul3A_302 {strides = array<i32>} : memref<8704xf32, #tpu.memory_space<vmem>>, vector<16xf32>,
    %swap3A_319 = arith.constant 6928 : index
    %swap3A_320 = tpu.vector_load %arg10[%swap3A_319] {strides = array<i32>} : memref<8704xf32, #tpu.memory_space<vmem>>, vector<16xf32>,
    tpu.vector_store %arg10[%swap3A_319], %neg3A_278 {strides = array<i32>} : memref<8704xf32, #tpu.memory_space<vmem>>, vector<16xf32>,
    %get3A_321 = arith.constant 32 : index
    %get3A_322 = tpu.vector_load %arg10[%get3A_321] {strides = array<i32>} : memref<8704xf32, #tpu.memory_space<vmem>>, vector<16xf32>,
    %get3A_323 = arith.constant 544 : index
    %get3A_324 = tpu.vector_load %arg10[%get3A_323] {strides = array<i32>} : memref<8704xf32, #tpu.memory_space<vmem>>, vector<16xf32>,
    %get3A_325 = arith.constant 1056 : index
    %get3A_326 = tpu.vector_load %arg10[%get3A_325] {strides = array<i32>} : memref<8704xf32, #tpu.memory_space<vmem>>, vector<16xf32>,
    %get3A_327 = arith.constant 1568 : index
    %get3A_328 = tpu.vector_load %arg10[%get3A_327] {strides = array<i32>} : memref<8704xf32, #tpu.memory_space<vmem>>, vector<16xf32>,
    %get3A_329 = arith.constant 2080 : index
    %get3A_330 = tpu.vector_load %arg10[%get3A_329] {strides = array<i32>} : memref<8704xf32, #tpu.memory_space<vmem>>, vector<16xf32>,
    %sub3A_331 = arith.constant 1.57079637 : f32
    %sub3A_332 = vector.broadcast %sub3A_331 : f32 to vector<16xf32>
    %sub3A_333 = arith.subf %get3A_326, %sub3A_332 : vector<16xf32>
    %mul3A_334 = arith.mulf %sub3A_333, %sub3A_333 : vector<16xf32>
    %mul3A_335 = arith.constant -2.50521079E-8 : f32
    %mul3A_336 = vector.broadcast %mul3A_335 : f32 to vector<16xf32>
    %mul3A_337 = arith.mulf %mul3A_334, %mul3A_336 : vector<16xf32>
    %add3A_338 = arith.constant 2.75573188E-6 : f32
    %add3A_339 = vector.broadcast %add3A_338 : f32 to vector<16xf32>
    %add3A_340 = arith.addf %add3A_339, %mul3A_337 : vector<16xf32>
    %mul3A_341 = arith.mulf %mul3A_334, %add3A_340 : vector<16xf32>
    %add3A_342 = arith.constant -1.98412701E-4 : f32
    %add3A_343 = vector.broadcast %add3A_342 : f32 to vector<16xf32>
    %add3A_344 = arith.addf %add3A_343, %mul3A_341 : vector<16xf32>
    %mul3A_345 = arith.mulf %mul3A_334, %add3A_344 : vector<16xf32>
    %add3A_346 = arith.constant 0.00833333377 : f32
    %add3A_347 = vector.broadcast %add3A_346 : f32 to vector<16xf32>
    %add3A_348 = arith.addf %add3A_347, %mul3A_345 : vector<16xf32>
    %mul3A_349 = arith.mulf %mul3A_334, %add3A_348 : vector<16xf32>
    %add3A_350 = arith.constant -0.166666672 : f32
    %add3A_351 = vector.broadcast %add3A_350 : f32 to vector<16xf32>
    %add3A_352 = arith.addf %add3A_351, %mul3A_349 : vector<16xf32>
    %mul3A_353 = arith.mulf %mul3A_334, %add3A_352 : vector<16xf32>
    %add3A_354 = arith.constant 1.000000e+00 : f32
    %add3A_355 = vector.broadcast %add3A_354 : f32 to vector<16xf32>
    %add3A_356 = arith.addf %add3A_355, %mul3A_353 : vector<16xf32>
    %mul3A_357 = arith.mulf %sub3A_333, %add3A_356 : vector<16xf32>
    %mul3A_358 = arith.constant -2.755732E-7 : f32
    %mul3A_359 = vector.broadcast %mul3A_358 : f32 to vector<16xf32>
    %mul3A_360 = arith.mulf %mul3A_334, %mul3A_359 : vector<16xf32>
    %add3A_361 = arith.constant 2.48015876E-5 : f32
    %add3A_362 = vector.broadcast %add3A_361 : f32 to vector<16xf32>
    %add3A_363 = arith.addf %add3A_362, %mul3A_360 : vector<16xf32>
    %mul3A_364 = arith.mulf %mul3A_334, %add3A_363 : vector<16xf32>
    %add3A_365 = arith.constant -0.00138888892 : f32
    %add3A_366 = vector.broadcast %add3A_365 : f32 to vector<16xf32>
    %add3A_367 = arith.addf %add3A_366, %mul3A_364 : vector<16xf32>
    %mul3A_368 = arith.mulf %mul3A_334, %add3A_367 : vector<16xf32>
    %add3A_369 = arith.constant 0.0416666679 : f32
    %add3A_370 = vector.broadcast %add3A_369 : f32 to vector<16xf32>
    %add3A_371 = arith.addf %add3A_370, %mul3A_368 : vector<16xf32>
    %mul3A_372 = arith.mulf %mul3A_334, %add3A_371 : vector<16xf32>
    %add3A_373 = arith.constant -5.000000e-01 : f32
    %add3A_374 = vector.broadcast %add3A_373 : f32 to vector<16xf32>
    %add3A_375 = arith.addf %add3A_374, %mul3A_372 : vector<16xf32>
    %mul3A_376 = arith.mulf %mul3A_334, %add3A_375 : vector<16xf32>
    %add3A_377 = arith.constant 1.000000e+00 : f32
    %add3A_378 = vector.broadcast %add3A_377 : f32 to vector<16xf32>
    %add3A_379 = arith.addf %add3A_378, %mul3A_376 : vector<16xf32>
    %neg3A_380 = arith.constant 0.000000e+00 : f32
    %neg3A_381 = vector.broadcast %neg3A_380 : f32 to vector<16xf32>
    %neg3A_382 = arith.subf %neg3A_381, %mul3A_357 : vector<16xf32>
    %mul3A_383 = arith.mulf %get3A_322, %neg3A_382 : vector<16xf32>
    %mul3A_384 = arith.mulf %get3A_324, %neg3A_382 : vector<16xf32>
    %mul3A_385 = arith.mulf %mul3A_383, %get3A_328 : vector<16xf32>
    %mul3A_386 = arith.mulf %get3A_324, %get3A_330 : vector<16xf32>
    %sub3A_387 = arith.subf %mul3A_385, %mul3A_386 : vector<16xf32>
    %mul3A_388 = arith.mulf %mul3A_383, %get3A_330 : vector<16xf32>
    %neg3A_389 = arith.constant 0.000000e+00 : f32
    %neg3A_390 = vector.broadcast %neg3A_389 : f32 to vector<16xf32>
    %neg3A_391 = arith.subf %neg3A_390, %mul3A_388 : vector<16xf32>
    %mul3A_392 = arith.mulf %get3A_324, %get3A_328 : vector<16xf32>
    %sub3A_393 = arith.subf %neg3A_391, %mul3A_392 : vector<16xf32>
    %mul3A_394 = arith.mulf %get3A_322, %add3A_379 : vector<16xf32>
    %mul3A_395 = arith.mulf %mul3A_384, %get3A_328 : vector<16xf32>
    %mul3A_396 = arith.mulf %get3A_322, %get3A_330 : vector<16xf32>
    %add3A_397 = arith.addf %mul3A_395, %mul3A_396 : vector<16xf32>
    %mul3A_398 = arith.mulf %get3A_322, %get3A_328 : vector<16xf32>
    %mul3A_399 = arith.mulf %mul3A_384, %get3A_330 : vector<16xf32>
    %sub3A_400 = arith.subf %mul3A_398, %mul3A_399 : vector<16xf32>
    %mul3A_401 = arith.mulf %get3A_324, %add3A_379 : vector<16xf32>
    %mul3A_402 = arith.mulf %add3A_379, %get3A_328 : vector<16xf32>
    %neg3A_403 = arith.constant 0.000000e+00 : f32
    %neg3A_404 = vector.broadcast %neg3A_403 : f32 to vector<16xf32>
    %neg3A_405 = arith.subf %neg3A_404, %mul3A_402 : vector<16xf32>
    %mul3A_406 = arith.mulf %add3A_379, %get3A_330 : vector<16xf32>
    %swap3A_407 = arith.constant 2592 : index
    %swap3A_408 = tpu.vector_load %arg10[%swap3A_407] {strides = array<i32>} : memref<8704xf32, #tpu.memory_space<vmem>>, vector<16xf32>,
    tpu.vector_store %arg10[%swap3A_407], %sub3A_387 {strides = array<i32>} : memref<8704xf32, #tpu.memory_space<vmem>>, vector<16xf32>,
    %swap3A_409 = arith.constant 2720 : index
    %swap3A_410 = tpu.vector_load %arg10[%swap3A_409] {strides = array<i32>} : memref<8704xf32, #tpu.memory_space<vmem>>, vector<16xf32>,
    tpu.vector_store %arg10[%swap3A_409], %sub3A_393 {strides = array<i32>} : memref<8704xf32, #tpu.memory_space<vmem>>, vector<16xf32>,
    %swap3A_411 = arith.constant 2848 : index
    %swap3A_412 = tpu.vector_load %arg10[%swap3A_411] {strides = array<i32>} : memref<8704xf32, #tpu.memory_space<vmem>>, vector<16xf32>,
    tpu.vector_store %arg10[%swap3A_411], %mul3A_394 {strides = array<i32>} : memref<8704xf32, #tpu.memory_space<vmem>>, vector<16xf32>,
    %swap3A_413 = arith.constant 4640 : index
    %swap3A_414 = tpu.vector_load %arg10[%swap3A_413] {strides = array<i32>} : memref<8704xf32, #tpu.memory_space<vmem>>, vector<16xf32>,
    tpu.vector_store %arg10[%swap3A_413], %add3A_397 {strides = array<i32>} : memref<8704xf32, #tpu.memory_space<vmem>>, vector<16xf32>,
    %swap3A_415 = arith.constant 4768 : index
    %swap3A_416 = tpu.vector_load %arg10[%swap3A_415] {strides = array<i32>} : memref<8704xf32, #tpu.memory_space<vmem>>, vector<16xf32>,
    tpu.vector_store %arg10[%swap3A_415], %sub3A_400 {strides = array<i32>} : memref<8704xf32, #tpu.memory_space<vmem>>, vector<16xf32>,
    %swap3A_417 = arith.constant 4896 : index
    %swap3A_418 = tpu.vector_load %arg10[%swap3A_417] {strides = array<i32>} : memref<8704xf32, #tpu.memory_space<vmem>>, vector<16xf32>,
    tpu.vector_store %arg10[%swap3A_417], %mul3A_401 {strides = array<i32>} : memref<8704xf32, #tpu.memory_space<vmem>>, vector<16xf32>,
    %swap3A_419 = arith.constant 6688 : index
    %swap3A_420 = tpu.vector_load %arg10[%swap3A_419] {strides = array<i32>} : memref<8704xf32, #tpu.memory_space<vmem>>, vector<16xf32>,
    tpu.vector_store %arg10[%swap3A_419], %neg3A_405 {strides = array<i32>} : memref<8704xf32, #tpu.memory_space<vmem>>, vector<16xf32>,
    %swap3A_421 = arith.constant 6816 : index
    %swap3A_422 = tpu.vector_load %arg10[%swap3A_421] {strides = array<i32>} : memref<8704xf32, #tpu.memory_space<vmem>>, vector<16xf32>,
    tpu.vector_store %arg10[%swap3A_421], %mul3A_406 {strides = array<i32>} : memref<8704xf32, #tpu.memory_space<vmem>>, vector<16xf32>,
    %swap3A_423 = arith.constant 6944 : index
    %swap3A_424 = tpu.vector_load %arg10[%swap3A_423] {strides = array<i32>} : memref<8704xf32, #tpu.memory_space<vmem>>, vector<16xf32>,
    tpu.vector_store %arg10[%swap3A_423], %neg3A_382 {strides = array<i32>} : memref<8704xf32, #tpu.memory_space<vmem>>, vector<16xf32>,
    %get3A_425 = arith.constant 48 : index
    %get3A_426 = tpu.vector_load %arg10[%get3A_425] {strides = array<i32>} : memref<8704xf32, #tpu.memory_space<vmem>>, vector<16xf32>,
    %get3A_427 = arith.constant 560 : index
    %get3A_428 = tpu.vector_load %arg10[%get3A_427] {strides = array<i32>} : memref<8704xf32, #tpu.memory_space<vmem>>, vector<16xf32>,
    %get3A_429 = arith.constant 1072 : index
    %get3A_430 = tpu.vector_load %arg10[%get3A_429] {strides = array<i32>} : memref<8704xf32, #tpu.memory_space<vmem>>, vector<16xf32>,
    %get3A_431 = arith.constant 1584 : index
    %get3A_432 = tpu.vector_load %arg10[%get3A_431] {strides = array<i32>} : memref<8704xf32, #tpu.memory_space<vmem>>, vector<16xf32>,
    %get3A_433 = arith.constant 2096 : index
    %get3A_434 = tpu.vector_load %arg10[%get3A_433] {strides = array<i32>} : memref<8704xf32, #tpu.memory_space<vmem>>, vector<16xf32>,
    %sub3A_435 = arith.constant 1.57079637 : f32
    %sub3A_436 = vector.broadcast %sub3A_435 : f32 to vector<16xf32>
    %sub3A_437 = arith.subf %get3A_430, %sub3A_436 : vector<16xf32>
    %mul3A_438 = arith.mulf %sub3A_437, %sub3A_437 : vector<16xf32>
    %mul3A_439 = arith.constant -2.50521079E-8 : f32
    %mul3A_440 = vector.broadcast %mul3A_439 : f32 to vector<16xf32>
    %mul3A_441 = arith.mulf %mul3A_438, %mul3A_440 : vector<16xf32>
    %add3A_442 = arith.constant 2.75573188E-6 : f32
    %add3A_443 = vector.broadcast %add3A_442 : f32 to vector<16xf32>
    %add3A_444 = arith.addf %add3A_443, %mul3A_441 : vector<16xf32>
    %mul3A_445 = arith.mulf %mul3A_438, %add3A_444 : vector<16xf32>
    %add3A_446 = arith.constant -1.98412701E-4 : f32
    %add3A_447 = vector.broadcast %add3A_446 : f32 to vector<16xf32>
    %add3A_448 = arith.addf %add3A_447, %mul3A_445 : vector<16xf32>
    %mul3A_449 = arith.mulf %mul3A_438, %add3A_448 : vector<16xf32>
    %add3A_450 = arith.constant 0.00833333377 : f32
    %add3A_451 = vector.broadcast %add3A_450 : f32 to vector<16xf32>
    %add3A_452 = arith.addf %add3A_451, %mul3A_449 : vector<16xf32>
    %mul3A_453 = arith.mulf %mul3A_438, %add3A_452 : vector<16xf32>
    %add3A_454 = arith.constant -0.166666672 : f32
    %add3A_455 = vector.broadcast %add3A_454 : f32 to vector<16xf32>
    %add3A_456 = arith.addf %add3A_455, %mul3A_453 : vector<16xf32>
    %mul3A_457 = arith.mulf %mul3A_438, %add3A_456 : vector<16xf32>
    %add3A_458 = arith.constant 1.000000e+00 : f32
    %add3A_459 = vector.broadcast %add3A_458 : f32 to vector<16xf32>
    %add3A_460 = arith.addf %add3A_459, %mul3A_457 : vector<16xf32>
    %mul3A_461 = arith.mulf %sub3A_437, %add3A_460 : vector<16xf32>
    %mul3A_462 = arith.constant -2.755732E-7 : f32
    %mul3A_463 = vector.broadcast %mul3A_462 : f32 to vector<16xf32>
    %mul3A_464 = arith.mulf %mul3A_438, %mul3A_463 : vector<16xf32>
    %add3A_465 = arith.constant 2.48015876E-5 : f32
    %add3A_466 = vector.broadcast %add3A_465 : f32 to vector<16xf32>
    %add3A_467 = arith.addf %add3A_466, %mul3A_464 : vector<16xf32>
    %mul3A_468 = arith.mulf %mul3A_438, %add3A_467 : vector<16xf32>
    %add3A_469 = arith.constant -0.00138888892 : f32
    %add3A_470 = vector.broadcast %add3A_469 : f32 to vector<16xf32>
    %add3A_471 = arith.addf %add3A_470, %mul3A_468 : vector<16xf32>
    %mul3A_472 = arith.mulf %mul3A_438, %add3A_471 : vector<16xf32>
    %add3A_473 = arith.constant 0.0416666679 : f32
    %add3A_474 = vector.broadcast %add3A_473 : f32 to vector<16xf32>
    %add3A_475 = arith.addf %add3A_474, %mul3A_472 : vector<16xf32>
    %mul3A_476 = arith.mulf %mul3A_438, %add3A_475 : vector<16xf32>
    %add3A_477 = arith.constant -5.000000e-01 : f32
    %add3A_478 = vector.broadcast %add3A_477 : f32 to vector<16xf32>
    %add3A_479 = arith.addf %add3A_478, %mul3A_476 : vector<16xf32>
    %mul3A_480 = arith.mulf %mul3A_438, %add3A_479 : vector<16xf32>
    %add3A_481 = arith.constant 1.000000e+00 : f32
    %add3A_482 = vector.broadcast %add3A_481 : f32 to vector<16xf32>
    %add3A_483 = arith.addf %add3A_482, %mul3A_480 : vector<16xf32>
    %neg3A_484 = arith.constant 0.000000e+00 : f32
    %neg3A_485 = vector.broadcast %neg3A_484 : f32 to vector<16xf32>
    %neg3A_486 = arith.subf %neg3A_485, %mul3A_461 : vector<16xf32>
    %mul3A_487 = arith.mulf %get3A_426, %neg3A_486 : vector<16xf32>
    %mul3A_488 = arith.mulf %get3A_428, %neg3A_486 : vector<16xf32>
    %mul3A_489 = arith.mulf %mul3A_487, %get3A_432 : vector<16xf32>
    %mul3A_490 = arith.mulf %get3A_428, %get3A_434 : vector<16xf32>
    %sub3A_491 = arith.subf %mul3A_489, %mul3A_490 : vector<16xf32>
    %mul3A_492 = arith.mulf %mul3A_487, %get3A_434 : vector<16xf32>
    %neg3A_493 = arith.constant 0.000000e+00 : f32
    %neg3A_494 = vector.broadcast %neg3A_493 : f32 to vector<16xf32>
    %neg3A_495 = arith.subf %neg3A_494, %mul3A_492 : vector<16xf32>
    %mul3A_496 = arith.mulf %get3A_428, %get3A_432 : vector<16xf32>
    %sub3A_497 = arith.subf %neg3A_495, %mul3A_496 : vector<16xf32>
    %mul3A_498 = arith.mulf %get3A_426, %add3A_483 : vector<16xf32>
    %mul3A_499 = arith.mulf %mul3A_488, %get3A_432 : vector<16xf32>
    %mul3A_500 = arith.mulf %get3A_426, %get3A_434 : vector<16xf32>
    %add3A_501 = arith.addf %mul3A_499, %mul3A_500 : vector<16xf32>
    %mul3A_502 = arith.mulf %get3A_426, %get3A_432 : vector<16xf32>
    %mul3A_503 = arith.mulf %mul3A_488, %get3A_434 : vector<16xf32>
    %sub3A_504 = arith.subf %mul3A_502, %mul3A_503 : vector<16xf32>
    %mul3A_505 = arith.mulf %get3A_428, %add3A_483 : vector<16xf32>
    %mul3A_506 = arith.mulf %add3A_483, %get3A_432 : vector<16xf32>
    %neg3A_507 = arith.constant 0.000000e+00 : f32
    %neg3A_508 = vector.broadcast %neg3A_507 : f32 to vector<16xf32>
    %neg3A_509 = arith.subf %neg3A_508, %mul3A_506 : vector<16xf32>
    %mul3A_510 = arith.mulf %add3A_483, %get3A_434 : vector<16xf32>
    %swap3A_511 = arith.constant 2608 : index
    %swap3A_512 = tpu.vector_load %arg10[%swap3A_511] {strides = array<i32>} : memref<8704xf32, #tpu.memory_space<vmem>>, vector<16xf32>,
    tpu.vector_store %arg10[%swap3A_511], %sub3A_491 {strides = array<i32>} : memref<8704xf32, #tpu.memory_space<vmem>>, vector<16xf32>,
    %swap3A_513 = arith.constant 2736 : index
    %swap3A_514 = tpu.vector_load %arg10[%swap3A_513] {strides = array<i32>} : memref<8704xf32, #tpu.memory_space<vmem>>, vector<16xf32>,
    tpu.vector_store %arg10[%swap3A_513], %sub3A_497 {strides = array<i32>} : memref<8704xf32, #tpu.memory_space<vmem>>, vector<16xf32>,
    %swap3A_515 = arith.constant 2864 : index
    %swap3A_516 = tpu.vector_load %arg10[%swap3A_515] {strides = array<i32>} : memref<8704xf32, #tpu.memory_space<vmem>>, vector<16xf32>,
    tpu.vector_store %arg10[%swap3A_515], %mul3A_498 {strides = array<i32>} : memref<8704xf32, #tpu.memory_space<vmem>>, vector<16xf32>,
    %swap3A_517 = arith.constant 4656 : index
    %swap3A_518 = tpu.vector_load %arg10[%swap3A_517] {strides = array<i32>} : memref<8704xf32, #tpu.memory_space<vmem>>, vector<16xf32>,
    tpu.vector_store %arg10[%swap3A_517], %add3A_501 {strides = array<i32>} : memref<8704xf32, #tpu.memory_space<vmem>>, vector<16xf32>,
    %swap3A_519 = arith.constant 4784 : index
    %swap3A_520 = tpu.vector_load %arg10[%swap3A_519] {strides = array<i32>} : memref<8704xf32, #tpu.memory_space<vmem>>, vector<16xf32>,
    tpu.vector_store %arg10[%swap3A_519], %sub3A_504 {strides = array<i32>} : memref<8704xf32, #tpu.memory_space<vmem>>, vector<16xf32>,
    %swap3A_521 = arith.constant 4912 : index
    %swap3A_522 = tpu.vector_load %arg10[%swap3A_521] {strides = array<i32>} : memref<8704xf32, #tpu.memory_space<vmem>>, vector<16xf32>,
    tpu.vector_store %arg10[%swap3A_521], %mul3A_505 {strides = array<i32>} : memref<8704xf32, #tpu.memory_space<vmem>>, vector<16xf32>,
    %swap3A_523 = arith.constant 6704 : index
    %swap3A_524 = tpu.vector_load %arg10[%swap3A_523] {strides = array<i32>} : memref<8704xf32, #tpu.memory_space<vmem>>, vector<16xf32>,
    tpu.vector_store %arg10[%swap3A_523], %neg3A_509 {strides = array<i32>} : memref<8704xf32, #tpu.memory_space<vmem>>, vector<16xf32>,
    %swap3A_525 = arith.constant 6832 : index
    %swap3A_526 = tpu.vector_load %arg10[%swap3A_525] {strides = array<i32>} : memref<8704xf32, #tpu.memory_space<vmem>>, vector<16xf32>,
    tpu.vector_store %arg10[%swap3A_525], %mul3A_510 {strides = array<i32>} : memref<8704xf32, #tpu.memory_space<vmem>>, vector<16xf32>,
    %swap3A_527 = arith.constant 6960 : index
    %swap3A_528 = tpu.vector_load %arg10[%swap3A_527] {strides = array<i32>} : memref<8704xf32, #tpu.memory_space<vmem>>, vector<16xf32>,
    tpu.vector_store %arg10[%swap3A_527], %neg3A_486 {strides = array<i32>} : memref<8704xf32, #tpu.memory_space<vmem>>, vector<16xf32>,
    %get3A_529 = arith.constant 64 : index
    %get3A_530 = tpu.vector_load %arg10[%get3A_529] {strides = array<i32>} : memref<8704xf32, #tpu.memory_space<vmem>>, vector<16xf32>,
    %get3A_531 = arith.constant 576 : index
    %get3A_532 = tpu.vector_load %arg10[%get3A_531] {strides = array<i32>} : memref<8704xf32, #tpu.memory_space<vmem>>, vector<16xf32>,
    %get3A_533 = arith.constant 1088 : index
    %get3A_534 = tpu.vector_load %arg10[%get3A_533] {strides = array<i32>} : memref<8704xf32, #tpu.memory_space<vmem>>, vector<16xf32>,
    %get3A_535 = arith.constant 1600 : index
    %get3A_536 = tpu.vector_load %arg10[%get3A_535] {strides = array<i32>} : memref<8704xf32, #tpu.memory_space<vmem>>, vector<16xf32>,
    %get3A_537 = arith.constant 2112 : index
    %get3A_538 = tpu.vector_load %arg10[%get3A_537] {strides = array<i32>} : memref<8704xf32, #tpu.memory_space<vmem>>, vector<16xf32>,
    %sub3A_539 = arith.constant 1.57079637 : f32
    %sub3A_540 = vector.broadcast %sub3A_539 : f32 to vector<16xf32>
    %sub3A_541 = arith.subf %get3A_534, %sub3A_540 : vector<16xf32>
    %mul3A_542 = arith.mulf %sub3A_541, %sub3A_541 : vector<16xf32>
    %mul3A_543 = arith.constant -2.50521079E-8 : f32
    %mul3A_544 = vector.broadcast %mul3A_543 : f32 to vector<16xf32>
    %mul3A_545 = arith.mulf %mul3A_542, %mul3A_544 : vector<16xf32>
    %add3A_546 = arith.constant 2.75573188E-6 : f32
    %add3A_547 = vector.broadcast %add3A_546 : f32 to vector<16xf32>
    %add3A_548 = arith.addf %add3A_547, %mul3A_545 : vector<16xf32>
    %mul3A_549 = arith.mulf %mul3A_542, %add3A_548 : vector<16xf32>
    %add3A_550 = arith.constant -1.98412701E-4 : f32
    %add3A_551 = vector.broadcast %add3A_550 : f32 to vector<16xf32>
    %add3A_552 = arith.addf %add3A_551, %mul3A_549 : vector<16xf32>
    %mul3A_553 = arith.mulf %mul3A_542, %add3A_552 : vector<16xf32>
    %add3A_554 = arith.constant 0.00833333377 : f32
    %add3A_555 = vector.broadcast %add3A_554 : f32 to vector<16xf32>
    %add3A_556 = arith.addf %add3A_555, %mul3A_553 : vector<16xf32>
    %mul3A_557 = arith.mulf %mul3A_542, %add3A_556 : vector<16xf32>
    %add3A_558 = arith.constant -0.166666672 : f32
    %add3A_559 = vector.broadcast %add3A_558 : f32 to vector<16xf32>
    %add3A_560 = arith.addf %add3A_559, %mul3A_557 : vector<16xf32>
    %mul3A_561 = arith.mulf %mul3A_542, %add3A_560 : vector<16xf32>
    %add3A_562 = arith.constant 1.000000e+00 : f32
    %add3A_563 = vector.broadcast %add3A_562 : f32 to vector<16xf32>
    %add3A_564 = arith.addf %add3A_563, %mul3A_561 : vector<16xf32>
    %mul3A_565 = arith.mulf %sub3A_541, %add3A_564 : vector<16xf32>
    %mul3A_566 = arith.constant -2.755732E-7 : f32
    %mul3A_567 = vector.broadcast %mul3A_566 : f32 to vector<16xf32>
    %mul3A_568 = arith.mulf %mul3A_542, %mul3A_567 : vector<16xf32>
    %add3A_569 = arith.constant 2.48015876E-5 : f32
    %add3A_570 = vector.broadcast %add3A_569 : f32 to vector<16xf32>
    %add3A_571 = arith.addf %add3A_570, %mul3A_568 : vector<16xf32>
    %mul3A_572 = arith.mulf %mul3A_542, %add3A_571 : vector<16xf32>
    %add3A_573 = arith.constant -0.00138888892 : f32
    %add3A_574 = vector.broadcast %add3A_573 : f32 to vector<16xf32>
    %add3A_575 = arith.addf %add3A_574, %mul3A_572 : vector<16xf32>
    %mul3A_576 = arith.mulf %mul3A_542, %add3A_575 : vector<16xf32>
    %add3A_577 = arith.constant 0.0416666679 : f32
    %add3A_578 = vector.broadcast %add3A_577 : f32 to vector<16xf32>
    %add3A_579 = arith.addf %add3A_578, %mul3A_576 : vector<16xf32>
    %mul3A_580 = arith.mulf %mul3A_542, %add3A_579 : vector<16xf32>
    %add3A_581 = arith.constant -5.000000e-01 : f32
    %add3A_582 = vector.broadcast %add3A_581 : f32 to vector<16xf32>
    %add3A_583 = arith.addf %add3A_582, %mul3A_580 : vector<16xf32>
    %mul3A_584 = arith.mulf %mul3A_542, %add3A_583 : vector<16xf32>
    %add3A_585 = arith.constant 1.000000e+00 : f32
    %add3A_586 = vector.broadcast %add3A_585 : f32 to vector<16xf32>
    %add3A_587 = arith.addf %add3A_586, %mul3A_584 : vector<16xf32>
    %neg3A_588 = arith.constant 0.000000e+00 : f32
    %neg3A_589 = vector.broadcast %neg3A_588 : f32 to vector<16xf32>
    %neg3A_590 = arith.subf %neg3A_589, %mul3A_565 : vector<16xf32>
    %mul3A_591 = arith.mulf %get3A_530, %neg3A_590 : vector<16xf32>
    %mul3A_592 = arith.mulf %get3A_532, %neg3A_590 : vector<16xf32>
    %mul3A_593 = arith.mulf %mul3A_591, %get3A_536 : vector<16xf32>
    %mul3A_594 = arith.mulf %get3A_532, %get3A_538 : vector<16xf32>
    %sub3A_595 = arith.subf %mul3A_593, %mul3A_594 : vector<16xf32>
    %mul3A_596 = arith.mulf %mul3A_591, %get3A_538 : vector<16xf32>
    %neg3A_597 = arith.constant 0.000000e+00 : f32
    %neg3A_598 = vector.broadcast %neg3A_597 : f32 to vector<16xf32>
    %neg3A_599 = arith.subf %neg3A_598, %mul3A_596 : vector<16xf32>
    %mul3A_600 = arith.mulf %get3A_532, %get3A_536 : vector<16xf32>
    %sub3A_601 = arith.subf %neg3A_599, %mul3A_600 : vector<16xf32>
    %mul3A_602 = arith.mulf %get3A_530, %add3A_587 : vector<16xf32>
    %mul3A_603 = arith.mulf %mul3A_592, %get3A_536 : vector<16xf32>
    %mul3A_604 = arith.mulf %get3A_530, %get3A_538 : vector<16xf32>
    %add3A_605 = arith.addf %mul3A_603, %mul3A_604 : vector<16xf32>
    %mul3A_606 = arith.mulf %get3A_530, %get3A_536 : vector<16xf32>
    %mul3A_607 = arith.mulf %mul3A_592, %get3A_538 : vector<16xf32>
    %sub3A_608 = arith.subf %mul3A_606, %mul3A_607 : vector<16xf32>
    %mul3A_609 = arith.mulf %get3A_532, %add3A_587 : vector<16xf32>
    %mul3A_610 = arith.mulf %add3A_587, %get3A_536 : vector<16xf32>
    %neg3A_611 = arith.constant 0.000000e+00 : f32
    %neg3A_612 = vector.broadcast %neg3A_611 : f32 to vector<16xf32>
    %neg3A_613 = arith.subf %neg3A_612, %mul3A_610 : vector<16xf32>
    %mul3A_614 = arith.mulf %add3A_587, %get3A_538 : vector<16xf32>
    %swap3A_615 = arith.constant 2624 : index
    %swap3A_616 = tpu.vector_load %arg10[%swap3A_615] {strides = array<i32>} : memref<8704xf32, #tpu.memory_space<vmem>>, vector<16xf32>,
    tpu.vector_store %arg10[%swap3A_615], %sub3A_595 {strides = array<i32>} : memref<8704xf32, #tpu.memory_space<vmem>>, vector<16xf32>,
    %swap3A_617 = arith.constant 2752 : index
    %swap3A_618 = tpu.vector_load %arg10[%swap3A_617] {strides = array<i32>} : memref<8704xf32, #tpu.memory_space<vmem>>, vector<16xf32>,
    tpu.vector_store %arg10[%swap3A_617], %sub3A_601 {strides = array<i32>} : memref<8704xf32, #tpu.memory_space<vmem>>, vector<16xf32>,
    %swap3A_619 = arith.constant 2880 : index
    %swap3A_620 = tpu.vector_load %arg10[%swap3A_619] {strides = array<i32>} : memref<8704xf32, #tpu.memory_space<vmem>>, vector<16xf32>,
    tpu.vector_store %arg10[%swap3A_619], %mul3A_602 {strides = array<i32>} : memref<8704xf32, #tpu.memory_space<vmem>>, vector<16xf32>,
    %swap3A_621 = arith.constant 4672 : index
    %swap3A_622 = tpu.vector_load %arg10[%swap3A_621] {strides = array<i32>} : memref<8704xf32, #tpu.memory_space<vmem>>, vector<16xf32>,
    tpu.vector_store %arg10[%swap3A_621], %add3A_605 {strides = array<i32>} : memref<8704xf32, #tpu.memory_space<vmem>>, vector<16xf32>,
    %swap3A_623 = arith.constant 4800 : index
    %swap3A_624 = tpu.vector_load %arg10[%swap3A_623] {strides = array<i32>} : memref<8704xf32, #tpu.memory_space<vmem>>, vector<16xf32>,
    tpu.vector_store %arg10[%swap3A_623], %sub3A_608 {strides = array<i32>} : memref<8704xf32, #tpu.memory_space<vmem>>, vector<16xf32>,
    %swap3A_625 = arith.constant 4928 : index
    %swap3A_626 = tpu.vector_load %arg10[%swap3A_625] {strides = array<i32>} : memref<8704xf32, #tpu.memory_space<vmem>>, vector<16xf32>,
    tpu.vector_store %arg10[%swap3A_625], %mul3A_609 {strides = array<i32>} : memref<8704xf32, #tpu.memory_space<vmem>>, vector<16xf32>,
    %swap3A_627 = arith.constant 6720 : index
    %swap3A_628 = tpu.vector_load %arg10[%swap3A_627] {strides = array<i32>} : memref<8704xf32, #tpu.memory_space<vmem>>, vector<16xf32>,
    tpu.vector_store %arg10[%swap3A_627], %neg3A_613 {strides = array<i32>} : memref<8704xf32, #tpu.memory_space<vmem>>, vector<16xf32>,
    %swap3A_629 = arith.constant 6848 : index
    %swap3A_630 = tpu.vector_load %arg10[%swap3A_629] {strides = array<i32>} : memref<8704xf32, #tpu.memory_space<vmem>>, vector<16xf32>,
    tpu.vector_store %arg10[%swap3A_629], %mul3A_614 {strides = array<i32>} : memref<8704xf32, #tpu.memory_space<vmem>>, vector<16xf32>,
    %swap3A_631 = arith.constant 6976 : index
    %swap3A_632 = tpu.vector_load %arg10[%swap3A_631] {strides = array<i32>} : memref<8704xf32, #tpu.memory_space<vmem>>, vector<16xf32>,
    tpu.vector_store %arg10[%swap3A_631], %neg3A_590 {strides = array<i32>} : memref<8704xf32, #tpu.memory_space<vmem>>, vector<16xf32>,
    %get3A_633 = arith.constant 80 : index
    %get3A_634 = tpu.vector_load %arg10[%get3A_633] {strides = array<i32>} : memref<8704xf32, #tpu.memory_space<vmem>>, vector<16xf32>,
    %get3A_635 = arith.constant 592 : index
    %get3A_636 = tpu.vector_load %arg10[%get3A_635] {strides = array<i32>} : memref<8704xf32, #tpu.memory_space<vmem>>, vector<16xf32>,
    %get3A_637 = arith.constant 1104 : index
    %get3A_638 = tpu.vector_load %arg10[%get3A_637] {strides = array<i32>} : memref<8704xf32, #tpu.memory_space<vmem>>, vector<16xf32>,
    %get3A_639 = arith.constant 1616 : index
    %get3A_640 = tpu.vector_load %arg10[%get3A_639] {strides = array<i32>} : memref<8704xf32, #tpu.memory_space<vmem>>, vector<16xf32>,
    %get3A_641 = arith.constant 2128 : index
    %get3A_642 = tpu.vector_load %arg10[%get3A_641] {strides = array<i32>} : memref<8704xf32, #tpu.memory_space<vmem>>, vector<16xf32>,
    %sub3A_643 = arith.constant 1.57079637 : f32
    %sub3A_644 = vector.broadcast %sub3A_643 : f32 to vector<16xf32>
    %sub3A_645 = arith.subf %get3A_638, %sub3A_644 : vector<16xf32>
    %mul3A_646 = arith.mulf %sub3A_645, %sub3A_645 : vector<16xf32>
    %mul3A_647 = arith.constant -2.50521079E-8 : f32
    %mul3A_648 = vector.broadcast %mul3A_647 : f32 to vector<16xf32>
    %mul3A_649 = arith.mulf %mul3A_646, %mul3A_648 : vector<16xf32>
    %add3A_650 = arith.constant 2.75573188E-6 : f32
    %add3A_651 = vector.broadcast %add3A_650 : f32 to vector<16xf32>
    %add3A_652 = arith.addf %add3A_651, %mul3A_649 : vector<16xf32>
    %mul3A_653 = arith.mulf %mul3A_646, %add3A_652 : vector<16xf32>
    %add3A_654 = arith.constant -1.98412701E-4 : f32
    %add3A_655 = vector.broadcast %add3A_654 : f32 to vector<16xf32>
    %add3A_656 = arith.addf %add3A_655, %mul3A_653 : vector<16xf32>
    %mul3A_657 = arith.mulf %mul3A_646, %add3A_656 : vector<16xf32>
    %add3A_658 = arith.constant 0.00833333377 : f32
    %add3A_659 = vector.broadcast %add3A_658 : f32 to vector<16xf32>
    %add3A_660 = arith.addf %add3A_659, %mul3A_657 : vector<16xf32>
    %mul3A_661 = arith.mulf %mul3A_646, %add3A_660 : vector<16xf32>
    %add3A_662 = arith.constant -0.166666672 : f32
    %add3A_663 = vector.broadcast %add3A_662 : f32 to vector<16xf32>
    %add3A_664 = arith.addf %add3A_663, %mul3A_661 : vector<16xf32>
    %mul3A_665 = arith.mulf %mul3A_646, %add3A_664 : vector<16xf32>
    %add3A_666 = arith.constant 1.000000e+00 : f32
    %add3A_667 = vector.broadcast %add3A_666 : f32 to vector<16xf32>
    %add3A_668 = arith.addf %add3A_667, %mul3A_665 : vector<16xf32>
    %mul3A_669 = arith.mulf %sub3A_645, %add3A_668 : vector<16xf32>
    %mul3A_670 = arith.constant -2.755732E-7 : f32
    %mul3A_671 = vector.broadcast %mul3A_670 : f32 to vector<16xf32>
    %mul3A_672 = arith.mulf %mul3A_646, %mul3A_671 : vector<16xf32>
    %add3A_673 = arith.constant 2.48015876E-5 : f32
    %add3A_674 = vector.broadcast %add3A_673 : f32 to vector<16xf32>
    %add3A_675 = arith.addf %add3A_674, %mul3A_672 : vector<16xf32>
    %mul3A_676 = arith.mulf %mul3A_646, %add3A_675 : vector<16xf32>
    %add3A_677 = arith.constant -0.00138888892 : f32
    %add3A_678 = vector.broadcast %add3A_677 : f32 to vector<16xf32>
    %add3A_679 = arith.addf %add3A_678, %mul3A_676 : vector<16xf32>
    %mul3A_680 = arith.mulf %mul3A_646, %add3A_679 : vector<16xf32>
    %add3A_681 = arith.constant 0.0416666679 : f32
    %add3A_682 = vector.broadcast %add3A_681 : f32 to vector<16xf32>
    %add3A_683 = arith.addf %add3A_682, %mul3A_680 : vector<16xf32>
    %mul3A_684 = arith.mulf %mul3A_646, %add3A_683 : vector<16xf32>
    %add3A_685 = arith.constant -5.000000e-01 : f32
    %add3A_686 = vector.broadcast %add3A_685 : f32 to vector<16xf32>
    %add3A_687 = arith.addf %add3A_686, %mul3A_684 : vector<16xf32>
    %mul3A_688 = arith.mulf %mul3A_646, %add3A_687 : vector<16xf32>
    %add3A_689 = arith.constant 1.000000e+00 : f32
    %add3A_690 = vector.broadcast %add3A_689 : f32 to vector<16xf32>
    %add3A_691 = arith.addf %add3A_690, %mul3A_688 : vector<16xf32>
    %neg3A_692 = arith.constant 0.000000e+00 : f32
    %neg3A_693 = vector.broadcast %neg3A_692 : f32 to vector<16xf32>
    %neg3A_694 = arith.subf %neg3A_693, %mul3A_669 : vector<16xf32>
    %mul3A_695 = arith.mulf %get3A_634, %neg3A_694 : vector<16xf32>
    %mul3A_696 = arith.mulf %get3A_636, %neg3A_694 : vector<16xf32>
    %mul3A_697 = arith.mulf %mul3A_695, %get3A_640 : vector<16xf32>
    %mul3A_698 = arith.mulf %get3A_636, %get3A_642 : vector<16xf32>
    %sub3A_699 = arith.subf %mul3A_697, %mul3A_698 : vector<16xf32>
    %mul3A_700 = arith.mulf %mul3A_695, %get3A_642 : vector<16xf32>
    %neg3A_701 = arith.constant 0.000000e+00 : f32
    %neg3A_702 = vector.broadcast %neg3A_701 : f32 to vector<16xf32>
    %neg3A_703 = arith.subf %neg3A_702, %mul3A_700 : vector<16xf32>
    %mul3A_704 = arith.mulf %get3A_636, %get3A_640 : vector<16xf32>
    %sub3A_705 = arith.subf %neg3A_703, %mul3A_704 : vector<16xf32>
    %mul3A_706 = arith.mulf %get3A_634, %add3A_691 : vector<16xf32>
    %mul3A_707 = arith.mulf %mul3A_696, %get3A_640 : vector<16xf32>
    %mul3A_708 = arith.mulf %get3A_634, %get3A_642 : vector<16xf32>
    %add3A_709 = arith.addf %mul3A_707, %mul3A_708 : vector<16xf32>
    %mul3A_710 = arith.mulf %get3A_634, %get3A_640 : vector<16xf32>
    %mul3A_711 = arith.mulf %mul3A_696, %get3A_642 : vector<16xf32>
    %sub3A_712 = arith.subf %mul3A_710, %mul3A_711 : vector<16xf32>
    %mul3A_713 = arith.mulf %get3A_636, %add3A_691 : vector<16xf32>
    %mul3A_714 = arith.mulf %add3A_691, %get3A_640 : vector<16xf32>
    %neg3A_715 = arith.constant 0.000000e+00 : f32
    %neg3A_716 = vector.broadcast %neg3A_715 : f32 to vector<16xf32>
    %neg3A_717 = arith.subf %neg3A_716, %mul3A_714 : vector<16xf32>
    %mul3A_718 = arith.mulf %add3A_691, %get3A_642 : vector<16xf32>
    %swap3A_719 = arith.constant 2640 : index
    %swap3A_720 = tpu.vector_load %arg10[%swap3A_719] {strides = array<i32>} : memref<8704xf32, #tpu.memory_space<vmem>>, vector<16xf32>,
    tpu.vector_store %arg10[%swap3A_719], %sub3A_699 {strides = array<i32>} : memref<8704xf32, #tpu.memory_space<vmem>>, vector<16xf32>,
    %swap3A_721 = arith.constant 2768 : index
    %swap3A_722 = tpu.vector_load %arg10[%swap3A_721] {strides = array<i32>} : memref<8704xf32, #tpu.memory_space<vmem>>, vector<16xf32>,
    tpu.vector_store %arg10[%swap3A_721], %sub3A_705 {strides = array<i32>} : memref<8704xf32, #tpu.memory_space<vmem>>, vector<16xf32>,
    %swap3A_723 = arith.constant 2896 : index
    %swap3A_724 = tpu.vector_load %arg10[%swap3A_723] {strides = array<i32>} : memref<8704xf32, #tpu.memory_space<vmem>>, vector<16xf32>,
    tpu.vector_store %arg10[%swap3A_723], %mul3A_706 {strides = array<i32>} : memref<8704xf32, #tpu.memory_space<vmem>>, vector<16xf32>,
    %swap3A_725 = arith.constant 4688 : index
    %swap3A_726 = tpu.vector_load %arg10[%swap3A_725] {strides = array<i32>} : memref<8704xf32, #tpu.memory_space<vmem>>, vector<16xf32>,
    tpu.vector_store %arg10[%swap3A_725], %add3A_709 {strides = array<i32>} : memref<8704xf32, #tpu.memory_space<vmem>>, vector<16xf32>,
    %swap3A_727 = arith.constant 4816 : index
    %swap3A_728 = tpu.vector_load %arg10[%swap3A_727] {strides = array<i32>} : memref<8704xf32, #tpu.memory_space<vmem>>, vector<16xf32>,
    tpu.vector_store %arg10[%swap3A_727], %sub3A_712 {strides = array<i32>} : memref<8704xf32, #tpu.memory_space<vmem>>, vector<16xf32>,
    %swap3A_729 = arith.constant 4944 : index
    %swap3A_730 = tpu.vector_load %arg10[%swap3A_729] {strides = array<i32>} : memref<8704xf32, #tpu.memory_space<vmem>>, vector<16xf32>,
    tpu.vector_store %arg10[%swap3A_729], %mul3A_713 {strides = array<i32>} : memref<8704xf32, #tpu.memory_space<vmem>>, vector<16xf32>,
    %swap3A_731 = arith.constant 6736 : index
    %swap3A_732 = tpu.vector_load %arg10[%swap3A_731] {strides = array<i32>} : memref<8704xf32, #tpu.memory_space<vmem>>, vector<16xf32>,
    tpu.vector_store %arg10[%swap3A_731], %neg3A_717 {strides = array<i32>} : memref<8704xf32, #tpu.memory_space<vmem>>, vector<16xf32>,
    %swap3A_733 = arith.constant 6864 : index
    %swap3A_734 = tpu.vector_load %arg10[%swap3A_733] {strides = array<i32>} : memref<8704xf32, #tpu.memory_space<vmem>>, vector<16xf32>,
    tpu.vector_store %arg10[%swap3A_733], %mul3A_718 {strides = array<i32>} : memref<8704xf32, #tpu.memory_space<vmem>>, vector<16xf32>,
    %swap3A_735 = arith.constant 6992 : index
    %swap3A_736 = tpu.vector_load %arg10[%swap3A_735] {strides = array<i32>} : memref<8704xf32, #tpu.memory_space<vmem>>, vector<16xf32>,
    tpu.vector_store %arg10[%swap3A_735], %neg3A_694 {strides = array<i32>} : memref<8704xf32, #tpu.memory_space<vmem>>, vector<16xf32>,
    %get3A_737 = arith.constant 96 : index
    %get3A_738 = tpu.vector_load %arg10[%get3A_737] {strides = array<i32>} : memref<8704xf32, #tpu.memory_space<vmem>>, vector<16xf32>,
    %get3A_739 = arith.constant 608 : index
    %get3A_740 = tpu.vector_load %arg10[%get3A_739] {strides = array<i32>} : memref<8704xf32, #tpu.memory_space<vmem>>, vector<16xf32>,
    %get3A_741 = arith.constant 1120 : index
    %get3A_742 = tpu.vector_load %arg10[%get3A_741] {strides = array<i32>} : memref<8704xf32, #tpu.memory_space<vmem>>, vector<16xf32>,
    %get3A_743 = arith.constant 1632 : index
    %get3A_744 = tpu.vector_load %arg10[%get3A_743] {strides = array<i32>} : memref<8704xf32, #tpu.memory_space<vmem>>, vector<16xf32>,
    %get3A_745 = arith.constant 2144 : index
    %get3A_746 = tpu.vector_load %arg10[%get3A_745] {strides = array<i32>} : memref<8704xf32, #tpu.memory_space<vmem>>, vector<16xf32>,
    %sub3A_747 = arith.constant 1.57079637 : f32
    %sub3A_748 = vector.broadcast %sub3A_747 : f32 to vector<16xf32>
    %sub3A_749 = arith.subf %get3A_742, %sub3A_748 : vector<16xf32>
    %mul3A_750 = arith.mulf %sub3A_749, %sub3A_749 : vector<16xf32>
    %mul3A_751 = arith.constant -2.50521079E-8 : f32
    %mul3A_752 = vector.broadcast %mul3A_751 : f32 to vector<16xf32>
    %mul3A_753 = arith.mulf %mul3A_750, %mul3A_752 : vector<16xf32>
    %add3A_754 = arith.constant 2.75573188E-6 : f32
    %add3A_755 = vector.broadcast %add3A_754 : f32 to vector<16xf32>
    %add3A_756 = arith.addf %add3A_755, %mul3A_753 : vector<16xf32>
    %mul3A_757 = arith.mulf %mul3A_750, %add3A_756 : vector<16xf32>
    %add3A_758 = arith.constant -1.98412701E-4 : f32
    %add3A_759 = vector.broadcast %add3A_758 : f32 to vector<16xf32>
    %add3A_760 = arith.addf %add3A_759, %mul3A_757 : vector<16xf32>
    %mul3A_761 = arith.mulf %mul3A_750, %add3A_760 : vector<16xf32>
    %add3A_762 = arith.constant 0.00833333377 : f32
    %add3A_763 = vector.broadcast %add3A_762 : f32 to vector<16xf32>
    %add3A_764 = arith.addf %add3A_763, %mul3A_761 : vector<16xf32>
    %mul3A_765 = arith.mulf %mul3A_750, %add3A_764 : vector<16xf32>
    %add3A_766 = arith.constant -0.166666672 : f32
    %add3A_767 = vector.broadcast %add3A_766 : f32 to vector<16xf32>
    %add3A_768 = arith.addf %add3A_767, %mul3A_765 : vector<16xf32>
    %mul3A_769 = arith.mulf %mul3A_750, %add3A_768 : vector<16xf32>
    %add3A_770 = arith.constant 1.000000e+00 : f32
    %add3A_771 = vector.broadcast %add3A_770 : f32 to vector<16xf32>
    %add3A_772 = arith.addf %add3A_771, %mul3A_769 : vector<16xf32>
    %mul3A_773 = arith.mulf %sub3A_749, %add3A_772 : vector<16xf32>
    %mul3A_774 = arith.constant -2.755732E-7 : f32
    %mul3A_775 = vector.broadcast %mul3A_774 : f32 to vector<16xf32>
    %mul3A_776 = arith.mulf %mul3A_750, %mul3A_775 : vector<16xf32>
    %add3A_777 = arith.constant 2.48015876E-5 : f32
    %add3A_778 = vector.broadcast %add3A_777 : f32 to vector<16xf32>
    %add3A_779 = arith.addf %add3A_778, %mul3A_776 : vector<16xf32>
    %mul3A_780 = arith.mulf %mul3A_750, %add3A_779 : vector<16xf32>
    %add3A_781 = arith.constant -0.00138888892 : f32
    %add3A_782 = vector.broadcast %add3A_781 : f32 to vector<16xf32>
    %add3A_783 = arith.addf %add3A_782, %mul3A_780 : vector<16xf32>
    %mul3A_784 = arith.mulf %mul3A_750, %add3A_783 : vector<16xf32>
    %add3A_785 = arith.constant 0.0416666679 : f32
    %add3A_786 = vector.broadcast %add3A_785 : f32 to vector<16xf32>
    %add3A_787 = arith.addf %add3A_786, %mul3A_784 : vector<16xf32>
    %mul3A_788 = arith.mulf %mul3A_750, %add3A_787 : vector<16xf32>
    %add3A_789 = arith.constant -5.000000e-01 : f32
    %add3A_790 = vector.broadcast %add3A_789 : f32 to vector<16xf32>
    %add3A_791 = arith.addf %add3A_790, %mul3A_788 : vector<16xf32>
    %mul3A_792 = arith.mulf %mul3A_750, %add3A_791 : vector<16xf32>
    %add3A_793 = arith.constant 1.000000e+00 : f32
    %add3A_794 = vector.broadcast %add3A_793 : f32 to vector<16xf32>
    %add3A_795 = arith.addf %add3A_794, %mul3A_792 : vector<16xf32>
    %neg3A_796 = arith.constant 0.000000e+00 : f32
    %neg3A_797 = vector.broadcast %neg3A_796 : f32 to vector<16xf32>
    %neg3A_798 = arith.subf %neg3A_797, %mul3A_773 : vector<16xf32>
    %mul3A_799 = arith.mulf %get3A_738, %neg3A_798 : vector<16xf32>
    %mul3A_800 = arith.mulf %get3A_740, %neg3A_798 : vector<16xf32>
    %mul3A_801 = arith.mulf %mul3A_799, %get3A_744 : vector<16xf32>
    %mul3A_802 = arith.mulf %get3A_740, %get3A_746 : vector<16xf32>
    %sub3A_803 = arith.subf %mul3A_801, %mul3A_802 : vector<16xf32>
    %mul3A_804 = arith.mulf %mul3A_799, %get3A_746 : vector<16xf32>
    %neg3A_805 = arith.constant 0.000000e+00 : f32
    %neg3A_806 = vector.broadcast %neg3A_805 : f32 to vector<16xf32>
    %neg3A_807 = arith.subf %neg3A_806, %mul3A_804 : vector<16xf32>
    %mul3A_808 = arith.mulf %get3A_740, %get3A_744 : vector<16xf32>
    %sub3A_809 = arith.subf %neg3A_807, %mul3A_808 : vector<16xf32>
    %mul3A_810 = arith.mulf %get3A_738, %add3A_795 : vector<16xf32>
    %mul3A_811 = arith.mulf %mul3A_800, %get3A_744 : vector<16xf32>
    %mul3A_812 = arith.mulf %get3A_738, %get3A_746 : vector<16xf32>
    %add3A_813 = arith.addf %mul3A_811, %mul3A_812 : vector<16xf32>
    %mul3A_814 = arith.mulf %get3A_738, %get3A_744 : vector<16xf32>
    %mul3A_815 = arith.mulf %mul3A_800, %get3A_746 : vector<16xf32>
    %sub3A_816 = arith.subf %mul3A_814, %mul3A_815 : vector<16xf32>
    %mul3A_817 = arith.mulf %get3A_740, %add3A_795 : vector<16xf32>
    %mul3A_818 = arith.mulf %add3A_795, %get3A_744 : vector<16xf32>
    %neg3A_819 = arith.constant 0.000000e+00 : f32
    %neg3A_820 = vector.broadcast %neg3A_819 : f32 to vector<16xf32>
    %neg3A_821 = arith.subf %neg3A_820, %mul3A_818 : vector<16xf32>
    %mul3A_822 = arith.mulf %add3A_795, %get3A_746 : vector<16xf32>
    %swap3A_823 = arith.constant 2656 : index
    %swap3A_824 = tpu.vector_load %arg10[%swap3A_823] {strides = array<i32>} : memref<8704xf32, #tpu.memory_space<vmem>>, vector<16xf32>,
    tpu.vector_store %arg10[%swap3A_823], %sub3A_803 {strides = array<i32>} : memref<8704xf32, #tpu.memory_space<vmem>>, vector<16xf32>,
    %swap3A_825 = arith.constant 2784 : index
    %swap3A_826 = tpu.vector_load %arg10[%swap3A_825] {strides = array<i32>} : memref<8704xf32, #tpu.memory_space<vmem>>, vector<16xf32>,
    tpu.vector_store %arg10[%swap3A_825], %sub3A_809 {strides = array<i32>} : memref<8704xf32, #tpu.memory_space<vmem>>, vector<16xf32>,
    %swap3A_827 = arith.constant 2912 : index
    %swap3A_828 = tpu.vector_load %arg10[%swap3A_827] {strides = array<i32>} : memref<8704xf32, #tpu.memory_space<vmem>>, vector<16xf32>,
    tpu.vector_store %arg10[%swap3A_827], %mul3A_810 {strides = array<i32>} : memref<8704xf32, #tpu.memory_space<vmem>>, vector<16xf32>,
    %swap3A_829 = arith.constant 4704 : index
    %swap3A_830 = tpu.vector_load %arg10[%swap3A_829] {strides = array<i32>} : memref<8704xf32, #tpu.memory_space<vmem>>, vector<16xf32>,
    tpu.vector_store %arg10[%swap3A_829], %add3A_813 {strides = array<i32>} : memref<8704xf32, #tpu.memory_space<vmem>>, vector<16xf32>,
    %swap3A_831 = arith.constant 4832 : index
    %swap3A_832 = tpu.vector_load %arg10[%swap3A_831] {strides = array<i32>} : memref<8704xf32, #tpu.memory_space<vmem>>, vector<16xf32>,
    tpu.vector_store %arg10[%swap3A_831], %sub3A_816 {strides = array<i32>} : memref<8704xf32, #tpu.memory_space<vmem>>, vector<16xf32>,
    %swap3A_833 = arith.constant 4960 : index
    %swap3A_834 = tpu.vector_load %arg10[%swap3A_833] {strides = array<i32>} : memref<8704xf32, #tpu.memory_space<vmem>>, vector<16xf32>,
    tpu.vector_store %arg10[%swap3A_833], %mul3A_817 {strides = array<i32>} : memref<8704xf32, #tpu.memory_space<vmem>>, vector<16xf32>,
    %swap3A_835 = arith.constant 6752 : index
    %swap3A_836 = tpu.vector_load %arg10[%swap3A_835] {strides = array<i32>} : memref<8704xf32, #tpu.memory_space<vmem>>, vector<16xf32>,
    tpu.vector_store %arg10[%swap3A_835], %neg3A_821 {strides = array<i32>} : memref<8704xf32, #tpu.memory_space<vmem>>, vector<16xf32>,
    %swap3A_837 = arith.constant 6880 : index
    %swap3A_838 = tpu.vector_load %arg10[%swap3A_837] {strides = array<i32>} : memref<8704xf32, #tpu.memory_space<vmem>>, vector<16xf32>,
    tpu.vector_store %arg10[%swap3A_837], %mul3A_822 {strides = array<i32>} : memref<8704xf32, #tpu.memory_space<vmem>>, vector<16xf32>,
    %swap3A_839 = arith.constant 7008 : index
    %swap3A_840 = tpu.vector_load %arg10[%swap3A_839] {strides = array<i32>} : memref<8704xf32, #tpu.memory_space<vmem>>, vector<16xf32>,
    tpu.vector_store %arg10[%swap3A_839], %neg3A_798 {strides = array<i32>} : memref<8704xf32, #tpu.memory_space<vmem>>, vector<16xf32>,
    %get3A_841 = arith.constant 112 : index
    %get3A_842 = tpu.vector_load %arg10[%get3A_841] {strides = array<i32>} : memref<8704xf32, #tpu.memory_space<vmem>>, vector<16xf32>,
    %get3A_843 = arith.constant 624 : index
    %get3A_844 = tpu.vector_load %arg10[%get3A_843] {strides = array<i32>} : memref<8704xf32, #tpu.memory_space<vmem>>, vector<16xf32>,
    %get3A_845 = arith.constant 1136 : index
    %get3A_846 = tpu.vector_load %arg10[%get3A_845] {strides = array<i32>} : memref<8704xf32, #tpu.memory_space<vmem>>, vector<16xf32>,
    %get3A_847 = arith.constant 1648 : index
    %get3A_848 = tpu.vector_load %arg10[%get3A_847] {strides = array<i32>} : memref<8704xf32, #tpu.memory_space<vmem>>, vector<16xf32>,
    %get3A_849 = arith.constant 2160 : index
    %get3A_850 = tpu.vector_load %arg10[%get3A_849] {strides = array<i32>} : memref<8704xf32, #tpu.memory_space<vmem>>, vector<16xf32>,
    %sub3A_851 = arith.constant 1.57079637 : f32
    %sub3A_852 = vector.broadcast %sub3A_851 : f32 to vector<16xf32>
    %sub3A_853 = arith.subf %get3A_846, %sub3A_852 : vector<16xf32>
    %mul3A_854 = arith.mulf %sub3A_853, %sub3A_853 : vector<16xf32>
    %mul3A_855 = arith.constant -2.50521079E-8 : f32
    %mul3A_856 = vector.broadcast %mul3A_855 : f32 to vector<16xf32>
    %mul3A_857 = arith.mulf %mul3A_854, %mul3A_856 : vector<16xf32>
    %add3A_858 = arith.constant 2.75573188E-6 : f32
    %add3A_859 = vector.broadcast %add3A_858 : f32 to vector<16xf32>
    %add3A_860 = arith.addf %add3A_859, %mul3A_857 : vector<16xf32>
    %mul3A_861 = arith.mulf %mul3A_854, %add3A_860 : vector<16xf32>
    %add3A_862 = arith.constant -1.98412701E-4 : f32
    %add3A_863 = vector.broadcast %add3A_862 : f32 to vector<16xf32>
    %add3A_864 = arith.addf %add3A_863, %mul3A_861 : vector<16xf32>
    %mul3A_865 = arith.mulf %mul3A_854, %add3A_864 : vector<16xf32>
    %add3A_866 = arith.constant 0.00833333377 : f32
    %add3A_867 = vector.broadcast %add3A_866 : f32 to vector<16xf32>
    %add3A_868 = arith.addf %add3A_867, %mul3A_865 : vector<16xf32>
    %mul3A_869 = arith.mulf %mul3A_854, %add3A_868 : vector<16xf32>
    %add3A_870 = arith.constant -0.166666672 : f32
    %add3A_871 = vector.broadcast %add3A_870 : f32 to vector<16xf32>
    %add3A_872 = arith.addf %add3A_871, %mul3A_869 : vector<16xf32>
    %mul3A_873 = arith.mulf %mul3A_854, %add3A_872 : vector<16xf32>
    %add3A_874 = arith.constant 1.000000e+00 : f32
    %add3A_875 = vector.broadcast %add3A_874 : f32 to vector<16xf32>
    %add3A_876 = arith.addf %add3A_875, %mul3A_873 : vector<16xf32>
    %mul3A_877 = arith.mulf %sub3A_853, %add3A_876 : vector<16xf32>
    %mul3A_878 = arith.constant -2.755732E-7 : f32
    %mul3A_879 = vector.broadcast %mul3A_878 : f32 to vector<16xf32>
    %mul3A_880 = arith.mulf %mul3A_854, %mul3A_879 : vector<16xf32>
    %add3A_881 = arith.constant 2.48015876E-5 : f32
    %add3A_882 = vector.broadcast %add3A_881 : f32 to vector<16xf32>
    %add3A_883 = arith.addf %add3A_882, %mul3A_880 : vector<16xf32>
    %mul3A_884 = arith.mulf %mul3A_854, %add3A_883 : vector<16xf32>
    %add3A_885 = arith.constant -0.00138888892 : f32
    %add3A_886 = vector.broadcast %add3A_885 : f32 to vector<16xf32>
    %add3A_887 = arith.addf %add3A_886, %mul3A_884 : vector<16xf32>
    %mul3A_888 = arith.mulf %mul3A_854, %add3A_887 : vector<16xf32>
    %add3A_889 = arith.constant 0.0416666679 : f32
    %add3A_890 = vector.broadcast %add3A_889 : f32 to vector<16xf32>
    %add3A_891 = arith.addf %add3A_890, %mul3A_888 : vector<16xf32>
    %mul3A_892 = arith.mulf %mul3A_854, %add3A_891 : vector<16xf32>
    %add3A_893 = arith.constant -5.000000e-01 : f32
    %add3A_894 = vector.broadcast %add3A_893 : f32 to vector<16xf32>
    %add3A_895 = arith.addf %add3A_894, %mul3A_892 : vector<16xf32>
    %mul3A_896 = arith.mulf %mul3A_854, %add3A_895 : vector<16xf32>
    %add3A_897 = arith.constant 1.000000e+00 : f32
    %add3A_898 = vector.broadcast %add3A_897 : f32 to vector<16xf32>
    %add3A_899 = arith.addf %add3A_898, %mul3A_896 : vector<16xf32>
    %neg3A_900 = arith.constant 0.000000e+00 : f32
    %neg3A_901 = vector.broadcast %neg3A_900 : f32 to vector<16xf32>
    %neg3A_902 = arith.subf %neg3A_901, %mul3A_877 : vector<16xf32>
    %mul3A_903 = arith.mulf %get3A_842, %neg3A_902 : vector<16xf32>
    %mul3A_904 = arith.mulf %get3A_844, %neg3A_902 : vector<16xf32>
    %mul3A_905 = arith.mulf %mul3A_903, %get3A_848 : vector<16xf32>
    %mul3A_906 = arith.mulf %get3A_844, %get3A_850 : vector<16xf32>
    %sub3A_907 = arith.subf %mul3A_905, %mul3A_906 : vector<16xf32>
    %mul3A_908 = arith.mulf %mul3A_903, %get3A_850 : vector<16xf32>
    %neg3A_909 = arith.constant 0.000000e+00 : f32
    %neg3A_910 = vector.broadcast %neg3A_909 : f32 to vector<16xf32>
    %neg3A_911 = arith.subf %neg3A_910, %mul3A_908 : vector<16xf32>
    %mul3A_912 = arith.mulf %get3A_844, %get3A_848 : vector<16xf32>
    %sub3A_913 = arith.subf %neg3A_911, %mul3A_912 : vector<16xf32>
    %mul3A_914 = arith.mulf %get3A_842, %add3A_899 : vector<16xf32>
    %mul3A_915 = arith.mulf %mul3A_904, %get3A_848 : vector<16xf32>
    %mul3A_916 = arith.mulf %get3A_842, %get3A_850 : vector<16xf32>
    %add3A_917 = arith.addf %mul3A_915, %mul3A_916 : vector<16xf32>
    %mul3A_918 = arith.mulf %get3A_842, %get3A_848 : vector<16xf32>
    %mul3A_919 = arith.mulf %mul3A_904, %get3A_850 : vector<16xf32>
    %sub3A_920 = arith.subf %mul3A_918, %mul3A_919 : vector<16xf32>
    %mul3A_921 = arith.mulf %get3A_844, %add3A_899 : vector<16xf32>
    %mul3A_922 = arith.mulf %add3A_899, %get3A_848 : vector<16xf32>
    %neg3A_923 = arith.constant 0.000000e+00 : f32
    %neg3A_924 = vector.broadcast %neg3A_923 : f32 to vector<16xf32>
    %neg3A_925 = arith.subf %neg3A_924, %mul3A_922 : vector<16xf32>
    %mul3A_926 = arith.mulf %add3A_899, %get3A_850 : vector<16xf32>
    %swap3A_927 = arith.constant 2672 : index
    %swap3A_928 = tpu.vector_load %arg10[%swap3A_927] {strides = array<i32>} : memref<8704xf32, #tpu.memory_space<vmem>>, vector<16xf32>,
    tpu.vector_store %arg10[%swap3A_927], %sub3A_907 {strides = array<i32>} : memref<8704xf32, #tpu.memory_space<vmem>>, vector<16xf32>,
    %swap3A_929 = arith.constant 2800 : index
    %swap3A_930 = tpu.vector_load %arg10[%swap3A_929] {strides = array<i32>} : memref<8704xf32, #tpu.memory_space<vmem>>, vector<16xf32>,
    tpu.vector_store %arg10[%swap3A_929], %sub3A_913 {strides = array<i32>} : memref<8704xf32, #tpu.memory_space<vmem>>, vector<16xf32>,
    %swap3A_931 = arith.constant 2928 : index
    %swap3A_932 = tpu.vector_load %arg10[%swap3A_931] {strides = array<i32>} : memref<8704xf32, #tpu.memory_space<vmem>>, vector<16xf32>,
    tpu.vector_store %arg10[%swap3A_931], %mul3A_914 {strides = array<i32>} : memref<8704xf32, #tpu.memory_space<vmem>>, vector<16xf32>,
    %swap3A_933 = arith.constant 4720 : index
    %swap3A_934 = tpu.vector_load %arg10[%swap3A_933] {strides = array<i32>} : memref<8704xf32, #tpu.memory_space<vmem>>, vector<16xf32>,
    tpu.vector_store %arg10[%swap3A_933], %add3A_917 {strides = array<i32>} : memref<8704xf32, #tpu.memory_space<vmem>>, vector<16xf32>,
    %swap3A_935 = arith.constant 4848 : index
    %swap3A_936 = tpu.vector_load %arg10[%swap3A_935] {strides = array<i32>} : memref<8704xf32, #tpu.memory_space<vmem>>, vector<16xf32>,
    tpu.vector_store %arg10[%swap3A_935], %sub3A_920 {strides = array<i32>} : memref<8704xf32, #tpu.memory_space<vmem>>, vector<16xf32>,
    %swap3A_937 = arith.constant 4976 : index
    %swap3A_938 = tpu.vector_load %arg10[%swap3A_937] {strides = array<i32>} : memref<8704xf32, #tpu.memory_space<vmem>>, vector<16xf32>,
    tpu.vector_store %arg10[%swap3A_937], %mul3A_921 {strides = array<i32>} : memref<8704xf32, #tpu.memory_space<vmem>>, vector<16xf32>,
    %swap3A_939 = arith.constant 6768 : index
    %swap3A_940 = tpu.vector_load %arg10[%swap3A_939] {strides = array<i32>} : memref<8704xf32, #tpu.memory_space<vmem>>, vector<16xf32>,
    tpu.vector_store %arg10[%swap3A_939], %neg3A_925 {strides = array<i32>} : memref<8704xf32, #tpu.memory_space<vmem>>, vector<16xf32>,
    %swap3A_941 = arith.constant 6896 : index
    %swap3A_942 = tpu.vector_load %arg10[%swap3A_941] {strides = array<i32>} : memref<8704xf32, #tpu.memory_space<vmem>>, vector<16xf32>,
    tpu.vector_store %arg10[%swap3A_941], %mul3A_926 {strides = array<i32>} : memref<8704xf32, #tpu.memory_space<vmem>>, vector<16xf32>,
    %swap3A_943 = arith.constant 7024 : index
    %swap3A_944 = tpu.vector_load %arg10[%swap3A_943] {strides = array<i32>} : memref<8704xf32, #tpu.memory_space<vmem>>, vector<16xf32>,
    tpu.vector_store %arg10[%swap3A_943], %neg3A_902 {strides = array<i32>} : memref<8704xf32, #tpu.memory_space<vmem>>, vector<16xf32>,
    %mul3A_945 = arith.constant 2048 : i32
    %mul3A_946 = arith.muli %add3A, %mul3A_945 : i32
    %add3A_947 = arith.constant 0 : i32
    %add3A_948 = arith.addi %add3A_947, %mul3A_946 : i32
    %add3A_949 = arith.constant 0 : i32
    %add3A_950 = arith.addi %add3A_948, %add3A_949 : i32
    %dma_start3A_951 = arith.constant 2560 : i32
    %dma_start3A_952 = tpu.memref_slice %arg10[%dma_start3A_951] : memref<8704xf32, #tpu.memory_space<vmem>> -> memref<512xf32, #tpu.memory_space<vmem>>
    %dma_start3A_953 = tpu.memref_slice %arg8[%add3A_950] : memref<196608xf32, #tpu.memory_space<hbm>> -> memref<512xf32, #tpu.memory_space<hbm>>
    %dma_start3A_954 = tpu.memref_slice %arg8[%add3A_950] : memref<196608xf32, #tpu.memory_space<hbm>> -> memref<512xf32, #tpu.memory_space<hbm>>
    %dma_start3A_955 = arith.constant 2560 : i32
    %dma_start3A_956 = tpu.memref_slice %arg10[%dma_start3A_955] : memref<8704xf32, #tpu.memory_space<vmem>> -> memref<512xf32, #tpu.memory_space<vmem>>
    tpu.enqueue_dma source(%dma_start3A_956 : memref<512xf32, #tpu.memory_space<vmem>>) target(%dma_start3A_954 : memref<512xf32, #tpu.memory_space<hbm>>) target_semaphore(%arg15 : memref<!tpu.dma_semaphore, #tpu.memory_space<semaphore_mem>>)
    %mul3A_957 = arith.constant 2048 : i32
    %mul3A_958 = arith.muli %add3A, %mul3A_957 : i32
    %add3A_959 = arith.constant 65536 : i32
    %add3A_960 = arith.addi %add3A_959, %mul3A_958 : i32
    %add3A_961 = arith.constant 0 : i32
    %add3A_962 = arith.addi %add3A_960, %add3A_961 : i32
    %dma_start3A_963 = arith.constant 4608 : i32
    %dma_start3A_964 = tpu.memref_slice %arg10[%dma_start3A_963] : memref<8704xf32, #tpu.memory_space<vmem>> -> memref<512xf32, #tpu.memory_space<vmem>>
    %dma_start3A_965 = tpu.memref_slice %arg8[%add3A_962] : memref<196608xf32, #tpu.memory_space<hbm>> -> memref<512xf32, #tpu.memory_space<hbm>>
    %dma_start3A_966 = tpu.memref_slice %arg8[%add3A_962] : memref<196608xf32, #tpu.memory_space<hbm>> -> memref<512xf32, #tpu.memory_space<hbm>>
    %dma_start3A_967 = arith.constant 4608 : i32
    %dma_start3A_968 = tpu.memref_slice %arg10[%dma_start3A_967] : memref<8704xf32, #tpu.memory_space<vmem>> -> memref<512xf32, #tpu.memory_space<vmem>>
    tpu.enqueue_dma source(%dma_start3A_968 : memref<512xf32, #tpu.memory_space<vmem>>) target(%dma_start3A_966 : memref<512xf32, #tpu.memory_space<hbm>>) target_semaphore(%arg15 : memref<!tpu.dma_semaphore, #tpu.memory_space<semaphore_mem>>)
    %mul3A_969 = arith.constant 2048 : i32
    %mul3A_970 = arith.muli %add3A, %mul3A_969 : i32
    %add3A_971 = arith.constant 131072 : i32
    %add3A_972 = arith.addi %add3A_971, %mul3A_970 : i32
    %add3A_973 = arith.constant 0 : i32
    %add3A_974 = arith.addi %add3A_972, %add3A_973 : i32
    %dma_start3A_975 = arith.constant 6656 : i32
    %dma_start3A_976 = tpu.memref_slice %arg10[%dma_start3A_975] : memref<8704xf32, #tpu.memory_space<vmem>> -> memref<512xf32, #tpu.memory_space<vmem>>
    %dma_start3A_977 = tpu.memref_slice %arg8[%add3A_974] : memref<196608xf32, #tpu.memory_space<hbm>> -> memref<512xf32, #tpu.memory_space<hbm>>
    %dma_start3A_978 = tpu.memref_slice %arg8[%add3A_974] : memref<196608xf32, #tpu.memory_space<hbm>> -> memref<512xf32, #tpu.memory_space<hbm>>
    %dma_start3A_979 = arith.constant 6656 : i32
    %dma_start3A_980 = tpu.memref_slice %arg10[%dma_start3A_979] : memref<8704xf32, #tpu.memory_space<vmem>> -> memref<512xf32, #tpu.memory_space<vmem>>
    tpu.enqueue_dma source(%dma_start3A_980 : memref<512xf32, #tpu.memory_space<vmem>>) target(%dma_start3A_978 : memref<512xf32, #tpu.memory_space<hbm>>) target_semaphore(%arg15 : memref<!tpu.dma_semaphore, #tpu.memory_space<semaphore_mem>>)
    %get3A_981 = arith.constant 128 : index
    %get3A_982 = tpu.vector_load %arg10[%get3A_981] {strides = array<i32>} : memref<8704xf32, #tpu.memory_space<vmem>>, vector<16xf32>,
    %get3A_983 = arith.constant 640 : index
    %get3A_984 = tpu.vector_load %arg10[%get3A_983] {strides = array<i32>} : memref<8704xf32, #tpu.memory_space<vmem>>, vector<16xf32>,
    %get3A_985 = arith.constant 1152 : index
    %get3A_986 = tpu.vector_load %arg10[%get3A_985] {strides = array<i32>} : memref<8704xf32, #tpu.memory_space<vmem>>, vector<16xf32>,
    %get3A_987 = arith.constant 1664 : index
    %get3A_988 = tpu.vector_load %arg10[%get3A_987] {strides = array<i32>} : memref<8704xf32, #tpu.memory_space<vmem>>, vector<16xf32>,
    %get3A_989 = arith.constant 2176 : index
    %get3A_990 = tpu.vector_load %arg10[%get3A_989] {strides = array<i32>} : memref<8704xf32, #tpu.memory_space<vmem>>, vector<16xf32>,
    %sub3A_991 = arith.constant 1.57079637 : f32
    %sub3A_992 = vector.broadcast %sub3A_991 : f32 to vector<16xf32>
    %sub3A_993 = arith.subf %get3A_986, %sub3A_992 : vector<16xf32>
    %mul3A_994 = arith.mulf %sub3A_993, %sub3A_993 : vector<16xf32>
    %mul3A_995 = arith.constant -2.50521079E-8 : f32
    %mul3A_996 = vector.broadcast %mul3A_995 : f32 to vector<16xf32>
    %mul3A_997 = arith.mulf %mul3A_994, %mul3A_996 : vector<16xf32>
    %add3A_998 = arith.constant 2.75573188E-6 : f32
    %add3A_999 = vector.broadcast %add3A_998 : f32 to vector<16xf32>
    %add3A_1000 = arith.addf %add3A_999, %mul3A_997 : vector<16xf32>
    %mul3A_1001 = arith.mulf %mul3A_994, %add3A_1000 : vector<16xf32>
    %add3A_1002 = arith.constant -1.98412701E-4 : f32
    %add3A_1003 = vector.broadcast %add3A_1002 : f32 to vector<16xf32>
    %add3A_1004 = arith.addf %add3A_1003, %mul3A_1001 : vector<16xf32>
    %mul3A_1005 = arith.mulf %mul3A_994, %add3A_1004 : vector<16xf32>
    %add3A_1006 = arith.constant 0.00833333377 : f32
    %add3A_1007 = vector.broadcast %add3A_1006 : f32 to vector<16xf32>
    %add3A_1008 = arith.addf %add3A_1007, %mul3A_1005 : vector<16xf32>
    %mul3A_1009 = arith.mulf %mul3A_994, %add3A_1008 : vector<16xf32>
    %add3A_1010 = arith.constant -0.166666672 : f32
    %add3A_1011 = vector.broadcast %add3A_1010 : f32 to vector<16xf32>
    %add3A_1012 = arith.addf %add3A_1011, %mul3A_1009 : vector<16xf32>
    %mul3A_1013 = arith.mulf %mul3A_994, %add3A_1012 : vector<16xf32>
    %add3A_1014 = arith.constant 1.000000e+00 : f32
    %add3A_1015 = vector.broadcast %add3A_1014 : f32 to vector<16xf32>
    %add3A_1016 = arith.addf %add3A_1015, %mul3A_1013 : vector<16xf32>
    %mul3A_1017 = arith.mulf %sub3A_993, %add3A_1016 : vector<16xf32>
    %mul3A_1018 = arith.constant -2.755732E-7 : f32
    %mul3A_1019 = vector.broadcast %mul3A_1018 : f32 to vector<16xf32>
    %mul3A_1020 = arith.mulf %mul3A_994, %mul3A_1019 : vector<16xf32>
    %add3A_1021 = arith.constant 2.48015876E-5 : f32
    %add3A_1022 = vector.broadcast %add3A_1021 : f32 to vector<16xf32>
    %add3A_1023 = arith.addf %add3A_1022, %mul3A_1020 : vector<16xf32>
    %mul3A_1024 = arith.mulf %mul3A_994, %add3A_1023 : vector<16xf32>
    %add3A_1025 = arith.constant -0.00138888892 : f32
    %add3A_1026 = vector.broadcast %add3A_1025 : f32 to vector<16xf32>
    %add3A_1027 = arith.addf %add3A_1026, %mul3A_1024 : vector<16xf32>
    %mul3A_1028 = arith.mulf %mul3A_994, %add3A_1027 : vector<16xf32>
    %add3A_1029 = arith.constant 0.0416666679 : f32
    %add3A_1030 = vector.broadcast %add3A_1029 : f32 to vector<16xf32>
    %add3A_1031 = arith.addf %add3A_1030, %mul3A_1028 : vector<16xf32>
    %mul3A_1032 = arith.mulf %mul3A_994, %add3A_1031 : vector<16xf32>
    %add3A_1033 = arith.constant -5.000000e-01 : f32
    %add3A_1034 = vector.broadcast %add3A_1033 : f32 to vector<16xf32>
    %add3A_1035 = arith.addf %add3A_1034, %mul3A_1032 : vector<16xf32>
    %mul3A_1036 = arith.mulf %mul3A_994, %add3A_1035 : vector<16xf32>
    %add3A_1037 = arith.constant 1.000000e+00 : f32
    %add3A_1038 = vector.broadcast %add3A_1037 : f32 to vector<16xf32>
    %add3A_1039 = arith.addf %add3A_1038, %mul3A_1036 : vector<16xf32>
    %neg3A_1040 = arith.constant 0.000000e+00 : f32
    %neg3A_1041 = vector.broadcast %neg3A_1040 : f32 to vector<16xf32>
    %neg3A_1042 = arith.subf %neg3A_1041, %mul3A_1017 : vector<16xf32>
    %mul3A_1043 = arith.mulf %get3A_982, %neg3A_1042 : vector<16xf32>
    %mul3A_1044 = arith.mulf %get3A_984, %neg3A_1042 : vector<16xf32>
    %mul3A_1045 = arith.mulf %mul3A_1043, %get3A_988 : vector<16xf32>
    %mul3A_1046 = arith.mulf %get3A_984, %get3A_990 : vector<16xf32>
    %sub3A_1047 = arith.subf %mul3A_1045, %mul3A_1046 : vector<16xf32>
    %mul3A_1048 = arith.mulf %mul3A_1043, %get3A_990 : vector<16xf32>
    %neg3A_1049 = arith.constant 0.000000e+00 : f32
    %neg3A_1050 = vector.broadcast %neg3A_1049 : f32 to vector<16xf32>
    %neg3A_1051 = arith.subf %neg3A_1050, %mul3A_1048 : vector<16xf32>
    %mul3A_1052 = arith.mulf %get3A_984, %get3A_988 : vector<16xf32>
    %sub3A_1053 = arith.subf %neg3A_1051, %mul3A_1052 : vector<16xf32>
    %mul3A_1054 = arith.mulf %get3A_982, %add3A_1039 : vector<16xf32>
    %mul3A_1055 = arith.mulf %mul3A_1044, %get3A_988 : vector<16xf32>
    %mul3A_1056 = arith.mulf %get3A_982, %get3A_990 : vector<16xf32>
    %add3A_1057 = arith.addf %mul3A_1055, %mul3A_1056 : vector<16xf32>
    %mul3A_1058 = arith.mulf %get3A_982, %get3A_988 : vector<16xf32>
    %mul3A_1059 = arith.mulf %mul3A_1044, %get3A_990 : vector<16xf32>
    %sub3A_1060 = arith.subf %mul3A_1058, %mul3A_1059 : vector<16xf32>
    %mul3A_1061 = arith.mulf %get3A_984, %add3A_1039 : vector<16xf32>
    %mul3A_1062 = arith.mulf %add3A_1039, %get3A_988 : vector<16xf32>
    %neg3A_1063 = arith.constant 0.000000e+00 : f32
    %neg3A_1064 = vector.broadcast %neg3A_1063 : f32 to vector<16xf32>
    %neg3A_1065 = arith.subf %neg3A_1064, %mul3A_1062 : vector<16xf32>
    %mul3A_1066 = arith.mulf %add3A_1039, %get3A_990 : vector<16xf32>
    %swap3A_1067 = arith.constant 3072 : index
    %swap3A_1068 = tpu.vector_load %arg10[%swap3A_1067] {strides = array<i32>} : memref<8704xf32, #tpu.memory_space<vmem>>, vector<16xf32>,
    tpu.vector_store %arg10[%swap3A_1067], %sub3A_1047 {strides = array<i32>} : memref<8704xf32, #tpu.memory_space<vmem>>, vector<16xf32>,
    %swap3A_1069 = arith.constant 3200 : index
    %swap3A_1070 = tpu.vector_load %arg10[%swap3A_1069] {strides = array<i32>} : memref<8704xf32, #tpu.memory_space<vmem>>, vector<16xf32>,
    tpu.vector_store %arg10[%swap3A_1069], %sub3A_1053 {strides = array<i32>} : memref<8704xf32, #tpu.memory_space<vmem>>, vector<16xf32>,
    %swap3A_1071 = arith.constant 3328 : index
    %swap3A_1072 = tpu.vector_load %arg10[%swap3A_1071] {strides = array<i32>} : memref<8704xf32, #tpu.memory_space<vmem>>, vector<16xf32>,
    tpu.vector_store %arg10[%swap3A_1071], %mul3A_1054 {strides = array<i32>} : memref<8704xf32, #tpu.memory_space<vmem>>, vector<16xf32>,
    %swap3A_1073 = arith.constant 5120 : index
    %swap3A_1074 = tpu.vector_load %arg10[%swap3A_1073] {strides = array<i32>} : memref<8704xf32, #tpu.memory_space<vmem>>, vector<16xf32>,
    tpu.vector_store %arg10[%swap3A_1073], %add3A_1057 {strides = array<i32>} : memref<8704xf32, #tpu.memory_space<vmem>>, vector<16xf32>,
    %swap3A_1075 = arith.constant 5248 : index
    %swap3A_1076 = tpu.vector_load %arg10[%swap3A_1075] {strides = array<i32>} : memref<8704xf32, #tpu.memory_space<vmem>>, vector<16xf32>,
    tpu.vector_store %arg10[%swap3A_1075], %sub3A_1060 {strides = array<i32>} : memref<8704xf32, #tpu.memory_space<vmem>>, vector<16xf32>,
    %swap3A_1077 = arith.constant 5376 : index
    %swap3A_1078 = tpu.vector_load %arg10[%swap3A_1077] {strides = array<i32>} : memref<8704xf32, #tpu.memory_space<vmem>>, vector<16xf32>,
    tpu.vector_store %arg10[%swap3A_1077], %mul3A_1061 {strides = array<i32>} : memref<8704xf32, #tpu.memory_space<vmem>>, vector<16xf32>,
    %swap3A_1079 = arith.constant 7168 : index
    %swap3A_1080 = tpu.vector_load %arg10[%swap3A_1079] {strides = array<i32>} : memref<8704xf32, #tpu.memory_space<vmem>>, vector<16xf32>,
    tpu.vector_store %arg10[%swap3A_1079], %neg3A_1065 {strides = array<i32>} : memref<8704xf32, #tpu.memory_space<vmem>>, vector<16xf32>,
    %swap3A_1081 = arith.constant 7296 : index
    %swap3A_1082 = tpu.vector_load %arg10[%swap3A_1081] {strides = array<i32>} : memref<8704xf32, #tpu.memory_space<vmem>>, vector<16xf32>,
    tpu.vector_store %arg10[%swap3A_1081], %mul3A_1066 {strides = array<i32>} : memref<8704xf32, #tpu.memory_space<vmem>>, vector<16xf32>,
    %swap3A_1083 = arith.constant 7424 : index
    %swap3A_1084 = tpu.vector_load %arg10[%swap3A_1083] {strides = array<i32>} : memref<8704xf32, #tpu.memory_space<vmem>>, vector<16xf32>,
    tpu.vector_store %arg10[%swap3A_1083], %neg3A_1042 {strides = array<i32>} : memref<8704xf32, #tpu.memory_space<vmem>>, vector<16xf32>,
    %get3A_1085 = arith.constant 144 : index
    %get3A_1086 = tpu.vector_load %arg10[%get3A_1085] {strides = array<i32>} : memref<8704xf32, #tpu.memory_space<vmem>>, vector<16xf32>,
    %get3A_1087 = arith.constant 656 : index
    %get3A_1088 = tpu.vector_load %arg10[%get3A_1087] {strides = array<i32>} : memref<8704xf32, #tpu.memory_space<vmem>>, vector<16xf32>,
    %get3A_1089 = arith.constant 1168 : index
    %get3A_1090 = tpu.vector_load %arg10[%get3A_1089] {strides = array<i32>} : memref<8704xf32, #tpu.memory_space<vmem>>, vector<16xf32>,
    %get3A_1091 = arith.constant 1680 : index
    %get3A_1092 = tpu.vector_load %arg10[%get3A_1091] {strides = array<i32>} : memref<8704xf32, #tpu.memory_space<vmem>>, vector<16xf32>,
    %get3A_1093 = arith.constant 2192 : index
    %get3A_1094 = tpu.vector_load %arg10[%get3A_1093] {strides = array<i32>} : memref<8704xf32, #tpu.memory_space<vmem>>, vector<16xf32>,
    %sub3A_1095 = arith.constant 1.57079637 : f32
    %sub3A_1096 = vector.broadcast %sub3A_1095 : f32 to vector<16xf32>
    %sub3A_1097 = arith.subf %get3A_1090, %sub3A_1096 : vector<16xf32>
    %mul3A_1098 = arith.mulf %sub3A_1097, %sub3A_1097 : vector<16xf32>
    %mul3A_1099 = arith.constant -2.50521079E-8 : f32
    %mul3A_1100 = vector.broadcast %mul3A_1099 : f32 to vector<16xf32>
    %mul3A_1101 = arith.mulf %mul3A_1098, %mul3A_1100 : vector<16xf32>
    %add3A_1102 = arith.constant 2.75573188E-6 : f32
    %add3A_1103 = vector.broadcast %add3A_1102 : f32 to vector<16xf32>
    %add3A_1104 = arith.addf %add3A_1103, %mul3A_1101 : vector<16xf32>
    %mul3A_1105 = arith.mulf %mul3A_1098, %add3A_1104 : vector<16xf32>
    %add3A_1106 = arith.constant -1.98412701E-4 : f32
    %add3A_1107 = vector.broadcast %add3A_1106 : f32 to vector<16xf32>
    %add3A_1108 = arith.addf %add3A_1107, %mul3A_1105 : vector<16xf32>
    %mul3A_1109 = arith.mulf %mul3A_1098, %add3A_1108 : vector<16xf32>
    %add3A_1110 = arith.constant 0.00833333377 : f32
    %add3A_1111 = vector.broadcast %add3A_1110 : f32 to vector<16xf32>
    %add3A_1112 = arith.addf %add3A_1111, %mul3A_1109 : vector<16xf32>
    %mul3A_1113 = arith.mulf %mul3A_1098, %add3A_1112 : vector<16xf32>
    %add3A_1114 = arith.constant -0.166666672 : f32
    %add3A_1115 = vector.broadcast %add3A_1114 : f32 to vector<16xf32>
    %add3A_1116 = arith.addf %add3A_1115, %mul3A_1113 : vector<16xf32>
    %mul3A_1117 = arith.mulf %mul3A_1098, %add3A_1116 : vector<16xf32>
    %add3A_1118 = arith.constant 1.000000e+00 : f32
    %add3A_1119 = vector.broadcast %add3A_1118 : f32 to vector<16xf32>
    %add3A_1120 = arith.addf %add3A_1119, %mul3A_1117 : vector<16xf32>
    %mul3A_1121 = arith.mulf %sub3A_1097, %add3A_1120 : vector<16xf32>
    %mul3A_1122 = arith.constant -2.755732E-7 : f32
    %mul3A_1123 = vector.broadcast %mul3A_1122 : f32 to vector<16xf32>
    %mul3A_1124 = arith.mulf %mul3A_1098, %mul3A_1123 : vector<16xf32>
    %add3A_1125 = arith.constant 2.48015876E-5 : f32
    %add3A_1126 = vector.broadcast %add3A_1125 : f32 to vector<16xf32>
    %add3A_1127 = arith.addf %add3A_1126, %mul3A_1124 : vector<16xf32>
    %mul3A_1128 = arith.mulf %mul3A_1098, %add3A_1127 : vector<16xf32>
    %add3A_1129 = arith.constant -0.00138888892 : f32
    %add3A_1130 = vector.broadcast %add3A_1129 : f32 to vector<16xf32>
    %add3A_1131 = arith.addf %add3A_1130, %mul3A_1128 : vector<16xf32>
    %mul3A_1132 = arith.mulf %mul3A_1098, %add3A_1131 : vector<16xf32>
    %add3A_1133 = arith.constant 0.0416666679 : f32
    %add3A_1134 = vector.broadcast %add3A_1133 : f32 to vector<16xf32>
    %add3A_1135 = arith.addf %add3A_1134, %mul3A_1132 : vector<16xf32>
    %mul3A_1136 = arith.mulf %mul3A_1098, %add3A_1135 : vector<16xf32>
    %add3A_1137 = arith.constant -5.000000e-01 : f32
    %add3A_1138 = vector.broadcast %add3A_1137 : f32 to vector<16xf32>
    %add3A_1139 = arith.addf %add3A_1138, %mul3A_1136 : vector<16xf32>
    %mul3A_1140 = arith.mulf %mul3A_1098, %add3A_1139 : vector<16xf32>
    %add3A_1141 = arith.constant 1.000000e+00 : f32
    %add3A_1142 = vector.broadcast %add3A_1141 : f32 to vector<16xf32>
    %add3A_1143 = arith.addf %add3A_1142, %mul3A_1140 : vector<16xf32>
    %neg3A_1144 = arith.constant 0.000000e+00 : f32
    %neg3A_1145 = vector.broadcast %neg3A_1144 : f32 to vector<16xf32>
    %neg3A_1146 = arith.subf %neg3A_1145, %mul3A_1121 : vector<16xf32>
    %mul3A_1147 = arith.mulf %get3A_1086, %neg3A_1146 : vector<16xf32>
    %mul3A_1148 = arith.mulf %get3A_1088, %neg3A_1146 : vector<16xf32>
    %mul3A_1149 = arith.mulf %mul3A_1147, %get3A_1092 : vector<16xf32>
    %mul3A_1150 = arith.mulf %get3A_1088, %get3A_1094 : vector<16xf32>
    %sub3A_1151 = arith.subf %mul3A_1149, %mul3A_1150 : vector<16xf32>
    %mul3A_1152 = arith.mulf %mul3A_1147, %get3A_1094 : vector<16xf32>
    %neg3A_1153 = arith.constant 0.000000e+00 : f32
    %neg3A_1154 = vector.broadcast %neg3A_1153 : f32 to vector<16xf32>
    %neg3A_1155 = arith.subf %neg3A_1154, %mul3A_1152 : vector<16xf32>
    %mul3A_1156 = arith.mulf %get3A_1088, %get3A_1092 : vector<16xf32>
    %sub3A_1157 = arith.subf %neg3A_1155, %mul3A_1156 : vector<16xf32>
    %mul3A_1158 = arith.mulf %get3A_1086, %add3A_1143 : vector<16xf32>
    %mul3A_1159 = arith.mulf %mul3A_1148, %get3A_1092 : vector<16xf32>
    %mul3A_1160 = arith.mulf %get3A_1086, %get3A_1094 : vector<16xf32>
    %add3A_1161 = arith.addf %mul3A_1159, %mul3A_1160 : vector<16xf32>
    %mul3A_1162 = arith.mulf %get3A_1086, %get3A_1092 : vector<16xf32>
    %mul3A_1163 = arith.mulf %mul3A_1148, %get3A_1094 : vector<16xf32>
    %sub3A_1164 = arith.subf %mul3A_1162, %mul3A_1163 : vector<16xf32>
    %mul3A_1165 = arith.mulf %get3A_1088, %add3A_1143 : vector<16xf32>
    %mul3A_1166 = arith.mulf %add3A_1143, %get3A_1092 : vector<16xf32>
    %neg3A_1167 = arith.constant 0.000000e+00 : f32
    %neg3A_1168 = vector.broadcast %neg3A_1167 : f32 to vector<16xf32>
    %neg3A_1169 = arith.subf %neg3A_1168, %mul3A_1166 : vector<16xf32>
    %mul3A_1170 = arith.mulf %add3A_1143, %get3A_1094 : vector<16xf32>
    %swap3A_1171 = arith.constant 3088 : index
    %swap3A_1172 = tpu.vector_load %arg10[%swap3A_1171] {strides = array<i32>} : memref<8704xf32, #tpu.memory_space<vmem>>, vector<16xf32>,
    tpu.vector_store %arg10[%swap3A_1171], %sub3A_1151 {strides = array<i32>} : memref<8704xf32, #tpu.memory_space<vmem>>, vector<16xf32>,
    %swap3A_1173 = arith.constant 3216 : index
    %swap3A_1174 = tpu.vector_load %arg10[%swap3A_1173] {strides = array<i32>} : memref<8704xf32, #tpu.memory_space<vmem>>, vector<16xf32>,
    tpu.vector_store %arg10[%swap3A_1173], %sub3A_1157 {strides = array<i32>} : memref<8704xf32, #tpu.memory_space<vmem>>, vector<16xf32>,
    %swap3A_1175 = arith.constant 3344 : index
    %swap3A_1176 = tpu.vector_load %arg10[%swap3A_1175] {strides = array<i32>} : memref<8704xf32, #tpu.memory_space<vmem>>, vector<16xf32>,
    tpu.vector_store %arg10[%swap3A_1175], %mul3A_1158 {strides = array<i32>} : memref<8704xf32, #tpu.memory_space<vmem>>, vector<16xf32>,
    %swap3A_1177 = arith.constant 5136 : index
    %swap3A_1178 = tpu.vector_load %arg10[%swap3A_1177] {strides = array<i32>} : memref<8704xf32, #tpu.memory_space<vmem>>, vector<16xf32>,
    tpu.vector_store %arg10[%swap3A_1177], %add3A_1161 {strides = array<i32>} : memref<8704xf32, #tpu.memory_space<vmem>>, vector<16xf32>,
    %swap3A_1179 = arith.constant 5264 : index
    %swap3A_1180 = tpu.vector_load %arg10[%swap3A_1179] {strides = array<i32>} : memref<8704xf32, #tpu.memory_space<vmem>>, vector<16xf32>,
    tpu.vector_store %arg10[%swap3A_1179], %sub3A_1164 {strides = array<i32>} : memref<8704xf32, #tpu.memory_space<vmem>>, vector<16xf32>,
    %swap3A_1181 = arith.constant 5392 : index
    %swap3A_1182 = tpu.vector_load %arg10[%swap3A_1181] {strides = array<i32>} : memref<8704xf32, #tpu.memory_space<vmem>>, vector<16xf32>,
    tpu.vector_store %arg10[%swap3A_1181], %mul3A_1165 {strides = array<i32>} : memref<8704xf32, #tpu.memory_space<vmem>>, vector<16xf32>,
    %swap3A_1183 = arith.constant 7184 : index
    %swap3A_1184 = tpu.vector_load %arg10[%swap3A_1183] {strides = array<i32>} : memref<8704xf32, #tpu.memory_space<vmem>>, vector<16xf32>,
    tpu.vector_store %arg10[%swap3A_1183], %neg3A_1169 {strides = array<i32>} : memref<8704xf32, #tpu.memory_space<vmem>>, vector<16xf32>,
    %swap3A_1185 = arith.constant 7312 : index
    %swap3A_1186 = tpu.vector_load %arg10[%swap3A_1185] {strides = array<i32>} : memref<8704xf32, #tpu.memory_space<vmem>>, vector<16xf32>,
    tpu.vector_store %arg10[%swap3A_1185], %mul3A_1170 {strides = array<i32>} : memref<8704xf32, #tpu.memory_space<vmem>>, vector<16xf32>,
    %swap3A_1187 = arith.constant 7440 : index
    %swap3A_1188 = tpu.vector_load %arg10[%swap3A_1187] {strides = array<i32>} : memref<8704xf32, #tpu.memory_space<vmem>>, vector<16xf32>,
    tpu.vector_store %arg10[%swap3A_1187], %neg3A_1146 {strides = array<i32>} : memref<8704xf32, #tpu.memory_space<vmem>>, vector<16xf32>,
    %get3A_1189 = arith.constant 160 : index
    %get3A_1190 = tpu.vector_load %arg10[%get3A_1189] {strides = array<i32>} : memref<8704xf32, #tpu.memory_space<vmem>>, vector<16xf32>,
    %get3A_1191 = arith.constant 672 : index
    %get3A_1192 = tpu.vector_load %arg10[%get3A_1191] {strides = array<i32>} : memref<8704xf32, #tpu.memory_space<vmem>>, vector<16xf32>,
    %get3A_1193 = arith.constant 1184 : index
    %get3A_1194 = tpu.vector_load %arg10[%get3A_1193] {strides = array<i32>} : memref<8704xf32, #tpu.memory_space<vmem>>, vector<16xf32>,
    %get3A_1195 = arith.constant 1696 : index
    %get3A_1196 = tpu.vector_load %arg10[%get3A_1195] {strides = array<i32>} : memref<8704xf32, #tpu.memory_space<vmem>>, vector<16xf32>,
    %get3A_1197 = arith.constant 2208 : index
    %get3A_1198 = tpu.vector_load %arg10[%get3A_1197] {strides = array<i32>} : memref<8704xf32, #tpu.memory_space<vmem>>, vector<16xf32>,
    %sub3A_1199 = arith.constant 1.57079637 : f32
    %sub3A_1200 = vector.broadcast %sub3A_1199 : f32 to vector<16xf32>
    %sub3A_1201 = arith.subf %get3A_1194, %sub3A_1200 : vector<16xf32>
    %mul3A_1202 = arith.mulf %sub3A_1201, %sub3A_1201 : vector<16xf32>
    %mul3A_1203 = arith.constant -2.50521079E-8 : f32
    %mul3A_1204 = vector.broadcast %mul3A_1203 : f32 to vector<16xf32>
    %mul3A_1205 = arith.mulf %mul3A_1202, %mul3A_1204 : vector<16xf32>
    %add3A_1206 = arith.constant 2.75573188E-6 : f32
    %add3A_1207 = vector.broadcast %add3A_1206 : f32 to vector<16xf32>
    %add3A_1208 = arith.addf %add3A_1207, %mul3A_1205 : vector<16xf32>
    %mul3A_1209 = arith.mulf %mul3A_1202, %add3A_1208 : vector<16xf32>
    %add3A_1210 = arith.constant -1.98412701E-4 : f32
    %add3A_1211 = vector.broadcast %add3A_1210 : f32 to vector<16xf32>
    %add3A_1212 = arith.addf %add3A_1211, %mul3A_1209 : vector<16xf32>
    %mul3A_1213 = arith.mulf %mul3A_1202, %add3A_1212 : vector<16xf32>
    %add3A_1214 = arith.constant 0.00833333377 : f32
    %add3A_1215 = vector.broadcast %add3A_1214 : f32 to vector<16xf32>
    %add3A_1216 = arith.addf %add3A_1215, %mul3A_1213 : vector<16xf32>
    %mul3A_1217 = arith.mulf %mul3A_1202, %add3A_1216 : vector<16xf32>
    %add3A_1218 = arith.constant -0.166666672 : f32
    %add3A_1219 = vector.broadcast %add3A_1218 : f32 to vector<16xf32>
    %add3A_1220 = arith.addf %add3A_1219, %mul3A_1217 : vector<16xf32>
    %mul3A_1221 = arith.mulf %mul3A_1202, %add3A_1220 : vector<16xf32>
    %add3A_1222 = arith.constant 1.000000e+00 : f32
    %add3A_1223 = vector.broadcast %add3A_1222 : f32 to vector<16xf32>
    %add3A_1224 = arith.addf %add3A_1223, %mul3A_1221 : vector<16xf32>
    %mul3A_1225 = arith.mulf %sub3A_1201, %add3A_1224 : vector<16xf32>
    %mul3A_1226 = arith.constant -2.755732E-7 : f32
    %mul3A_1227 = vector.broadcast %mul3A_1226 : f32 to vector<16xf32>
    %mul3A_1228 = arith.mulf %mul3A_1202, %mul3A_1227 : vector<16xf32>
    %add3A_1229 = arith.constant 2.48015876E-5 : f32
    %add3A_1230 = vector.broadcast %add3A_1229 : f32 to vector<16xf32>
    %add3A_1231 = arith.addf %add3A_1230, %mul3A_1228 : vector<16xf32>
    %mul3A_1232 = arith.mulf %mul3A_1202, %add3A_1231 : vector<16xf32>
    %add3A_1233 = arith.constant -0.00138888892 : f32
    %add3A_1234 = vector.broadcast %add3A_1233 : f32 to vector<16xf32>
    %add3A_1235 = arith.addf %add3A_1234, %mul3A_1232 : vector<16xf32>
    %mul3A_1236 = arith.mulf %mul3A_1202, %add3A_1235 : vector<16xf32>
    %add3A_1237 = arith.constant 0.0416666679 : f32
    %add3A_1238 = vector.broadcast %add3A_1237 : f32 to vector<16xf32>
    %add3A_1239 = arith.addf %add3A_1238, %mul3A_1236 : vector<16xf32>
    %mul3A_1240 = arith.mulf %mul3A_1202, %add3A_1239 : vector<16xf32>
    %add3A_1241 = arith.constant -5.000000e-01 : f32
    %add3A_1242 = vector.broadcast %add3A_1241 : f32 to vector<16xf32>
    %add3A_1243 = arith.addf %add3A_1242, %mul3A_1240 : vector<16xf32>
    %mul3A_1244 = arith.mulf %mul3A_1202, %add3A_1243 : vector<16xf32>
    %add3A_1245 = arith.constant 1.000000e+00 : f32
    %add3A_1246 = vector.broadcast %add3A_1245 : f32 to vector<16xf32>
    %add3A_1247 = arith.addf %add3A_1246, %mul3A_1244 : vector<16xf32>
    %neg3A_1248 = arith.constant 0.000000e+00 : f32
    %neg3A_1249 = vector.broadcast %neg3A_1248 : f32 to vector<16xf32>
    %neg3A_1250 = arith.subf %neg3A_1249, %mul3A_1225 : vector<16xf32>
    %mul3A_1251 = arith.mulf %get3A_1190, %neg3A_1250 : vector<16xf32>
    %mul3A_1252 = arith.mulf %get3A_1192, %neg3A_1250 : vector<16xf32>
    %mul3A_1253 = arith.mulf %mul3A_1251, %get3A_1196 : vector<16xf32>
    %mul3A_1254 = arith.mulf %get3A_1192, %get3A_1198 : vector<16xf32>
    %sub3A_1255 = arith.subf %mul3A_1253, %mul3A_1254 : vector<16xf32>
    %mul3A_1256 = arith.mulf %mul3A_1251, %get3A_1198 : vector<16xf32>
    %neg3A_1257 = arith.constant 0.000000e+00 : f32
    %neg3A_1258 = vector.broadcast %neg3A_1257 : f32 to vector<16xf32>
    %neg3A_1259 = arith.subf %neg3A_1258, %mul3A_1256 : vector<16xf32>
    %mul3A_1260 = arith.mulf %get3A_1192, %get3A_1196 : vector<16xf32>
    %sub3A_1261 = arith.subf %neg3A_1259, %mul3A_1260 : vector<16xf32>
    %mul3A_1262 = arith.mulf %get3A_1190, %add3A_1247 : vector<16xf32>
    %mul3A_1263 = arith.mulf %mul3A_1252, %get3A_1196 : vector<16xf32>
    %mul3A_1264 = arith.mulf %get3A_1190, %get3A_1198 : vector<16xf32>
    %add3A_1265 = arith.addf %mul3A_1263, %mul3A_1264 : vector<16xf32>
    %mul3A_1266 = arith.mulf %get3A_1190, %get3A_1196 : vector<16xf32>
    %mul3A_1267 = arith.mulf %mul3A_1252, %get3A_1198 : vector<16xf32>
    %sub3A_1268 = arith.subf %mul3A_1266, %mul3A_1267 : vector<16xf32>
    %mul3A_1269 = arith.mulf %get3A_1192, %add3A_1247 : vector<16xf32>
    %mul3A_1270 = arith.mulf %add3A_1247, %get3A_1196 : vector<16xf32>
    %neg3A_1271 = arith.constant 0.000000e+00 : f32
    %neg3A_1272 = vector.broadcast %neg3A_1271 : f32 to vector<16xf32>
    %neg3A_1273 = arith.subf %neg3A_1272, %mul3A_1270 : vector<16xf32>
    %mul3A_1274 = arith.mulf %add3A_1247, %get3A_1198 : vector<16xf32>
    %swap3A_1275 = arith.constant 3104 : index
    %swap3A_1276 = tpu.vector_load %arg10[%swap3A_1275] {strides = array<i32>} : memref<8704xf32, #tpu.memory_space<vmem>>, vector<16xf32>,
    tpu.vector_store %arg10[%swap3A_1275], %sub3A_1255 {strides = array<i32>} : memref<8704xf32, #tpu.memory_space<vmem>>, vector<16xf32>,
    %swap3A_1277 = arith.constant 3232 : index
    %swap3A_1278 = tpu.vector_load %arg10[%swap3A_1277] {strides = array<i32>} : memref<8704xf32, #tpu.memory_space<vmem>>, vector<16xf32>,
    tpu.vector_store %arg10[%swap3A_1277], %sub3A_1261 {strides = array<i32>} : memref<8704xf32, #tpu.memory_space<vmem>>, vector<16xf32>,
    %swap3A_1279 = arith.constant 3360 : index
    %swap3A_1280 = tpu.vector_load %arg10[%swap3A_1279] {strides = array<i32>} : memref<8704xf32, #tpu.memory_space<vmem>>, vector<16xf32>,
    tpu.vector_store %arg10[%swap3A_1279], %mul3A_1262 {strides = array<i32>} : memref<8704xf32, #tpu.memory_space<vmem>>, vector<16xf32>,
    %swap3A_1281 = arith.constant 5152 : index
    %swap3A_1282 = tpu.vector_load %arg10[%swap3A_1281] {strides = array<i32>} : memref<8704xf32, #tpu.memory_space<vmem>>, vector<16xf32>,
    tpu.vector_store %arg10[%swap3A_1281], %add3A_1265 {strides = array<i32>} : memref<8704xf32, #tpu.memory_space<vmem>>, vector<16xf32>,
    %swap3A_1283 = arith.constant 5280 : index
    %swap3A_1284 = tpu.vector_load %arg10[%swap3A_1283] {strides = array<i32>} : memref<8704xf32, #tpu.memory_space<vmem>>, vector<16xf32>,
    tpu.vector_store %arg10[%swap3A_1283], %sub3A_1268 {strides = array<i32>} : memref<8704xf32, #tpu.memory_space<vmem>>, vector<16xf32>,
    %swap3A_1285 = arith.constant 5408 : index
    %swap3A_1286 = tpu.vector_load %arg10[%swap3A_1285] {strides = array<i32>} : memref<8704xf32, #tpu.memory_space<vmem>>, vector<16xf32>,
    tpu.vector_store %arg10[%swap3A_1285], %mul3A_1269 {strides = array<i32>} : memref<8704xf32, #tpu.memory_space<vmem>>, vector<16xf32>,
    %swap3A_1287 = arith.constant 7200 : index
    %swap3A_1288 = tpu.vector_load %arg10[%swap3A_1287] {strides = array<i32>} : memref<8704xf32, #tpu.memory_space<vmem>>, vector<16xf32>,
    tpu.vector_store %arg10[%swap3A_1287], %neg3A_1273 {strides = array<i32>} : memref<8704xf32, #tpu.memory_space<vmem>>, vector<16xf32>,
    %swap3A_1289 = arith.constant 7328 : index
    %swap3A_1290 = tpu.vector_load %arg10[%swap3A_1289] {strides = array<i32>} : memref<8704xf32, #tpu.memory_space<vmem>>, vector<16xf32>,
    tpu.vector_store %arg10[%swap3A_1289], %mul3A_1274 {strides = array<i32>} : memref<8704xf32, #tpu.memory_space<vmem>>, vector<16xf32>,
    %swap3A_1291 = arith.constant 7456 : index
    %swap3A_1292 = tpu.vector_load %arg10[%swap3A_1291] {strides = array<i32>} : memref<8704xf32, #tpu.memory_space<vmem>>, vector<16xf32>,
    tpu.vector_store %arg10[%swap3A_1291], %neg3A_1250 {strides = array<i32>} : memref<8704xf32, #tpu.memory_space<vmem>>, vector<16xf32>,
    %get3A_1293 = arith.constant 176 : index
    %get3A_1294 = tpu.vector_load %arg10[%get3A_1293] {strides = array<i32>} : memref<8704xf32, #tpu.memory_space<vmem>>, vector<16xf32>,
    %get3A_1295 = arith.constant 688 : index
    %get3A_1296 = tpu.vector_load %arg10[%get3A_1295] {strides = array<i32>} : memref<8704xf32, #tpu.memory_space<vmem>>, vector<16xf32>,
    %get3A_1297 = arith.constant 1200 : index
    %get3A_1298 = tpu.vector_load %arg10[%get3A_1297] {strides = array<i32>} : memref<8704xf32, #tpu.memory_space<vmem>>, vector<16xf32>,
    %get3A_1299 = arith.constant 1712 : index
    %get3A_1300 = tpu.vector_load %arg10[%get3A_1299] {strides = array<i32>} : memref<8704xf32, #tpu.memory_space<vmem>>, vector<16xf32>,
    %get3A_1301 = arith.constant 2224 : index
    %get3A_1302 = tpu.vector_load %arg10[%get3A_1301] {strides = array<i32>} : memref<8704xf32, #tpu.memory_space<vmem>>, vector<16xf32>,
    %sub3A_1303 = arith.constant 1.57079637 : f32
    %sub3A_1304 = vector.broadcast %sub3A_1303 : f32 to vector<16xf32>
    %sub3A_1305 = arith.subf %get3A_1298, %sub3A_1304 : vector<16xf32>
    %mul3A_1306 = arith.mulf %sub3A_1305, %sub3A_1305 : vector<16xf32>
    %mul3A_1307 = arith.constant -2.50521079E-8 : f32
    %mul3A_1308 = vector.broadcast %mul3A_1307 : f32 to vector<16xf32>
    %mul3A_1309 = arith.mulf %mul3A_1306, %mul3A_1308 : vector<16xf32>
    %add3A_1310 = arith.constant 2.75573188E-6 : f32
    %add3A_1311 = vector.broadcast %add3A_1310 : f32 to vector<16xf32>
    %add3A_1312 = arith.addf %add3A_1311, %mul3A_1309 : vector<16xf32>
    %mul3A_1313 = arith.mulf %mul3A_1306, %add3A_1312 : vector<16xf32>
    %add3A_1314 = arith.constant -1.98412701E-4 : f32
    %add3A_1315 = vector.broadcast %add3A_1314 : f32 to vector<16xf32>
    %add3A_1316 = arith.addf %add3A_1315, %mul3A_1313 : vector<16xf32>
    %mul3A_1317 = arith.mulf %mul3A_1306, %add3A_1316 : vector<16xf32>
    %add3A_1318 = arith.constant 0.00833333377 : f32
    %add3A_1319 = vector.broadcast %add3A_1318 : f32 to vector<16xf32>
    %add3A_1320 = arith.addf %add3A_1319, %mul3A_1317 : vector<16xf32>
    %mul3A_1321 = arith.mulf %mul3A_1306, %add3A_1320 : vector<16xf32>
    %add3A_1322 = arith.constant -0.166666672 : f32
    %add3A_1323 = vector.broadcast %add3A_1322 : f32 to vector<16xf32>
    %add3A_1324 = arith.addf %add3A_1323, %mul3A_1321 : vector<16xf32>
    %mul3A_1325 = arith.mulf %mul3A_1306, %add3A_1324 : vector<16xf32>
    %add3A_1326 = arith.constant 1.000000e+00 : f32
    %add3A_1327 = vector.broadcast %add3A_1326 : f32 to vector<16xf32>
    %add3A_1328 = arith.addf %add3A_1327, %mul3A_1325 : vector<16xf32>
    %mul3A_1329 = arith.mulf %sub3A_1305, %add3A_1328 : vector<16xf32>
    %mul3A_1330 = arith.constant -2.755732E-7 : f32
    %mul3A_1331 = vector.broadcast %mul3A_1330 : f32 to vector<16xf32>
    %mul3A_1332 = arith.mulf %mul3A_1306, %mul3A_1331 : vector<16xf32>
    %add3A_1333 = arith.constant 2.48015876E-5 : f32
    %add3A_1334 = vector.broadcast %add3A_1333 : f32 to vector<16xf32>
    %add3A_1335 = arith.addf %add3A_1334, %mul3A_1332 : vector<16xf32>
    %mul3A_1336 = arith.mulf %mul3A_1306, %add3A_1335 : vector<16xf32>
    %add3A_1337 = arith.constant -0.00138888892 : f32
    %add3A_1338 = vector.broadcast %add3A_1337 : f32 to vector<16xf32>
    %add3A_1339 = arith.addf %add3A_1338, %mul3A_1336 : vector<16xf32>
    %mul3A_1340 = arith.mulf %mul3A_1306, %add3A_1339 : vector<16xf32>
    %add3A_1341 = arith.constant 0.0416666679 : f32
    %add3A_1342 = vector.broadcast %add3A_1341 : f32 to vector<16xf32>
    %add3A_1343 = arith.addf %add3A_1342, %mul3A_1340 : vector<16xf32>
    %mul3A_1344 = arith.mulf %mul3A_1306, %add3A_1343 : vector<16xf32>
    %add3A_1345 = arith.constant -5.000000e-01 : f32
    %add3A_1346 = vector.broadcast %add3A_1345 : f32 to vector<16xf32>
    %add3A_1347 = arith.addf %add3A_1346, %mul3A_1344 : vector<16xf32>
    %mul3A_1348 = arith.mulf %mul3A_1306, %add3A_1347 : vector<16xf32>
    %add3A_1349 = arith.constant 1.000000e+00 : f32
    %add3A_1350 = vector.broadcast %add3A_1349 : f32 to vector<16xf32>
    %add3A_1351 = arith.addf %add3A_1350, %mul3A_1348 : vector<16xf32>
    %neg3A_1352 = arith.constant 0.000000e+00 : f32
    %neg3A_1353 = vector.broadcast %neg3A_1352 : f32 to vector<16xf32>
    %neg3A_1354 = arith.subf %neg3A_1353, %mul3A_1329 : vector<16xf32>
    %mul3A_1355 = arith.mulf %get3A_1294, %neg3A_1354 : vector<16xf32>
    %mul3A_1356 = arith.mulf %get3A_1296, %neg3A_1354 : vector<16xf32>
    %mul3A_1357 = arith.mulf %mul3A_1355, %get3A_1300 : vector<16xf32>
    %mul3A_1358 = arith.mulf %get3A_1296, %get3A_1302 : vector<16xf32>
    %sub3A_1359 = arith.subf %mul3A_1357, %mul3A_1358 : vector<16xf32>
    %mul3A_1360 = arith.mulf %mul3A_1355, %get3A_1302 : vector<16xf32>
    %neg3A_1361 = arith.constant 0.000000e+00 : f32
    %neg3A_1362 = vector.broadcast %neg3A_1361 : f32 to vector<16xf32>
    %neg3A_1363 = arith.subf %neg3A_1362, %mul3A_1360 : vector<16xf32>
    %mul3A_1364 = arith.mulf %get3A_1296, %get3A_1300 : vector<16xf32>
    %sub3A_1365 = arith.subf %neg3A_1363, %mul3A_1364 : vector<16xf32>
    %mul3A_1366 = arith.mulf %get3A_1294, %add3A_1351 : vector<16xf32>
    %mul3A_1367 = arith.mulf %mul3A_1356, %get3A_1300 : vector<16xf32>
    %mul3A_1368 = arith.mulf %get3A_1294, %get3A_1302 : vector<16xf32>
    %add3A_1369 = arith.addf %mul3A_1367, %mul3A_1368 : vector<16xf32>
    %mul3A_1370 = arith.mulf %get3A_1294, %get3A_1300 : vector<16xf32>
    %mul3A_1371 = arith.mulf %mul3A_1356, %get3A_1302 : vector<16xf32>
    %sub3A_1372 = arith.subf %mul3A_1370, %mul3A_1371 : vector<16xf32>
    %mul3A_1373 = arith.mulf %get3A_1296, %add3A_1351 : vector<16xf32>
    %mul3A_1374 = arith.mulf %add3A_1351, %get3A_1300 : vector<16xf32>
    %neg3A_1375 = arith.constant 0.000000e+00 : f32
    %neg3A_1376 = vector.broadcast %neg3A_1375 : f32 to vector<16xf32>
    %neg3A_1377 = arith.subf %neg3A_1376, %mul3A_1374 : vector<16xf32>
    %mul3A_1378 = arith.mulf %add3A_1351, %get3A_1302 : vector<16xf32>
    %swap3A_1379 = arith.constant 3120 : index
    %swap3A_1380 = tpu.vector_load %arg10[%swap3A_1379] {strides = array<i32>} : memref<8704xf32, #tpu.memory_space<vmem>>, vector<16xf32>,
    tpu.vector_store %arg10[%swap3A_1379], %sub3A_1359 {strides = array<i32>} : memref<8704xf32, #tpu.memory_space<vmem>>, vector<16xf32>,
    %swap3A_1381 = arith.constant 3248 : index
    %swap3A_1382 = tpu.vector_load %arg10[%swap3A_1381] {strides = array<i32>} : memref<8704xf32, #tpu.memory_space<vmem>>, vector<16xf32>,
    tpu.vector_store %arg10[%swap3A_1381], %sub3A_1365 {strides = array<i32>} : memref<8704xf32, #tpu.memory_space<vmem>>, vector<16xf32>,
    %swap3A_1383 = arith.constant 3376 : index
    %swap3A_1384 = tpu.vector_load %arg10[%swap3A_1383] {strides = array<i32>} : memref<8704xf32, #tpu.memory_space<vmem>>, vector<16xf32>,
    tpu.vector_store %arg10[%swap3A_1383], %mul3A_1366 {strides = array<i32>} : memref<8704xf32, #tpu.memory_space<vmem>>, vector<16xf32>,
    %swap3A_1385 = arith.constant 5168 : index
    %swap3A_1386 = tpu.vector_load %arg10[%swap3A_1385] {strides = array<i32>} : memref<8704xf32, #tpu.memory_space<vmem>>, vector<16xf32>,
    tpu.vector_store %arg10[%swap3A_1385], %add3A_1369 {strides = array<i32>} : memref<8704xf32, #tpu.memory_space<vmem>>, vector<16xf32>,
    %swap3A_1387 = arith.constant 5296 : index
    %swap3A_1388 = tpu.vector_load %arg10[%swap3A_1387] {strides = array<i32>} : memref<8704xf32, #tpu.memory_space<vmem>>, vector<16xf32>,
    tpu.vector_store %arg10[%swap3A_1387], %sub3A_1372 {strides = array<i32>} : memref<8704xf32, #tpu.memory_space<vmem>>, vector<16xf32>,
    %swap3A_1389 = arith.constant 5424 : index
    %swap3A_1390 = tpu.vector_load %arg10[%swap3A_1389] {strides = array<i32>} : memref<8704xf32, #tpu.memory_space<vmem>>, vector<16xf32>,
    tpu.vector_store %arg10[%swap3A_1389], %mul3A_1373 {strides = array<i32>} : memref<8704xf32, #tpu.memory_space<vmem>>, vector<16xf32>,
    %swap3A_1391 = arith.constant 7216 : index
    %swap3A_1392 = tpu.vector_load %arg10[%swap3A_1391] {strides = array<i32>} : memref<8704xf32, #tpu.memory_space<vmem>>, vector<16xf32>,
    tpu.vector_store %arg10[%swap3A_1391], %neg3A_1377 {strides = array<i32>} : memref<8704xf32, #tpu.memory_space<vmem>>, vector<16xf32>,
    %swap3A_1393 = arith.constant 7344 : index
    %swap3A_1394 = tpu.vector_load %arg10[%swap3A_1393] {strides = array<i32>} : memref<8704xf32, #tpu.memory_space<vmem>>, vector<16xf32>,
    tpu.vector_store %arg10[%swap3A_1393], %mul3A_1378 {strides = array<i32>} : memref<8704xf32, #tpu.memory_space<vmem>>, vector<16xf32>,
    %swap3A_1395 = arith.constant 7472 : index
    %swap3A_1396 = tpu.vector_load %arg10[%swap3A_1395] {strides = array<i32>} : memref<8704xf32, #tpu.memory_space<vmem>>, vector<16xf32>,
    tpu.vector_store %arg10[%swap3A_1395], %neg3A_1354 {strides = array<i32>} : memref<8704xf32, #tpu.memory_space<vmem>>, vector<16xf32>,
    %get3A_1397 = arith.constant 192 : index
    %get3A_1398 = tpu.vector_load %arg10[%get3A_1397] {strides = array<i32>} : memref<8704xf32, #tpu.memory_space<vmem>>, vector<16xf32>,
    %get3A_1399 = arith.constant 704 : index
    %get3A_1400 = tpu.vector_load %arg10[%get3A_1399] {strides = array<i32>} : memref<8704xf32, #tpu.memory_space<vmem>>, vector<16xf32>,
    %get3A_1401 = arith.constant 1216 : index
    %get3A_1402 = tpu.vector_load %arg10[%get3A_1401] {strides = array<i32>} : memref<8704xf32, #tpu.memory_space<vmem>>, vector<16xf32>,
    %get3A_1403 = arith.constant 1728 : index
    %get3A_1404 = tpu.vector_load %arg10[%get3A_1403] {strides = array<i32>} : memref<8704xf32, #tpu.memory_space<vmem>>, vector<16xf32>,
    %get3A_1405 = arith.constant 2240 : index
    %get3A_1406 = tpu.vector_load %arg10[%get3A_1405] {strides = array<i32>} : memref<8704xf32, #tpu.memory_space<vmem>>, vector<16xf32>,
    %sub3A_1407 = arith.constant 1.57079637 : f32
    %sub3A_1408 = vector.broadcast %sub3A_1407 : f32 to vector<16xf32>
    %sub3A_1409 = arith.subf %get3A_1402, %sub3A_1408 : vector<16xf32>
    %mul3A_1410 = arith.mulf %sub3A_1409, %sub3A_1409 : vector<16xf32>
    %mul3A_1411 = arith.constant -2.50521079E-8 : f32
    %mul3A_1412 = vector.broadcast %mul3A_1411 : f32 to vector<16xf32>
    %mul3A_1413 = arith.mulf %mul3A_1410, %mul3A_1412 : vector<16xf32>
    %add3A_1414 = arith.constant 2.75573188E-6 : f32
    %add3A_1415 = vector.broadcast %add3A_1414 : f32 to vector<16xf32>
    %add3A_1416 = arith.addf %add3A_1415, %mul3A_1413 : vector<16xf32>
    %mul3A_1417 = arith.mulf %mul3A_1410, %add3A_1416 : vector<16xf32>
    %add3A_1418 = arith.constant -1.98412701E-4 : f32
    %add3A_1419 = vector.broadcast %add3A_1418 : f32 to vector<16xf32>
    %add3A_1420 = arith.addf %add3A_1419, %mul3A_1417 : vector<16xf32>
    %mul3A_1421 = arith.mulf %mul3A_1410, %add3A_1420 : vector<16xf32>
    %add3A_1422 = arith.constant 0.00833333377 : f32
    %add3A_1423 = vector.broadcast %add3A_1422 : f32 to vector<16xf32>
    %add3A_1424 = arith.addf %add3A_1423, %mul3A_1421 : vector<16xf32>
    %mul3A_1425 = arith.mulf %mul3A_1410, %add3A_1424 : vector<16xf32>
    %add3A_1426 = arith.constant -0.166666672 : f32
    %add3A_1427 = vector.broadcast %add3A_1426 : f32 to vector<16xf32>
    %add3A_1428 = arith.addf %add3A_1427, %mul3A_1425 : vector<16xf32>
    %mul3A_1429 = arith.mulf %mul3A_1410, %add3A_1428 : vector<16xf32>
    %add3A_1430 = arith.constant 1.000000e+00 : f32
    %add3A_1431 = vector.broadcast %add3A_1430 : f32 to vector<16xf32>
    %add3A_1432 = arith.addf %add3A_1431, %mul3A_1429 : vector<16xf32>
    %mul3A_1433 = arith.mulf %sub3A_1409, %add3A_1432 : vector<16xf32>
    %mul3A_1434 = arith.constant -2.755732E-7 : f32
    %mul3A_1435 = vector.broadcast %mul3A_1434 : f32 to vector<16xf32>
    %mul3A_1436 = arith.mulf %mul3A_1410, %mul3A_1435 : vector<16xf32>
    %add3A_1437 = arith.constant 2.48015876E-5 : f32
    %add3A_1438 = vector.broadcast %add3A_1437 : f32 to vector<16xf32>
    %add3A_1439 = arith.addf %add3A_1438, %mul3A_1436 : vector<16xf32>
    %mul3A_1440 = arith.mulf %mul3A_1410, %add3A_1439 : vector<16xf32>
    %add3A_1441 = arith.constant -0.00138888892 : f32
    %add3A_1442 = vector.broadcast %add3A_1441 : f32 to vector<16xf32>
    %add3A_1443 = arith.addf %add3A_1442, %mul3A_1440 : vector<16xf32>
    %mul3A_1444 = arith.mulf %mul3A_1410, %add3A_1443 : vector<16xf32>
    %add3A_1445 = arith.constant 0.0416666679 : f32
    %add3A_1446 = vector.broadcast %add3A_1445 : f32 to vector<16xf32>
    %add3A_1447 = arith.addf %add3A_1446, %mul3A_1444 : vector<16xf32>
    %mul3A_1448 = arith.mulf %mul3A_1410, %add3A_1447 : vector<16xf32>
    %add3A_1449 = arith.constant -5.000000e-01 : f32
    %add3A_1450 = vector.broadcast %add3A_1449 : f32 to vector<16xf32>
    %add3A_1451 = arith.addf %add3A_1450, %mul3A_1448 : vector<16xf32>
    %mul3A_1452 = arith.mulf %mul3A_1410, %add3A_1451 : vector<16xf32>
    %add3A_1453 = arith.constant 1.000000e+00 : f32
    %add3A_1454 = vector.broadcast %add3A_1453 : f32 to vector<16xf32>
    %add3A_1455 = arith.addf %add3A_1454, %mul3A_1452 : vector<16xf32>
    %neg3A_1456 = arith.constant 0.000000e+00 : f32
    %neg3A_1457 = vector.broadcast %neg3A_1456 : f32 to vector<16xf32>
    %neg3A_1458 = arith.subf %neg3A_1457, %mul3A_1433 : vector<16xf32>
    %mul3A_1459 = arith.mulf %get3A_1398, %neg3A_1458 : vector<16xf32>
    %mul3A_1460 = arith.mulf %get3A_1400, %neg3A_1458 : vector<16xf32>
    %mul3A_1461 = arith.mulf %mul3A_1459, %get3A_1404 : vector<16xf32>
    %mul3A_1462 = arith.mulf %get3A_1400, %get3A_1406 : vector<16xf32>
    %sub3A_1463 = arith.subf %mul3A_1461, %mul3A_1462 : vector<16xf32>
    %mul3A_1464 = arith.mulf %mul3A_1459, %get3A_1406 : vector<16xf32>
    %neg3A_1465 = arith.constant 0.000000e+00 : f32
    %neg3A_1466 = vector.broadcast %neg3A_1465 : f32 to vector<16xf32>
    %neg3A_1467 = arith.subf %neg3A_1466, %mul3A_1464 : vector<16xf32>
    %mul3A_1468 = arith.mulf %get3A_1400, %get3A_1404 : vector<16xf32>
    %sub3A_1469 = arith.subf %neg3A_1467, %mul3A_1468 : vector<16xf32>
    %mul3A_1470 = arith.mulf %get3A_1398, %add3A_1455 : vector<16xf32>
    %mul3A_1471 = arith.mulf %mul3A_1460, %get3A_1404 : vector<16xf32>
    %mul3A_1472 = arith.mulf %get3A_1398, %get3A_1406 : vector<16xf32>
    %add3A_1473 = arith.addf %mul3A_1471, %mul3A_1472 : vector<16xf32>
    %mul3A_1474 = arith.mulf %get3A_1398, %get3A_1404 : vector<16xf32>
    %mul3A_1475 = arith.mulf %mul3A_1460, %get3A_1406 : vector<16xf32>
    %sub3A_1476 = arith.subf %mul3A_1474, %mul3A_1475 : vector<16xf32>
    %mul3A_1477 = arith.mulf %get3A_1400, %add3A_1455 : vector<16xf32>
    %mul3A_1478 = arith.mulf %add3A_1455, %get3A_1404 : vector<16xf32>
    %neg3A_1479 = arith.constant 0.000000e+00 : f32
    %neg3A_1480 = vector.broadcast %neg3A_1479 : f32 to vector<16xf32>
    %neg3A_1481 = arith.subf %neg3A_1480, %mul3A_1478 : vector<16xf32>
    %mul3A_1482 = arith.mulf %add3A_1455, %get3A_1406 : vector<16xf32>
    %swap3A_1483 = arith.constant 3136 : index
    %swap3A_1484 = tpu.vector_load %arg10[%swap3A_1483] {strides = array<i32>} : memref<8704xf32, #tpu.memory_space<vmem>>, vector<16xf32>,
    tpu.vector_store %arg10[%swap3A_1483], %sub3A_1463 {strides = array<i32>} : memref<8704xf32, #tpu.memory_space<vmem>>, vector<16xf32>,
    %swap3A_1485 = arith.constant 3264 : index
    %swap3A_1486 = tpu.vector_load %arg10[%swap3A_1485] {strides = array<i32>} : memref<8704xf32, #tpu.memory_space<vmem>>, vector<16xf32>,
    tpu.vector_store %arg10[%swap3A_1485], %sub3A_1469 {strides = array<i32>} : memref<8704xf32, #tpu.memory_space<vmem>>, vector<16xf32>,
    %swap3A_1487 = arith.constant 3392 : index
    %swap3A_1488 = tpu.vector_load %arg10[%swap3A_1487] {strides = array<i32>} : memref<8704xf32, #tpu.memory_space<vmem>>, vector<16xf32>,
    tpu.vector_store %arg10[%swap3A_1487], %mul3A_1470 {strides = array<i32>} : memref<8704xf32, #tpu.memory_space<vmem>>, vector<16xf32>,
    %swap3A_1489 = arith.constant 5184 : index
    %swap3A_1490 = tpu.vector_load %arg10[%swap3A_1489] {strides = array<i32>} : memref<8704xf32, #tpu.memory_space<vmem>>, vector<16xf32>,
    tpu.vector_store %arg10[%swap3A_1489], %add3A_1473 {strides = array<i32>} : memref<8704xf32, #tpu.memory_space<vmem>>, vector<16xf32>,
    %swap3A_1491 = arith.constant 5312 : index
    %swap3A_1492 = tpu.vector_load %arg10[%swap3A_1491] {strides = array<i32>} : memref<8704xf32, #tpu.memory_space<vmem>>, vector<16xf32>,
    tpu.vector_store %arg10[%swap3A_1491], %sub3A_1476 {strides = array<i32>} : memref<8704xf32, #tpu.memory_space<vmem>>, vector<16xf32>,
    %swap3A_1493 = arith.constant 5440 : index
    %swap3A_1494 = tpu.vector_load %arg10[%swap3A_1493] {strides = array<i32>} : memref<8704xf32, #tpu.memory_space<vmem>>, vector<16xf32>,
    tpu.vector_store %arg10[%swap3A_1493], %mul3A_1477 {strides = array<i32>} : memref<8704xf32, #tpu.memory_space<vmem>>, vector<16xf32>,
    %swap3A_1495 = arith.constant 7232 : index
    %swap3A_1496 = tpu.vector_load %arg10[%swap3A_1495] {strides = array<i32>} : memref<8704xf32, #tpu.memory_space<vmem>>, vector<16xf32>,
    tpu.vector_store %arg10[%swap3A_1495], %neg3A_1481 {strides = array<i32>} : memref<8704xf32, #tpu.memory_space<vmem>>, vector<16xf32>,
    %swap3A_1497 = arith.constant 7360 : index
    %swap3A_1498 = tpu.vector_load %arg10[%swap3A_1497] {strides = array<i32>} : memref<8704xf32, #tpu.memory_space<vmem>>, vector<16xf32>,
    tpu.vector_store %arg10[%swap3A_1497], %mul3A_1482 {strides = array<i32>} : memref<8704xf32, #tpu.memory_space<vmem>>, vector<16xf32>,
    %swap3A_1499 = arith.constant 7488 : index
    %swap3A_1500 = tpu.vector_load %arg10[%swap3A_1499] {strides = array<i32>} : memref<8704xf32, #tpu.memory_space<vmem>>, vector<16xf32>,
    tpu.vector_store %arg10[%swap3A_1499], %neg3A_1458 {strides = array<i32>} : memref<8704xf32, #tpu.memory_space<vmem>>, vector<16xf32>,
    %get3A_1501 = arith.constant 208 : index
    %get3A_1502 = tpu.vector_load %arg10[%get3A_1501] {strides = array<i32>} : memref<8704xf32, #tpu.memory_space<vmem>>, vector<16xf32>,
    %get3A_1503 = arith.constant 720 : index
    %get3A_1504 = tpu.vector_load %arg10[%get3A_1503] {strides = array<i32>} : memref<8704xf32, #tpu.memory_space<vmem>>, vector<16xf32>,
    %get3A_1505 = arith.constant 1232 : index
    %get3A_1506 = tpu.vector_load %arg10[%get3A_1505] {strides = array<i32>} : memref<8704xf32, #tpu.memory_space<vmem>>, vector<16xf32>,
    %get3A_1507 = arith.constant 1744 : index
    %get3A_1508 = tpu.vector_load %arg10[%get3A_1507] {strides = array<i32>} : memref<8704xf32, #tpu.memory_space<vmem>>, vector<16xf32>,
    %get3A_1509 = arith.constant 2256 : index
    %get3A_1510 = tpu.vector_load %arg10[%get3A_1509] {strides = array<i32>} : memref<8704xf32, #tpu.memory_space<vmem>>, vector<16xf32>,
    %sub3A_1511 = arith.constant 1.57079637 : f32
    %sub3A_1512 = vector.broadcast %sub3A_1511 : f32 to vector<16xf32>
    %sub3A_1513 = arith.subf %get3A_1506, %sub3A_1512 : vector<16xf32>
    %mul3A_1514 = arith.mulf %sub3A_1513, %sub3A_1513 : vector<16xf32>
    %mul3A_1515 = arith.constant -2.50521079E-8 : f32
    %mul3A_1516 = vector.broadcast %mul3A_1515 : f32 to vector<16xf32>
    %mul3A_1517 = arith.mulf %mul3A_1514, %mul3A_1516 : vector<16xf32>
    %add3A_1518 = arith.constant 2.75573188E-6 : f32
    %add3A_1519 = vector.broadcast %add3A_1518 : f32 to vector<16xf32>
    %add3A_1520 = arith.addf %add3A_1519, %mul3A_1517 : vector<16xf32>
    %mul3A_1521 = arith.mulf %mul3A_1514, %add3A_1520 : vector<16xf32>
    %add3A_1522 = arith.constant -1.98412701E-4 : f32
    %add3A_1523 = vector.broadcast %add3A_1522 : f32 to vector<16xf32>
    %add3A_1524 = arith.addf %add3A_1523, %mul3A_1521 : vector<16xf32>
    %mul3A_1525 = arith.mulf %mul3A_1514, %add3A_1524 : vector<16xf32>
    %add3A_1526 = arith.constant 0.00833333377 : f32
    %add3A_1527 = vector.broadcast %add3A_1526 : f32 to vector<16xf32>
    %add3A_1528 = arith.addf %add3A_1527, %mul3A_1525 : vector<16xf32>
    %mul3A_1529 = arith.mulf %mul3A_1514, %add3A_1528 : vector<16xf32>
    %add3A_1530 = arith.constant -0.166666672 : f32
    %add3A_1531 = vector.broadcast %add3A_1530 : f32 to vector<16xf32>
    %add3A_1532 = arith.addf %add3A_1531, %mul3A_1529 : vector<16xf32>
    %mul3A_1533 = arith.mulf %mul3A_1514, %add3A_1532 : vector<16xf32>
    %add3A_1534 = arith.constant 1.000000e+00 : f32
    %add3A_1535 = vector.broadcast %add3A_1534 : f32 to vector<16xf32>
    %add3A_1536 = arith.addf %add3A_1535, %mul3A_1533 : vector<16xf32>
    %mul3A_1537 = arith.mulf %sub3A_1513, %add3A_1536 : vector<16xf32>
    %mul3A_1538 = arith.constant -2.755732E-7 : f32
    %mul3A_1539 = vector.broadcast %mul3A_1538 : f32 to vector<16xf32>
    %mul3A_1540 = arith.mulf %mul3A_1514, %mul3A_1539 : vector<16xf32>
    %add3A_1541 = arith.constant 2.48015876E-5 : f32
    %add3A_1542 = vector.broadcast %add3A_1541 : f32 to vector<16xf32>
    %add3A_1543 = arith.addf %add3A_1542, %mul3A_1540 : vector<16xf32>
    %mul3A_1544 = arith.mulf %mul3A_1514, %add3A_1543 : vector<16xf32>
    %add3A_1545 = arith.constant -0.00138888892 : f32
    %add3A_1546 = vector.broadcast %add3A_1545 : f32 to vector<16xf32>
    %add3A_1547 = arith.addf %add3A_1546, %mul3A_1544 : vector<16xf32>
    %mul3A_1548 = arith.mulf %mul3A_1514, %add3A_1547 : vector<16xf32>
    %add3A_1549 = arith.constant 0.0416666679 : f32
    %add3A_1550 = vector.broadcast %add3A_1549 : f32 to vector<16xf32>
    %add3A_1551 = arith.addf %add3A_1550, %mul3A_1548 : vector<16xf32>
    %mul3A_1552 = arith.mulf %mul3A_1514, %add3A_1551 : vector<16xf32>
    %add3A_1553 = arith.constant -5.000000e-01 : f32
    %add3A_1554 = vector.broadcast %add3A_1553 : f32 to vector<16xf32>
    %add3A_1555 = arith.addf %add3A_1554, %mul3A_1552 : vector<16xf32>
    %mul3A_1556 = arith.mulf %mul3A_1514, %add3A_1555 : vector<16xf32>
    %add3A_1557 = arith.constant 1.000000e+00 : f32
    %add3A_1558 = vector.broadcast %add3A_1557 : f32 to vector<16xf32>
    %add3A_1559 = arith.addf %add3A_1558, %mul3A_1556 : vector<16xf32>
    %neg3A_1560 = arith.constant 0.000000e+00 : f32
    %neg3A_1561 = vector.broadcast %neg3A_1560 : f32 to vector<16xf32>
    %neg3A_1562 = arith.subf %neg3A_1561, %mul3A_1537 : vector<16xf32>
    %mul3A_1563 = arith.mulf %get3A_1502, %neg3A_1562 : vector<16xf32>
    %mul3A_1564 = arith.mulf %get3A_1504, %neg3A_1562 : vector<16xf32>
    %mul3A_1565 = arith.mulf %mul3A_1563, %get3A_1508 : vector<16xf32>
    %mul3A_1566 = arith.mulf %get3A_1504, %get3A_1510 : vector<16xf32>
    %sub3A_1567 = arith.subf %mul3A_1565, %mul3A_1566 : vector<16xf32>
    %mul3A_1568 = arith.mulf %mul3A_1563, %get3A_1510 : vector<16xf32>
    %neg3A_1569 = arith.constant 0.000000e+00 : f32
    %neg3A_1570 = vector.broadcast %neg3A_1569 : f32 to vector<16xf32>
    %neg3A_1571 = arith.subf %neg3A_1570, %mul3A_1568 : vector<16xf32>
    %mul3A_1572 = arith.mulf %get3A_1504, %get3A_1508 : vector<16xf32>
    %sub3A_1573 = arith.subf %neg3A_1571, %mul3A_1572 : vector<16xf32>
    %mul3A_1574 = arith.mulf %get3A_1502, %add3A_1559 : vector<16xf32>
    %mul3A_1575 = arith.mulf %mul3A_1564, %get3A_1508 : vector<16xf32>
    %mul3A_1576 = arith.mulf %get3A_1502, %get3A_1510 : vector<16xf32>
    %add3A_1577 = arith.addf %mul3A_1575, %mul3A_1576 : vector<16xf32>
    %mul3A_1578 = arith.mulf %get3A_1502, %get3A_1508 : vector<16xf32>
    %mul3A_1579 = arith.mulf %mul3A_1564, %get3A_1510 : vector<16xf32>
    %sub3A_1580 = arith.subf %mul3A_1578, %mul3A_1579 : vector<16xf32>
    %mul3A_1581 = arith.mulf %get3A_1504, %add3A_1559 : vector<16xf32>
    %mul3A_1582 = arith.mulf %add3A_1559, %get3A_1508 : vector<16xf32>
    %neg3A_1583 = arith.constant 0.000000e+00 : f32
    %neg3A_1584 = vector.broadcast %neg3A_1583 : f32 to vector<16xf32>
    %neg3A_1585 = arith.subf %neg3A_1584, %mul3A_1582 : vector<16xf32>
    %mul3A_1586 = arith.mulf %add3A_1559, %get3A_1510 : vector<16xf32>
    %swap3A_1587 = arith.constant 3152 : index
    %swap3A_1588 = tpu.vector_load %arg10[%swap3A_1587] {strides = array<i32>} : memref<8704xf32, #tpu.memory_space<vmem>>, vector<16xf32>,
    tpu.vector_store %arg10[%swap3A_1587], %sub3A_1567 {strides = array<i32>} : memref<8704xf32, #tpu.memory_space<vmem>>, vector<16xf32>,
    %swap3A_1589 = arith.constant 3280 : index
    %swap3A_1590 = tpu.vector_load %arg10[%swap3A_1589] {strides = array<i32>} : memref<8704xf32, #tpu.memory_space<vmem>>, vector<16xf32>,
    tpu.vector_store %arg10[%swap3A_1589], %sub3A_1573 {strides = array<i32>} : memref<8704xf32, #tpu.memory_space<vmem>>, vector<16xf32>,
    %swap3A_1591 = arith.constant 3408 : index
    %swap3A_1592 = tpu.vector_load %arg10[%swap3A_1591] {strides = array<i32>} : memref<8704xf32, #tpu.memory_space<vmem>>, vector<16xf32>,
    tpu.vector_store %arg10[%swap3A_1591], %mul3A_1574 {strides = array<i32>} : memref<8704xf32, #tpu.memory_space<vmem>>, vector<16xf32>,
    %swap3A_1593 = arith.constant 5200 : index
    %swap3A_1594 = tpu.vector_load %arg10[%swap3A_1593] {strides = array<i32>} : memref<8704xf32, #tpu.memory_space<vmem>>, vector<16xf32>,
    tpu.vector_store %arg10[%swap3A_1593], %add3A_1577 {strides = array<i32>} : memref<8704xf32, #tpu.memory_space<vmem>>, vector<16xf32>,
    %swap3A_1595 = arith.constant 5328 : index
    %swap3A_1596 = tpu.vector_load %arg10[%swap3A_1595] {strides = array<i32>} : memref<8704xf32, #tpu.memory_space<vmem>>, vector<16xf32>,
    tpu.vector_store %arg10[%swap3A_1595], %sub3A_1580 {strides = array<i32>} : memref<8704xf32, #tpu.memory_space<vmem>>, vector<16xf32>,
    %swap3A_1597 = arith.constant 5456 : index
    %swap3A_1598 = tpu.vector_load %arg10[%swap3A_1597] {strides = array<i32>} : memref<8704xf32, #tpu.memory_space<vmem>>, vector<16xf32>,
    tpu.vector_store %arg10[%swap3A_1597], %mul3A_1581 {strides = array<i32>} : memref<8704xf32, #tpu.memory_space<vmem>>, vector<16xf32>,
    %swap3A_1599 = arith.constant 7248 : index
    %swap3A_1600 = tpu.vector_load %arg10[%swap3A_1599] {strides = array<i32>} : memref<8704xf32, #tpu.memory_space<vmem>>, vector<16xf32>,
    tpu.vector_store %arg10[%swap3A_1599], %neg3A_1585 {strides = array<i32>} : memref<8704xf32, #tpu.memory_space<vmem>>, vector<16xf32>,
    %swap3A_1601 = arith.constant 7376 : index
    %swap3A_1602 = tpu.vector_load %arg10[%swap3A_1601] {strides = array<i32>} : memref<8704xf32, #tpu.memory_space<vmem>>, vector<16xf32>,
    tpu.vector_store %arg10[%swap3A_1601], %mul3A_1586 {strides = array<i32>} : memref<8704xf32, #tpu.memory_space<vmem>>, vector<16xf32>,
    %swap3A_1603 = arith.constant 7504 : index
    %swap3A_1604 = tpu.vector_load %arg10[%swap3A_1603] {strides = array<i32>} : memref<8704xf32, #tpu.memory_space<vmem>>, vector<16xf32>,
    tpu.vector_store %arg10[%swap3A_1603], %neg3A_1562 {strides = array<i32>} : memref<8704xf32, #tpu.memory_space<vmem>>, vector<16xf32>,
    %get3A_1605 = arith.constant 224 : index
    %get3A_1606 = tpu.vector_load %arg10[%get3A_1605] {strides = array<i32>} : memref<8704xf32, #tpu.memory_space<vmem>>, vector<16xf32>,
    %get3A_1607 = arith.constant 736 : index
    %get3A_1608 = tpu.vector_load %arg10[%get3A_1607] {strides = array<i32>} : memref<8704xf32, #tpu.memory_space<vmem>>, vector<16xf32>,
    %get3A_1609 = arith.constant 1248 : index
    %get3A_1610 = tpu.vector_load %arg10[%get3A_1609] {strides = array<i32>} : memref<8704xf32, #tpu.memory_space<vmem>>, vector<16xf32>,
    %get3A_1611 = arith.constant 1760 : index
    %get3A_1612 = tpu.vector_load %arg10[%get3A_1611] {strides = array<i32>} : memref<8704xf32, #tpu.memory_space<vmem>>, vector<16xf32>,
    %get3A_1613 = arith.constant 2272 : index
    %get3A_1614 = tpu.vector_load %arg10[%get3A_1613] {strides = array<i32>} : memref<8704xf32, #tpu.memory_space<vmem>>, vector<16xf32>,
    %sub3A_1615 = arith.constant 1.57079637 : f32
    %sub3A_1616 = vector.broadcast %sub3A_1615 : f32 to vector<16xf32>
    %sub3A_1617 = arith.subf %get3A_1610, %sub3A_1616 : vector<16xf32>
    %mul3A_1618 = arith.mulf %sub3A_1617, %sub3A_1617 : vector<16xf32>
    %mul3A_1619 = arith.constant -2.50521079E-8 : f32
    %mul3A_1620 = vector.broadcast %mul3A_1619 : f32 to vector<16xf32>
    %mul3A_1621 = arith.mulf %mul3A_1618, %mul3A_1620 : vector<16xf32>
    %add3A_1622 = arith.constant 2.75573188E-6 : f32
    %add3A_1623 = vector.broadcast %add3A_1622 : f32 to vector<16xf32>
    %add3A_1624 = arith.addf %add3A_1623, %mul3A_1621 : vector<16xf32>
    %mul3A_1625 = arith.mulf %mul3A_1618, %add3A_1624 : vector<16xf32>
    %add3A_1626 = arith.constant -1.98412701E-4 : f32
    %add3A_1627 = vector.broadcast %add3A_1626 : f32 to vector<16xf32>
    %add3A_1628 = arith.addf %add3A_1627, %mul3A_1625 : vector<16xf32>
    %mul3A_1629 = arith.mulf %mul3A_1618, %add3A_1628 : vector<16xf32>
    %add3A_1630 = arith.constant 0.00833333377 : f32
    %add3A_1631 = vector.broadcast %add3A_1630 : f32 to vector<16xf32>
    %add3A_1632 = arith.addf %add3A_1631, %mul3A_1629 : vector<16xf32>
    %mul3A_1633 = arith.mulf %mul3A_1618, %add3A_1632 : vector<16xf32>
    %add3A_1634 = arith.constant -0.166666672 : f32
    %add3A_1635 = vector.broadcast %add3A_1634 : f32 to vector<16xf32>
    %add3A_1636 = arith.addf %add3A_1635, %mul3A_1633 : vector<16xf32>
    %mul3A_1637 = arith.mulf %mul3A_1618, %add3A_1636 : vector<16xf32>
    %add3A_1638 = arith.constant 1.000000e+00 : f32
    %add3A_1639 = vector.broadcast %add3A_1638 : f32 to vector<16xf32>
    %add3A_1640 = arith.addf %add3A_1639, %mul3A_1637 : vector<16xf32>
    %mul3A_1641 = arith.mulf %sub3A_1617, %add3A_1640 : vector<16xf32>
    %mul3A_1642 = arith.constant -2.755732E-7 : f32
    %mul3A_1643 = vector.broadcast %mul3A_1642 : f32 to vector<16xf32>
    %mul3A_1644 = arith.mulf %mul3A_1618, %mul3A_1643 : vector<16xf32>
    %add3A_1645 = arith.constant 2.48015876E-5 : f32
    %add3A_1646 = vector.broadcast %add3A_1645 : f32 to vector<16xf32>
    %add3A_1647 = arith.addf %add3A_1646, %mul3A_1644 : vector<16xf32>
    %mul3A_1648 = arith.mulf %mul3A_1618, %add3A_1647 : vector<16xf32>
    %add3A_1649 = arith.constant -0.00138888892 : f32
    %add3A_1650 = vector.broadcast %add3A_1649 : f32 to vector<16xf32>
    %add3A_1651 = arith.addf %add3A_1650, %mul3A_1648 : vector<16xf32>
    %mul3A_1652 = arith.mulf %mul3A_1618, %add3A_1651 : vector<16xf32>
    %add3A_1653 = arith.constant 0.0416666679 : f32
    %add3A_1654 = vector.broadcast %add3A_1653 : f32 to vector<16xf32>
    %add3A_1655 = arith.addf %add3A_1654, %mul3A_1652 : vector<16xf32>
    %mul3A_1656 = arith.mulf %mul3A_1618, %add3A_1655 : vector<16xf32>
    %add3A_1657 = arith.constant -5.000000e-01 : f32
    %add3A_1658 = vector.broadcast %add3A_1657 : f32 to vector<16xf32>
    %add3A_1659 = arith.addf %add3A_1658, %mul3A_1656 : vector<16xf32>
    %mul3A_1660 = arith.mulf %mul3A_1618, %add3A_1659 : vector<16xf32>
    %add3A_1661 = arith.constant 1.000000e+00 : f32
    %add3A_1662 = vector.broadcast %add3A_1661 : f32 to vector<16xf32>
    %add3A_1663 = arith.addf %add3A_1662, %mul3A_1660 : vector<16xf32>
    %neg3A_1664 = arith.constant 0.000000e+00 : f32
    %neg3A_1665 = vector.broadcast %neg3A_1664 : f32 to vector<16xf32>
    %neg3A_1666 = arith.subf %neg3A_1665, %mul3A_1641 : vector<16xf32>
    %mul3A_1667 = arith.mulf %get3A_1606, %neg3A_1666 : vector<16xf32>
    %mul3A_1668 = arith.mulf %get3A_1608, %neg3A_1666 : vector<16xf32>
    %mul3A_1669 = arith.mulf %mul3A_1667, %get3A_1612 : vector<16xf32>
    %mul3A_1670 = arith.mulf %get3A_1608, %get3A_1614 : vector<16xf32>
    %sub3A_1671 = arith.subf %mul3A_1669, %mul3A_1670 : vector<16xf32>
    %mul3A_1672 = arith.mulf %mul3A_1667, %get3A_1614 : vector<16xf32>
    %neg3A_1673 = arith.constant 0.000000e+00 : f32
    %neg3A_1674 = vector.broadcast %neg3A_1673 : f32 to vector<16xf32>
    %neg3A_1675 = arith.subf %neg3A_1674, %mul3A_1672 : vector<16xf32>
    %mul3A_1676 = arith.mulf %get3A_1608, %get3A_1612 : vector<16xf32>
    %sub3A_1677 = arith.subf %neg3A_1675, %mul3A_1676 : vector<16xf32>
    %mul3A_1678 = arith.mulf %get3A_1606, %add3A_1663 : vector<16xf32>
    %mul3A_1679 = arith.mulf %mul3A_1668, %get3A_1612 : vector<16xf32>
    %mul3A_1680 = arith.mulf %get3A_1606, %get3A_1614 : vector<16xf32>
    %add3A_1681 = arith.addf %mul3A_1679, %mul3A_1680 : vector<16xf32>
    %mul3A_1682 = arith.mulf %get3A_1606, %get3A_1612 : vector<16xf32>
    %mul3A_1683 = arith.mulf %mul3A_1668, %get3A_1614 : vector<16xf32>
    %sub3A_1684 = arith.subf %mul3A_1682, %mul3A_1683 : vector<16xf32>
    %mul3A_1685 = arith.mulf %get3A_1608, %add3A_1663 : vector<16xf32>
    %mul3A_1686 = arith.mulf %add3A_1663, %get3A_1612 : vector<16xf32>
    %neg3A_1687 = arith.constant 0.000000e+00 : f32
    %neg3A_1688 = vector.broadcast %neg3A_1687 : f32 to vector<16xf32>
    %neg3A_1689 = arith.subf %neg3A_1688, %mul3A_1686 : vector<16xf32>
    %mul3A_1690 = arith.mulf %add3A_1663, %get3A_1614 : vector<16xf32>
    %swap3A_1691 = arith.constant 3168 : index
    %swap3A_1692 = tpu.vector_load %arg10[%swap3A_1691] {strides = array<i32>} : memref<8704xf32, #tpu.memory_space<vmem>>, vector<16xf32>,
    tpu.vector_store %arg10[%swap3A_1691], %sub3A_1671 {strides = array<i32>} : memref<8704xf32, #tpu.memory_space<vmem>>, vector<16xf32>,
    %swap3A_1693 = arith.constant 3296 : index
    %swap3A_1694 = tpu.vector_load %arg10[%swap3A_1693] {strides = array<i32>} : memref<8704xf32, #tpu.memory_space<vmem>>, vector<16xf32>,
    tpu.vector_store %arg10[%swap3A_1693], %sub3A_1677 {strides = array<i32>} : memref<8704xf32, #tpu.memory_space<vmem>>, vector<16xf32>,
    %swap3A_1695 = arith.constant 3424 : index
    %swap3A_1696 = tpu.vector_load %arg10[%swap3A_1695] {strides = array<i32>} : memref<8704xf32, #tpu.memory_space<vmem>>, vector<16xf32>,
    tpu.vector_store %arg10[%swap3A_1695], %mul3A_1678 {strides = array<i32>} : memref<8704xf32, #tpu.memory_space<vmem>>, vector<16xf32>,
    %swap3A_1697 = arith.constant 5216 : index
    %swap3A_1698 = tpu.vector_load %arg10[%swap3A_1697] {strides = array<i32>} : memref<8704xf32, #tpu.memory_space<vmem>>, vector<16xf32>,
    tpu.vector_store %arg10[%swap3A_1697], %add3A_1681 {strides = array<i32>} : memref<8704xf32, #tpu.memory_space<vmem>>, vector<16xf32>,
    %swap3A_1699 = arith.constant 5344 : index
    %swap3A_1700 = tpu.vector_load %arg10[%swap3A_1699] {strides = array<i32>} : memref<8704xf32, #tpu.memory_space<vmem>>, vector<16xf32>,
    tpu.vector_store %arg10[%swap3A_1699], %sub3A_1684 {strides = array<i32>} : memref<8704xf32, #tpu.memory_space<vmem>>, vector<16xf32>,
    %swap3A_1701 = arith.constant 5472 : index
    %swap3A_1702 = tpu.vector_load %arg10[%swap3A_1701] {strides = array<i32>} : memref<8704xf32, #tpu.memory_space<vmem>>, vector<16xf32>,
    tpu.vector_store %arg10[%swap3A_1701], %mul3A_1685 {strides = array<i32>} : memref<8704xf32, #tpu.memory_space<vmem>>, vector<16xf32>,
    %swap3A_1703 = arith.constant 7264 : index
    %swap3A_1704 = tpu.vector_load %arg10[%swap3A_1703] {strides = array<i32>} : memref<8704xf32, #tpu.memory_space<vmem>>, vector<16xf32>,
    tpu.vector_store %arg10[%swap3A_1703], %neg3A_1689 {strides = array<i32>} : memref<8704xf32, #tpu.memory_space<vmem>>, vector<16xf32>,
    %swap3A_1705 = arith.constant 7392 : index
    %swap3A_1706 = tpu.vector_load %arg10[%swap3A_1705] {strides = array<i32>} : memref<8704xf32, #tpu.memory_space<vmem>>, vector<16xf32>,
    tpu.vector_store %arg10[%swap3A_1705], %mul3A_1690 {strides = array<i32>} : memref<8704xf32, #tpu.memory_space<vmem>>, vector<16xf32>,
    %swap3A_1707 = arith.constant 7520 : index
    %swap3A_1708 = tpu.vector_load %arg10[%swap3A_1707] {strides = array<i32>} : memref<8704xf32, #tpu.memory_space<vmem>>, vector<16xf32>,
    tpu.vector_store %arg10[%swap3A_1707], %neg3A_1666 {strides = array<i32>} : memref<8704xf32, #tpu.memory_space<vmem>>, vector<16xf32>,
    %get3A_1709 = arith.constant 240 : index
    %get3A_1710 = tpu.vector_load %arg10[%get3A_1709] {strides = array<i32>} : memref<8704xf32, #tpu.memory_space<vmem>>, vector<16xf32>,
    %get3A_1711 = arith.constant 752 : index
    %get3A_1712 = tpu.vector_load %arg10[%get3A_1711] {strides = array<i32>} : memref<8704xf32, #tpu.memory_space<vmem>>, vector<16xf32>,
    %get3A_1713 = arith.constant 1264 : index
    %get3A_1714 = tpu.vector_load %arg10[%get3A_1713] {strides = array<i32>} : memref<8704xf32, #tpu.memory_space<vmem>>, vector<16xf32>,
    %get3A_1715 = arith.constant 1776 : index
    %get3A_1716 = tpu.vector_load %arg10[%get3A_1715] {strides = array<i32>} : memref<8704xf32, #tpu.memory_space<vmem>>, vector<16xf32>,
    %get3A_1717 = arith.constant 2288 : index
    %get3A_1718 = tpu.vector_load %arg10[%get3A_1717] {strides = array<i32>} : memref<8704xf32, #tpu.memory_space<vmem>>, vector<16xf32>,
    %sub3A_1719 = arith.constant 1.57079637 : f32
    %sub3A_1720 = vector.broadcast %sub3A_1719 : f32 to vector<16xf32>
    %sub3A_1721 = arith.subf %get3A_1714, %sub3A_1720 : vector<16xf32>
    %mul3A_1722 = arith.mulf %sub3A_1721, %sub3A_1721 : vector<16xf32>
    %mul3A_1723 = arith.constant -2.50521079E-8 : f32
    %mul3A_1724 = vector.broadcast %mul3A_1723 : f32 to vector<16xf32>
    %mul3A_1725 = arith.mulf %mul3A_1722, %mul3A_1724 : vector<16xf32>
    %add3A_1726 = arith.constant 2.75573188E-6 : f32
    %add3A_1727 = vector.broadcast %add3A_1726 : f32 to vector<16xf32>
    %add3A_1728 = arith.addf %add3A_1727, %mul3A_1725 : vector<16xf32>
    %mul3A_1729 = arith.mulf %mul3A_1722, %add3A_1728 : vector<16xf32>
    %add3A_1730 = arith.constant -1.98412701E-4 : f32
    %add3A_1731 = vector.broadcast %add3A_1730 : f32 to vector<16xf32>
    %add3A_1732 = arith.addf %add3A_1731, %mul3A_1729 : vector<16xf32>
    %mul3A_1733 = arith.mulf %mul3A_1722, %add3A_1732 : vector<16xf32>
    %add3A_1734 = arith.constant 0.00833333377 : f32
    %add3A_1735 = vector.broadcast %add3A_1734 : f32 to vector<16xf32>
    %add3A_1736 = arith.addf %add3A_1735, %mul3A_1733 : vector<16xf32>
    %mul3A_1737 = arith.mulf %mul3A_1722, %add3A_1736 : vector<16xf32>
    %add3A_1738 = arith.constant -0.166666672 : f32
    %add3A_1739 = vector.broadcast %add3A_1738 : f32 to vector<16xf32>
    %add3A_1740 = arith.addf %add3A_1739, %mul3A_1737 : vector<16xf32>
    %mul3A_1741 = arith.mulf %mul3A_1722, %add3A_1740 : vector<16xf32>
    %add3A_1742 = arith.constant 1.000000e+00 : f32
    %add3A_1743 = vector.broadcast %add3A_1742 : f32 to vector<16xf32>
    %add3A_1744 = arith.addf %add3A_1743, %mul3A_1741 : vector<16xf32>
    %mul3A_1745 = arith.mulf %sub3A_1721, %add3A_1744 : vector<16xf32>
    %mul3A_1746 = arith.constant -2.755732E-7 : f32
    %mul3A_1747 = vector.broadcast %mul3A_1746 : f32 to vector<16xf32>
    %mul3A_1748 = arith.mulf %mul3A_1722, %mul3A_1747 : vector<16xf32>
    %add3A_1749 = arith.constant 2.48015876E-5 : f32
    %add3A_1750 = vector.broadcast %add3A_1749 : f32 to vector<16xf32>
    %add3A_1751 = arith.addf %add3A_1750, %mul3A_1748 : vector<16xf32>
    %mul3A_1752 = arith.mulf %mul3A_1722, %add3A_1751 : vector<16xf32>
    %add3A_1753 = arith.constant -0.00138888892 : f32
    %add3A_1754 = vector.broadcast %add3A_1753 : f32 to vector<16xf32>
    %add3A_1755 = arith.addf %add3A_1754, %mul3A_1752 : vector<16xf32>
    %mul3A_1756 = arith.mulf %mul3A_1722, %add3A_1755 : vector<16xf32>
    %add3A_1757 = arith.constant 0.0416666679 : f32
    %add3A_1758 = vector.broadcast %add3A_1757 : f32 to vector<16xf32>
    %add3A_1759 = arith.addf %add3A_1758, %mul3A_1756 : vector<16xf32>
    %mul3A_1760 = arith.mulf %mul3A_1722, %add3A_1759 : vector<16xf32>
    %add3A_1761 = arith.constant -5.000000e-01 : f32
    %add3A_1762 = vector.broadcast %add3A_1761 : f32 to vector<16xf32>
    %add3A_1763 = arith.addf %add3A_1762, %mul3A_1760 : vector<16xf32>
    %mul3A_1764 = arith.mulf %mul3A_1722, %add3A_1763 : vector<16xf32>
    %add3A_1765 = arith.constant 1.000000e+00 : f32
    %add3A_1766 = vector.broadcast %add3A_1765 : f32 to vector<16xf32>
    %add3A_1767 = arith.addf %add3A_1766, %mul3A_1764 : vector<16xf32>
    %neg3A_1768 = arith.constant 0.000000e+00 : f32
    %neg3A_1769 = vector.broadcast %neg3A_1768 : f32 to vector<16xf32>
    %neg3A_1770 = arith.subf %neg3A_1769, %mul3A_1745 : vector<16xf32>
    %mul3A_1771 = arith.mulf %get3A_1710, %neg3A_1770 : vector<16xf32>
    %mul3A_1772 = arith.mulf %get3A_1712, %neg3A_1770 : vector<16xf32>
    %mul3A_1773 = arith.mulf %mul3A_1771, %get3A_1716 : vector<16xf32>
    %mul3A_1774 = arith.mulf %get3A_1712, %get3A_1718 : vector<16xf32>
    %sub3A_1775 = arith.subf %mul3A_1773, %mul3A_1774 : vector<16xf32>
    %mul3A_1776 = arith.mulf %mul3A_1771, %get3A_1718 : vector<16xf32>
    %neg3A_1777 = arith.constant 0.000000e+00 : f32
    %neg3A_1778 = vector.broadcast %neg3A_1777 : f32 to vector<16xf32>
    %neg3A_1779 = arith.subf %neg3A_1778, %mul3A_1776 : vector<16xf32>
    %mul3A_1780 = arith.mulf %get3A_1712, %get3A_1716 : vector<16xf32>
    %sub3A_1781 = arith.subf %neg3A_1779, %mul3A_1780 : vector<16xf32>
    %mul3A_1782 = arith.mulf %get3A_1710, %add3A_1767 : vector<16xf32>
    %mul3A_1783 = arith.mulf %mul3A_1772, %get3A_1716 : vector<16xf32>
    %mul3A_1784 = arith.mulf %get3A_1710, %get3A_1718 : vector<16xf32>
    %add3A_1785 = arith.addf %mul3A_1783, %mul3A_1784 : vector<16xf32>
    %mul3A_1786 = arith.mulf %get3A_1710, %get3A_1716 : vector<16xf32>
    %mul3A_1787 = arith.mulf %mul3A_1772, %get3A_1718 : vector<16xf32>
    %sub3A_1788 = arith.subf %mul3A_1786, %mul3A_1787 : vector<16xf32>
    %mul3A_1789 = arith.mulf %get3A_1712, %add3A_1767 : vector<16xf32>
    %mul3A_1790 = arith.mulf %add3A_1767, %get3A_1716 : vector<16xf32>
    %neg3A_1791 = arith.constant 0.000000e+00 : f32
    %neg3A_1792 = vector.broadcast %neg3A_1791 : f32 to vector<16xf32>
    %neg3A_1793 = arith.subf %neg3A_1792, %mul3A_1790 : vector<16xf32>
    %mul3A_1794 = arith.mulf %add3A_1767, %get3A_1718 : vector<16xf32>
    %swap3A_1795 = arith.constant 3184 : index
    %swap3A_1796 = tpu.vector_load %arg10[%swap3A_1795] {strides = array<i32>} : memref<8704xf32, #tpu.memory_space<vmem>>, vector<16xf32>,
    tpu.vector_store %arg10[%swap3A_1795], %sub3A_1775 {strides = array<i32>} : memref<8704xf32, #tpu.memory_space<vmem>>, vector<16xf32>,
    %swap3A_1797 = arith.constant 3312 : index
    %swap3A_1798 = tpu.vector_load %arg10[%swap3A_1797] {strides = array<i32>} : memref<8704xf32, #tpu.memory_space<vmem>>, vector<16xf32>,
    tpu.vector_store %arg10[%swap3A_1797], %sub3A_1781 {strides = array<i32>} : memref<8704xf32, #tpu.memory_space<vmem>>, vector<16xf32>,
    %swap3A_1799 = arith.constant 3440 : index
    %swap3A_1800 = tpu.vector_load %arg10[%swap3A_1799] {strides = array<i32>} : memref<8704xf32, #tpu.memory_space<vmem>>, vector<16xf32>,
    tpu.vector_store %arg10[%swap3A_1799], %mul3A_1782 {strides = array<i32>} : memref<8704xf32, #tpu.memory_space<vmem>>, vector<16xf32>,
    %swap3A_1801 = arith.constant 5232 : index
    %swap3A_1802 = tpu.vector_load %arg10[%swap3A_1801] {strides = array<i32>} : memref<8704xf32, #tpu.memory_space<vmem>>, vector<16xf32>,
    tpu.vector_store %arg10[%swap3A_1801], %add3A_1785 {strides = array<i32>} : memref<8704xf32, #tpu.memory_space<vmem>>, vector<16xf32>,
    %swap3A_1803 = arith.constant 5360 : index
    %swap3A_1804 = tpu.vector_load %arg10[%swap3A_1803] {strides = array<i32>} : memref<8704xf32, #tpu.memory_space<vmem>>, vector<16xf32>,
    tpu.vector_store %arg10[%swap3A_1803], %sub3A_1788 {strides = array<i32>} : memref<8704xf32, #tpu.memory_space<vmem>>, vector<16xf32>,
    %swap3A_1805 = arith.constant 5488 : index
    %swap3A_1806 = tpu.vector_load %arg10[%swap3A_1805] {strides = array<i32>} : memref<8704xf32, #tpu.memory_space<vmem>>, vector<16xf32>,
    tpu.vector_store %arg10[%swap3A_1805], %mul3A_1789 {strides = array<i32>} : memref<8704xf32, #tpu.memory_space<vmem>>, vector<16xf32>,
    %swap3A_1807 = arith.constant 7280 : index
    %swap3A_1808 = tpu.vector_load %arg10[%swap3A_1807] {strides = array<i32>} : memref<8704xf32, #tpu.memory_space<vmem>>, vector<16xf32>,
    tpu.vector_store %arg10[%swap3A_1807], %neg3A_1793 {strides = array<i32>} : memref<8704xf32, #tpu.memory_space<vmem>>, vector<16xf32>,
    %swap3A_1809 = arith.constant 7408 : index
    %swap3A_1810 = tpu.vector_load %arg10[%swap3A_1809] {strides = array<i32>} : memref<8704xf32, #tpu.memory_space<vmem>>, vector<16xf32>,
    tpu.vector_store %arg10[%swap3A_1809], %mul3A_1794 {strides = array<i32>} : memref<8704xf32, #tpu.memory_space<vmem>>, vector<16xf32>,
    %swap3A_1811 = arith.constant 7536 : index
    %swap3A_1812 = tpu.vector_load %arg10[%swap3A_1811] {strides = array<i32>} : memref<8704xf32, #tpu.memory_space<vmem>>, vector<16xf32>,
    tpu.vector_store %arg10[%swap3A_1811], %neg3A_1770 {strides = array<i32>} : memref<8704xf32, #tpu.memory_space<vmem>>, vector<16xf32>,
    %mul3A_1813 = arith.constant 2048 : i32
    %mul3A_1814 = arith.muli %add3A, %mul3A_1813 : i32
    %add3A_1815 = arith.constant 0 : i32
    %add3A_1816 = arith.addi %add3A_1815, %mul3A_1814 : i32
    %add3A_1817 = arith.constant 512 : i32
    %add3A_1818 = arith.addi %add3A_1816, %add3A_1817 : i32
    %dma_start3A_1819 = arith.constant 3072 : i32
    %dma_start3A_1820 = tpu.memref_slice %arg10[%dma_start3A_1819] : memref<8704xf32, #tpu.memory_space<vmem>> -> memref<512xf32, #tpu.memory_space<vmem>>
    %dma_start3A_1821 = tpu.memref_slice %arg8[%add3A_1818] : memref<196608xf32, #tpu.memory_space<hbm>> -> memref<512xf32, #tpu.memory_space<hbm>>
    %dma_start3A_1822 = tpu.memref_slice %arg8[%add3A_1818] : memref<196608xf32, #tpu.memory_space<hbm>> -> memref<512xf32, #tpu.memory_space<hbm>>
    %dma_start3A_1823 = arith.constant 3072 : i32
    %dma_start3A_1824 = tpu.memref_slice %arg10[%dma_start3A_1823] : memref<8704xf32, #tpu.memory_space<vmem>> -> memref<512xf32, #tpu.memory_space<vmem>>
    tpu.enqueue_dma source(%dma_start3A_1824 : memref<512xf32, #tpu.memory_space<vmem>>) target(%dma_start3A_1822 : memref<512xf32, #tpu.memory_space<hbm>>) target_semaphore(%arg15 : memref<!tpu.dma_semaphore, #tpu.memory_space<semaphore_mem>>)
    %mul3A_1825 = arith.constant 2048 : i32
    %mul3A_1826 = arith.muli %add3A, %mul3A_1825 : i32
    %add3A_1827 = arith.constant 65536 : i32
    %add3A_1828 = arith.addi %add3A_1827, %mul3A_1826 : i32
    %add3A_1829 = arith.constant 512 : i32
    %add3A_1830 = arith.addi %add3A_1828, %add3A_1829 : i32
    %dma_start3A_1831 = arith.constant 5120 : i32
    %dma_start3A_1832 = tpu.memref_slice %arg10[%dma_start3A_1831] : memref<8704xf32, #tpu.memory_space<vmem>> -> memref<512xf32, #tpu.memory_space<vmem>>
    %dma_start3A_1833 = tpu.memref_slice %arg8[%add3A_1830] : memref<196608xf32, #tpu.memory_space<hbm>> -> memref<512xf32, #tpu.memory_space<hbm>>
    %dma_start3A_1834 = tpu.memref_slice %arg8[%add3A_1830] : memref<196608xf32, #tpu.memory_space<hbm>> -> memref<512xf32, #tpu.memory_space<hbm>>
    %dma_start3A_1835 = arith.constant 5120 : i32
    %dma_start3A_1836 = tpu.memref_slice %arg10[%dma_start3A_1835] : memref<8704xf32, #tpu.memory_space<vmem>> -> memref<512xf32, #tpu.memory_space<vmem>>
    tpu.enqueue_dma source(%dma_start3A_1836 : memref<512xf32, #tpu.memory_space<vmem>>) target(%dma_start3A_1834 : memref<512xf32, #tpu.memory_space<hbm>>) target_semaphore(%arg15 : memref<!tpu.dma_semaphore, #tpu.memory_space<semaphore_mem>>)
    %mul3A_1837 = arith.constant 2048 : i32
    %mul3A_1838 = arith.muli %add3A, %mul3A_1837 : i32
    %add3A_1839 = arith.constant 131072 : i32
    %add3A_1840 = arith.addi %add3A_1839, %mul3A_1838 : i32
    %add3A_1841 = arith.constant 512 : i32
    %add3A_1842 = arith.addi %add3A_1840, %add3A_1841 : i32
    %dma_start3A_1843 = arith.constant 7168 : i32
    %dma_start3A_1844 = tpu.memref_slice %arg10[%dma_start3A_1843] : memref<8704xf32, #tpu.memory_space<vmem>> -> memref<512xf32, #tpu.memory_space<vmem>>
    %dma_start3A_1845 = tpu.memref_slice %arg8[%add3A_1842] : memref<196608xf32, #tpu.memory_space<hbm>> -> memref<512xf32, #tpu.memory_space<hbm>>
    %dma_start3A_1846 = tpu.memref_slice %arg8[%add3A_1842] : memref<196608xf32, #tpu.memory_space<hbm>> -> memref<512xf32, #tpu.memory_space<hbm>>
    %dma_start3A_1847 = arith.constant 7168 : i32
    %dma_start3A_1848 = tpu.memref_slice %arg10[%dma_start3A_1847] : memref<8704xf32, #tpu.memory_space<vmem>> -> memref<512xf32, #tpu.memory_space<vmem>>
    tpu.enqueue_dma source(%dma_start3A_1848 : memref<512xf32, #tpu.memory_space<vmem>>) target(%dma_start3A_1846 : memref<512xf32, #tpu.memory_space<hbm>>) target_semaphore(%arg15 : memref<!tpu.dma_semaphore, #tpu.memory_space<semaphore_mem>>)
    %dma_wait3A_1849 = arith.constant 256 : i32
    %dma_wait3A_1850 = tpu.memref_slice %arg10[%dma_wait3A_1849] : memref<8704xf32, #tpu.memory_space<vmem>> -> memref<256xf32, #tpu.memory_space<vmem>>
    %dma_wait3A_1851 = arith.constant 256 : i32
    %dma_wait3A_1852 = tpu.memref_slice %arg9[%dma_wait3A_1851] : memref<512xi32, #tpu.memory_space<vmem>> -> memref<256xi32, #tpu.memory_space<vmem>>
    %dma_wait3A_1853 = arith.constant 0 : i32
    %dma_wait3A_1854 = tpu.memref_slice %arg3[%dma_wait3A_1853] : memref<100000xf32, #tpu.memory_space<hbm>> -> memref<100000xf32, #tpu.memory_space<hbm>>
    tpu.wait_indirect_dma semaphore(%arg14 : memref<!tpu.dma_semaphore, #tpu.memory_space<semaphore_mem>>) src(%dma_wait3A_1854 : memref<100000xf32, #tpu.memory_space<hbm>>) dst(%dma_wait3A_1850 : memref<256xf32, #tpu.memory_space<vmem>>)
    %dma_wait3A_1855 = arith.constant 768 : i32
    %dma_wait3A_1856 = tpu.memref_slice %arg10[%dma_wait3A_1855] : memref<8704xf32, #tpu.memory_space<vmem>> -> memref<256xf32, #tpu.memory_space<vmem>>
    %dma_wait3A_1857 = arith.constant 256 : i32
    %dma_wait3A_1858 = tpu.memref_slice %arg9[%dma_wait3A_1857] : memref<512xi32, #tpu.memory_space<vmem>> -> memref<256xi32, #tpu.memory_space<vmem>>
    %dma_wait3A_1859 = arith.constant 0 : i32
    %dma_wait3A_1860 = tpu.memref_slice %arg4[%dma_wait3A_1859] : memref<100000xf32, #tpu.memory_space<hbm>> -> memref<100000xf32, #tpu.memory_space<hbm>>
    tpu.wait_indirect_dma semaphore(%arg14 : memref<!tpu.dma_semaphore, #tpu.memory_space<semaphore_mem>>) src(%dma_wait3A_1860 : memref<100000xf32, #tpu.memory_space<hbm>>) dst(%dma_wait3A_1856 : memref<256xf32, #tpu.memory_space<vmem>>)
    %dma_wait3A_1861 = arith.constant 1280 : i32
    %dma_wait3A_1862 = tpu.memref_slice %arg10[%dma_wait3A_1861] : memref<8704xf32, #tpu.memory_space<vmem>> -> memref<256xf32, #tpu.memory_space<vmem>>
    %dma_wait3A_1863 = arith.constant 256 : i32
    %dma_wait3A_1864 = tpu.memref_slice %arg9[%dma_wait3A_1863] : memref<512xi32, #tpu.memory_space<vmem>> -> memref<256xi32, #tpu.memory_space<vmem>>
    %dma_wait3A_1865 = arith.constant 0 : i32
    %dma_wait3A_1866 = tpu.memref_slice %arg5[%dma_wait3A_1865] : memref<100000xf32, #tpu.memory_space<hbm>> -> memref<100000xf32, #tpu.memory_space<hbm>>
    tpu.wait_indirect_dma semaphore(%arg14 : memref<!tpu.dma_semaphore, #tpu.memory_space<semaphore_mem>>) src(%dma_wait3A_1866 : memref<100000xf32, #tpu.memory_space<hbm>>) dst(%dma_wait3A_1862 : memref<256xf32, #tpu.memory_space<vmem>>)
    %dma_wait3A_1867 = arith.constant 1792 : i32
    %dma_wait3A_1868 = tpu.memref_slice %arg10[%dma_wait3A_1867] : memref<8704xf32, #tpu.memory_space<vmem>> -> memref<256xf32, #tpu.memory_space<vmem>>
    %dma_wait3A_1869 = arith.constant 256 : i32
    %dma_wait3A_1870 = tpu.memref_slice %arg9[%dma_wait3A_1869] : memref<512xi32, #tpu.memory_space<vmem>> -> memref<256xi32, #tpu.memory_space<vmem>>
    %dma_wait3A_1871 = arith.constant 0 : i32
    %dma_wait3A_1872 = tpu.memref_slice %arg6[%dma_wait3A_1871] : memref<100000xf32, #tpu.memory_space<hbm>> -> memref<100000xf32, #tpu.memory_space<hbm>>
    tpu.wait_indirect_dma semaphore(%arg14 : memref<!tpu.dma_semaphore, #tpu.memory_space<semaphore_mem>>) src(%dma_wait3A_1872 : memref<100000xf32, #tpu.memory_space<hbm>>) dst(%dma_wait3A_1868 : memref<256xf32, #tpu.memory_space<vmem>>)
    %dma_wait3A_1873 = arith.constant 2304 : i32
    %dma_wait3A_1874 = tpu.memref_slice %arg10[%dma_wait3A_1873] : memref<8704xf32, #tpu.memory_space<vmem>> -> memref<256xf32, #tpu.memory_space<vmem>>
    %dma_wait3A_1875 = arith.constant 256 : i32
    %dma_wait3A_1876 = tpu.memref_slice %arg9[%dma_wait3A_1875] : memref<512xi32, #tpu.memory_space<vmem>> -> memref<256xi32, #tpu.memory_space<vmem>>
    %dma_wait3A_1877 = arith.constant 0 : i32
    %dma_wait3A_1878 = tpu.memref_slice %arg7[%dma_wait3A_1877] : memref<100000xf32, #tpu.memory_space<hbm>> -> memref<100000xf32, #tpu.memory_space<hbm>>
    tpu.wait_indirect_dma semaphore(%arg14 : memref<!tpu.dma_semaphore, #tpu.memory_space<semaphore_mem>>) src(%dma_wait3A_1878 : memref<100000xf32, #tpu.memory_space<hbm>>) dst(%dma_wait3A_1874 : memref<256xf32, #tpu.memory_space<vmem>>)
    %get3A_1879 = arith.constant 256 : index
    %get3A_1880 = tpu.vector_load %arg10[%get3A_1879] {strides = array<i32>} : memref<8704xf32, #tpu.memory_space<vmem>>, vector<16xf32>,
    %get3A_1881 = arith.constant 768 : index
    %get3A_1882 = tpu.vector_load %arg10[%get3A_1881] {strides = array<i32>} : memref<8704xf32, #tpu.memory_space<vmem>>, vector<16xf32>,
    %get3A_1883 = arith.constant 1280 : index
    %get3A_1884 = tpu.vector_load %arg10[%get3A_1883] {strides = array<i32>} : memref<8704xf32, #tpu.memory_space<vmem>>, vector<16xf32>,
    %get3A_1885 = arith.constant 1792 : index
    %get3A_1886 = tpu.vector_load %arg10[%get3A_1885] {strides = array<i32>} : memref<8704xf32, #tpu.memory_space<vmem>>, vector<16xf32>,
    %get3A_1887 = arith.constant 2304 : index
    %get3A_1888 = tpu.vector_load %arg10[%get3A_1887] {strides = array<i32>} : memref<8704xf32, #tpu.memory_space<vmem>>, vector<16xf32>,
    %sub3A_1889 = arith.constant 1.57079637 : f32
    %sub3A_1890 = vector.broadcast %sub3A_1889 : f32 to vector<16xf32>
    %sub3A_1891 = arith.subf %get3A_1884, %sub3A_1890 : vector<16xf32>
    %mul3A_1892 = arith.mulf %sub3A_1891, %sub3A_1891 : vector<16xf32>
    %mul3A_1893 = arith.constant -2.50521079E-8 : f32
    %mul3A_1894 = vector.broadcast %mul3A_1893 : f32 to vector<16xf32>
    %mul3A_1895 = arith.mulf %mul3A_1892, %mul3A_1894 : vector<16xf32>
    %add3A_1896 = arith.constant 2.75573188E-6 : f32
    %add3A_1897 = vector.broadcast %add3A_1896 : f32 to vector<16xf32>
    %add3A_1898 = arith.addf %add3A_1897, %mul3A_1895 : vector<16xf32>
    %mul3A_1899 = arith.mulf %mul3A_1892, %add3A_1898 : vector<16xf32>
    %add3A_1900 = arith.constant -1.98412701E-4 : f32
    %add3A_1901 = vector.broadcast %add3A_1900 : f32 to vector<16xf32>
    %add3A_1902 = arith.addf %add3A_1901, %mul3A_1899 : vector<16xf32>
    %mul3A_1903 = arith.mulf %mul3A_1892, %add3A_1902 : vector<16xf32>
    %add3A_1904 = arith.constant 0.00833333377 : f32
    %add3A_1905 = vector.broadcast %add3A_1904 : f32 to vector<16xf32>
    %add3A_1906 = arith.addf %add3A_1905, %mul3A_1903 : vector<16xf32>
    %mul3A_1907 = arith.mulf %mul3A_1892, %add3A_1906 : vector<16xf32>
    %add3A_1908 = arith.constant -0.166666672 : f32
    %add3A_1909 = vector.broadcast %add3A_1908 : f32 to vector<16xf32>
    %add3A_1910 = arith.addf %add3A_1909, %mul3A_1907 : vector<16xf32>
    %mul3A_1911 = arith.mulf %mul3A_1892, %add3A_1910 : vector<16xf32>
    %add3A_1912 = arith.constant 1.000000e+00 : f32
    %add3A_1913 = vector.broadcast %add3A_1912 : f32 to vector<16xf32>
    %add3A_1914 = arith.addf %add3A_1913, %mul3A_1911 : vector<16xf32>
    %mul3A_1915 = arith.mulf %sub3A_1891, %add3A_1914 : vector<16xf32>
    %mul3A_1916 = arith.constant -2.755732E-7 : f32
    %mul3A_1917 = vector.broadcast %mul3A_1916 : f32 to vector<16xf32>
    %mul3A_1918 = arith.mulf %mul3A_1892, %mul3A_1917 : vector<16xf32>
    %add3A_1919 = arith.constant 2.48015876E-5 : f32
    %add3A_1920 = vector.broadcast %add3A_1919 : f32 to vector<16xf32>
    %add3A_1921 = arith.addf %add3A_1920, %mul3A_1918 : vector<16xf32>
    %mul3A_1922 = arith.mulf %mul3A_1892, %add3A_1921 : vector<16xf32>
    %add3A_1923 = arith.constant -0.00138888892 : f32
    %add3A_1924 = vector.broadcast %add3A_1923 : f32 to vector<16xf32>
    %add3A_1925 = arith.addf %add3A_1924, %mul3A_1922 : vector<16xf32>
    %mul3A_1926 = arith.mulf %mul3A_1892, %add3A_1925 : vector<16xf32>
    %add3A_1927 = arith.constant 0.0416666679 : f32
    %add3A_1928 = vector.broadcast %add3A_1927 : f32 to vector<16xf32>
    %add3A_1929 = arith.addf %add3A_1928, %mul3A_1926 : vector<16xf32>
    %mul3A_1930 = arith.mulf %mul3A_1892, %add3A_1929 : vector<16xf32>
    %add3A_1931 = arith.constant -5.000000e-01 : f32
    %add3A_1932 = vector.broadcast %add3A_1931 : f32 to vector<16xf32>
    %add3A_1933 = arith.addf %add3A_1932, %mul3A_1930 : vector<16xf32>
    %mul3A_1934 = arith.mulf %mul3A_1892, %add3A_1933 : vector<16xf32>
    %add3A_1935 = arith.constant 1.000000e+00 : f32
    %add3A_1936 = vector.broadcast %add3A_1935 : f32 to vector<16xf32>
    %add3A_1937 = arith.addf %add3A_1936, %mul3A_1934 : vector<16xf32>
    %neg3A_1938 = arith.constant 0.000000e+00 : f32
    %neg3A_1939 = vector.broadcast %neg3A_1938 : f32 to vector<16xf32>
    %neg3A_1940 = arith.subf %neg3A_1939, %mul3A_1915 : vector<16xf32>
    %mul3A_1941 = arith.mulf %get3A_1880, %neg3A_1940 : vector<16xf32>
    %mul3A_1942 = arith.mulf %get3A_1882, %neg3A_1940 : vector<16xf32>
    %mul3A_1943 = arith.mulf %mul3A_1941, %get3A_1886 : vector<16xf32>
    %mul3A_1944 = arith.mulf %get3A_1882, %get3A_1888 : vector<16xf32>
    %sub3A_1945 = arith.subf %mul3A_1943, %mul3A_1944 : vector<16xf32>
    %mul3A_1946 = arith.mulf %mul3A_1941, %get3A_1888 : vector<16xf32>
    %neg3A_1947 = arith.constant 0.000000e+00 : f32
    %neg3A_1948 = vector.broadcast %neg3A_1947 : f32 to vector<16xf32>
    %neg3A_1949 = arith.subf %neg3A_1948, %mul3A_1946 : vector<16xf32>
    %mul3A_1950 = arith.mulf %get3A_1882, %get3A_1886 : vector<16xf32>
    %sub3A_1951 = arith.subf %neg3A_1949, %mul3A_1950 : vector<16xf32>
    %mul3A_1952 = arith.mulf %get3A_1880, %add3A_1937 : vector<16xf32>
    %mul3A_1953 = arith.mulf %mul3A_1942, %get3A_1886 : vector<16xf32>
    %mul3A_1954 = arith.mulf %get3A_1880, %get3A_1888 : vector<16xf32>
    %add3A_1955 = arith.addf %mul3A_1953, %mul3A_1954 : vector<16xf32>
    %mul3A_1956 = arith.mulf %get3A_1880, %get3A_1886 : vector<16xf32>
    %mul3A_1957 = arith.mulf %mul3A_1942, %get3A_1888 : vector<16xf32>
    %sub3A_1958 = arith.subf %mul3A_1956, %mul3A_1957 : vector<16xf32>
    %mul3A_1959 = arith.mulf %get3A_1882, %add3A_1937 : vector<16xf32>
    %mul3A_1960 = arith.mulf %add3A_1937, %get3A_1886 : vector<16xf32>
    %neg3A_1961 = arith.constant 0.000000e+00 : f32
    %neg3A_1962 = vector.broadcast %neg3A_1961 : f32 to vector<16xf32>
    %neg3A_1963 = arith.subf %neg3A_1962, %mul3A_1960 : vector<16xf32>
    %mul3A_1964 = arith.mulf %add3A_1937, %get3A_1888 : vector<16xf32>
    %swap3A_1965 = arith.constant 3584 : index
    %swap3A_1966 = tpu.vector_load %arg10[%swap3A_1965] {strides = array<i32>} : memref<8704xf32, #tpu.memory_space<vmem>>, vector<16xf32>,
    tpu.vector_store %arg10[%swap3A_1965], %sub3A_1945 {strides = array<i32>} : memref<8704xf32, #tpu.memory_space<vmem>>, vector<16xf32>,
    %swap3A_1967 = arith.constant 3712 : index
    %swap3A_1968 = tpu.vector_load %arg10[%swap3A_1967] {strides = array<i32>} : memref<8704xf32, #tpu.memory_space<vmem>>, vector<16xf32>,
    tpu.vector_store %arg10[%swap3A_1967], %sub3A_1951 {strides = array<i32>} : memref<8704xf32, #tpu.memory_space<vmem>>, vector<16xf32>,
    %swap3A_1969 = arith.constant 3840 : index
    %swap3A_1970 = tpu.vector_load %arg10[%swap3A_1969] {strides = array<i32>} : memref<8704xf32, #tpu.memory_space<vmem>>, vector<16xf32>,
    tpu.vector_store %arg10[%swap3A_1969], %mul3A_1952 {strides = array<i32>} : memref<8704xf32, #tpu.memory_space<vmem>>, vector<16xf32>,
    %swap3A_1971 = arith.constant 5632 : index
    %swap3A_1972 = tpu.vector_load %arg10[%swap3A_1971] {strides = array<i32>} : memref<8704xf32, #tpu.memory_space<vmem>>, vector<16xf32>,
    tpu.vector_store %arg10[%swap3A_1971], %add3A_1955 {strides = array<i32>} : memref<8704xf32, #tpu.memory_space<vmem>>, vector<16xf32>,
    %swap3A_1973 = arith.constant 5760 : index
    %swap3A_1974 = tpu.vector_load %arg10[%swap3A_1973] {strides = array<i32>} : memref<8704xf32, #tpu.memory_space<vmem>>, vector<16xf32>,
    tpu.vector_store %arg10[%swap3A_1973], %sub3A_1958 {strides = array<i32>} : memref<8704xf32, #tpu.memory_space<vmem>>, vector<16xf32>,
    %swap3A_1975 = arith.constant 5888 : index
    %swap3A_1976 = tpu.vector_load %arg10[%swap3A_1975] {strides = array<i32>} : memref<8704xf32, #tpu.memory_space<vmem>>, vector<16xf32>,
    tpu.vector_store %arg10[%swap3A_1975], %mul3A_1959 {strides = array<i32>} : memref<8704xf32, #tpu.memory_space<vmem>>, vector<16xf32>,
    %swap3A_1977 = arith.constant 7680 : index
    %swap3A_1978 = tpu.vector_load %arg10[%swap3A_1977] {strides = array<i32>} : memref<8704xf32, #tpu.memory_space<vmem>>, vector<16xf32>,
    tpu.vector_store %arg10[%swap3A_1977], %neg3A_1963 {strides = array<i32>} : memref<8704xf32, #tpu.memory_space<vmem>>, vector<16xf32>,
    %swap3A_1979 = arith.constant 7808 : index
    %swap3A_1980 = tpu.vector_load %arg10[%swap3A_1979] {strides = array<i32>} : memref<8704xf32, #tpu.memory_space<vmem>>, vector<16xf32>,
    tpu.vector_store %arg10[%swap3A_1979], %mul3A_1964 {strides = array<i32>} : memref<8704xf32, #tpu.memory_space<vmem>>, vector<16xf32>,
    %swap3A_1981 = arith.constant 7936 : index
    %swap3A_1982 = tpu.vector_load %arg10[%swap3A_1981] {strides = array<i32>} : memref<8704xf32, #tpu.memory_space<vmem>>, vector<16xf32>,
    tpu.vector_store %arg10[%swap3A_1981], %neg3A_1940 {strides = array<i32>} : memref<8704xf32, #tpu.memory_space<vmem>>, vector<16xf32>,
    %get3A_1983 = arith.constant 272 : index
    %get3A_1984 = tpu.vector_load %arg10[%get3A_1983] {strides = array<i32>} : memref<8704xf32, #tpu.memory_space<vmem>>, vector<16xf32>,
    %get3A_1985 = arith.constant 784 : index
    %get3A_1986 = tpu.vector_load %arg10[%get3A_1985] {strides = array<i32>} : memref<8704xf32, #tpu.memory_space<vmem>>, vector<16xf32>,
    %get3A_1987 = arith.constant 1296 : index
    %get3A_1988 = tpu.vector_load %arg10[%get3A_1987] {strides = array<i32>} : memref<8704xf32, #tpu.memory_space<vmem>>, vector<16xf32>,
    %get3A_1989 = arith.constant 1808 : index
    %get3A_1990 = tpu.vector_load %arg10[%get3A_1989] {strides = array<i32>} : memref<8704xf32, #tpu.memory_space<vmem>>, vector<16xf32>,
    %get3A_1991 = arith.constant 2320 : index
    %get3A_1992 = tpu.vector_load %arg10[%get3A_1991] {strides = array<i32>} : memref<8704xf32, #tpu.memory_space<vmem>>, vector<16xf32>,
    %sub3A_1993 = arith.constant 1.57079637 : f32
    %sub3A_1994 = vector.broadcast %sub3A_1993 : f32 to vector<16xf32>
    %sub3A_1995 = arith.subf %get3A_1988, %sub3A_1994 : vector<16xf32>
    %mul3A_1996 = arith.mulf %sub3A_1995, %sub3A_1995 : vector<16xf32>
    %mul3A_1997 = arith.constant -2.50521079E-8 : f32
    %mul3A_1998 = vector.broadcast %mul3A_1997 : f32 to vector<16xf32>
    %mul3A_1999 = arith.mulf %mul3A_1996, %mul3A_1998 : vector<16xf32>
    %add3A_2000 = arith.constant 2.75573188E-6 : f32
    %add3A_2001 = vector.broadcast %add3A_2000 : f32 to vector<16xf32>
    %add3A_2002 = arith.addf %add3A_2001, %mul3A_1999 : vector<16xf32>
    %mul3A_2003 = arith.mulf %mul3A_1996, %add3A_2002 : vector<16xf32>
    %add3A_2004 = arith.constant -1.98412701E-4 : f32
    %add3A_2005 = vector.broadcast %add3A_2004 : f32 to vector<16xf32>
    %add3A_2006 = arith.addf %add3A_2005, %mul3A_2003 : vector<16xf32>
    %mul3A_2007 = arith.mulf %mul3A_1996, %add3A_2006 : vector<16xf32>
    %add3A_2008 = arith.constant 0.00833333377 : f32
    %add3A_2009 = vector.broadcast %add3A_2008 : f32 to vector<16xf32>
    %add3A_2010 = arith.addf %add3A_2009, %mul3A_2007 : vector<16xf32>
    %mul3A_2011 = arith.mulf %mul3A_1996, %add3A_2010 : vector<16xf32>
    %add3A_2012 = arith.constant -0.166666672 : f32
    %add3A_2013 = vector.broadcast %add3A_2012 : f32 to vector<16xf32>
    %add3A_2014 = arith.addf %add3A_2013, %mul3A_2011 : vector<16xf32>
    %mul3A_2015 = arith.mulf %mul3A_1996, %add3A_2014 : vector<16xf32>
    %add3A_2016 = arith.constant 1.000000e+00 : f32
    %add3A_2017 = vector.broadcast %add3A_2016 : f32 to vector<16xf32>
    %add3A_2018 = arith.addf %add3A_2017, %mul3A_2015 : vector<16xf32>
    %mul3A_2019 = arith.mulf %sub3A_1995, %add3A_2018 : vector<16xf32>
    %mul3A_2020 = arith.constant -2.755732E-7 : f32
    %mul3A_2021 = vector.broadcast %mul3A_2020 : f32 to vector<16xf32>
    %mul3A_2022 = arith.mulf %mul3A_1996, %mul3A_2021 : vector<16xf32>
    %add3A_2023 = arith.constant 2.48015876E-5 : f32
    %add3A_2024 = vector.broadcast %add3A_2023 : f32 to vector<16xf32>
    %add3A_2025 = arith.addf %add3A_2024, %mul3A_2022 : vector<16xf32>
    %mul3A_2026 = arith.mulf %mul3A_1996, %add3A_2025 : vector<16xf32>
    %add3A_2027 = arith.constant -0.00138888892 : f32
    %add3A_2028 = vector.broadcast %add3A_2027 : f32 to vector<16xf32>
    %add3A_2029 = arith.addf %add3A_2028, %mul3A_2026 : vector<16xf32>
    %mul3A_2030 = arith.mulf %mul3A_1996, %add3A_2029 : vector<16xf32>
    %add3A_2031 = arith.constant 0.0416666679 : f32
    %add3A_2032 = vector.broadcast %add3A_2031 : f32 to vector<16xf32>
    %add3A_2033 = arith.addf %add3A_2032, %mul3A_2030 : vector<16xf32>
    %mul3A_2034 = arith.mulf %mul3A_1996, %add3A_2033 : vector<16xf32>
    %add3A_2035 = arith.constant -5.000000e-01 : f32
    %add3A_2036 = vector.broadcast %add3A_2035 : f32 to vector<16xf32>
    %add3A_2037 = arith.addf %add3A_2036, %mul3A_2034 : vector<16xf32>
    %mul3A_2038 = arith.mulf %mul3A_1996, %add3A_2037 : vector<16xf32>
    %add3A_2039 = arith.constant 1.000000e+00 : f32
    %add3A_2040 = vector.broadcast %add3A_2039 : f32 to vector<16xf32>
    %add3A_2041 = arith.addf %add3A_2040, %mul3A_2038 : vector<16xf32>
    %neg3A_2042 = arith.constant 0.000000e+00 : f32
    %neg3A_2043 = vector.broadcast %neg3A_2042 : f32 to vector<16xf32>
    %neg3A_2044 = arith.subf %neg3A_2043, %mul3A_2019 : vector<16xf32>
    %mul3A_2045 = arith.mulf %get3A_1984, %neg3A_2044 : vector<16xf32>
    %mul3A_2046 = arith.mulf %get3A_1986, %neg3A_2044 : vector<16xf32>
    %mul3A_2047 = arith.mulf %mul3A_2045, %get3A_1990 : vector<16xf32>
    %mul3A_2048 = arith.mulf %get3A_1986, %get3A_1992 : vector<16xf32>
    %sub3A_2049 = arith.subf %mul3A_2047, %mul3A_2048 : vector<16xf32>
    %mul3A_2050 = arith.mulf %mul3A_2045, %get3A_1992 : vector<16xf32>
    %neg3A_2051 = arith.constant 0.000000e+00 : f32
    %neg3A_2052 = vector.broadcast %neg3A_2051 : f32 to vector<16xf32>
    %neg3A_2053 = arith.subf %neg3A_2052, %mul3A_2050 : vector<16xf32>
    %mul3A_2054 = arith.mulf %get3A_1986, %get3A_1990 : vector<16xf32>
    %sub3A_2055 = arith.subf %neg3A_2053, %mul3A_2054 : vector<16xf32>
    %mul3A_2056 = arith.mulf %get3A_1984, %add3A_2041 : vector<16xf32>
    %mul3A_2057 = arith.mulf %mul3A_2046, %get3A_1990 : vector<16xf32>
    %mul3A_2058 = arith.mulf %get3A_1984, %get3A_1992 : vector<16xf32>
    %add3A_2059 = arith.addf %mul3A_2057, %mul3A_2058 : vector<16xf32>
    %mul3A_2060 = arith.mulf %get3A_1984, %get3A_1990 : vector<16xf32>
    %mul3A_2061 = arith.mulf %mul3A_2046, %get3A_1992 : vector<16xf32>
    %sub3A_2062 = arith.subf %mul3A_2060, %mul3A_2061 : vector<16xf32>
    %mul3A_2063 = arith.mulf %get3A_1986, %add3A_2041 : vector<16xf32>
    %mul3A_2064 = arith.mulf %add3A_2041, %get3A_1990 : vector<16xf32>
    %neg3A_2065 = arith.constant 0.000000e+00 : f32
    %neg3A_2066 = vector.broadcast %neg3A_2065 : f32 to vector<16xf32>
    %neg3A_2067 = arith.subf %neg3A_2066, %mul3A_2064 : vector<16xf32>
    %mul3A_2068 = arith.mulf %add3A_2041, %get3A_1992 : vector<16xf32>
    %swap3A_2069 = arith.constant 3600 : index
    %swap3A_2070 = tpu.vector_load %arg10[%swap3A_2069] {strides = array<i32>} : memref<8704xf32, #tpu.memory_space<vmem>>, vector<16xf32>,
    tpu.vector_store %arg10[%swap3A_2069], %sub3A_2049 {strides = array<i32>} : memref<8704xf32, #tpu.memory_space<vmem>>, vector<16xf32>,
    %swap3A_2071 = arith.constant 3728 : index
    %swap3A_2072 = tpu.vector_load %arg10[%swap3A_2071] {strides = array<i32>} : memref<8704xf32, #tpu.memory_space<vmem>>, vector<16xf32>,
    tpu.vector_store %arg10[%swap3A_2071], %sub3A_2055 {strides = array<i32>} : memref<8704xf32, #tpu.memory_space<vmem>>, vector<16xf32>,
    %swap3A_2073 = arith.constant 3856 : index
    %swap3A_2074 = tpu.vector_load %arg10[%swap3A_2073] {strides = array<i32>} : memref<8704xf32, #tpu.memory_space<vmem>>, vector<16xf32>,
    tpu.vector_store %arg10[%swap3A_2073], %mul3A_2056 {strides = array<i32>} : memref<8704xf32, #tpu.memory_space<vmem>>, vector<16xf32>,
    %swap3A_2075 = arith.constant 5648 : index
    %swap3A_2076 = tpu.vector_load %arg10[%swap3A_2075] {strides = array<i32>} : memref<8704xf32, #tpu.memory_space<vmem>>, vector<16xf32>,
    tpu.vector_store %arg10[%swap3A_2075], %add3A_2059 {strides = array<i32>} : memref<8704xf32, #tpu.memory_space<vmem>>, vector<16xf32>,
    %swap3A_2077 = arith.constant 5776 : index
    %swap3A_2078 = tpu.vector_load %arg10[%swap3A_2077] {strides = array<i32>} : memref<8704xf32, #tpu.memory_space<vmem>>, vector<16xf32>,
    tpu.vector_store %arg10[%swap3A_2077], %sub3A_2062 {strides = array<i32>} : memref<8704xf32, #tpu.memory_space<vmem>>, vector<16xf32>,
    %swap3A_2079 = arith.constant 5904 : index
    %swap3A_2080 = tpu.vector_load %arg10[%swap3A_2079] {strides = array<i32>} : memref<8704xf32, #tpu.memory_space<vmem>>, vector<16xf32>,
    tpu.vector_store %arg10[%swap3A_2079], %mul3A_2063 {strides = array<i32>} : memref<8704xf32, #tpu.memory_space<vmem>>, vector<16xf32>,
    %swap3A_2081 = arith.constant 7696 : index
    %swap3A_2082 = tpu.vector_load %arg10[%swap3A_2081] {strides = array<i32>} : memref<8704xf32, #tpu.memory_space<vmem>>, vector<16xf32>,
    tpu.vector_store %arg10[%swap3A_2081], %neg3A_2067 {strides = array<i32>} : memref<8704xf32, #tpu.memory_space<vmem>>, vector<16xf32>,
    %swap3A_2083 = arith.constant 7824 : index
    %swap3A_2084 = tpu.vector_load %arg10[%swap3A_2083] {strides = array<i32>} : memref<8704xf32, #tpu.memory_space<vmem>>, vector<16xf32>,
    tpu.vector_store %arg10[%swap3A_2083], %mul3A_2068 {strides = array<i32>} : memref<8704xf32, #tpu.memory_space<vmem>>, vector<16xf32>,
    %swap3A_2085 = arith.constant 7952 : index
    %swap3A_2086 = tpu.vector_load %arg10[%swap3A_2085] {strides = array<i32>} : memref<8704xf32, #tpu.memory_space<vmem>>, vector<16xf32>,
    tpu.vector_store %arg10[%swap3A_2085], %neg3A_2044 {strides = array<i32>} : memref<8704xf32, #tpu.memory_space<vmem>>, vector<16xf32>,
    %get3A_2087 = arith.constant 288 : index
    %get3A_2088 = tpu.vector_load %arg10[%get3A_2087] {strides = array<i32>} : memref<8704xf32, #tpu.memory_space<vmem>>, vector<16xf32>,
    %get3A_2089 = arith.constant 800 : index
    %get3A_2090 = tpu.vector_load %arg10[%get3A_2089] {strides = array<i32>} : memref<8704xf32, #tpu.memory_space<vmem>>, vector<16xf32>,
    %get3A_2091 = arith.constant 1312 : index
    %get3A_2092 = tpu.vector_load %arg10[%get3A_2091] {strides = array<i32>} : memref<8704xf32, #tpu.memory_space<vmem>>, vector<16xf32>,
    %get3A_2093 = arith.constant 1824 : index
    %get3A_2094 = tpu.vector_load %arg10[%get3A_2093] {strides = array<i32>} : memref<8704xf32, #tpu.memory_space<vmem>>, vector<16xf32>,
    %get3A_2095 = arith.constant 2336 : index
    %get3A_2096 = tpu.vector_load %arg10[%get3A_2095] {strides = array<i32>} : memref<8704xf32, #tpu.memory_space<vmem>>, vector<16xf32>,
    %sub3A_2097 = arith.constant 1.57079637 : f32
    %sub3A_2098 = vector.broadcast %sub3A_2097 : f32 to vector<16xf32>
    %sub3A_2099 = arith.subf %get3A_2092, %sub3A_2098 : vector<16xf32>
    %mul3A_2100 = arith.mulf %sub3A_2099, %sub3A_2099 : vector<16xf32>
    %mul3A_2101 = arith.constant -2.50521079E-8 : f32
    %mul3A_2102 = vector.broadcast %mul3A_2101 : f32 to vector<16xf32>
    %mul3A_2103 = arith.mulf %mul3A_2100, %mul3A_2102 : vector<16xf32>
    %add3A_2104 = arith.constant 2.75573188E-6 : f32
    %add3A_2105 = vector.broadcast %add3A_2104 : f32 to vector<16xf32>
    %add3A_2106 = arith.addf %add3A_2105, %mul3A_2103 : vector<16xf32>
    %mul3A_2107 = arith.mulf %mul3A_2100, %add3A_2106 : vector<16xf32>
    %add3A_2108 = arith.constant -1.98412701E-4 : f32
    %add3A_2109 = vector.broadcast %add3A_2108 : f32 to vector<16xf32>
    %add3A_2110 = arith.addf %add3A_2109, %mul3A_2107 : vector<16xf32>
    %mul3A_2111 = arith.mulf %mul3A_2100, %add3A_2110 : vector<16xf32>
    %add3A_2112 = arith.constant 0.00833333377 : f32
    %add3A_2113 = vector.broadcast %add3A_2112 : f32 to vector<16xf32>
    %add3A_2114 = arith.addf %add3A_2113, %mul3A_2111 : vector<16xf32>
    %mul3A_2115 = arith.mulf %mul3A_2100, %add3A_2114 : vector<16xf32>
    %add3A_2116 = arith.constant -0.166666672 : f32
    %add3A_2117 = vector.broadcast %add3A_2116 : f32 to vector<16xf32>
    %add3A_2118 = arith.addf %add3A_2117, %mul3A_2115 : vector<16xf32>
    %mul3A_2119 = arith.mulf %mul3A_2100, %add3A_2118 : vector<16xf32>
    %add3A_2120 = arith.constant 1.000000e+00 : f32
    %add3A_2121 = vector.broadcast %add3A_2120 : f32 to vector<16xf32>
    %add3A_2122 = arith.addf %add3A_2121, %mul3A_2119 : vector<16xf32>
    %mul3A_2123 = arith.mulf %sub3A_2099, %add3A_2122 : vector<16xf32>
    %mul3A_2124 = arith.constant -2.755732E-7 : f32
    %mul3A_2125 = vector.broadcast %mul3A_2124 : f32 to vector<16xf32>
    %mul3A_2126 = arith.mulf %mul3A_2100, %mul3A_2125 : vector<16xf32>
    %add3A_2127 = arith.constant 2.48015876E-5 : f32
    %add3A_2128 = vector.broadcast %add3A_2127 : f32 to vector<16xf32>
    %add3A_2129 = arith.addf %add3A_2128, %mul3A_2126 : vector<16xf32>
    %mul3A_2130 = arith.mulf %mul3A_2100, %add3A_2129 : vector<16xf32>
    %add3A_2131 = arith.constant -0.00138888892 : f32
    %add3A_2132 = vector.broadcast %add3A_2131 : f32 to vector<16xf32>
    %add3A_2133 = arith.addf %add3A_2132, %mul3A_2130 : vector<16xf32>
    %mul3A_2134 = arith.mulf %mul3A_2100, %add3A_2133 : vector<16xf32>
    %add3A_2135 = arith.constant 0.0416666679 : f32
    %add3A_2136 = vector.broadcast %add3A_2135 : f32 to vector<16xf32>
    %add3A_2137 = arith.addf %add3A_2136, %mul3A_2134 : vector<16xf32>
    %mul3A_2138 = arith.mulf %mul3A_2100, %add3A_2137 : vector<16xf32>
    %add3A_2139 = arith.constant -5.000000e-01 : f32
    %add3A_2140 = vector.broadcast %add3A_2139 : f32 to vector<16xf32>
    %add3A_2141 = arith.addf %add3A_2140, %mul3A_2138 : vector<16xf32>
    %mul3A_2142 = arith.mulf %mul3A_2100, %add3A_2141 : vector<16xf32>
    %add3A_2143 = arith.constant 1.000000e+00 : f32
    %add3A_2144 = vector.broadcast %add3A_2143 : f32 to vector<16xf32>
    %add3A_2145 = arith.addf %add3A_2144, %mul3A_2142 : vector<16xf32>
    %neg3A_2146 = arith.constant 0.000000e+00 : f32
    %neg3A_2147 = vector.broadcast %neg3A_2146 : f32 to vector<16xf32>
    %neg3A_2148 = arith.subf %neg3A_2147, %mul3A_2123 : vector<16xf32>
    %mul3A_2149 = arith.mulf %get3A_2088, %neg3A_2148 : vector<16xf32>
    %mul3A_2150 = arith.mulf %get3A_2090, %neg3A_2148 : vector<16xf32>
    %mul3A_2151 = arith.mulf %mul3A_2149, %get3A_2094 : vector<16xf32>
    %mul3A_2152 = arith.mulf %get3A_2090, %get3A_2096 : vector<16xf32>
    %sub3A_2153 = arith.subf %mul3A_2151, %mul3A_2152 : vector<16xf32>
    %mul3A_2154 = arith.mulf %mul3A_2149, %get3A_2096 : vector<16xf32>
    %neg3A_2155 = arith.constant 0.000000e+00 : f32
    %neg3A_2156 = vector.broadcast %neg3A_2155 : f32 to vector<16xf32>
    %neg3A_2157 = arith.subf %neg3A_2156, %mul3A_2154 : vector<16xf32>
    %mul3A_2158 = arith.mulf %get3A_2090, %get3A_2094 : vector<16xf32>
    %sub3A_2159 = arith.subf %neg3A_2157, %mul3A_2158 : vector<16xf32>
    %mul3A_2160 = arith.mulf %get3A_2088, %add3A_2145 : vector<16xf32>
    %mul3A_2161 = arith.mulf %mul3A_2150, %get3A_2094 : vector<16xf32>
    %mul3A_2162 = arith.mulf %get3A_2088, %get3A_2096 : vector<16xf32>
    %add3A_2163 = arith.addf %mul3A_2161, %mul3A_2162 : vector<16xf32>
    %mul3A_2164 = arith.mulf %get3A_2088, %get3A_2094 : vector<16xf32>
    %mul3A_2165 = arith.mulf %mul3A_2150, %get3A_2096 : vector<16xf32>
    %sub3A_2166 = arith.subf %mul3A_2164, %mul3A_2165 : vector<16xf32>
    %mul3A_2167 = arith.mulf %get3A_2090, %add3A_2145 : vector<16xf32>
    %mul3A_2168 = arith.mulf %add3A_2145, %get3A_2094 : vector<16xf32>
    %neg3A_2169 = arith.constant 0.000000e+00 : f32
    %neg3A_2170 = vector.broadcast %neg3A_2169 : f32 to vector<16xf32>
    %neg3A_2171 = arith.subf %neg3A_2170, %mul3A_2168 : vector<16xf32>
    %mul3A_2172 = arith.mulf %add3A_2145, %get3A_2096 : vector<16xf32>
    %swap3A_2173 = arith.constant 3616 : index
    %swap3A_2174 = tpu.vector_load %arg10[%swap3A_2173] {strides = array<i32>} : memref<8704xf32, #tpu.memory_space<vmem>>, vector<16xf32>,
    tpu.vector_store %arg10[%swap3A_2173], %sub3A_2153 {strides = array<i32>} : memref<8704xf32, #tpu.memory_space<vmem>>, vector<16xf32>,
    %swap3A_2175 = arith.constant 3744 : index
    %swap3A_2176 = tpu.vector_load %arg10[%swap3A_2175] {strides = array<i32>} : memref<8704xf32, #tpu.memory_space<vmem>>, vector<16xf32>,
    tpu.vector_store %arg10[%swap3A_2175], %sub3A_2159 {strides = array<i32>} : memref<8704xf32, #tpu.memory_space<vmem>>, vector<16xf32>,
    %swap3A_2177 = arith.constant 3872 : index
    %swap3A_2178 = tpu.vector_load %arg10[%swap3A_2177] {strides = array<i32>} : memref<8704xf32, #tpu.memory_space<vmem>>, vector<16xf32>,
    tpu.vector_store %arg10[%swap3A_2177], %mul3A_2160 {strides = array<i32>} : memref<8704xf32, #tpu.memory_space<vmem>>, vector<16xf32>,
    %swap3A_2179 = arith.constant 5664 : index
    %swap3A_2180 = tpu.vector_load %arg10[%swap3A_2179] {strides = array<i32>} : memref<8704xf32, #tpu.memory_space<vmem>>, vector<16xf32>,
    tpu.vector_store %arg10[%swap3A_2179], %add3A_2163 {strides = array<i32>} : memref<8704xf32, #tpu.memory_space<vmem>>, vector<16xf32>,
    %swap3A_2181 = arith.constant 5792 : index
    %swap3A_2182 = tpu.vector_load %arg10[%swap3A_2181] {strides = array<i32>} : memref<8704xf32, #tpu.memory_space<vmem>>, vector<16xf32>,
    tpu.vector_store %arg10[%swap3A_2181], %sub3A_2166 {strides = array<i32>} : memref<8704xf32, #tpu.memory_space<vmem>>, vector<16xf32>,
    %swap3A_2183 = arith.constant 5920 : index
    %swap3A_2184 = tpu.vector_load %arg10[%swap3A_2183] {strides = array<i32>} : memref<8704xf32, #tpu.memory_space<vmem>>, vector<16xf32>,
    tpu.vector_store %arg10[%swap3A_2183], %mul3A_2167 {strides = array<i32>} : memref<8704xf32, #tpu.memory_space<vmem>>, vector<16xf32>,
    %swap3A_2185 = arith.constant 7712 : index
    %swap3A_2186 = tpu.vector_load %arg10[%swap3A_2185] {strides = array<i32>} : memref<8704xf32, #tpu.memory_space<vmem>>, vector<16xf32>,
    tpu.vector_store %arg10[%swap3A_2185], %neg3A_2171 {strides = array<i32>} : memref<8704xf32, #tpu.memory_space<vmem>>, vector<16xf32>,
    %swap3A_2187 = arith.constant 7840 : index
    %swap3A_2188 = tpu.vector_load %arg10[%swap3A_2187] {strides = array<i32>} : memref<8704xf32, #tpu.memory_space<vmem>>, vector<16xf32>,
    tpu.vector_store %arg10[%swap3A_2187], %mul3A_2172 {strides = array<i32>} : memref<8704xf32, #tpu.memory_space<vmem>>, vector<16xf32>,
    %swap3A_2189 = arith.constant 7968 : index
    %swap3A_2190 = tpu.vector_load %arg10[%swap3A_2189] {strides = array<i32>} : memref<8704xf32, #tpu.memory_space<vmem>>, vector<16xf32>,
    tpu.vector_store %arg10[%swap3A_2189], %neg3A_2148 {strides = array<i32>} : memref<8704xf32, #tpu.memory_space<vmem>>, vector<16xf32>,
    %get3A_2191 = arith.constant 304 : index
    %get3A_2192 = tpu.vector_load %arg10[%get3A_2191] {strides = array<i32>} : memref<8704xf32, #tpu.memory_space<vmem>>, vector<16xf32>,
    %get3A_2193 = arith.constant 816 : index
    %get3A_2194 = tpu.vector_load %arg10[%get3A_2193] {strides = array<i32>} : memref<8704xf32, #tpu.memory_space<vmem>>, vector<16xf32>,
    %get3A_2195 = arith.constant 1328 : index
    %get3A_2196 = tpu.vector_load %arg10[%get3A_2195] {strides = array<i32>} : memref<8704xf32, #tpu.memory_space<vmem>>, vector<16xf32>,
    %get3A_2197 = arith.constant 1840 : index
    %get3A_2198 = tpu.vector_load %arg10[%get3A_2197] {strides = array<i32>} : memref<8704xf32, #tpu.memory_space<vmem>>, vector<16xf32>,
    %get3A_2199 = arith.constant 2352 : index
    %get3A_2200 = tpu.vector_load %arg10[%get3A_2199] {strides = array<i32>} : memref<8704xf32, #tpu.memory_space<vmem>>, vector<16xf32>,
    %sub3A_2201 = arith.constant 1.57079637 : f32
    %sub3A_2202 = vector.broadcast %sub3A_2201 : f32 to vector<16xf32>
    %sub3A_2203 = arith.subf %get3A_2196, %sub3A_2202 : vector<16xf32>
    %mul3A_2204 = arith.mulf %sub3A_2203, %sub3A_2203 : vector<16xf32>
    %mul3A_2205 = arith.constant -2.50521079E-8 : f32
    %mul3A_2206 = vector.broadcast %mul3A_2205 : f32 to vector<16xf32>
    %mul3A_2207 = arith.mulf %mul3A_2204, %mul3A_2206 : vector<16xf32>
    %add3A_2208 = arith.constant 2.75573188E-6 : f32
    %add3A_2209 = vector.broadcast %add3A_2208 : f32 to vector<16xf32>
    %add3A_2210 = arith.addf %add3A_2209, %mul3A_2207 : vector<16xf32>
    %mul3A_2211 = arith.mulf %mul3A_2204, %add3A_2210 : vector<16xf32>
    %add3A_2212 = arith.constant -1.98412701E-4 : f32
    %add3A_2213 = vector.broadcast %add3A_2212 : f32 to vector<16xf32>
    %add3A_2214 = arith.addf %add3A_2213, %mul3A_2211 : vector<16xf32>
    %mul3A_2215 = arith.mulf %mul3A_2204, %add3A_2214 : vector<16xf32>
    %add3A_2216 = arith.constant 0.00833333377 : f32
    %add3A_2217 = vector.broadcast %add3A_2216 : f32 to vector<16xf32>
    %add3A_2218 = arith.addf %add3A_2217, %mul3A_2215 : vector<16xf32>
    %mul3A_2219 = arith.mulf %mul3A_2204, %add3A_2218 : vector<16xf32>
    %add3A_2220 = arith.constant -0.166666672 : f32
    %add3A_2221 = vector.broadcast %add3A_2220 : f32 to vector<16xf32>
    %add3A_2222 = arith.addf %add3A_2221, %mul3A_2219 : vector<16xf32>
    %mul3A_2223 = arith.mulf %mul3A_2204, %add3A_2222 : vector<16xf32>
    %add3A_2224 = arith.constant 1.000000e+00 : f32
    %add3A_2225 = vector.broadcast %add3A_2224 : f32 to vector<16xf32>
    %add3A_2226 = arith.addf %add3A_2225, %mul3A_2223 : vector<16xf32>
    %mul3A_2227 = arith.mulf %sub3A_2203, %add3A_2226 : vector<16xf32>
    %mul3A_2228 = arith.constant -2.755732E-7 : f32
    %mul3A_2229 = vector.broadcast %mul3A_2228 : f32 to vector<16xf32>
    %mul3A_2230 = arith.mulf %mul3A_2204, %mul3A_2229 : vector<16xf32>
    %add3A_2231 = arith.constant 2.48015876E-5 : f32
    %add3A_2232 = vector.broadcast %add3A_2231 : f32 to vector<16xf32>
    %add3A_2233 = arith.addf %add3A_2232, %mul3A_2230 : vector<16xf32>
    %mul3A_2234 = arith.mulf %mul3A_2204, %add3A_2233 : vector<16xf32>
    %add3A_2235 = arith.constant -0.00138888892 : f32
    %add3A_2236 = vector.broadcast %add3A_2235 : f32 to vector<16xf32>
    %add3A_2237 = arith.addf %add3A_2236, %mul3A_2234 : vector<16xf32>
    %mul3A_2238 = arith.mulf %mul3A_2204, %add3A_2237 : vector<16xf32>
    %add3A_2239 = arith.constant 0.0416666679 : f32
    %add3A_2240 = vector.broadcast %add3A_2239 : f32 to vector<16xf32>
    %add3A_2241 = arith.addf %add3A_2240, %mul3A_2238 : vector<16xf32>
    %mul3A_2242 = arith.mulf %mul3A_2204, %add3A_2241 : vector<16xf32>
    %add3A_2243 = arith.constant -5.000000e-01 : f32
    %add3A_2244 = vector.broadcast %add3A_2243 : f32 to vector<16xf32>
    %add3A_2245 = arith.addf %add3A_2244, %mul3A_2242 : vector<16xf32>
    %mul3A_2246 = arith.mulf %mul3A_2204, %add3A_2245 : vector<16xf32>
    %add3A_2247 = arith.constant 1.000000e+00 : f32
    %add3A_2248 = vector.broadcast %add3A_2247 : f32 to vector<16xf32>
    %add3A_2249 = arith.addf %add3A_2248, %mul3A_2246 : vector<16xf32>
    %neg3A_2250 = arith.constant 0.000000e+00 : f32
    %neg3A_2251 = vector.broadcast %neg3A_2250 : f32 to vector<16xf32>
    %neg3A_2252 = arith.subf %neg3A_2251, %mul3A_2227 : vector<16xf32>
    %mul3A_2253 = arith.mulf %get3A_2192, %neg3A_2252 : vector<16xf32>
    %mul3A_2254 = arith.mulf %get3A_2194, %neg3A_2252 : vector<16xf32>
    %mul3A_2255 = arith.mulf %mul3A_2253, %get3A_2198 : vector<16xf32>
    %mul3A_2256 = arith.mulf %get3A_2194, %get3A_2200 : vector<16xf32>
    %sub3A_2257 = arith.subf %mul3A_2255, %mul3A_2256 : vector<16xf32>
    %mul3A_2258 = arith.mulf %mul3A_2253, %get3A_2200 : vector<16xf32>
    %neg3A_2259 = arith.constant 0.000000e+00 : f32
    %neg3A_2260 = vector.broadcast %neg3A_2259 : f32 to vector<16xf32>
    %neg3A_2261 = arith.subf %neg3A_2260, %mul3A_2258 : vector<16xf32>
    %mul3A_2262 = arith.mulf %get3A_2194, %get3A_2198 : vector<16xf32>
    %sub3A_2263 = arith.subf %neg3A_2261, %mul3A_2262 : vector<16xf32>
    %mul3A_2264 = arith.mulf %get3A_2192, %add3A_2249 : vector<16xf32>
    %mul3A_2265 = arith.mulf %mul3A_2254, %get3A_2198 : vector<16xf32>
    %mul3A_2266 = arith.mulf %get3A_2192, %get3A_2200 : vector<16xf32>
    %add3A_2267 = arith.addf %mul3A_2265, %mul3A_2266 : vector<16xf32>
    %mul3A_2268 = arith.mulf %get3A_2192, %get3A_2198 : vector<16xf32>
    %mul3A_2269 = arith.mulf %mul3A_2254, %get3A_2200 : vector<16xf32>
    %sub3A_2270 = arith.subf %mul3A_2268, %mul3A_2269 : vector<16xf32>
    %mul3A_2271 = arith.mulf %get3A_2194, %add3A_2249 : vector<16xf32>
    %mul3A_2272 = arith.mulf %add3A_2249, %get3A_2198 : vector<16xf32>
    %neg3A_2273 = arith.constant 0.000000e+00 : f32
    %neg3A_2274 = vector.broadcast %neg3A_2273 : f32 to vector<16xf32>
    %neg3A_2275 = arith.subf %neg3A_2274, %mul3A_2272 : vector<16xf32>
    %mul3A_2276 = arith.mulf %add3A_2249, %get3A_2200 : vector<16xf32>
    %swap3A_2277 = arith.constant 3632 : index
    %swap3A_2278 = tpu.vector_load %arg10[%swap3A_2277] {strides = array<i32>} : memref<8704xf32, #tpu.memory_space<vmem>>, vector<16xf32>,
    tpu.vector_store %arg10[%swap3A_2277], %sub3A_2257 {strides = array<i32>} : memref<8704xf32, #tpu.memory_space<vmem>>, vector<16xf32>,
    %swap3A_2279 = arith.constant 3760 : index
    %swap3A_2280 = tpu.vector_load %arg10[%swap3A_2279] {strides = array<i32>} : memref<8704xf32, #tpu.memory_space<vmem>>, vector<16xf32>,
    tpu.vector_store %arg10[%swap3A_2279], %sub3A_2263 {strides = array<i32>} : memref<8704xf32, #tpu.memory_space<vmem>>, vector<16xf32>,
    %swap3A_2281 = arith.constant 3888 : index
    %swap3A_2282 = tpu.vector_load %arg10[%swap3A_2281] {strides = array<i32>} : memref<8704xf32, #tpu.memory_space<vmem>>, vector<16xf32>,
    tpu.vector_store %arg10[%swap3A_2281], %mul3A_2264 {strides = array<i32>} : memref<8704xf32, #tpu.memory_space<vmem>>, vector<16xf32>,
    %swap3A_2283 = arith.constant 5680 : index
    %swap3A_2284 = tpu.vector_load %arg10[%swap3A_2283] {strides = array<i32>} : memref<8704xf32, #tpu.memory_space<vmem>>, vector<16xf32>,
    tpu.vector_store %arg10[%swap3A_2283], %add3A_2267 {strides = array<i32>} : memref<8704xf32, #tpu.memory_space<vmem>>, vector<16xf32>,
    %swap3A_2285 = arith.constant 5808 : index
    %swap3A_2286 = tpu.vector_load %arg10[%swap3A_2285] {strides = array<i32>} : memref<8704xf32, #tpu.memory_space<vmem>>, vector<16xf32>,
    tpu.vector_store %arg10[%swap3A_2285], %sub3A_2270 {strides = array<i32>} : memref<8704xf32, #tpu.memory_space<vmem>>, vector<16xf32>,
    %swap3A_2287 = arith.constant 5936 : index
    %swap3A_2288 = tpu.vector_load %arg10[%swap3A_2287] {strides = array<i32>} : memref<8704xf32, #tpu.memory_space<vmem>>, vector<16xf32>,
    tpu.vector_store %arg10[%swap3A_2287], %mul3A_2271 {strides = array<i32>} : memref<8704xf32, #tpu.memory_space<vmem>>, vector<16xf32>,
    %swap3A_2289 = arith.constant 7728 : index
    %swap3A_2290 = tpu.vector_load %arg10[%swap3A_2289] {strides = array<i32>} : memref<8704xf32, #tpu.memory_space<vmem>>, vector<16xf32>,
    tpu.vector_store %arg10[%swap3A_2289], %neg3A_2275 {strides = array<i32>} : memref<8704xf32, #tpu.memory_space<vmem>>, vector<16xf32>,
    %swap3A_2291 = arith.constant 7856 : index
    %swap3A_2292 = tpu.vector_load %arg10[%swap3A_2291] {strides = array<i32>} : memref<8704xf32, #tpu.memory_space<vmem>>, vector<16xf32>,
    tpu.vector_store %arg10[%swap3A_2291], %mul3A_2276 {strides = array<i32>} : memref<8704xf32, #tpu.memory_space<vmem>>, vector<16xf32>,
    %swap3A_2293 = arith.constant 7984 : index
    %swap3A_2294 = tpu.vector_load %arg10[%swap3A_2293] {strides = array<i32>} : memref<8704xf32, #tpu.memory_space<vmem>>, vector<16xf32>,
    tpu.vector_store %arg10[%swap3A_2293], %neg3A_2252 {strides = array<i32>} : memref<8704xf32, #tpu.memory_space<vmem>>, vector<16xf32>,
    %get3A_2295 = arith.constant 320 : index
    %get3A_2296 = tpu.vector_load %arg10[%get3A_2295] {strides = array<i32>} : memref<8704xf32, #tpu.memory_space<vmem>>, vector<16xf32>,
    %get3A_2297 = arith.constant 832 : index
    %get3A_2298 = tpu.vector_load %arg10[%get3A_2297] {strides = array<i32>} : memref<8704xf32, #tpu.memory_space<vmem>>, vector<16xf32>,
    %get3A_2299 = arith.constant 1344 : index
    %get3A_2300 = tpu.vector_load %arg10[%get3A_2299] {strides = array<i32>} : memref<8704xf32, #tpu.memory_space<vmem>>, vector<16xf32>,
    %get3A_2301 = arith.constant 1856 : index
    %get3A_2302 = tpu.vector_load %arg10[%get3A_2301] {strides = array<i32>} : memref<8704xf32, #tpu.memory_space<vmem>>, vector<16xf32>,
    %get3A_2303 = arith.constant 2368 : index
    %get3A_2304 = tpu.vector_load %arg10[%get3A_2303] {strides = array<i32>} : memref<8704xf32, #tpu.memory_space<vmem>>, vector<16xf32>,
    %sub3A_2305 = arith.constant 1.57079637 : f32
    %sub3A_2306 = vector.broadcast %sub3A_2305 : f32 to vector<16xf32>
    %sub3A_2307 = arith.subf %get3A_2300, %sub3A_2306 : vector<16xf32>
    %mul3A_2308 = arith.mulf %sub3A_2307, %sub3A_2307 : vector<16xf32>
    %mul3A_2309 = arith.constant -2.50521079E-8 : f32
    %mul3A_2310 = vector.broadcast %mul3A_2309 : f32 to vector<16xf32>
    %mul3A_2311 = arith.mulf %mul3A_2308, %mul3A_2310 : vector<16xf32>
    %add3A_2312 = arith.constant 2.75573188E-6 : f32
    %add3A_2313 = vector.broadcast %add3A_2312 : f32 to vector<16xf32>
    %add3A_2314 = arith.addf %add3A_2313, %mul3A_2311 : vector<16xf32>
    %mul3A_2315 = arith.mulf %mul3A_2308, %add3A_2314 : vector<16xf32>
    %add3A_2316 = arith.constant -1.98412701E-4 : f32
    %add3A_2317 = vector.broadcast %add3A_2316 : f32 to vector<16xf32>
    %add3A_2318 = arith.addf %add3A_2317, %mul3A_2315 : vector<16xf32>
    %mul3A_2319 = arith.mulf %mul3A_2308, %add3A_2318 : vector<16xf32>
    %add3A_2320 = arith.constant 0.00833333377 : f32
    %add3A_2321 = vector.broadcast %add3A_2320 : f32 to vector<16xf32>
    %add3A_2322 = arith.addf %add3A_2321, %mul3A_2319 : vector<16xf32>
    %mul3A_2323 = arith.mulf %mul3A_2308, %add3A_2322 : vector<16xf32>
    %add3A_2324 = arith.constant -0.166666672 : f32
    %add3A_2325 = vector.broadcast %add3A_2324 : f32 to vector<16xf32>
    %add3A_2326 = arith.addf %add3A_2325, %mul3A_2323 : vector<16xf32>
    %mul3A_2327 = arith.mulf %mul3A_2308, %add3A_2326 : vector<16xf32>
    %add3A_2328 = arith.constant 1.000000e+00 : f32
    %add3A_2329 = vector.broadcast %add3A_2328 : f32 to vector<16xf32>
    %add3A_2330 = arith.addf %add3A_2329, %mul3A_2327 : vector<16xf32>
    %mul3A_2331 = arith.mulf %sub3A_2307, %add3A_2330 : vector<16xf32>
    %mul3A_2332 = arith.constant -2.755732E-7 : f32
    %mul3A_2333 = vector.broadcast %mul3A_2332 : f32 to vector<16xf32>
    %mul3A_2334 = arith.mulf %mul3A_2308, %mul3A_2333 : vector<16xf32>
    %add3A_2335 = arith.constant 2.48015876E-5 : f32
    %add3A_2336 = vector.broadcast %add3A_2335 : f32 to vector<16xf32>
    %add3A_2337 = arith.addf %add3A_2336, %mul3A_2334 : vector<16xf32>
    %mul3A_2338 = arith.mulf %mul3A_2308, %add3A_2337 : vector<16xf32>
    %add3A_2339 = arith.constant -0.00138888892 : f32
    %add3A_2340 = vector.broadcast %add3A_2339 : f32 to vector<16xf32>
    %add3A_2341 = arith.addf %add3A_2340, %mul3A_2338 : vector<16xf32>
    %mul3A_2342 = arith.mulf %mul3A_2308, %add3A_2341 : vector<16xf32>
    %add3A_2343 = arith.constant 0.0416666679 : f32
    %add3A_2344 = vector.broadcast %add3A_2343 : f32 to vector<16xf32>
    %add3A_2345 = arith.addf %add3A_2344, %mul3A_2342 : vector<16xf32>
    %mul3A_2346 = arith.mulf %mul3A_2308, %add3A_2345 : vector<16xf32>
    %add3A_2347 = arith.constant -5.000000e-01 : f32
    %add3A_2348 = vector.broadcast %add3A_2347 : f32 to vector<16xf32>
    %add3A_2349 = arith.addf %add3A_2348, %mul3A_2346 : vector<16xf32>
    %mul3A_2350 = arith.mulf %mul3A_2308, %add3A_2349 : vector<16xf32>
    %add3A_2351 = arith.constant 1.000000e+00 : f32
    %add3A_2352 = vector.broadcast %add3A_2351 : f32 to vector<16xf32>
    %add3A_2353 = arith.addf %add3A_2352, %mul3A_2350 : vector<16xf32>
    %neg3A_2354 = arith.constant 0.000000e+00 : f32
    %neg3A_2355 = vector.broadcast %neg3A_2354 : f32 to vector<16xf32>
    %neg3A_2356 = arith.subf %neg3A_2355, %mul3A_2331 : vector<16xf32>
    %mul3A_2357 = arith.mulf %get3A_2296, %neg3A_2356 : vector<16xf32>
    %mul3A_2358 = arith.mulf %get3A_2298, %neg3A_2356 : vector<16xf32>
    %mul3A_2359 = arith.mulf %mul3A_2357, %get3A_2302 : vector<16xf32>
    %mul3A_2360 = arith.mulf %get3A_2298, %get3A_2304 : vector<16xf32>
    %sub3A_2361 = arith.subf %mul3A_2359, %mul3A_2360 : vector<16xf32>
    %mul3A_2362 = arith.mulf %mul3A_2357, %get3A_2304 : vector<16xf32>
    %neg3A_2363 = arith.constant 0.000000e+00 : f32
    %neg3A_2364 = vector.broadcast %neg3A_2363 : f32 to vector<16xf32>
    %neg3A_2365 = arith.subf %neg3A_2364, %mul3A_2362 : vector<16xf32>
    %mul3A_2366 = arith.mulf %get3A_2298, %get3A_2302 : vector<16xf32>
    %sub3A_2367 = arith.subf %neg3A_2365, %mul3A_2366 : vector<16xf32>
    %mul3A_2368 = arith.mulf %get3A_2296, %add3A_2353 : vector<16xf32>
    %mul3A_2369 = arith.mulf %mul3A_2358, %get3A_2302 : vector<16xf32>
    %mul3A_2370 = arith.mulf %get3A_2296, %get3A_2304 : vector<16xf32>
    %add3A_2371 = arith.addf %mul3A_2369, %mul3A_2370 : vector<16xf32>
    %mul3A_2372 = arith.mulf %get3A_2296, %get3A_2302 : vector<16xf32>
    %mul3A_2373 = arith.mulf %mul3A_2358, %get3A_2304 : vector<16xf32>
    %sub3A_2374 = arith.subf %mul3A_2372, %mul3A_2373 : vector<16xf32>
    %mul3A_2375 = arith.mulf %get3A_2298, %add3A_2353 : vector<16xf32>
    %mul3A_2376 = arith.mulf %add3A_2353, %get3A_2302 : vector<16xf32>
    %neg3A_2377 = arith.constant 0.000000e+00 : f32
    %neg3A_2378 = vector.broadcast %neg3A_2377 : f32 to vector<16xf32>
    %neg3A_2379 = arith.subf %neg3A_2378, %mul3A_2376 : vector<16xf32>
    %mul3A_2380 = arith.mulf %add3A_2353, %get3A_2304 : vector<16xf32>
    %swap3A_2381 = arith.constant 3648 : index
    %swap3A_2382 = tpu.vector_load %arg10[%swap3A_2381] {strides = array<i32>} : memref<8704xf32, #tpu.memory_space<vmem>>, vector<16xf32>,
    tpu.vector_store %arg10[%swap3A_2381], %sub3A_2361 {strides = array<i32>} : memref<8704xf32, #tpu.memory_space<vmem>>, vector<16xf32>,
    %swap3A_2383 = arith.constant 3776 : index
    %swap3A_2384 = tpu.vector_load %arg10[%swap3A_2383] {strides = array<i32>} : memref<8704xf32, #tpu.memory_space<vmem>>, vector<16xf32>,
    tpu.vector_store %arg10[%swap3A_2383], %sub3A_2367 {strides = array<i32>} : memref<8704xf32, #tpu.memory_space<vmem>>, vector<16xf32>,
    %swap3A_2385 = arith.constant 3904 : index
    %swap3A_2386 = tpu.vector_load %arg10[%swap3A_2385] {strides = array<i32>} : memref<8704xf32, #tpu.memory_space<vmem>>, vector<16xf32>,
    tpu.vector_store %arg10[%swap3A_2385], %mul3A_2368 {strides = array<i32>} : memref<8704xf32, #tpu.memory_space<vmem>>, vector<16xf32>,
    %swap3A_2387 = arith.constant 5696 : index
    %swap3A_2388 = tpu.vector_load %arg10[%swap3A_2387] {strides = array<i32>} : memref<8704xf32, #tpu.memory_space<vmem>>, vector<16xf32>,
    tpu.vector_store %arg10[%swap3A_2387], %add3A_2371 {strides = array<i32>} : memref<8704xf32, #tpu.memory_space<vmem>>, vector<16xf32>,
    %swap3A_2389 = arith.constant 5824 : index
    %swap3A_2390 = tpu.vector_load %arg10[%swap3A_2389] {strides = array<i32>} : memref<8704xf32, #tpu.memory_space<vmem>>, vector<16xf32>,
    tpu.vector_store %arg10[%swap3A_2389], %sub3A_2374 {strides = array<i32>} : memref<8704xf32, #tpu.memory_space<vmem>>, vector<16xf32>,
    %swap3A_2391 = arith.constant 5952 : index
    %swap3A_2392 = tpu.vector_load %arg10[%swap3A_2391] {strides = array<i32>} : memref<8704xf32, #tpu.memory_space<vmem>>, vector<16xf32>,
    tpu.vector_store %arg10[%swap3A_2391], %mul3A_2375 {strides = array<i32>} : memref<8704xf32, #tpu.memory_space<vmem>>, vector<16xf32>,
    %swap3A_2393 = arith.constant 7744 : index
    %swap3A_2394 = tpu.vector_load %arg10[%swap3A_2393] {strides = array<i32>} : memref<8704xf32, #tpu.memory_space<vmem>>, vector<16xf32>,
    tpu.vector_store %arg10[%swap3A_2393], %neg3A_2379 {strides = array<i32>} : memref<8704xf32, #tpu.memory_space<vmem>>, vector<16xf32>,
    %swap3A_2395 = arith.constant 7872 : index
    %swap3A_2396 = tpu.vector_load %arg10[%swap3A_2395] {strides = array<i32>} : memref<8704xf32, #tpu.memory_space<vmem>>, vector<16xf32>,
    tpu.vector_store %arg10[%swap3A_2395], %mul3A_2380 {strides = array<i32>} : memref<8704xf32, #tpu.memory_space<vmem>>, vector<16xf32>,
    %swap3A_2397 = arith.constant 8000 : index
    %swap3A_2398 = tpu.vector_load %arg10[%swap3A_2397] {strides = array<i32>} : memref<8704xf32, #tpu.memory_space<vmem>>, vector<16xf32>,
    tpu.vector_store %arg10[%swap3A_2397], %neg3A_2356 {strides = array<i32>} : memref<8704xf32, #tpu.memory_space<vmem>>, vector<16xf32>,
    %get3A_2399 = arith.constant 336 : index
    %get3A_2400 = tpu.vector_load %arg10[%get3A_2399] {strides = array<i32>} : memref<8704xf32, #tpu.memory_space<vmem>>, vector<16xf32>,
    %get3A_2401 = arith.constant 848 : index
    %get3A_2402 = tpu.vector_load %arg10[%get3A_2401] {strides = array<i32>} : memref<8704xf32, #tpu.memory_space<vmem>>, vector<16xf32>,
    %get3A_2403 = arith.constant 1360 : index
    %get3A_2404 = tpu.vector_load %arg10[%get3A_2403] {strides = array<i32>} : memref<8704xf32, #tpu.memory_space<vmem>>, vector<16xf32>,
    %get3A_2405 = arith.constant 1872 : index
    %get3A_2406 = tpu.vector_load %arg10[%get3A_2405] {strides = array<i32>} : memref<8704xf32, #tpu.memory_space<vmem>>, vector<16xf32>,
    %get3A_2407 = arith.constant 2384 : index
    %get3A_2408 = tpu.vector_load %arg10[%get3A_2407] {strides = array<i32>} : memref<8704xf32, #tpu.memory_space<vmem>>, vector<16xf32>,
    %sub3A_2409 = arith.constant 1.57079637 : f32
    %sub3A_2410 = vector.broadcast %sub3A_2409 : f32 to vector<16xf32>
    %sub3A_2411 = arith.subf %get3A_2404, %sub3A_2410 : vector<16xf32>
    %mul3A_2412 = arith.mulf %sub3A_2411, %sub3A_2411 : vector<16xf32>
    %mul3A_2413 = arith.constant -2.50521079E-8 : f32
    %mul3A_2414 = vector.broadcast %mul3A_2413 : f32 to vector<16xf32>
    %mul3A_2415 = arith.mulf %mul3A_2412, %mul3A_2414 : vector<16xf32>
    %add3A_2416 = arith.constant 2.75573188E-6 : f32
    %add3A_2417 = vector.broadcast %add3A_2416 : f32 to vector<16xf32>
    %add3A_2418 = arith.addf %add3A_2417, %mul3A_2415 : vector<16xf32>
    %mul3A_2419 = arith.mulf %mul3A_2412, %add3A_2418 : vector<16xf32>
    %add3A_2420 = arith.constant -1.98412701E-4 : f32
    %add3A_2421 = vector.broadcast %add3A_2420 : f32 to vector<16xf32>
    %add3A_2422 = arith.addf %add3A_2421, %mul3A_2419 : vector<16xf32>
    %mul3A_2423 = arith.mulf %mul3A_2412, %add3A_2422 : vector<16xf32>
    %add3A_2424 = arith.constant 0.00833333377 : f32
    %add3A_2425 = vector.broadcast %add3A_2424 : f32 to vector<16xf32>
    %add3A_2426 = arith.addf %add3A_2425, %mul3A_2423 : vector<16xf32>
    %mul3A_2427 = arith.mulf %mul3A_2412, %add3A_2426 : vector<16xf32>
    %add3A_2428 = arith.constant -0.166666672 : f32
    %add3A_2429 = vector.broadcast %add3A_2428 : f32 to vector<16xf32>
    %add3A_2430 = arith.addf %add3A_2429, %mul3A_2427 : vector<16xf32>
    %mul3A_2431 = arith.mulf %mul3A_2412, %add3A_2430 : vector<16xf32>
    %add3A_2432 = arith.constant 1.000000e+00 : f32
    %add3A_2433 = vector.broadcast %add3A_2432 : f32 to vector<16xf32>
    %add3A_2434 = arith.addf %add3A_2433, %mul3A_2431 : vector<16xf32>
    %mul3A_2435 = arith.mulf %sub3A_2411, %add3A_2434 : vector<16xf32>
    %mul3A_2436 = arith.constant -2.755732E-7 : f32
    %mul3A_2437 = vector.broadcast %mul3A_2436 : f32 to vector<16xf32>
    %mul3A_2438 = arith.mulf %mul3A_2412, %mul3A_2437 : vector<16xf32>
    %add3A_2439 = arith.constant 2.48015876E-5 : f32
    %add3A_2440 = vector.broadcast %add3A_2439 : f32 to vector<16xf32>
    %add3A_2441 = arith.addf %add3A_2440, %mul3A_2438 : vector<16xf32>
    %mul3A_2442 = arith.mulf %mul3A_2412, %add3A_2441 : vector<16xf32>
    %add3A_2443 = arith.constant -0.00138888892 : f32
    %add3A_2444 = vector.broadcast %add3A_2443 : f32 to vector<16xf32>
    %add3A_2445 = arith.addf %add3A_2444, %mul3A_2442 : vector<16xf32>
    %mul3A_2446 = arith.mulf %mul3A_2412, %add3A_2445 : vector<16xf32>
    %add3A_2447 = arith.constant 0.0416666679 : f32
    %add3A_2448 = vector.broadcast %add3A_2447 : f32 to vector<16xf32>
    %add3A_2449 = arith.addf %add3A_2448, %mul3A_2446 : vector<16xf32>
    %mul3A_2450 = arith.mulf %mul3A_2412, %add3A_2449 : vector<16xf32>
    %add3A_2451 = arith.constant -5.000000e-01 : f32
    %add3A_2452 = vector.broadcast %add3A_2451 : f32 to vector<16xf32>
    %add3A_2453 = arith.addf %add3A_2452, %mul3A_2450 : vector<16xf32>
    %mul3A_2454 = arith.mulf %mul3A_2412, %add3A_2453 : vector<16xf32>
    %add3A_2455 = arith.constant 1.000000e+00 : f32
    %add3A_2456 = vector.broadcast %add3A_2455 : f32 to vector<16xf32>
    %add3A_2457 = arith.addf %add3A_2456, %mul3A_2454 : vector<16xf32>
    %neg3A_2458 = arith.constant 0.000000e+00 : f32
    %neg3A_2459 = vector.broadcast %neg3A_2458 : f32 to vector<16xf32>
    %neg3A_2460 = arith.subf %neg3A_2459, %mul3A_2435 : vector<16xf32>
    %mul3A_2461 = arith.mulf %get3A_2400, %neg3A_2460 : vector<16xf32>
    %mul3A_2462 = arith.mulf %get3A_2402, %neg3A_2460 : vector<16xf32>
    %mul3A_2463 = arith.mulf %mul3A_2461, %get3A_2406 : vector<16xf32>
    %mul3A_2464 = arith.mulf %get3A_2402, %get3A_2408 : vector<16xf32>
    %sub3A_2465 = arith.subf %mul3A_2463, %mul3A_2464 : vector<16xf32>
    %mul3A_2466 = arith.mulf %mul3A_2461, %get3A_2408 : vector<16xf32>
    %neg3A_2467 = arith.constant 0.000000e+00 : f32
    %neg3A_2468 = vector.broadcast %neg3A_2467 : f32 to vector<16xf32>
    %neg3A_2469 = arith.subf %neg3A_2468, %mul3A_2466 : vector<16xf32>
    %mul3A_2470 = arith.mulf %get3A_2402, %get3A_2406 : vector<16xf32>
    %sub3A_2471 = arith.subf %neg3A_2469, %mul3A_2470 : vector<16xf32>
    %mul3A_2472 = arith.mulf %get3A_2400, %add3A_2457 : vector<16xf32>
    %mul3A_2473 = arith.mulf %mul3A_2462, %get3A_2406 : vector<16xf32>
    %mul3A_2474 = arith.mulf %get3A_2400, %get3A_2408 : vector<16xf32>
    %add3A_2475 = arith.addf %mul3A_2473, %mul3A_2474 : vector<16xf32>
    %mul3A_2476 = arith.mulf %get3A_2400, %get3A_2406 : vector<16xf32>
    %mul3A_2477 = arith.mulf %mul3A_2462, %get3A_2408 : vector<16xf32>
    %sub3A_2478 = arith.subf %mul3A_2476, %mul3A_2477 : vector<16xf32>
    %mul3A_2479 = arith.mulf %get3A_2402, %add3A_2457 : vector<16xf32>
    %mul3A_2480 = arith.mulf %add3A_2457, %get3A_2406 : vector<16xf32>
    %neg3A_2481 = arith.constant 0.000000e+00 : f32
    %neg3A_2482 = vector.broadcast %neg3A_2481 : f32 to vector<16xf32>
    %neg3A_2483 = arith.subf %neg3A_2482, %mul3A_2480 : vector<16xf32>
    %mul3A_2484 = arith.mulf %add3A_2457, %get3A_2408 : vector<16xf32>
    %swap3A_2485 = arith.constant 3664 : index
    %swap3A_2486 = tpu.vector_load %arg10[%swap3A_2485] {strides = array<i32>} : memref<8704xf32, #tpu.memory_space<vmem>>, vector<16xf32>,
    tpu.vector_store %arg10[%swap3A_2485], %sub3A_2465 {strides = array<i32>} : memref<8704xf32, #tpu.memory_space<vmem>>, vector<16xf32>,
    %swap3A_2487 = arith.constant 3792 : index
    %swap3A_2488 = tpu.vector_load %arg10[%swap3A_2487] {strides = array<i32>} : memref<8704xf32, #tpu.memory_space<vmem>>, vector<16xf32>,
    tpu.vector_store %arg10[%swap3A_2487], %sub3A_2471 {strides = array<i32>} : memref<8704xf32, #tpu.memory_space<vmem>>, vector<16xf32>,
    %swap3A_2489 = arith.constant 3920 : index
    %swap3A_2490 = tpu.vector_load %arg10[%swap3A_2489] {strides = array<i32>} : memref<8704xf32, #tpu.memory_space<vmem>>, vector<16xf32>,
    tpu.vector_store %arg10[%swap3A_2489], %mul3A_2472 {strides = array<i32>} : memref<8704xf32, #tpu.memory_space<vmem>>, vector<16xf32>,
    %swap3A_2491 = arith.constant 5712 : index
    %swap3A_2492 = tpu.vector_load %arg10[%swap3A_2491] {strides = array<i32>} : memref<8704xf32, #tpu.memory_space<vmem>>, vector<16xf32>,
    tpu.vector_store %arg10[%swap3A_2491], %add3A_2475 {strides = array<i32>} : memref<8704xf32, #tpu.memory_space<vmem>>, vector<16xf32>,
    %swap3A_2493 = arith.constant 5840 : index
    %swap3A_2494 = tpu.vector_load %arg10[%swap3A_2493] {strides = array<i32>} : memref<8704xf32, #tpu.memory_space<vmem>>, vector<16xf32>,
    tpu.vector_store %arg10[%swap3A_2493], %sub3A_2478 {strides = array<i32>} : memref<8704xf32, #tpu.memory_space<vmem>>, vector<16xf32>,
    %swap3A_2495 = arith.constant 5968 : index
    %swap3A_2496 = tpu.vector_load %arg10[%swap3A_2495] {strides = array<i32>} : memref<8704xf32, #tpu.memory_space<vmem>>, vector<16xf32>,
    tpu.vector_store %arg10[%swap3A_2495], %mul3A_2479 {strides = array<i32>} : memref<8704xf32, #tpu.memory_space<vmem>>, vector<16xf32>,
    %swap3A_2497 = arith.constant 7760 : index
    %swap3A_2498 = tpu.vector_load %arg10[%swap3A_2497] {strides = array<i32>} : memref<8704xf32, #tpu.memory_space<vmem>>, vector<16xf32>,
    tpu.vector_store %arg10[%swap3A_2497], %neg3A_2483 {strides = array<i32>} : memref<8704xf32, #tpu.memory_space<vmem>>, vector<16xf32>,
    %swap3A_2499 = arith.constant 7888 : index
    %swap3A_2500 = tpu.vector_load %arg10[%swap3A_2499] {strides = array<i32>} : memref<8704xf32, #tpu.memory_space<vmem>>, vector<16xf32>,
    tpu.vector_store %arg10[%swap3A_2499], %mul3A_2484 {strides = array<i32>} : memref<8704xf32, #tpu.memory_space<vmem>>, vector<16xf32>,
    %swap3A_2501 = arith.constant 8016 : index
    %swap3A_2502 = tpu.vector_load %arg10[%swap3A_2501] {strides = array<i32>} : memref<8704xf32, #tpu.memory_space<vmem>>, vector<16xf32>,
    tpu.vector_store %arg10[%swap3A_2501], %neg3A_2460 {strides = array<i32>} : memref<8704xf32, #tpu.memory_space<vmem>>, vector<16xf32>,
    %get3A_2503 = arith.constant 352 : index
    %get3A_2504 = tpu.vector_load %arg10[%get3A_2503] {strides = array<i32>} : memref<8704xf32, #tpu.memory_space<vmem>>, vector<16xf32>,
    %get3A_2505 = arith.constant 864 : index
    %get3A_2506 = tpu.vector_load %arg10[%get3A_2505] {strides = array<i32>} : memref<8704xf32, #tpu.memory_space<vmem>>, vector<16xf32>,
    %get3A_2507 = arith.constant 1376 : index
    %get3A_2508 = tpu.vector_load %arg10[%get3A_2507] {strides = array<i32>} : memref<8704xf32, #tpu.memory_space<vmem>>, vector<16xf32>,
    %get3A_2509 = arith.constant 1888 : index
    %get3A_2510 = tpu.vector_load %arg10[%get3A_2509] {strides = array<i32>} : memref<8704xf32, #tpu.memory_space<vmem>>, vector<16xf32>,
    %get3A_2511 = arith.constant 2400 : index
    %get3A_2512 = tpu.vector_load %arg10[%get3A_2511] {strides = array<i32>} : memref<8704xf32, #tpu.memory_space<vmem>>, vector<16xf32>,
    %sub3A_2513 = arith.constant 1.57079637 : f32
    %sub3A_2514 = vector.broadcast %sub3A_2513 : f32 to vector<16xf32>
    %sub3A_2515 = arith.subf %get3A_2508, %sub3A_2514 : vector<16xf32>
    %mul3A_2516 = arith.mulf %sub3A_2515, %sub3A_2515 : vector<16xf32>
    %mul3A_2517 = arith.constant -2.50521079E-8 : f32
    %mul3A_2518 = vector.broadcast %mul3A_2517 : f32 to vector<16xf32>
    %mul3A_2519 = arith.mulf %mul3A_2516, %mul3A_2518 : vector<16xf32>
    %add3A_2520 = arith.constant 2.75573188E-6 : f32
    %add3A_2521 = vector.broadcast %add3A_2520 : f32 to vector<16xf32>
    %add3A_2522 = arith.addf %add3A_2521, %mul3A_2519 : vector<16xf32>
    %mul3A_2523 = arith.mulf %mul3A_2516, %add3A_2522 : vector<16xf32>
    %add3A_2524 = arith.constant -1.98412701E-4 : f32
    %add3A_2525 = vector.broadcast %add3A_2524 : f32 to vector<16xf32>
    %add3A_2526 = arith.addf %add3A_2525, %mul3A_2523 : vector<16xf32>
    %mul3A_2527 = arith.mulf %mul3A_2516, %add3A_2526 : vector<16xf32>
    %add3A_2528 = arith.constant 0.00833333377 : f32
    %add3A_2529 = vector.broadcast %add3A_2528 : f32 to vector<16xf32>
    %add3A_2530 = arith.addf %add3A_2529, %mul3A_2527 : vector<16xf32>
    %mul3A_2531 = arith.mulf %mul3A_2516, %add3A_2530 : vector<16xf32>
    %add3A_2532 = arith.constant -0.166666672 : f32
    %add3A_2533 = vector.broadcast %add3A_2532 : f32 to vector<16xf32>
    %add3A_2534 = arith.addf %add3A_2533, %mul3A_2531 : vector<16xf32>
    %mul3A_2535 = arith.mulf %mul3A_2516, %add3A_2534 : vector<16xf32>
    %add3A_2536 = arith.constant 1.000000e+00 : f32
    %add3A_2537 = vector.broadcast %add3A_2536 : f32 to vector<16xf32>
    %add3A_2538 = arith.addf %add3A_2537, %mul3A_2535 : vector<16xf32>
    %mul3A_2539 = arith.mulf %sub3A_2515, %add3A_2538 : vector<16xf32>
    %mul3A_2540 = arith.constant -2.755732E-7 : f32
    %mul3A_2541 = vector.broadcast %mul3A_2540 : f32 to vector<16xf32>
    %mul3A_2542 = arith.mulf %mul3A_2516, %mul3A_2541 : vector<16xf32>
    %add3A_2543 = arith.constant 2.48015876E-5 : f32
    %add3A_2544 = vector.broadcast %add3A_2543 : f32 to vector<16xf32>
    %add3A_2545 = arith.addf %add3A_2544, %mul3A_2542 : vector<16xf32>
    %mul3A_2546 = arith.mulf %mul3A_2516, %add3A_2545 : vector<16xf32>
    %add3A_2547 = arith.constant -0.00138888892 : f32
    %add3A_2548 = vector.broadcast %add3A_2547 : f32 to vector<16xf32>
    %add3A_2549 = arith.addf %add3A_2548, %mul3A_2546 : vector<16xf32>
    %mul3A_2550 = arith.mulf %mul3A_2516, %add3A_2549 : vector<16xf32>
    %add3A_2551 = arith.constant 0.0416666679 : f32
    %add3A_2552 = vector.broadcast %add3A_2551 : f32 to vector<16xf32>
    %add3A_2553 = arith.addf %add3A_2552, %mul3A_2550 : vector<16xf32>
    %mul3A_2554 = arith.mulf %mul3A_2516, %add3A_2553 : vector<16xf32>
    %add3A_2555 = arith.constant -5.000000e-01 : f32
    %add3A_2556 = vector.broadcast %add3A_2555 : f32 to vector<16xf32>
    %add3A_2557 = arith.addf %add3A_2556, %mul3A_2554 : vector<16xf32>
    %mul3A_2558 = arith.mulf %mul3A_2516, %add3A_2557 : vector<16xf32>
    %add3A_2559 = arith.constant 1.000000e+00 : f32
    %add3A_2560 = vector.broadcast %add3A_2559 : f32 to vector<16xf32>
    %add3A_2561 = arith.addf %add3A_2560, %mul3A_2558 : vector<16xf32>
    %neg3A_2562 = arith.constant 0.000000e+00 : f32
    %neg3A_2563 = vector.broadcast %neg3A_2562 : f32 to vector<16xf32>
    %neg3A_2564 = arith.subf %neg3A_2563, %mul3A_2539 : vector<16xf32>
    %mul3A_2565 = arith.mulf %get3A_2504, %neg3A_2564 : vector<16xf32>
    %mul3A_2566 = arith.mulf %get3A_2506, %neg3A_2564 : vector<16xf32>
    %mul3A_2567 = arith.mulf %mul3A_2565, %get3A_2510 : vector<16xf32>
    %mul3A_2568 = arith.mulf %get3A_2506, %get3A_2512 : vector<16xf32>
    %sub3A_2569 = arith.subf %mul3A_2567, %mul3A_2568 : vector<16xf32>
    %mul3A_2570 = arith.mulf %mul3A_2565, %get3A_2512 : vector<16xf32>
    %neg3A_2571 = arith.constant 0.000000e+00 : f32
    %neg3A_2572 = vector.broadcast %neg3A_2571 : f32 to vector<16xf32>
    %neg3A_2573 = arith.subf %neg3A_2572, %mul3A_2570 : vector<16xf32>
    %mul3A_2574 = arith.mulf %get3A_2506, %get3A_2510 : vector<16xf32>
    %sub3A_2575 = arith.subf %neg3A_2573, %mul3A_2574 : vector<16xf32>
    %mul3A_2576 = arith.mulf %get3A_2504, %add3A_2561 : vector<16xf32>
    %mul3A_2577 = arith.mulf %mul3A_2566, %get3A_2510 : vector<16xf32>
    %mul3A_2578 = arith.mulf %get3A_2504, %get3A_2512 : vector<16xf32>
    %add3A_2579 = arith.addf %mul3A_2577, %mul3A_2578 : vector<16xf32>
    %mul3A_2580 = arith.mulf %get3A_2504, %get3A_2510 : vector<16xf32>
    %mul3A_2581 = arith.mulf %mul3A_2566, %get3A_2512 : vector<16xf32>
    %sub3A_2582 = arith.subf %mul3A_2580, %mul3A_2581 : vector<16xf32>
    %mul3A_2583 = arith.mulf %get3A_2506, %add3A_2561 : vector<16xf32>
    %mul3A_2584 = arith.mulf %add3A_2561, %get3A_2510 : vector<16xf32>
    %neg3A_2585 = arith.constant 0.000000e+00 : f32
    %neg3A_2586 = vector.broadcast %neg3A_2585 : f32 to vector<16xf32>
    %neg3A_2587 = arith.subf %neg3A_2586, %mul3A_2584 : vector<16xf32>
    %mul3A_2588 = arith.mulf %add3A_2561, %get3A_2512 : vector<16xf32>
    %swap3A_2589 = arith.constant 3680 : index
    %swap3A_2590 = tpu.vector_load %arg10[%swap3A_2589] {strides = array<i32>} : memref<8704xf32, #tpu.memory_space<vmem>>, vector<16xf32>,
    tpu.vector_store %arg10[%swap3A_2589], %sub3A_2569 {strides = array<i32>} : memref<8704xf32, #tpu.memory_space<vmem>>, vector<16xf32>,
    %swap3A_2591 = arith.constant 3808 : index
    %swap3A_2592 = tpu.vector_load %arg10[%swap3A_2591] {strides = array<i32>} : memref<8704xf32, #tpu.memory_space<vmem>>, vector<16xf32>,
    tpu.vector_store %arg10[%swap3A_2591], %sub3A_2575 {strides = array<i32>} : memref<8704xf32, #tpu.memory_space<vmem>>, vector<16xf32>,
    %swap3A_2593 = arith.constant 3936 : index
    %swap3A_2594 = tpu.vector_load %arg10[%swap3A_2593] {strides = array<i32>} : memref<8704xf32, #tpu.memory_space<vmem>>, vector<16xf32>,
    tpu.vector_store %arg10[%swap3A_2593], %mul3A_2576 {strides = array<i32>} : memref<8704xf32, #tpu.memory_space<vmem>>, vector<16xf32>,
    %swap3A_2595 = arith.constant 5728 : index
    %swap3A_2596 = tpu.vector_load %arg10[%swap3A_2595] {strides = array<i32>} : memref<8704xf32, #tpu.memory_space<vmem>>, vector<16xf32>,
    tpu.vector_store %arg10[%swap3A_2595], %add3A_2579 {strides = array<i32>} : memref<8704xf32, #tpu.memory_space<vmem>>, vector<16xf32>,
    %swap3A_2597 = arith.constant 5856 : index
    %swap3A_2598 = tpu.vector_load %arg10[%swap3A_2597] {strides = array<i32>} : memref<8704xf32, #tpu.memory_space<vmem>>, vector<16xf32>,
    tpu.vector_store %arg10[%swap3A_2597], %sub3A_2582 {strides = array<i32>} : memref<8704xf32, #tpu.memory_space<vmem>>, vector<16xf32>,
    %swap3A_2599 = arith.constant 5984 : index
    %swap3A_2600 = tpu.vector_load %arg10[%swap3A_2599] {strides = array<i32>} : memref<8704xf32, #tpu.memory_space<vmem>>, vector<16xf32>,
    tpu.vector_store %arg10[%swap3A_2599], %mul3A_2583 {strides = array<i32>} : memref<8704xf32, #tpu.memory_space<vmem>>, vector<16xf32>,
    %swap3A_2601 = arith.constant 7776 : index
    %swap3A_2602 = tpu.vector_load %arg10[%swap3A_2601] {strides = array<i32>} : memref<8704xf32, #tpu.memory_space<vmem>>, vector<16xf32>,
    tpu.vector_store %arg10[%swap3A_2601], %neg3A_2587 {strides = array<i32>} : memref<8704xf32, #tpu.memory_space<vmem>>, vector<16xf32>,
    %swap3A_2603 = arith.constant 7904 : index
    %swap3A_2604 = tpu.vector_load %arg10[%swap3A_2603] {strides = array<i32>} : memref<8704xf32, #tpu.memory_space<vmem>>, vector<16xf32>,
    tpu.vector_store %arg10[%swap3A_2603], %mul3A_2588 {strides = array<i32>} : memref<8704xf32, #tpu.memory_space<vmem>>, vector<16xf32>,
    %swap3A_2605 = arith.constant 8032 : index
    %swap3A_2606 = tpu.vector_load %arg10[%swap3A_2605] {strides = array<i32>} : memref<8704xf32, #tpu.memory_space<vmem>>, vector<16xf32>,
    tpu.vector_store %arg10[%swap3A_2605], %neg3A_2564 {strides = array<i32>} : memref<8704xf32, #tpu.memory_space<vmem>>, vector<16xf32>,
    %get3A_2607 = arith.constant 368 : index
    %get3A_2608 = tpu.vector_load %arg10[%get3A_2607] {strides = array<i32>} : memref<8704xf32, #tpu.memory_space<vmem>>, vector<16xf32>,
    %get3A_2609 = arith.constant 880 : index
    %get3A_2610 = tpu.vector_load %arg10[%get3A_2609] {strides = array<i32>} : memref<8704xf32, #tpu.memory_space<vmem>>, vector<16xf32>,
    %get3A_2611 = arith.constant 1392 : index
    %get3A_2612 = tpu.vector_load %arg10[%get3A_2611] {strides = array<i32>} : memref<8704xf32, #tpu.memory_space<vmem>>, vector<16xf32>,
    %get3A_2613 = arith.constant 1904 : index
    %get3A_2614 = tpu.vector_load %arg10[%get3A_2613] {strides = array<i32>} : memref<8704xf32, #tpu.memory_space<vmem>>, vector<16xf32>,
    %get3A_2615 = arith.constant 2416 : index
    %get3A_2616 = tpu.vector_load %arg10[%get3A_2615] {strides = array<i32>} : memref<8704xf32, #tpu.memory_space<vmem>>, vector<16xf32>,
    %sub3A_2617 = arith.constant 1.57079637 : f32
    %sub3A_2618 = vector.broadcast %sub3A_2617 : f32 to vector<16xf32>
    %sub3A_2619 = arith.subf %get3A_2612, %sub3A_2618 : vector<16xf32>
    %mul3A_2620 = arith.mulf %sub3A_2619, %sub3A_2619 : vector<16xf32>
    %mul3A_2621 = arith.constant -2.50521079E-8 : f32
    %mul3A_2622 = vector.broadcast %mul3A_2621 : f32 to vector<16xf32>
    %mul3A_2623 = arith.mulf %mul3A_2620, %mul3A_2622 : vector<16xf32>
    %add3A_2624 = arith.constant 2.75573188E-6 : f32
    %add3A_2625 = vector.broadcast %add3A_2624 : f32 to vector<16xf32>
    %add3A_2626 = arith.addf %add3A_2625, %mul3A_2623 : vector<16xf32>
    %mul3A_2627 = arith.mulf %mul3A_2620, %add3A_2626 : vector<16xf32>
    %add3A_2628 = arith.constant -1.98412701E-4 : f32
    %add3A_2629 = vector.broadcast %add3A_2628 : f32 to vector<16xf32>
    %add3A_2630 = arith.addf %add3A_2629, %mul3A_2627 : vector<16xf32>
    %mul3A_2631 = arith.mulf %mul3A_2620, %add3A_2630 : vector<16xf32>
    %add3A_2632 = arith.constant 0.00833333377 : f32
    %add3A_2633 = vector.broadcast %add3A_2632 : f32 to vector<16xf32>
    %add3A_2634 = arith.addf %add3A_2633, %mul3A_2631 : vector<16xf32>
    %mul3A_2635 = arith.mulf %mul3A_2620, %add3A_2634 : vector<16xf32>
    %add3A_2636 = arith.constant -0.166666672 : f32
    %add3A_2637 = vector.broadcast %add3A_2636 : f32 to vector<16xf32>
    %add3A_2638 = arith.addf %add3A_2637, %mul3A_2635 : vector<16xf32>
    %mul3A_2639 = arith.mulf %mul3A_2620, %add3A_2638 : vector<16xf32>
    %add3A_2640 = arith.constant 1.000000e+00 : f32
    %add3A_2641 = vector.broadcast %add3A_2640 : f32 to vector<16xf32>
    %add3A_2642 = arith.addf %add3A_2641, %mul3A_2639 : vector<16xf32>
    %mul3A_2643 = arith.mulf %sub3A_2619, %add3A_2642 : vector<16xf32>
    %mul3A_2644 = arith.constant -2.755732E-7 : f32
    %mul3A_2645 = vector.broadcast %mul3A_2644 : f32 to vector<16xf32>
    %mul3A_2646 = arith.mulf %mul3A_2620, %mul3A_2645 : vector<16xf32>
    %add3A_2647 = arith.constant 2.48015876E-5 : f32
    %add3A_2648 = vector.broadcast %add3A_2647 : f32 to vector<16xf32>
    %add3A_2649 = arith.addf %add3A_2648, %mul3A_2646 : vector<16xf32>
    %mul3A_2650 = arith.mulf %mul3A_2620, %add3A_2649 : vector<16xf32>
    %add3A_2651 = arith.constant -0.00138888892 : f32
    %add3A_2652 = vector.broadcast %add3A_2651 : f32 to vector<16xf32>
    %add3A_2653 = arith.addf %add3A_2652, %mul3A_2650 : vector<16xf32>
    %mul3A_2654 = arith.mulf %mul3A_2620, %add3A_2653 : vector<16xf32>
    %add3A_2655 = arith.constant 0.0416666679 : f32
    %add3A_2656 = vector.broadcast %add3A_2655 : f32 to vector<16xf32>
    %add3A_2657 = arith.addf %add3A_2656, %mul3A_2654 : vector<16xf32>
    %mul3A_2658 = arith.mulf %mul3A_2620, %add3A_2657 : vector<16xf32>
    %add3A_2659 = arith.constant -5.000000e-01 : f32
    %add3A_2660 = vector.broadcast %add3A_2659 : f32 to vector<16xf32>
    %add3A_2661 = arith.addf %add3A_2660, %mul3A_2658 : vector<16xf32>
    %mul3A_2662 = arith.mulf %mul3A_2620, %add3A_2661 : vector<16xf32>
    %add3A_2663 = arith.constant 1.000000e+00 : f32
    %add3A_2664 = vector.broadcast %add3A_2663 : f32 to vector<16xf32>
    %add3A_2665 = arith.addf %add3A_2664, %mul3A_2662 : vector<16xf32>
    %neg3A_2666 = arith.constant 0.000000e+00 : f32
    %neg3A_2667 = vector.broadcast %neg3A_2666 : f32 to vector<16xf32>
    %neg3A_2668 = arith.subf %neg3A_2667, %mul3A_2643 : vector<16xf32>
    %mul3A_2669 = arith.mulf %get3A_2608, %neg3A_2668 : vector<16xf32>
    %mul3A_2670 = arith.mulf %get3A_2610, %neg3A_2668 : vector<16xf32>
    %mul3A_2671 = arith.mulf %mul3A_2669, %get3A_2614 : vector<16xf32>
    %mul3A_2672 = arith.mulf %get3A_2610, %get3A_2616 : vector<16xf32>
    %sub3A_2673 = arith.subf %mul3A_2671, %mul3A_2672 : vector<16xf32>
    %mul3A_2674 = arith.mulf %mul3A_2669, %get3A_2616 : vector<16xf32>
    %neg3A_2675 = arith.constant 0.000000e+00 : f32
    %neg3A_2676 = vector.broadcast %neg3A_2675 : f32 to vector<16xf32>
    %neg3A_2677 = arith.subf %neg3A_2676, %mul3A_2674 : vector<16xf32>
    %mul3A_2678 = arith.mulf %get3A_2610, %get3A_2614 : vector<16xf32>
    %sub3A_2679 = arith.subf %neg3A_2677, %mul3A_2678 : vector<16xf32>
    %mul3A_2680 = arith.mulf %get3A_2608, %add3A_2665 : vector<16xf32>
    %mul3A_2681 = arith.mulf %mul3A_2670, %get3A_2614 : vector<16xf32>
    %mul3A_2682 = arith.mulf %get3A_2608, %get3A_2616 : vector<16xf32>
    %add3A_2683 = arith.addf %mul3A_2681, %mul3A_2682 : vector<16xf32>
    %mul3A_2684 = arith.mulf %get3A_2608, %get3A_2614 : vector<16xf32>
    %mul3A_2685 = arith.mulf %mul3A_2670, %get3A_2616 : vector<16xf32>
    %sub3A_2686 = arith.subf %mul3A_2684, %mul3A_2685 : vector<16xf32>
    %mul3A_2687 = arith.mulf %get3A_2610, %add3A_2665 : vector<16xf32>
    %mul3A_2688 = arith.mulf %add3A_2665, %get3A_2614 : vector<16xf32>
    %neg3A_2689 = arith.constant 0.000000e+00 : f32
    %neg3A_2690 = vector.broadcast %neg3A_2689 : f32 to vector<16xf32>
    %neg3A_2691 = arith.subf %neg3A_2690, %mul3A_2688 : vector<16xf32>
    %mul3A_2692 = arith.mulf %add3A_2665, %get3A_2616 : vector<16xf32>
    %swap3A_2693 = arith.constant 3696 : index
    %swap3A_2694 = tpu.vector_load %arg10[%swap3A_2693] {strides = array<i32>} : memref<8704xf32, #tpu.memory_space<vmem>>, vector<16xf32>,
    tpu.vector_store %arg10[%swap3A_2693], %sub3A_2673 {strides = array<i32>} : memref<8704xf32, #tpu.memory_space<vmem>>, vector<16xf32>,
    %swap3A_2695 = arith.constant 3824 : index
    %swap3A_2696 = tpu.vector_load %arg10[%swap3A_2695] {strides = array<i32>} : memref<8704xf32, #tpu.memory_space<vmem>>, vector<16xf32>,
    tpu.vector_store %arg10[%swap3A_2695], %sub3A_2679 {strides = array<i32>} : memref<8704xf32, #tpu.memory_space<vmem>>, vector<16xf32>,
    %swap3A_2697 = arith.constant 3952 : index
    %swap3A_2698 = tpu.vector_load %arg10[%swap3A_2697] {strides = array<i32>} : memref<8704xf32, #tpu.memory_space<vmem>>, vector<16xf32>,
    tpu.vector_store %arg10[%swap3A_2697], %mul3A_2680 {strides = array<i32>} : memref<8704xf32, #tpu.memory_space<vmem>>, vector<16xf32>,
    %swap3A_2699 = arith.constant 5744 : index
    %swap3A_2700 = tpu.vector_load %arg10[%swap3A_2699] {strides = array<i32>} : memref<8704xf32, #tpu.memory_space<vmem>>, vector<16xf32>,
    tpu.vector_store %arg10[%swap3A_2699], %add3A_2683 {strides = array<i32>} : memref<8704xf32, #tpu.memory_space<vmem>>, vector<16xf32>,
    %swap3A_2701 = arith.constant 5872 : index
    %swap3A_2702 = tpu.vector_load %arg10[%swap3A_2701] {strides = array<i32>} : memref<8704xf32, #tpu.memory_space<vmem>>, vector<16xf32>,
    tpu.vector_store %arg10[%swap3A_2701], %sub3A_2686 {strides = array<i32>} : memref<8704xf32, #tpu.memory_space<vmem>>, vector<16xf32>,
    %swap3A_2703 = arith.constant 6000 : index
    %swap3A_2704 = tpu.vector_load %arg10[%swap3A_2703] {strides = array<i32>} : memref<8704xf32, #tpu.memory_space<vmem>>, vector<16xf32>,
    tpu.vector_store %arg10[%swap3A_2703], %mul3A_2687 {strides = array<i32>} : memref<8704xf32, #tpu.memory_space<vmem>>, vector<16xf32>,
    %swap3A_2705 = arith.constant 7792 : index
    %swap3A_2706 = tpu.vector_load %arg10[%swap3A_2705] {strides = array<i32>} : memref<8704xf32, #tpu.memory_space<vmem>>, vector<16xf32>,
    tpu.vector_store %arg10[%swap3A_2705], %neg3A_2691 {strides = array<i32>} : memref<8704xf32, #tpu.memory_space<vmem>>, vector<16xf32>,
    %swap3A_2707 = arith.constant 7920 : index
    %swap3A_2708 = tpu.vector_load %arg10[%swap3A_2707] {strides = array<i32>} : memref<8704xf32, #tpu.memory_space<vmem>>, vector<16xf32>,
    tpu.vector_store %arg10[%swap3A_2707], %mul3A_2692 {strides = array<i32>} : memref<8704xf32, #tpu.memory_space<vmem>>, vector<16xf32>,
    %swap3A_2709 = arith.constant 8048 : index
    %swap3A_2710 = tpu.vector_load %arg10[%swap3A_2709] {strides = array<i32>} : memref<8704xf32, #tpu.memory_space<vmem>>, vector<16xf32>,
    tpu.vector_store %arg10[%swap3A_2709], %neg3A_2668 {strides = array<i32>} : memref<8704xf32, #tpu.memory_space<vmem>>, vector<16xf32>,
    %mul3A_2711 = arith.constant 2048 : i32
    %mul3A_2712 = arith.muli %add3A, %mul3A_2711 : i32
    %add3A_2713 = arith.constant 0 : i32
    %add3A_2714 = arith.addi %add3A_2713, %mul3A_2712 : i32
    %add3A_2715 = arith.constant 1024 : i32
    %add3A_2716 = arith.addi %add3A_2714, %add3A_2715 : i32
    %dma_start3A_2717 = arith.constant 3584 : i32
    %dma_start3A_2718 = tpu.memref_slice %arg10[%dma_start3A_2717] : memref<8704xf32, #tpu.memory_space<vmem>> -> memref<512xf32, #tpu.memory_space<vmem>>
    %dma_start3A_2719 = tpu.memref_slice %arg8[%add3A_2716] : memref<196608xf32, #tpu.memory_space<hbm>> -> memref<512xf32, #tpu.memory_space<hbm>>
    %dma_start3A_2720 = tpu.memref_slice %arg8[%add3A_2716] : memref<196608xf32, #tpu.memory_space<hbm>> -> memref<512xf32, #tpu.memory_space<hbm>>
    %dma_start3A_2721 = arith.constant 3584 : i32
    %dma_start3A_2722 = tpu.memref_slice %arg10[%dma_start3A_2721] : memref<8704xf32, #tpu.memory_space<vmem>> -> memref<512xf32, #tpu.memory_space<vmem>>
    tpu.enqueue_dma source(%dma_start3A_2722 : memref<512xf32, #tpu.memory_space<vmem>>) target(%dma_start3A_2720 : memref<512xf32, #tpu.memory_space<hbm>>) target_semaphore(%arg15 : memref<!tpu.dma_semaphore, #tpu.memory_space<semaphore_mem>>)
    %mul3A_2723 = arith.constant 2048 : i32
    %mul3A_2724 = arith.muli %add3A, %mul3A_2723 : i32
    %add3A_2725 = arith.constant 65536 : i32
    %add3A_2726 = arith.addi %add3A_2725, %mul3A_2724 : i32
    %add3A_2727 = arith.constant 1024 : i32
    %add3A_2728 = arith.addi %add3A_2726, %add3A_2727 : i32
    %dma_start3A_2729 = arith.constant 5632 : i32
    %dma_start3A_2730 = tpu.memref_slice %arg10[%dma_start3A_2729] : memref<8704xf32, #tpu.memory_space<vmem>> -> memref<512xf32, #tpu.memory_space<vmem>>
    %dma_start3A_2731 = tpu.memref_slice %arg8[%add3A_2728] : memref<196608xf32, #tpu.memory_space<hbm>> -> memref<512xf32, #tpu.memory_space<hbm>>
    %dma_start3A_2732 = tpu.memref_slice %arg8[%add3A_2728] : memref<196608xf32, #tpu.memory_space<hbm>> -> memref<512xf32, #tpu.memory_space<hbm>>
    %dma_start3A_2733 = arith.constant 5632 : i32
    %dma_start3A_2734 = tpu.memref_slice %arg10[%dma_start3A_2733] : memref<8704xf32, #tpu.memory_space<vmem>> -> memref<512xf32, #tpu.memory_space<vmem>>
    tpu.enqueue_dma source(%dma_start3A_2734 : memref<512xf32, #tpu.memory_space<vmem>>) target(%dma_start3A_2732 : memref<512xf32, #tpu.memory_space<hbm>>) target_semaphore(%arg15 : memref<!tpu.dma_semaphore, #tpu.memory_space<semaphore_mem>>)
    %mul3A_2735 = arith.constant 2048 : i32
    %mul3A_2736 = arith.muli %add3A, %mul3A_2735 : i32
    %add3A_2737 = arith.constant 131072 : i32
    %add3A_2738 = arith.addi %add3A_2737, %mul3A_2736 : i32
    %add3A_2739 = arith.constant 1024 : i32
    %add3A_2740 = arith.addi %add3A_2738, %add3A_2739 : i32
    %dma_start3A_2741 = arith.constant 7680 : i32
    %dma_start3A_2742 = tpu.memref_slice %arg10[%dma_start3A_2741] : memref<8704xf32, #tpu.memory_space<vmem>> -> memref<512xf32, #tpu.memory_space<vmem>>
    %dma_start3A_2743 = tpu.memref_slice %arg8[%add3A_2740] : memref<196608xf32, #tpu.memory_space<hbm>> -> memref<512xf32, #tpu.memory_space<hbm>>
    %dma_start3A_2744 = tpu.memref_slice %arg8[%add3A_2740] : memref<196608xf32, #tpu.memory_space<hbm>> -> memref<512xf32, #tpu.memory_space<hbm>>
    %dma_start3A_2745 = arith.constant 7680 : i32
    %dma_start3A_2746 = tpu.memref_slice %arg10[%dma_start3A_2745] : memref<8704xf32, #tpu.memory_space<vmem>> -> memref<512xf32, #tpu.memory_space<vmem>>
    tpu.enqueue_dma source(%dma_start3A_2746 : memref<512xf32, #tpu.memory_space<vmem>>) target(%dma_start3A_2744 : memref<512xf32, #tpu.memory_space<hbm>>) target_semaphore(%arg15 : memref<!tpu.dma_semaphore, #tpu.memory_space<semaphore_mem>>)
    %get3A_2747 = arith.constant 384 : index
    %get3A_2748 = tpu.vector_load %arg10[%get3A_2747] {strides = array<i32>} : memref<8704xf32, #tpu.memory_space<vmem>>, vector<16xf32>,
    %get3A_2749 = arith.constant 896 : index
    %get3A_2750 = tpu.vector_load %arg10[%get3A_2749] {strides = array<i32>} : memref<8704xf32, #tpu.memory_space<vmem>>, vector<16xf32>,
    %get3A_2751 = arith.constant 1408 : index
    %get3A_2752 = tpu.vector_load %arg10[%get3A_2751] {strides = array<i32>} : memref<8704xf32, #tpu.memory_space<vmem>>, vector<16xf32>,
    %get3A_2753 = arith.constant 1920 : index
    %get3A_2754 = tpu.vector_load %arg10[%get3A_2753] {strides = array<i32>} : memref<8704xf32, #tpu.memory_space<vmem>>, vector<16xf32>,
    %get3A_2755 = arith.constant 2432 : index
    %get3A_2756 = tpu.vector_load %arg10[%get3A_2755] {strides = array<i32>} : memref<8704xf32, #tpu.memory_space<vmem>>, vector<16xf32>,
    %sub3A_2757 = arith.constant 1.57079637 : f32
    %sub3A_2758 = vector.broadcast %sub3A_2757 : f32 to vector<16xf32>
    %sub3A_2759 = arith.subf %get3A_2752, %sub3A_2758 : vector<16xf32>
    %mul3A_2760 = arith.mulf %sub3A_2759, %sub3A_2759 : vector<16xf32>
    %mul3A_2761 = arith.constant -2.50521079E-8 : f32
    %mul3A_2762 = vector.broadcast %mul3A_2761 : f32 to vector<16xf32>
    %mul3A_2763 = arith.mulf %mul3A_2760, %mul3A_2762 : vector<16xf32>
    %add3A_2764 = arith.constant 2.75573188E-6 : f32
    %add3A_2765 = vector.broadcast %add3A_2764 : f32 to vector<16xf32>
    %add3A_2766 = arith.addf %add3A_2765, %mul3A_2763 : vector<16xf32>
    %mul3A_2767 = arith.mulf %mul3A_2760, %add3A_2766 : vector<16xf32>
    %add3A_2768 = arith.constant -1.98412701E-4 : f32
    %add3A_2769 = vector.broadcast %add3A_2768 : f32 to vector<16xf32>
    %add3A_2770 = arith.addf %add3A_2769, %mul3A_2767 : vector<16xf32>
    %mul3A_2771 = arith.mulf %mul3A_2760, %add3A_2770 : vector<16xf32>
    %add3A_2772 = arith.constant 0.00833333377 : f32
    %add3A_2773 = vector.broadcast %add3A_2772 : f32 to vector<16xf32>
    %add3A_2774 = arith.addf %add3A_2773, %mul3A_2771 : vector<16xf32>
    %mul3A_2775 = arith.mulf %mul3A_2760, %add3A_2774 : vector<16xf32>
    %add3A_2776 = arith.constant -0.166666672 : f32
    %add3A_2777 = vector.broadcast %add3A_2776 : f32 to vector<16xf32>
    %add3A_2778 = arith.addf %add3A_2777, %mul3A_2775 : vector<16xf32>
    %mul3A_2779 = arith.mulf %mul3A_2760, %add3A_2778 : vector<16xf32>
    %add3A_2780 = arith.constant 1.000000e+00 : f32
    %add3A_2781 = vector.broadcast %add3A_2780 : f32 to vector<16xf32>
    %add3A_2782 = arith.addf %add3A_2781, %mul3A_2779 : vector<16xf32>
    %mul3A_2783 = arith.mulf %sub3A_2759, %add3A_2782 : vector<16xf32>
    %mul3A_2784 = arith.constant -2.755732E-7 : f32
    %mul3A_2785 = vector.broadcast %mul3A_2784 : f32 to vector<16xf32>
    %mul3A_2786 = arith.mulf %mul3A_2760, %mul3A_2785 : vector<16xf32>
    %add3A_2787 = arith.constant 2.48015876E-5 : f32
    %add3A_2788 = vector.broadcast %add3A_2787 : f32 to vector<16xf32>
    %add3A_2789 = arith.addf %add3A_2788, %mul3A_2786 : vector<16xf32>
    %mul3A_2790 = arith.mulf %mul3A_2760, %add3A_2789 : vector<16xf32>
    %add3A_2791 = arith.constant -0.00138888892 : f32
    %add3A_2792 = vector.broadcast %add3A_2791 : f32 to vector<16xf32>
    %add3A_2793 = arith.addf %add3A_2792, %mul3A_2790 : vector<16xf32>
    %mul3A_2794 = arith.mulf %mul3A_2760, %add3A_2793 : vector<16xf32>
    %add3A_2795 = arith.constant 0.0416666679 : f32
    %add3A_2796 = vector.broadcast %add3A_2795 : f32 to vector<16xf32>
    %add3A_2797 = arith.addf %add3A_2796, %mul3A_2794 : vector<16xf32>
    %mul3A_2798 = arith.mulf %mul3A_2760, %add3A_2797 : vector<16xf32>
    %add3A_2799 = arith.constant -5.000000e-01 : f32
    %add3A_2800 = vector.broadcast %add3A_2799 : f32 to vector<16xf32>
    %add3A_2801 = arith.addf %add3A_2800, %mul3A_2798 : vector<16xf32>
    %mul3A_2802 = arith.mulf %mul3A_2760, %add3A_2801 : vector<16xf32>
    %add3A_2803 = arith.constant 1.000000e+00 : f32
    %add3A_2804 = vector.broadcast %add3A_2803 : f32 to vector<16xf32>
    %add3A_2805 = arith.addf %add3A_2804, %mul3A_2802 : vector<16xf32>
    %neg3A_2806 = arith.constant 0.000000e+00 : f32
    %neg3A_2807 = vector.broadcast %neg3A_2806 : f32 to vector<16xf32>
    %neg3A_2808 = arith.subf %neg3A_2807, %mul3A_2783 : vector<16xf32>
    %mul3A_2809 = arith.mulf %get3A_2748, %neg3A_2808 : vector<16xf32>
    %mul3A_2810 = arith.mulf %get3A_2750, %neg3A_2808 : vector<16xf32>
    %mul3A_2811 = arith.mulf %mul3A_2809, %get3A_2754 : vector<16xf32>
    %mul3A_2812 = arith.mulf %get3A_2750, %get3A_2756 : vector<16xf32>
    %sub3A_2813 = arith.subf %mul3A_2811, %mul3A_2812 : vector<16xf32>
    %mul3A_2814 = arith.mulf %mul3A_2809, %get3A_2756 : vector<16xf32>
    %neg3A_2815 = arith.constant 0.000000e+00 : f32
    %neg3A_2816 = vector.broadcast %neg3A_2815 : f32 to vector<16xf32>
    %neg3A_2817 = arith.subf %neg3A_2816, %mul3A_2814 : vector<16xf32>
    %mul3A_2818 = arith.mulf %get3A_2750, %get3A_2754 : vector<16xf32>
    %sub3A_2819 = arith.subf %neg3A_2817, %mul3A_2818 : vector<16xf32>
    %mul3A_2820 = arith.mulf %get3A_2748, %add3A_2805 : vector<16xf32>
    %mul3A_2821 = arith.mulf %mul3A_2810, %get3A_2754 : vector<16xf32>
    %mul3A_2822 = arith.mulf %get3A_2748, %get3A_2756 : vector<16xf32>
    %add3A_2823 = arith.addf %mul3A_2821, %mul3A_2822 : vector<16xf32>
    %mul3A_2824 = arith.mulf %get3A_2748, %get3A_2754 : vector<16xf32>
    %mul3A_2825 = arith.mulf %mul3A_2810, %get3A_2756 : vector<16xf32>
    %sub3A_2826 = arith.subf %mul3A_2824, %mul3A_2825 : vector<16xf32>
    %mul3A_2827 = arith.mulf %get3A_2750, %add3A_2805 : vector<16xf32>
    %mul3A_2828 = arith.mulf %add3A_2805, %get3A_2754 : vector<16xf32>
    %neg3A_2829 = arith.constant 0.000000e+00 : f32
    %neg3A_2830 = vector.broadcast %neg3A_2829 : f32 to vector<16xf32>
    %neg3A_2831 = arith.subf %neg3A_2830, %mul3A_2828 : vector<16xf32>
    %mul3A_2832 = arith.mulf %add3A_2805, %get3A_2756 : vector<16xf32>
    %swap3A_2833 = arith.constant 4096 : index
    %swap3A_2834 = tpu.vector_load %arg10[%swap3A_2833] {strides = array<i32>} : memref<8704xf32, #tpu.memory_space<vmem>>, vector<16xf32>,
    tpu.vector_store %arg10[%swap3A_2833], %sub3A_2813 {strides = array<i32>} : memref<8704xf32, #tpu.memory_space<vmem>>, vector<16xf32>,
    %swap3A_2835 = arith.constant 4224 : index
    %swap3A_2836 = tpu.vector_load %arg10[%swap3A_2835] {strides = array<i32>} : memref<8704xf32, #tpu.memory_space<vmem>>, vector<16xf32>,
    tpu.vector_store %arg10[%swap3A_2835], %sub3A_2819 {strides = array<i32>} : memref<8704xf32, #tpu.memory_space<vmem>>, vector<16xf32>,
    %swap3A_2837 = arith.constant 4352 : index
    %swap3A_2838 = tpu.vector_load %arg10[%swap3A_2837] {strides = array<i32>} : memref<8704xf32, #tpu.memory_space<vmem>>, vector<16xf32>,
    tpu.vector_store %arg10[%swap3A_2837], %mul3A_2820 {strides = array<i32>} : memref<8704xf32, #tpu.memory_space<vmem>>, vector<16xf32>,
    %swap3A_2839 = arith.constant 6144 : index
    %swap3A_2840 = tpu.vector_load %arg10[%swap3A_2839] {strides = array<i32>} : memref<8704xf32, #tpu.memory_space<vmem>>, vector<16xf32>,
    tpu.vector_store %arg10[%swap3A_2839], %add3A_2823 {strides = array<i32>} : memref<8704xf32, #tpu.memory_space<vmem>>, vector<16xf32>,
    %swap3A_2841 = arith.constant 6272 : index
    %swap3A_2842 = tpu.vector_load %arg10[%swap3A_2841] {strides = array<i32>} : memref<8704xf32, #tpu.memory_space<vmem>>, vector<16xf32>,
    tpu.vector_store %arg10[%swap3A_2841], %sub3A_2826 {strides = array<i32>} : memref<8704xf32, #tpu.memory_space<vmem>>, vector<16xf32>,
    %swap3A_2843 = arith.constant 6400 : index
    %swap3A_2844 = tpu.vector_load %arg10[%swap3A_2843] {strides = array<i32>} : memref<8704xf32, #tpu.memory_space<vmem>>, vector<16xf32>,
    tpu.vector_store %arg10[%swap3A_2843], %mul3A_2827 {strides = array<i32>} : memref<8704xf32, #tpu.memory_space<vmem>>, vector<16xf32>,
    %swap3A_2845 = arith.constant 8192 : index
    %swap3A_2846 = tpu.vector_load %arg10[%swap3A_2845] {strides = array<i32>} : memref<8704xf32, #tpu.memory_space<vmem>>, vector<16xf32>,
    tpu.vector_store %arg10[%swap3A_2845], %neg3A_2831 {strides = array<i32>} : memref<8704xf32, #tpu.memory_space<vmem>>, vector<16xf32>,
    %swap3A_2847 = arith.constant 8320 : index
    %swap3A_2848 = tpu.vector_load %arg10[%swap3A_2847] {strides = array<i32>} : memref<8704xf32, #tpu.memory_space<vmem>>, vector<16xf32>,
    tpu.vector_store %arg10[%swap3A_2847], %mul3A_2832 {strides = array<i32>} : memref<8704xf32, #tpu.memory_space<vmem>>, vector<16xf32>,
    %swap3A_2849 = arith.constant 8448 : index
    %swap3A_2850 = tpu.vector_load %arg10[%swap3A_2849] {strides = array<i32>} : memref<8704xf32, #tpu.memory_space<vmem>>, vector<16xf32>,
    tpu.vector_store %arg10[%swap3A_2849], %neg3A_2808 {strides = array<i32>} : memref<8704xf32, #tpu.memory_space<vmem>>, vector<16xf32>,
    %get3A_2851 = arith.constant 400 : index
    %get3A_2852 = tpu.vector_load %arg10[%get3A_2851] {strides = array<i32>} : memref<8704xf32, #tpu.memory_space<vmem>>, vector<16xf32>,
    %get3A_2853 = arith.constant 912 : index
    %get3A_2854 = tpu.vector_load %arg10[%get3A_2853] {strides = array<i32>} : memref<8704xf32, #tpu.memory_space<vmem>>, vector<16xf32>,
    %get3A_2855 = arith.constant 1424 : index
    %get3A_2856 = tpu.vector_load %arg10[%get3A_2855] {strides = array<i32>} : memref<8704xf32, #tpu.memory_space<vmem>>, vector<16xf32>,
    %get3A_2857 = arith.constant 1936 : index
    %get3A_2858 = tpu.vector_load %arg10[%get3A_2857] {strides = array<i32>} : memref<8704xf32, #tpu.memory_space<vmem>>, vector<16xf32>,
    %get3A_2859 = arith.constant 2448 : index
    %get3A_2860 = tpu.vector_load %arg10[%get3A_2859] {strides = array<i32>} : memref<8704xf32, #tpu.memory_space<vmem>>, vector<16xf32>,
    %sub3A_2861 = arith.constant 1.57079637 : f32
    %sub3A_2862 = vector.broadcast %sub3A_2861 : f32 to vector<16xf32>
    %sub3A_2863 = arith.subf %get3A_2856, %sub3A_2862 : vector<16xf32>
    %mul3A_2864 = arith.mulf %sub3A_2863, %sub3A_2863 : vector<16xf32>
    %mul3A_2865 = arith.constant -2.50521079E-8 : f32
    %mul3A_2866 = vector.broadcast %mul3A_2865 : f32 to vector<16xf32>
    %mul3A_2867 = arith.mulf %mul3A_2864, %mul3A_2866 : vector<16xf32>
    %add3A_2868 = arith.constant 2.75573188E-6 : f32
    %add3A_2869 = vector.broadcast %add3A_2868 : f32 to vector<16xf32>
    %add3A_2870 = arith.addf %add3A_2869, %mul3A_2867 : vector<16xf32>
    %mul3A_2871 = arith.mulf %mul3A_2864, %add3A_2870 : vector<16xf32>
    %add3A_2872 = arith.constant -1.98412701E-4 : f32
    %add3A_2873 = vector.broadcast %add3A_2872 : f32 to vector<16xf32>
    %add3A_2874 = arith.addf %add3A_2873, %mul3A_2871 : vector<16xf32>
    %mul3A_2875 = arith.mulf %mul3A_2864, %add3A_2874 : vector<16xf32>
    %add3A_2876 = arith.constant 0.00833333377 : f32
    %add3A_2877 = vector.broadcast %add3A_2876 : f32 to vector<16xf32>
    %add3A_2878 = arith.addf %add3A_2877, %mul3A_2875 : vector<16xf32>
    %mul3A_2879 = arith.mulf %mul3A_2864, %add3A_2878 : vector<16xf32>
    %add3A_2880 = arith.constant -0.166666672 : f32
    %add3A_2881 = vector.broadcast %add3A_2880 : f32 to vector<16xf32>
    %add3A_2882 = arith.addf %add3A_2881, %mul3A_2879 : vector<16xf32>
    %mul3A_2883 = arith.mulf %mul3A_2864, %add3A_2882 : vector<16xf32>
    %add3A_2884 = arith.constant 1.000000e+00 : f32
    %add3A_2885 = vector.broadcast %add3A_2884 : f32 to vector<16xf32>
    %add3A_2886 = arith.addf %add3A_2885, %mul3A_2883 : vector<16xf32>
    %mul3A_2887 = arith.mulf %sub3A_2863, %add3A_2886 : vector<16xf32>
    %mul3A_2888 = arith.constant -2.755732E-7 : f32
    %mul3A_2889 = vector.broadcast %mul3A_2888 : f32 to vector<16xf32>
    %mul3A_2890 = arith.mulf %mul3A_2864, %mul3A_2889 : vector<16xf32>
    %add3A_2891 = arith.constant 2.48015876E-5 : f32
    %add3A_2892 = vector.broadcast %add3A_2891 : f32 to vector<16xf32>
    %add3A_2893 = arith.addf %add3A_2892, %mul3A_2890 : vector<16xf32>
    %mul3A_2894 = arith.mulf %mul3A_2864, %add3A_2893 : vector<16xf32>
    %add3A_2895 = arith.constant -0.00138888892 : f32
    %add3A_2896 = vector.broadcast %add3A_2895 : f32 to vector<16xf32>
    %add3A_2897 = arith.addf %add3A_2896, %mul3A_2894 : vector<16xf32>
    %mul3A_2898 = arith.mulf %mul3A_2864, %add3A_2897 : vector<16xf32>
    %add3A_2899 = arith.constant 0.0416666679 : f32
    %add3A_2900 = vector.broadcast %add3A_2899 : f32 to vector<16xf32>
    %add3A_2901 = arith.addf %add3A_2900, %mul3A_2898 : vector<16xf32>
    %mul3A_2902 = arith.mulf %mul3A_2864, %add3A_2901 : vector<16xf32>
    %add3A_2903 = arith.constant -5.000000e-01 : f32
    %add3A_2904 = vector.broadcast %add3A_2903 : f32 to vector<16xf32>
    %add3A_2905 = arith.addf %add3A_2904, %mul3A_2902 : vector<16xf32>
    %mul3A_2906 = arith.mulf %mul3A_2864, %add3A_2905 : vector<16xf32>
    %add3A_2907 = arith.constant 1.000000e+00 : f32
    %add3A_2908 = vector.broadcast %add3A_2907 : f32 to vector<16xf32>
    %add3A_2909 = arith.addf %add3A_2908, %mul3A_2906 : vector<16xf32>
    %neg3A_2910 = arith.constant 0.000000e+00 : f32
    %neg3A_2911 = vector.broadcast %neg3A_2910 : f32 to vector<16xf32>
    %neg3A_2912 = arith.subf %neg3A_2911, %mul3A_2887 : vector<16xf32>
    %mul3A_2913 = arith.mulf %get3A_2852, %neg3A_2912 : vector<16xf32>
    %mul3A_2914 = arith.mulf %get3A_2854, %neg3A_2912 : vector<16xf32>
    %mul3A_2915 = arith.mulf %mul3A_2913, %get3A_2858 : vector<16xf32>
    %mul3A_2916 = arith.mulf %get3A_2854, %get3A_2860 : vector<16xf32>
    %sub3A_2917 = arith.subf %mul3A_2915, %mul3A_2916 : vector<16xf32>
    %mul3A_2918 = arith.mulf %mul3A_2913, %get3A_2860 : vector<16xf32>
    %neg3A_2919 = arith.constant 0.000000e+00 : f32
    %neg3A_2920 = vector.broadcast %neg3A_2919 : f32 to vector<16xf32>
    %neg3A_2921 = arith.subf %neg3A_2920, %mul3A_2918 : vector<16xf32>
    %mul3A_2922 = arith.mulf %get3A_2854, %get3A_2858 : vector<16xf32>
    %sub3A_2923 = arith.subf %neg3A_2921, %mul3A_2922 : vector<16xf32>
    %mul3A_2924 = arith.mulf %get3A_2852, %add3A_2909 : vector<16xf32>
    %mul3A_2925 = arith.mulf %mul3A_2914, %get3A_2858 : vector<16xf32>
    %mul3A_2926 = arith.mulf %get3A_2852, %get3A_2860 : vector<16xf32>
    %add3A_2927 = arith.addf %mul3A_2925, %mul3A_2926 : vector<16xf32>
    %mul3A_2928 = arith.mulf %get3A_2852, %get3A_2858 : vector<16xf32>
    %mul3A_2929 = arith.mulf %mul3A_2914, %get3A_2860 : vector<16xf32>
    %sub3A_2930 = arith.subf %mul3A_2928, %mul3A_2929 : vector<16xf32>
    %mul3A_2931 = arith.mulf %get3A_2854, %add3A_2909 : vector<16xf32>
    %mul3A_2932 = arith.mulf %add3A_2909, %get3A_2858 : vector<16xf32>
    %neg3A_2933 = arith.constant 0.000000e+00 : f32
    %neg3A_2934 = vector.broadcast %neg3A_2933 : f32 to vector<16xf32>
    %neg3A_2935 = arith.subf %neg3A_2934, %mul3A_2932 : vector<16xf32>
    %mul3A_2936 = arith.mulf %add3A_2909, %get3A_2860 : vector<16xf32>
    %swap3A_2937 = arith.constant 4112 : index
    %swap3A_2938 = tpu.vector_load %arg10[%swap3A_2937] {strides = array<i32>} : memref<8704xf32, #tpu.memory_space<vmem>>, vector<16xf32>,
    tpu.vector_store %arg10[%swap3A_2937], %sub3A_2917 {strides = array<i32>} : memref<8704xf32, #tpu.memory_space<vmem>>, vector<16xf32>,
    %swap3A_2939 = arith.constant 4240 : index
    %swap3A_2940 = tpu.vector_load %arg10[%swap3A_2939] {strides = array<i32>} : memref<8704xf32, #tpu.memory_space<vmem>>, vector<16xf32>,
    tpu.vector_store %arg10[%swap3A_2939], %sub3A_2923 {strides = array<i32>} : memref<8704xf32, #tpu.memory_space<vmem>>, vector<16xf32>,
    %swap3A_2941 = arith.constant 4368 : index
    %swap3A_2942 = tpu.vector_load %arg10[%swap3A_2941] {strides = array<i32>} : memref<8704xf32, #tpu.memory_space<vmem>>, vector<16xf32>,
    tpu.vector_store %arg10[%swap3A_2941], %mul3A_2924 {strides = array<i32>} : memref<8704xf32, #tpu.memory_space<vmem>>, vector<16xf32>,
    %swap3A_2943 = arith.constant 6160 : index
    %swap3A_2944 = tpu.vector_load %arg10[%swap3A_2943] {strides = array<i32>} : memref<8704xf32, #tpu.memory_space<vmem>>, vector<16xf32>,
    tpu.vector_store %arg10[%swap3A_2943], %add3A_2927 {strides = array<i32>} : memref<8704xf32, #tpu.memory_space<vmem>>, vector<16xf32>,
    %swap3A_2945 = arith.constant 6288 : index
    %swap3A_2946 = tpu.vector_load %arg10[%swap3A_2945] {strides = array<i32>} : memref<8704xf32, #tpu.memory_space<vmem>>, vector<16xf32>,
    tpu.vector_store %arg10[%swap3A_2945], %sub3A_2930 {strides = array<i32>} : memref<8704xf32, #tpu.memory_space<vmem>>, vector<16xf32>,
    %swap3A_2947 = arith.constant 6416 : index
    %swap3A_2948 = tpu.vector_load %arg10[%swap3A_2947] {strides = array<i32>} : memref<8704xf32, #tpu.memory_space<vmem>>, vector<16xf32>,
    tpu.vector_store %arg10[%swap3A_2947], %mul3A_2931 {strides = array<i32>} : memref<8704xf32, #tpu.memory_space<vmem>>, vector<16xf32>,
    %swap3A_2949 = arith.constant 8208 : index
    %swap3A_2950 = tpu.vector_load %arg10[%swap3A_2949] {strides = array<i32>} : memref<8704xf32, #tpu.memory_space<vmem>>, vector<16xf32>,
    tpu.vector_store %arg10[%swap3A_2949], %neg3A_2935 {strides = array<i32>} : memref<8704xf32, #tpu.memory_space<vmem>>, vector<16xf32>,
    %swap3A_2951 = arith.constant 8336 : index
    %swap3A_2952 = tpu.vector_load %arg10[%swap3A_2951] {strides = array<i32>} : memref<8704xf32, #tpu.memory_space<vmem>>, vector<16xf32>,
    tpu.vector_store %arg10[%swap3A_2951], %mul3A_2936 {strides = array<i32>} : memref<8704xf32, #tpu.memory_space<vmem>>, vector<16xf32>,
    %swap3A_2953 = arith.constant 8464 : index
    %swap3A_2954 = tpu.vector_load %arg10[%swap3A_2953] {strides = array<i32>} : memref<8704xf32, #tpu.memory_space<vmem>>, vector<16xf32>,
    tpu.vector_store %arg10[%swap3A_2953], %neg3A_2912 {strides = array<i32>} : memref<8704xf32, #tpu.memory_space<vmem>>, vector<16xf32>,
    %get3A_2955 = arith.constant 416 : index
    %get3A_2956 = tpu.vector_load %arg10[%get3A_2955] {strides = array<i32>} : memref<8704xf32, #tpu.memory_space<vmem>>, vector<16xf32>,
    %get3A_2957 = arith.constant 928 : index
    %get3A_2958 = tpu.vector_load %arg10[%get3A_2957] {strides = array<i32>} : memref<8704xf32, #tpu.memory_space<vmem>>, vector<16xf32>,
    %get3A_2959 = arith.constant 1440 : index
    %get3A_2960 = tpu.vector_load %arg10[%get3A_2959] {strides = array<i32>} : memref<8704xf32, #tpu.memory_space<vmem>>, vector<16xf32>,
    %get3A_2961 = arith.constant 1952 : index
    %get3A_2962 = tpu.vector_load %arg10[%get3A_2961] {strides = array<i32>} : memref<8704xf32, #tpu.memory_space<vmem>>, vector<16xf32>,
    %get3A_2963 = arith.constant 2464 : index
    %get3A_2964 = tpu.vector_load %arg10[%get3A_2963] {strides = array<i32>} : memref<8704xf32, #tpu.memory_space<vmem>>, vector<16xf32>,
    %sub3A_2965 = arith.constant 1.57079637 : f32
    %sub3A_2966 = vector.broadcast %sub3A_2965 : f32 to vector<16xf32>
    %sub3A_2967 = arith.subf %get3A_2960, %sub3A_2966 : vector<16xf32>
    %mul3A_2968 = arith.mulf %sub3A_2967, %sub3A_2967 : vector<16xf32>
    %mul3A_2969 = arith.constant -2.50521079E-8 : f32
    %mul3A_2970 = vector.broadcast %mul3A_2969 : f32 to vector<16xf32>
    %mul3A_2971 = arith.mulf %mul3A_2968, %mul3A_2970 : vector<16xf32>
    %add3A_2972 = arith.constant 2.75573188E-6 : f32
    %add3A_2973 = vector.broadcast %add3A_2972 : f32 to vector<16xf32>
    %add3A_2974 = arith.addf %add3A_2973, %mul3A_2971 : vector<16xf32>
    %mul3A_2975 = arith.mulf %mul3A_2968, %add3A_2974 : vector<16xf32>
    %add3A_2976 = arith.constant -1.98412701E-4 : f32
    %add3A_2977 = vector.broadcast %add3A_2976 : f32 to vector<16xf32>
    %add3A_2978 = arith.addf %add3A_2977, %mul3A_2975 : vector<16xf32>
    %mul3A_2979 = arith.mulf %mul3A_2968, %add3A_2978 : vector<16xf32>
    %add3A_2980 = arith.constant 0.00833333377 : f32
    %add3A_2981 = vector.broadcast %add3A_2980 : f32 to vector<16xf32>
    %add3A_2982 = arith.addf %add3A_2981, %mul3A_2979 : vector<16xf32>
    %mul3A_2983 = arith.mulf %mul3A_2968, %add3A_2982 : vector<16xf32>
    %add3A_2984 = arith.constant -0.166666672 : f32
    %add3A_2985 = vector.broadcast %add3A_2984 : f32 to vector<16xf32>
    %add3A_2986 = arith.addf %add3A_2985, %mul3A_2983 : vector<16xf32>
    %mul3A_2987 = arith.mulf %mul3A_2968, %add3A_2986 : vector<16xf32>
    %add3A_2988 = arith.constant 1.000000e+00 : f32
    %add3A_2989 = vector.broadcast %add3A_2988 : f32 to vector<16xf32>
    %add3A_2990 = arith.addf %add3A_2989, %mul3A_2987 : vector<16xf32>
    %mul3A_2991 = arith.mulf %sub3A_2967, %add3A_2990 : vector<16xf32>
    %mul3A_2992 = arith.constant -2.755732E-7 : f32
    %mul3A_2993 = vector.broadcast %mul3A_2992 : f32 to vector<16xf32>
    %mul3A_2994 = arith.mulf %mul3A_2968, %mul3A_2993 : vector<16xf32>
    %add3A_2995 = arith.constant 2.48015876E-5 : f32
    %add3A_2996 = vector.broadcast %add3A_2995 : f32 to vector<16xf32>
    %add3A_2997 = arith.addf %add3A_2996, %mul3A_2994 : vector<16xf32>
    %mul3A_2998 = arith.mulf %mul3A_2968, %add3A_2997 : vector<16xf32>
    %add3A_2999 = arith.constant -0.00138888892 : f32
    %add3A_3000 = vector.broadcast %add3A_2999 : f32 to vector<16xf32>
    %add3A_3001 = arith.addf %add3A_3000, %mul3A_2998 : vector<16xf32>
    %mul3A_3002 = arith.mulf %mul3A_2968, %add3A_3001 : vector<16xf32>
    %add3A_3003 = arith.constant 0.0416666679 : f32
    %add3A_3004 = vector.broadcast %add3A_3003 : f32 to vector<16xf32>
    %add3A_3005 = arith.addf %add3A_3004, %mul3A_3002 : vector<16xf32>
    %mul3A_3006 = arith.mulf %mul3A_2968, %add3A_3005 : vector<16xf32>
    %add3A_3007 = arith.constant -5.000000e-01 : f32
    %add3A_3008 = vector.broadcast %add3A_3007 : f32 to vector<16xf32>
    %add3A_3009 = arith.addf %add3A_3008, %mul3A_3006 : vector<16xf32>
    %mul3A_3010 = arith.mulf %mul3A_2968, %add3A_3009 : vector<16xf32>
    %add3A_3011 = arith.constant 1.000000e+00 : f32
    %add3A_3012 = vector.broadcast %add3A_3011 : f32 to vector<16xf32>
    %add3A_3013 = arith.addf %add3A_3012, %mul3A_3010 : vector<16xf32>
    %neg3A_3014 = arith.constant 0.000000e+00 : f32
    %neg3A_3015 = vector.broadcast %neg3A_3014 : f32 to vector<16xf32>
    %neg3A_3016 = arith.subf %neg3A_3015, %mul3A_2991 : vector<16xf32>
    %mul3A_3017 = arith.mulf %get3A_2956, %neg3A_3016 : vector<16xf32>
    %mul3A_3018 = arith.mulf %get3A_2958, %neg3A_3016 : vector<16xf32>
    %mul3A_3019 = arith.mulf %mul3A_3017, %get3A_2962 : vector<16xf32>
    %mul3A_3020 = arith.mulf %get3A_2958, %get3A_2964 : vector<16xf32>
    %sub3A_3021 = arith.subf %mul3A_3019, %mul3A_3020 : vector<16xf32>
    %mul3A_3022 = arith.mulf %mul3A_3017, %get3A_2964 : vector<16xf32>
    %neg3A_3023 = arith.constant 0.000000e+00 : f32
    %neg3A_3024 = vector.broadcast %neg3A_3023 : f32 to vector<16xf32>
    %neg3A_3025 = arith.subf %neg3A_3024, %mul3A_3022 : vector<16xf32>
    %mul3A_3026 = arith.mulf %get3A_2958, %get3A_2962 : vector<16xf32>
    %sub3A_3027 = arith.subf %neg3A_3025, %mul3A_3026 : vector<16xf32>
    %mul3A_3028 = arith.mulf %get3A_2956, %add3A_3013 : vector<16xf32>
    %mul3A_3029 = arith.mulf %mul3A_3018, %get3A_2962 : vector<16xf32>
    %mul3A_3030 = arith.mulf %get3A_2956, %get3A_2964 : vector<16xf32>
    %add3A_3031 = arith.addf %mul3A_3029, %mul3A_3030 : vector<16xf32>
    %mul3A_3032 = arith.mulf %get3A_2956, %get3A_2962 : vector<16xf32>
    %mul3A_3033 = arith.mulf %mul3A_3018, %get3A_2964 : vector<16xf32>
    %sub3A_3034 = arith.subf %mul3A_3032, %mul3A_3033 : vector<16xf32>
    %mul3A_3035 = arith.mulf %get3A_2958, %add3A_3013 : vector<16xf32>
    %mul3A_3036 = arith.mulf %add3A_3013, %get3A_2962 : vector<16xf32>
    %neg3A_3037 = arith.constant 0.000000e+00 : f32
    %neg3A_3038 = vector.broadcast %neg3A_3037 : f32 to vector<16xf32>
    %neg3A_3039 = arith.subf %neg3A_3038, %mul3A_3036 : vector<16xf32>
    %mul3A_3040 = arith.mulf %add3A_3013, %get3A_2964 : vector<16xf32>
    %swap3A_3041 = arith.constant 4128 : index
    %swap3A_3042 = tpu.vector_load %arg10[%swap3A_3041] {strides = array<i32>} : memref<8704xf32, #tpu.memory_space<vmem>>, vector<16xf32>,
    tpu.vector_store %arg10[%swap3A_3041], %sub3A_3021 {strides = array<i32>} : memref<8704xf32, #tpu.memory_space<vmem>>, vector<16xf32>,
    %swap3A_3043 = arith.constant 4256 : index
    %swap3A_3044 = tpu.vector_load %arg10[%swap3A_3043] {strides = array<i32>} : memref<8704xf32, #tpu.memory_space<vmem>>, vector<16xf32>,
    tpu.vector_store %arg10[%swap3A_3043], %sub3A_3027 {strides = array<i32>} : memref<8704xf32, #tpu.memory_space<vmem>>, vector<16xf32>,
    %swap3A_3045 = arith.constant 4384 : index
    %swap3A_3046 = tpu.vector_load %arg10[%swap3A_3045] {strides = array<i32>} : memref<8704xf32, #tpu.memory_space<vmem>>, vector<16xf32>,
    tpu.vector_store %arg10[%swap3A_3045], %mul3A_3028 {strides = array<i32>} : memref<8704xf32, #tpu.memory_space<vmem>>, vector<16xf32>,
    %swap3A_3047 = arith.constant 6176 : index
    %swap3A_3048 = tpu.vector_load %arg10[%swap3A_3047] {strides = array<i32>} : memref<8704xf32, #tpu.memory_space<vmem>>, vector<16xf32>,
    tpu.vector_store %arg10[%swap3A_3047], %add3A_3031 {strides = array<i32>} : memref<8704xf32, #tpu.memory_space<vmem>>, vector<16xf32>,
    %swap3A_3049 = arith.constant 6304 : index
    %swap3A_3050 = tpu.vector_load %arg10[%swap3A_3049] {strides = array<i32>} : memref<8704xf32, #tpu.memory_space<vmem>>, vector<16xf32>,
    tpu.vector_store %arg10[%swap3A_3049], %sub3A_3034 {strides = array<i32>} : memref<8704xf32, #tpu.memory_space<vmem>>, vector<16xf32>,
    %swap3A_3051 = arith.constant 6432 : index
    %swap3A_3052 = tpu.vector_load %arg10[%swap3A_3051] {strides = array<i32>} : memref<8704xf32, #tpu.memory_space<vmem>>, vector<16xf32>,
    tpu.vector_store %arg10[%swap3A_3051], %mul3A_3035 {strides = array<i32>} : memref<8704xf32, #tpu.memory_space<vmem>>, vector<16xf32>,
    %swap3A_3053 = arith.constant 8224 : index
    %swap3A_3054 = tpu.vector_load %arg10[%swap3A_3053] {strides = array<i32>} : memref<8704xf32, #tpu.memory_space<vmem>>, vector<16xf32>,
    tpu.vector_store %arg10[%swap3A_3053], %neg3A_3039 {strides = array<i32>} : memref<8704xf32, #tpu.memory_space<vmem>>, vector<16xf32>,
    %swap3A_3055 = arith.constant 8352 : index
    %swap3A_3056 = tpu.vector_load %arg10[%swap3A_3055] {strides = array<i32>} : memref<8704xf32, #tpu.memory_space<vmem>>, vector<16xf32>,
    tpu.vector_store %arg10[%swap3A_3055], %mul3A_3040 {strides = array<i32>} : memref<8704xf32, #tpu.memory_space<vmem>>, vector<16xf32>,
    %swap3A_3057 = arith.constant 8480 : index
    %swap3A_3058 = tpu.vector_load %arg10[%swap3A_3057] {strides = array<i32>} : memref<8704xf32, #tpu.memory_space<vmem>>, vector<16xf32>,
    tpu.vector_store %arg10[%swap3A_3057], %neg3A_3016 {strides = array<i32>} : memref<8704xf32, #tpu.memory_space<vmem>>, vector<16xf32>,
    %get3A_3059 = arith.constant 432 : index
    %get3A_3060 = tpu.vector_load %arg10[%get3A_3059] {strides = array<i32>} : memref<8704xf32, #tpu.memory_space<vmem>>, vector<16xf32>,
    %get3A_3061 = arith.constant 944 : index
    %get3A_3062 = tpu.vector_load %arg10[%get3A_3061] {strides = array<i32>} : memref<8704xf32, #tpu.memory_space<vmem>>, vector<16xf32>,
    %get3A_3063 = arith.constant 1456 : index
    %get3A_3064 = tpu.vector_load %arg10[%get3A_3063] {strides = array<i32>} : memref<8704xf32, #tpu.memory_space<vmem>>, vector<16xf32>,
    %get3A_3065 = arith.constant 1968 : index
    %get3A_3066 = tpu.vector_load %arg10[%get3A_3065] {strides = array<i32>} : memref<8704xf32, #tpu.memory_space<vmem>>, vector<16xf32>,
    %get3A_3067 = arith.constant 2480 : index
    %get3A_3068 = tpu.vector_load %arg10[%get3A_3067] {strides = array<i32>} : memref<8704xf32, #tpu.memory_space<vmem>>, vector<16xf32>,
    %sub3A_3069 = arith.constant 1.57079637 : f32
    %sub3A_3070 = vector.broadcast %sub3A_3069 : f32 to vector<16xf32>
    %sub3A_3071 = arith.subf %get3A_3064, %sub3A_3070 : vector<16xf32>
    %mul3A_3072 = arith.mulf %sub3A_3071, %sub3A_3071 : vector<16xf32>
    %mul3A_3073 = arith.constant -2.50521079E-8 : f32
    %mul3A_3074 = vector.broadcast %mul3A_3073 : f32 to vector<16xf32>
    %mul3A_3075 = arith.mulf %mul3A_3072, %mul3A_3074 : vector<16xf32>
    %add3A_3076 = arith.constant 2.75573188E-6 : f32
    %add3A_3077 = vector.broadcast %add3A_3076 : f32 to vector<16xf32>
    %add3A_3078 = arith.addf %add3A_3077, %mul3A_3075 : vector<16xf32>
    %mul3A_3079 = arith.mulf %mul3A_3072, %add3A_3078 : vector<16xf32>
    %add3A_3080 = arith.constant -1.98412701E-4 : f32
    %add3A_3081 = vector.broadcast %add3A_3080 : f32 to vector<16xf32>
    %add3A_3082 = arith.addf %add3A_3081, %mul3A_3079 : vector<16xf32>
    %mul3A_3083 = arith.mulf %mul3A_3072, %add3A_3082 : vector<16xf32>
    %add3A_3084 = arith.constant 0.00833333377 : f32
    %add3A_3085 = vector.broadcast %add3A_3084 : f32 to vector<16xf32>
    %add3A_3086 = arith.addf %add3A_3085, %mul3A_3083 : vector<16xf32>
    %mul3A_3087 = arith.mulf %mul3A_3072, %add3A_3086 : vector<16xf32>
    %add3A_3088 = arith.constant -0.166666672 : f32
    %add3A_3089 = vector.broadcast %add3A_3088 : f32 to vector<16xf32>
    %add3A_3090 = arith.addf %add3A_3089, %mul3A_3087 : vector<16xf32>
    %mul3A_3091 = arith.mulf %mul3A_3072, %add3A_3090 : vector<16xf32>
    %add3A_3092 = arith.constant 1.000000e+00 : f32
    %add3A_3093 = vector.broadcast %add3A_3092 : f32 to vector<16xf32>
    %add3A_3094 = arith.addf %add3A_3093, %mul3A_3091 : vector<16xf32>
    %mul3A_3095 = arith.mulf %sub3A_3071, %add3A_3094 : vector<16xf32>
    %mul3A_3096 = arith.constant -2.755732E-7 : f32
    %mul3A_3097 = vector.broadcast %mul3A_3096 : f32 to vector<16xf32>
    %mul3A_3098 = arith.mulf %mul3A_3072, %mul3A_3097 : vector<16xf32>
    %add3A_3099 = arith.constant 2.48015876E-5 : f32
    %add3A_3100 = vector.broadcast %add3A_3099 : f32 to vector<16xf32>
    %add3A_3101 = arith.addf %add3A_3100, %mul3A_3098 : vector<16xf32>
    %mul3A_3102 = arith.mulf %mul3A_3072, %add3A_3101 : vector<16xf32>
    %add3A_3103 = arith.constant -0.00138888892 : f32
    %add3A_3104 = vector.broadcast %add3A_3103 : f32 to vector<16xf32>
    %add3A_3105 = arith.addf %add3A_3104, %mul3A_3102 : vector<16xf32>
    %mul3A_3106 = arith.mulf %mul3A_3072, %add3A_3105 : vector<16xf32>
    %add3A_3107 = arith.constant 0.0416666679 : f32
    %add3A_3108 = vector.broadcast %add3A_3107 : f32 to vector<16xf32>
    %add3A_3109 = arith.addf %add3A_3108, %mul3A_3106 : vector<16xf32>
    %mul3A_3110 = arith.mulf %mul3A_3072, %add3A_3109 : vector<16xf32>
    %add3A_3111 = arith.constant -5.000000e-01 : f32
    %add3A_3112 = vector.broadcast %add3A_3111 : f32 to vector<16xf32>
    %add3A_3113 = arith.addf %add3A_3112, %mul3A_3110 : vector<16xf32>
    %mul3A_3114 = arith.mulf %mul3A_3072, %add3A_3113 : vector<16xf32>
    %add3A_3115 = arith.constant 1.000000e+00 : f32
    %add3A_3116 = vector.broadcast %add3A_3115 : f32 to vector<16xf32>
    %add3A_3117 = arith.addf %add3A_3116, %mul3A_3114 : vector<16xf32>
    %neg3A_3118 = arith.constant 0.000000e+00 : f32
    %neg3A_3119 = vector.broadcast %neg3A_3118 : f32 to vector<16xf32>
    %neg3A_3120 = arith.subf %neg3A_3119, %mul3A_3095 : vector<16xf32>
    %mul3A_3121 = arith.mulf %get3A_3060, %neg3A_3120 : vector<16xf32>
    %mul3A_3122 = arith.mulf %get3A_3062, %neg3A_3120 : vector<16xf32>
    %mul3A_3123 = arith.mulf %mul3A_3121, %get3A_3066 : vector<16xf32>
    %mul3A_3124 = arith.mulf %get3A_3062, %get3A_3068 : vector<16xf32>
    %sub3A_3125 = arith.subf %mul3A_3123, %mul3A_3124 : vector<16xf32>
    %mul3A_3126 = arith.mulf %mul3A_3121, %get3A_3068 : vector<16xf32>
    %neg3A_3127 = arith.constant 0.000000e+00 : f32
    %neg3A_3128 = vector.broadcast %neg3A_3127 : f32 to vector<16xf32>
    %neg3A_3129 = arith.subf %neg3A_3128, %mul3A_3126 : vector<16xf32>
    %mul3A_3130 = arith.mulf %get3A_3062, %get3A_3066 : vector<16xf32>
    %sub3A_3131 = arith.subf %neg3A_3129, %mul3A_3130 : vector<16xf32>
    %mul3A_3132 = arith.mulf %get3A_3060, %add3A_3117 : vector<16xf32>
    %mul3A_3133 = arith.mulf %mul3A_3122, %get3A_3066 : vector<16xf32>
    %mul3A_3134 = arith.mulf %get3A_3060, %get3A_3068 : vector<16xf32>
    %add3A_3135 = arith.addf %mul3A_3133, %mul3A_3134 : vector<16xf32>
    %mul3A_3136 = arith.mulf %get3A_3060, %get3A_3066 : vector<16xf32>
    %mul3A_3137 = arith.mulf %mul3A_3122, %get3A_3068 : vector<16xf32>
    %sub3A_3138 = arith.subf %mul3A_3136, %mul3A_3137 : vector<16xf32>
    %mul3A_3139 = arith.mulf %get3A_3062, %add3A_3117 : vector<16xf32>
    %mul3A_3140 = arith.mulf %add3A_3117, %get3A_3066 : vector<16xf32>
    %neg3A_3141 = arith.constant 0.000000e+00 : f32
    %neg3A_3142 = vector.broadcast %neg3A_3141 : f32 to vector<16xf32>
    %neg3A_3143 = arith.subf %neg3A_3142, %mul3A_3140 : vector<16xf32>
    %mul3A_3144 = arith.mulf %add3A_3117, %get3A_3068 : vector<16xf32>
    %swap3A_3145 = arith.constant 4144 : index
    %swap3A_3146 = tpu.vector_load %arg10[%swap3A_3145] {strides = array<i32>} : memref<8704xf32, #tpu.memory_space<vmem>>, vector<16xf32>,
    tpu.vector_store %arg10[%swap3A_3145], %sub3A_3125 {strides = array<i32>} : memref<8704xf32, #tpu.memory_space<vmem>>, vector<16xf32>,
    %swap3A_3147 = arith.constant 4272 : index
    %swap3A_3148 = tpu.vector_load %arg10[%swap3A_3147] {strides = array<i32>} : memref<8704xf32, #tpu.memory_space<vmem>>, vector<16xf32>,
    tpu.vector_store %arg10[%swap3A_3147], %sub3A_3131 {strides = array<i32>} : memref<8704xf32, #tpu.memory_space<vmem>>, vector<16xf32>,
    %swap3A_3149 = arith.constant 4400 : index
    %swap3A_3150 = tpu.vector_load %arg10[%swap3A_3149] {strides = array<i32>} : memref<8704xf32, #tpu.memory_space<vmem>>, vector<16xf32>,
    tpu.vector_store %arg10[%swap3A_3149], %mul3A_3132 {strides = array<i32>} : memref<8704xf32, #tpu.memory_space<vmem>>, vector<16xf32>,
    %swap3A_3151 = arith.constant 6192 : index
    %swap3A_3152 = tpu.vector_load %arg10[%swap3A_3151] {strides = array<i32>} : memref<8704xf32, #tpu.memory_space<vmem>>, vector<16xf32>,
    tpu.vector_store %arg10[%swap3A_3151], %add3A_3135 {strides = array<i32>} : memref<8704xf32, #tpu.memory_space<vmem>>, vector<16xf32>,
    %swap3A_3153 = arith.constant 6320 : index
    %swap3A_3154 = tpu.vector_load %arg10[%swap3A_3153] {strides = array<i32>} : memref<8704xf32, #tpu.memory_space<vmem>>, vector<16xf32>,
    tpu.vector_store %arg10[%swap3A_3153], %sub3A_3138 {strides = array<i32>} : memref<8704xf32, #tpu.memory_space<vmem>>, vector<16xf32>,
    %swap3A_3155 = arith.constant 6448 : index
    %swap3A_3156 = tpu.vector_load %arg10[%swap3A_3155] {strides = array<i32>} : memref<8704xf32, #tpu.memory_space<vmem>>, vector<16xf32>,
    tpu.vector_store %arg10[%swap3A_3155], %mul3A_3139 {strides = array<i32>} : memref<8704xf32, #tpu.memory_space<vmem>>, vector<16xf32>,
    %swap3A_3157 = arith.constant 8240 : index
    %swap3A_3158 = tpu.vector_load %arg10[%swap3A_3157] {strides = array<i32>} : memref<8704xf32, #tpu.memory_space<vmem>>, vector<16xf32>,
    tpu.vector_store %arg10[%swap3A_3157], %neg3A_3143 {strides = array<i32>} : memref<8704xf32, #tpu.memory_space<vmem>>, vector<16xf32>,
    %swap3A_3159 = arith.constant 8368 : index
    %swap3A_3160 = tpu.vector_load %arg10[%swap3A_3159] {strides = array<i32>} : memref<8704xf32, #tpu.memory_space<vmem>>, vector<16xf32>,
    tpu.vector_store %arg10[%swap3A_3159], %mul3A_3144 {strides = array<i32>} : memref<8704xf32, #tpu.memory_space<vmem>>, vector<16xf32>,
    %swap3A_3161 = arith.constant 8496 : index
    %swap3A_3162 = tpu.vector_load %arg10[%swap3A_3161] {strides = array<i32>} : memref<8704xf32, #tpu.memory_space<vmem>>, vector<16xf32>,
    tpu.vector_store %arg10[%swap3A_3161], %neg3A_3120 {strides = array<i32>} : memref<8704xf32, #tpu.memory_space<vmem>>, vector<16xf32>,
    %get3A_3163 = arith.constant 448 : index
    %get3A_3164 = tpu.vector_load %arg10[%get3A_3163] {strides = array<i32>} : memref<8704xf32, #tpu.memory_space<vmem>>, vector<16xf32>,
    %get3A_3165 = arith.constant 960 : index
    %get3A_3166 = tpu.vector_load %arg10[%get3A_3165] {strides = array<i32>} : memref<8704xf32, #tpu.memory_space<vmem>>, vector<16xf32>,
    %get3A_3167 = arith.constant 1472 : index
    %get3A_3168 = tpu.vector_load %arg10[%get3A_3167] {strides = array<i32>} : memref<8704xf32, #tpu.memory_space<vmem>>, vector<16xf32>,
    %get3A_3169 = arith.constant 1984 : index
    %get3A_3170 = tpu.vector_load %arg10[%get3A_3169] {strides = array<i32>} : memref<8704xf32, #tpu.memory_space<vmem>>, vector<16xf32>,
    %get3A_3171 = arith.constant 2496 : index
    %get3A_3172 = tpu.vector_load %arg10[%get3A_3171] {strides = array<i32>} : memref<8704xf32, #tpu.memory_space<vmem>>, vector<16xf32>,
    %sub3A_3173 = arith.constant 1.57079637 : f32
    %sub3A_3174 = vector.broadcast %sub3A_3173 : f32 to vector<16xf32>
    %sub3A_3175 = arith.subf %get3A_3168, %sub3A_3174 : vector<16xf32>
    %mul3A_3176 = arith.mulf %sub3A_3175, %sub3A_3175 : vector<16xf32>
    %mul3A_3177 = arith.constant -2.50521079E-8 : f32
    %mul3A_3178 = vector.broadcast %mul3A_3177 : f32 to vector<16xf32>
    %mul3A_3179 = arith.mulf %mul3A_3176, %mul3A_3178 : vector<16xf32>
    %add3A_3180 = arith.constant 2.75573188E-6 : f32
    %add3A_3181 = vector.broadcast %add3A_3180 : f32 to vector<16xf32>
    %add3A_3182 = arith.addf %add3A_3181, %mul3A_3179 : vector<16xf32>
    %mul3A_3183 = arith.mulf %mul3A_3176, %add3A_3182 : vector<16xf32>
    %add3A_3184 = arith.constant -1.98412701E-4 : f32
    %add3A_3185 = vector.broadcast %add3A_3184 : f32 to vector<16xf32>
    %add3A_3186 = arith.addf %add3A_3185, %mul3A_3183 : vector<16xf32>
    %mul3A_3187 = arith.mulf %mul3A_3176, %add3A_3186 : vector<16xf32>
    %add3A_3188 = arith.constant 0.00833333377 : f32
    %add3A_3189 = vector.broadcast %add3A_3188 : f32 to vector<16xf32>
    %add3A_3190 = arith.addf %add3A_3189, %mul3A_3187 : vector<16xf32>
    %mul3A_3191 = arith.mulf %mul3A_3176, %add3A_3190 : vector<16xf32>
    %add3A_3192 = arith.constant -0.166666672 : f32
    %add3A_3193 = vector.broadcast %add3A_3192 : f32 to vector<16xf32>
    %add3A_3194 = arith.addf %add3A_3193, %mul3A_3191 : vector<16xf32>
    %mul3A_3195 = arith.mulf %mul3A_3176, %add3A_3194 : vector<16xf32>
    %add3A_3196 = arith.constant 1.000000e+00 : f32
    %add3A_3197 = vector.broadcast %add3A_3196 : f32 to vector<16xf32>
    %add3A_3198 = arith.addf %add3A_3197, %mul3A_3195 : vector<16xf32>
    %mul3A_3199 = arith.mulf %sub3A_3175, %add3A_3198 : vector<16xf32>
    %mul3A_3200 = arith.constant -2.755732E-7 : f32
    %mul3A_3201 = vector.broadcast %mul3A_3200 : f32 to vector<16xf32>
    %mul3A_3202 = arith.mulf %mul3A_3176, %mul3A_3201 : vector<16xf32>
    %add3A_3203 = arith.constant 2.48015876E-5 : f32
    %add3A_3204 = vector.broadcast %add3A_3203 : f32 to vector<16xf32>
    %add3A_3205 = arith.addf %add3A_3204, %mul3A_3202 : vector<16xf32>
    %mul3A_3206 = arith.mulf %mul3A_3176, %add3A_3205 : vector<16xf32>
    %add3A_3207 = arith.constant -0.00138888892 : f32
    %add3A_3208 = vector.broadcast %add3A_3207 : f32 to vector<16xf32>
    %add3A_3209 = arith.addf %add3A_3208, %mul3A_3206 : vector<16xf32>
    %mul3A_3210 = arith.mulf %mul3A_3176, %add3A_3209 : vector<16xf32>
    %add3A_3211 = arith.constant 0.0416666679 : f32
    %add3A_3212 = vector.broadcast %add3A_3211 : f32 to vector<16xf32>
    %add3A_3213 = arith.addf %add3A_3212, %mul3A_3210 : vector<16xf32>
    %mul3A_3214 = arith.mulf %mul3A_3176, %add3A_3213 : vector<16xf32>
    %add3A_3215 = arith.constant -5.000000e-01 : f32
    %add3A_3216 = vector.broadcast %add3A_3215 : f32 to vector<16xf32>
    %add3A_3217 = arith.addf %add3A_3216, %mul3A_3214 : vector<16xf32>
    %mul3A_3218 = arith.mulf %mul3A_3176, %add3A_3217 : vector<16xf32>
    %add3A_3219 = arith.constant 1.000000e+00 : f32
    %add3A_3220 = vector.broadcast %add3A_3219 : f32 to vector<16xf32>
    %add3A_3221 = arith.addf %add3A_3220, %mul3A_3218 : vector<16xf32>
    %neg3A_3222 = arith.constant 0.000000e+00 : f32
    %neg3A_3223 = vector.broadcast %neg3A_3222 : f32 to vector<16xf32>
    %neg3A_3224 = arith.subf %neg3A_3223, %mul3A_3199 : vector<16xf32>
    %mul3A_3225 = arith.mulf %get3A_3164, %neg3A_3224 : vector<16xf32>
    %mul3A_3226 = arith.mulf %get3A_3166, %neg3A_3224 : vector<16xf32>
    %mul3A_3227 = arith.mulf %mul3A_3225, %get3A_3170 : vector<16xf32>
    %mul3A_3228 = arith.mulf %get3A_3166, %get3A_3172 : vector<16xf32>
    %sub3A_3229 = arith.subf %mul3A_3227, %mul3A_3228 : vector<16xf32>
    %mul3A_3230 = arith.mulf %mul3A_3225, %get3A_3172 : vector<16xf32>
    %neg3A_3231 = arith.constant 0.000000e+00 : f32
    %neg3A_3232 = vector.broadcast %neg3A_3231 : f32 to vector<16xf32>
    %neg3A_3233 = arith.subf %neg3A_3232, %mul3A_3230 : vector<16xf32>
    %mul3A_3234 = arith.mulf %get3A_3166, %get3A_3170 : vector<16xf32>
    %sub3A_3235 = arith.subf %neg3A_3233, %mul3A_3234 : vector<16xf32>
    %mul3A_3236 = arith.mulf %get3A_3164, %add3A_3221 : vector<16xf32>
    %mul3A_3237 = arith.mulf %mul3A_3226, %get3A_3170 : vector<16xf32>
    %mul3A_3238 = arith.mulf %get3A_3164, %get3A_3172 : vector<16xf32>
    %add3A_3239 = arith.addf %mul3A_3237, %mul3A_3238 : vector<16xf32>
    %mul3A_3240 = arith.mulf %get3A_3164, %get3A_3170 : vector<16xf32>
    %mul3A_3241 = arith.mulf %mul3A_3226, %get3A_3172 : vector<16xf32>
    %sub3A_3242 = arith.subf %mul3A_3240, %mul3A_3241 : vector<16xf32>
    %mul3A_3243 = arith.mulf %get3A_3166, %add3A_3221 : vector<16xf32>
    %mul3A_3244 = arith.mulf %add3A_3221, %get3A_3170 : vector<16xf32>
    %neg3A_3245 = arith.constant 0.000000e+00 : f32
    %neg3A_3246 = vector.broadcast %neg3A_3245 : f32 to vector<16xf32>
    %neg3A_3247 = arith.subf %neg3A_3246, %mul3A_3244 : vector<16xf32>
    %mul3A_3248 = arith.mulf %add3A_3221, %get3A_3172 : vector<16xf32>
    %swap3A_3249 = arith.constant 4160 : index
    %swap3A_3250 = tpu.vector_load %arg10[%swap3A_3249] {strides = array<i32>} : memref<8704xf32, #tpu.memory_space<vmem>>, vector<16xf32>,
    tpu.vector_store %arg10[%swap3A_3249], %sub3A_3229 {strides = array<i32>} : memref<8704xf32, #tpu.memory_space<vmem>>, vector<16xf32>,
    %swap3A_3251 = arith.constant 4288 : index
    %swap3A_3252 = tpu.vector_load %arg10[%swap3A_3251] {strides = array<i32>} : memref<8704xf32, #tpu.memory_space<vmem>>, vector<16xf32>,
    tpu.vector_store %arg10[%swap3A_3251], %sub3A_3235 {strides = array<i32>} : memref<8704xf32, #tpu.memory_space<vmem>>, vector<16xf32>,
    %swap3A_3253 = arith.constant 4416 : index
    %swap3A_3254 = tpu.vector_load %arg10[%swap3A_3253] {strides = array<i32>} : memref<8704xf32, #tpu.memory_space<vmem>>, vector<16xf32>,
    tpu.vector_store %arg10[%swap3A_3253], %mul3A_3236 {strides = array<i32>} : memref<8704xf32, #tpu.memory_space<vmem>>, vector<16xf32>,
    %swap3A_3255 = arith.constant 6208 : index
    %swap3A_3256 = tpu.vector_load %arg10[%swap3A_3255] {strides = array<i32>} : memref<8704xf32, #tpu.memory_space<vmem>>, vector<16xf32>,
    tpu.vector_store %arg10[%swap3A_3255], %add3A_3239 {strides = array<i32>} : memref<8704xf32, #tpu.memory_space<vmem>>, vector<16xf32>,
    %swap3A_3257 = arith.constant 6336 : index
    %swap3A_3258 = tpu.vector_load %arg10[%swap3A_3257] {strides = array<i32>} : memref<8704xf32, #tpu.memory_space<vmem>>, vector<16xf32>,
    tpu.vector_store %arg10[%swap3A_3257], %sub3A_3242 {strides = array<i32>} : memref<8704xf32, #tpu.memory_space<vmem>>, vector<16xf32>,
    %swap3A_3259 = arith.constant 6464 : index
    %swap3A_3260 = tpu.vector_load %arg10[%swap3A_3259] {strides = array<i32>} : memref<8704xf32, #tpu.memory_space<vmem>>, vector<16xf32>,
    tpu.vector_store %arg10[%swap3A_3259], %mul3A_3243 {strides = array<i32>} : memref<8704xf32, #tpu.memory_space<vmem>>, vector<16xf32>,
    %swap3A_3261 = arith.constant 8256 : index
    %swap3A_3262 = tpu.vector_load %arg10[%swap3A_3261] {strides = array<i32>} : memref<8704xf32, #tpu.memory_space<vmem>>, vector<16xf32>,
    tpu.vector_store %arg10[%swap3A_3261], %neg3A_3247 {strides = array<i32>} : memref<8704xf32, #tpu.memory_space<vmem>>, vector<16xf32>,
    %swap3A_3263 = arith.constant 8384 : index
    %swap3A_3264 = tpu.vector_load %arg10[%swap3A_3263] {strides = array<i32>} : memref<8704xf32, #tpu.memory_space<vmem>>, vector<16xf32>,
    tpu.vector_store %arg10[%swap3A_3263], %mul3A_3248 {strides = array<i32>} : memref<8704xf32, #tpu.memory_space<vmem>>, vector<16xf32>,
    %swap3A_3265 = arith.constant 8512 : index
    %swap3A_3266 = tpu.vector_load %arg10[%swap3A_3265] {strides = array<i32>} : memref<8704xf32, #tpu.memory_space<vmem>>, vector<16xf32>,
    tpu.vector_store %arg10[%swap3A_3265], %neg3A_3224 {strides = array<i32>} : memref<8704xf32, #tpu.memory_space<vmem>>, vector<16xf32>,
    %get3A_3267 = arith.constant 464 : index
    %get3A_3268 = tpu.vector_load %arg10[%get3A_3267] {strides = array<i32>} : memref<8704xf32, #tpu.memory_space<vmem>>, vector<16xf32>,
    %get3A_3269 = arith.constant 976 : index
    %get3A_3270 = tpu.vector_load %arg10[%get3A_3269] {strides = array<i32>} : memref<8704xf32, #tpu.memory_space<vmem>>, vector<16xf32>,
    %get3A_3271 = arith.constant 1488 : index
    %get3A_3272 = tpu.vector_load %arg10[%get3A_3271] {strides = array<i32>} : memref<8704xf32, #tpu.memory_space<vmem>>, vector<16xf32>,
    %get3A_3273 = arith.constant 2000 : index
    %get3A_3274 = tpu.vector_load %arg10[%get3A_3273] {strides = array<i32>} : memref<8704xf32, #tpu.memory_space<vmem>>, vector<16xf32>,
    %get3A_3275 = arith.constant 2512 : index
    %get3A_3276 = tpu.vector_load %arg10[%get3A_3275] {strides = array<i32>} : memref<8704xf32, #tpu.memory_space<vmem>>, vector<16xf32>,
    %sub3A_3277 = arith.constant 1.57079637 : f32
    %sub3A_3278 = vector.broadcast %sub3A_3277 : f32 to vector<16xf32>
    %sub3A_3279 = arith.subf %get3A_3272, %sub3A_3278 : vector<16xf32>
    %mul3A_3280 = arith.mulf %sub3A_3279, %sub3A_3279 : vector<16xf32>
    %mul3A_3281 = arith.constant -2.50521079E-8 : f32
    %mul3A_3282 = vector.broadcast %mul3A_3281 : f32 to vector<16xf32>
    %mul3A_3283 = arith.mulf %mul3A_3280, %mul3A_3282 : vector<16xf32>
    %add3A_3284 = arith.constant 2.75573188E-6 : f32
    %add3A_3285 = vector.broadcast %add3A_3284 : f32 to vector<16xf32>
    %add3A_3286 = arith.addf %add3A_3285, %mul3A_3283 : vector<16xf32>
    %mul3A_3287 = arith.mulf %mul3A_3280, %add3A_3286 : vector<16xf32>
    %add3A_3288 = arith.constant -1.98412701E-4 : f32
    %add3A_3289 = vector.broadcast %add3A_3288 : f32 to vector<16xf32>
    %add3A_3290 = arith.addf %add3A_3289, %mul3A_3287 : vector<16xf32>
    %mul3A_3291 = arith.mulf %mul3A_3280, %add3A_3290 : vector<16xf32>
    %add3A_3292 = arith.constant 0.00833333377 : f32
    %add3A_3293 = vector.broadcast %add3A_3292 : f32 to vector<16xf32>
    %add3A_3294 = arith.addf %add3A_3293, %mul3A_3291 : vector<16xf32>
    %mul3A_3295 = arith.mulf %mul3A_3280, %add3A_3294 : vector<16xf32>
    %add3A_3296 = arith.constant -0.166666672 : f32
    %add3A_3297 = vector.broadcast %add3A_3296 : f32 to vector<16xf32>
    %add3A_3298 = arith.addf %add3A_3297, %mul3A_3295 : vector<16xf32>
    %mul3A_3299 = arith.mulf %mul3A_3280, %add3A_3298 : vector<16xf32>
    %add3A_3300 = arith.constant 1.000000e+00 : f32
    %add3A_3301 = vector.broadcast %add3A_3300 : f32 to vector<16xf32>
    %add3A_3302 = arith.addf %add3A_3301, %mul3A_3299 : vector<16xf32>
    %mul3A_3303 = arith.mulf %sub3A_3279, %add3A_3302 : vector<16xf32>
    %mul3A_3304 = arith.constant -2.755732E-7 : f32
    %mul3A_3305 = vector.broadcast %mul3A_3304 : f32 to vector<16xf32>
    %mul3A_3306 = arith.mulf %mul3A_3280, %mul3A_3305 : vector<16xf32>
    %add3A_3307 = arith.constant 2.48015876E-5 : f32
    %add3A_3308 = vector.broadcast %add3A_3307 : f32 to vector<16xf32>
    %add3A_3309 = arith.addf %add3A_3308, %mul3A_3306 : vector<16xf32>
    %mul3A_3310 = arith.mulf %mul3A_3280, %add3A_3309 : vector<16xf32>
    %add3A_3311 = arith.constant -0.00138888892 : f32
    %add3A_3312 = vector.broadcast %add3A_3311 : f32 to vector<16xf32>
    %add3A_3313 = arith.addf %add3A_3312, %mul3A_3310 : vector<16xf32>
    %mul3A_3314 = arith.mulf %mul3A_3280, %add3A_3313 : vector<16xf32>
    %add3A_3315 = arith.constant 0.0416666679 : f32
    %add3A_3316 = vector.broadcast %add3A_3315 : f32 to vector<16xf32>
    %add3A_3317 = arith.addf %add3A_3316, %mul3A_3314 : vector<16xf32>
    %mul3A_3318 = arith.mulf %mul3A_3280, %add3A_3317 : vector<16xf32>
    %add3A_3319 = arith.constant -5.000000e-01 : f32
    %add3A_3320 = vector.broadcast %add3A_3319 : f32 to vector<16xf32>
    %add3A_3321 = arith.addf %add3A_3320, %mul3A_3318 : vector<16xf32>
    %mul3A_3322 = arith.mulf %mul3A_3280, %add3A_3321 : vector<16xf32>
    %add3A_3323 = arith.constant 1.000000e+00 : f32
    %add3A_3324 = vector.broadcast %add3A_3323 : f32 to vector<16xf32>
    %add3A_3325 = arith.addf %add3A_3324, %mul3A_3322 : vector<16xf32>
    %neg3A_3326 = arith.constant 0.000000e+00 : f32
    %neg3A_3327 = vector.broadcast %neg3A_3326 : f32 to vector<16xf32>
    %neg3A_3328 = arith.subf %neg3A_3327, %mul3A_3303 : vector<16xf32>
    %mul3A_3329 = arith.mulf %get3A_3268, %neg3A_3328 : vector<16xf32>
    %mul3A_3330 = arith.mulf %get3A_3270, %neg3A_3328 : vector<16xf32>
    %mul3A_3331 = arith.mulf %mul3A_3329, %get3A_3274 : vector<16xf32>
    %mul3A_3332 = arith.mulf %get3A_3270, %get3A_3276 : vector<16xf32>
    %sub3A_3333 = arith.subf %mul3A_3331, %mul3A_3332 : vector<16xf32>
    %mul3A_3334 = arith.mulf %mul3A_3329, %get3A_3276 : vector<16xf32>
    %neg3A_3335 = arith.constant 0.000000e+00 : f32
    %neg3A_3336 = vector.broadcast %neg3A_3335 : f32 to vector<16xf32>
    %neg3A_3337 = arith.subf %neg3A_3336, %mul3A_3334 : vector<16xf32>
    %mul3A_3338 = arith.mulf %get3A_3270, %get3A_3274 : vector<16xf32>
    %sub3A_3339 = arith.subf %neg3A_3337, %mul3A_3338 : vector<16xf32>
    %mul3A_3340 = arith.mulf %get3A_3268, %add3A_3325 : vector<16xf32>
    %mul3A_3341 = arith.mulf %mul3A_3330, %get3A_3274 : vector<16xf32>
    %mul3A_3342 = arith.mulf %get3A_3268, %get3A_3276 : vector<16xf32>
    %add3A_3343 = arith.addf %mul3A_3341, %mul3A_3342 : vector<16xf32>
    %mul3A_3344 = arith.mulf %get3A_3268, %get3A_3274 : vector<16xf32>
    %mul3A_3345 = arith.mulf %mul3A_3330, %get3A_3276 : vector<16xf32>
    %sub3A_3346 = arith.subf %mul3A_3344, %mul3A_3345 : vector<16xf32>
    %mul3A_3347 = arith.mulf %get3A_3270, %add3A_3325 : vector<16xf32>
    %mul3A_3348 = arith.mulf %add3A_3325, %get3A_3274 : vector<16xf32>
    %neg3A_3349 = arith.constant 0.000000e+00 : f32
    %neg3A_3350 = vector.broadcast %neg3A_3349 : f32 to vector<16xf32>
    %neg3A_3351 = arith.subf %neg3A_3350, %mul3A_3348 : vector<16xf32>
    %mul3A_3352 = arith.mulf %add3A_3325, %get3A_3276 : vector<16xf32>
    %swap3A_3353 = arith.constant 4176 : index
    %swap3A_3354 = tpu.vector_load %arg10[%swap3A_3353] {strides = array<i32>} : memref<8704xf32, #tpu.memory_space<vmem>>, vector<16xf32>,
    tpu.vector_store %arg10[%swap3A_3353], %sub3A_3333 {strides = array<i32>} : memref<8704xf32, #tpu.memory_space<vmem>>, vector<16xf32>,
    %swap3A_3355 = arith.constant 4304 : index
    %swap3A_3356 = tpu.vector_load %arg10[%swap3A_3355] {strides = array<i32>} : memref<8704xf32, #tpu.memory_space<vmem>>, vector<16xf32>,
    tpu.vector_store %arg10[%swap3A_3355], %sub3A_3339 {strides = array<i32>} : memref<8704xf32, #tpu.memory_space<vmem>>, vector<16xf32>,
    %swap3A_3357 = arith.constant 4432 : index
    %swap3A_3358 = tpu.vector_load %arg10[%swap3A_3357] {strides = array<i32>} : memref<8704xf32, #tpu.memory_space<vmem>>, vector<16xf32>,
    tpu.vector_store %arg10[%swap3A_3357], %mul3A_3340 {strides = array<i32>} : memref<8704xf32, #tpu.memory_space<vmem>>, vector<16xf32>,
    %swap3A_3359 = arith.constant 6224 : index
    %swap3A_3360 = tpu.vector_load %arg10[%swap3A_3359] {strides = array<i32>} : memref<8704xf32, #tpu.memory_space<vmem>>, vector<16xf32>,
    tpu.vector_store %arg10[%swap3A_3359], %add3A_3343 {strides = array<i32>} : memref<8704xf32, #tpu.memory_space<vmem>>, vector<16xf32>,
    %swap3A_3361 = arith.constant 6352 : index
    %swap3A_3362 = tpu.vector_load %arg10[%swap3A_3361] {strides = array<i32>} : memref<8704xf32, #tpu.memory_space<vmem>>, vector<16xf32>,
    tpu.vector_store %arg10[%swap3A_3361], %sub3A_3346 {strides = array<i32>} : memref<8704xf32, #tpu.memory_space<vmem>>, vector<16xf32>,
    %swap3A_3363 = arith.constant 6480 : index
    %swap3A_3364 = tpu.vector_load %arg10[%swap3A_3363] {strides = array<i32>} : memref<8704xf32, #tpu.memory_space<vmem>>, vector<16xf32>,
    tpu.vector_store %arg10[%swap3A_3363], %mul3A_3347 {strides = array<i32>} : memref<8704xf32, #tpu.memory_space<vmem>>, vector<16xf32>,
    %swap3A_3365 = arith.constant 8272 : index
    %swap3A_3366 = tpu.vector_load %arg10[%swap3A_3365] {strides = array<i32>} : memref<8704xf32, #tpu.memory_space<vmem>>, vector<16xf32>,
    tpu.vector_store %arg10[%swap3A_3365], %neg3A_3351 {strides = array<i32>} : memref<8704xf32, #tpu.memory_space<vmem>>, vector<16xf32>,
    %swap3A_3367 = arith.constant 8400 : index
    %swap3A_3368 = tpu.vector_load %arg10[%swap3A_3367] {strides = array<i32>} : memref<8704xf32, #tpu.memory_space<vmem>>, vector<16xf32>,
    tpu.vector_store %arg10[%swap3A_3367], %mul3A_3352 {strides = array<i32>} : memref<8704xf32, #tpu.memory_space<vmem>>, vector<16xf32>,
    %swap3A_3369 = arith.constant 8528 : index
    %swap3A_3370 = tpu.vector_load %arg10[%swap3A_3369] {strides = array<i32>} : memref<8704xf32, #tpu.memory_space<vmem>>, vector<16xf32>,
    tpu.vector_store %arg10[%swap3A_3369], %neg3A_3328 {strides = array<i32>} : memref<8704xf32, #tpu.memory_space<vmem>>, vector<16xf32>,
    %get3A_3371 = arith.constant 480 : index
    %get3A_3372 = tpu.vector_load %arg10[%get3A_3371] {strides = array<i32>} : memref<8704xf32, #tpu.memory_space<vmem>>, vector<16xf32>,
    %get3A_3373 = arith.constant 992 : index
    %get3A_3374 = tpu.vector_load %arg10[%get3A_3373] {strides = array<i32>} : memref<8704xf32, #tpu.memory_space<vmem>>, vector<16xf32>,
    %get3A_3375 = arith.constant 1504 : index
    %get3A_3376 = tpu.vector_load %arg10[%get3A_3375] {strides = array<i32>} : memref<8704xf32, #tpu.memory_space<vmem>>, vector<16xf32>,
    %get3A_3377 = arith.constant 2016 : index
    %get3A_3378 = tpu.vector_load %arg10[%get3A_3377] {strides = array<i32>} : memref<8704xf32, #tpu.memory_space<vmem>>, vector<16xf32>,
    %get3A_3379 = arith.constant 2528 : index
    %get3A_3380 = tpu.vector_load %arg10[%get3A_3379] {strides = array<i32>} : memref<8704xf32, #tpu.memory_space<vmem>>, vector<16xf32>,
    %sub3A_3381 = arith.constant 1.57079637 : f32
    %sub3A_3382 = vector.broadcast %sub3A_3381 : f32 to vector<16xf32>
    %sub3A_3383 = arith.subf %get3A_3376, %sub3A_3382 : vector<16xf32>
    %mul3A_3384 = arith.mulf %sub3A_3383, %sub3A_3383 : vector<16xf32>
    %mul3A_3385 = arith.constant -2.50521079E-8 : f32
    %mul3A_3386 = vector.broadcast %mul3A_3385 : f32 to vector<16xf32>
    %mul3A_3387 = arith.mulf %mul3A_3384, %mul3A_3386 : vector<16xf32>
    %add3A_3388 = arith.constant 2.75573188E-6 : f32
    %add3A_3389 = vector.broadcast %add3A_3388 : f32 to vector<16xf32>
    %add3A_3390 = arith.addf %add3A_3389, %mul3A_3387 : vector<16xf32>
    %mul3A_3391 = arith.mulf %mul3A_3384, %add3A_3390 : vector<16xf32>
    %add3A_3392 = arith.constant -1.98412701E-4 : f32
    %add3A_3393 = vector.broadcast %add3A_3392 : f32 to vector<16xf32>
    %add3A_3394 = arith.addf %add3A_3393, %mul3A_3391 : vector<16xf32>
    %mul3A_3395 = arith.mulf %mul3A_3384, %add3A_3394 : vector<16xf32>
    %add3A_3396 = arith.constant 0.00833333377 : f32
    %add3A_3397 = vector.broadcast %add3A_3396 : f32 to vector<16xf32>
    %add3A_3398 = arith.addf %add3A_3397, %mul3A_3395 : vector<16xf32>
    %mul3A_3399 = arith.mulf %mul3A_3384, %add3A_3398 : vector<16xf32>
    %add3A_3400 = arith.constant -0.166666672 : f32
    %add3A_3401 = vector.broadcast %add3A_3400 : f32 to vector<16xf32>
    %add3A_3402 = arith.addf %add3A_3401, %mul3A_3399 : vector<16xf32>
    %mul3A_3403 = arith.mulf %mul3A_3384, %add3A_3402 : vector<16xf32>
    %add3A_3404 = arith.constant 1.000000e+00 : f32
    %add3A_3405 = vector.broadcast %add3A_3404 : f32 to vector<16xf32>
    %add3A_3406 = arith.addf %add3A_3405, %mul3A_3403 : vector<16xf32>
    %mul3A_3407 = arith.mulf %sub3A_3383, %add3A_3406 : vector<16xf32>
    %mul3A_3408 = arith.constant -2.755732E-7 : f32
    %mul3A_3409 = vector.broadcast %mul3A_3408 : f32 to vector<16xf32>
    %mul3A_3410 = arith.mulf %mul3A_3384, %mul3A_3409 : vector<16xf32>
    %add3A_3411 = arith.constant 2.48015876E-5 : f32
    %add3A_3412 = vector.broadcast %add3A_3411 : f32 to vector<16xf32>
    %add3A_3413 = arith.addf %add3A_3412, %mul3A_3410 : vector<16xf32>
    %mul3A_3414 = arith.mulf %mul3A_3384, %add3A_3413 : vector<16xf32>
    %add3A_3415 = arith.constant -0.00138888892 : f32
    %add3A_3416 = vector.broadcast %add3A_3415 : f32 to vector<16xf32>
    %add3A_3417 = arith.addf %add3A_3416, %mul3A_3414 : vector<16xf32>
    %mul3A_3418 = arith.mulf %mul3A_3384, %add3A_3417 : vector<16xf32>
    %add3A_3419 = arith.constant 0.0416666679 : f32
    %add3A_3420 = vector.broadcast %add3A_3419 : f32 to vector<16xf32>
    %add3A_3421 = arith.addf %add3A_3420, %mul3A_3418 : vector<16xf32>
    %mul3A_3422 = arith.mulf %mul3A_3384, %add3A_3421 : vector<16xf32>
    %add3A_3423 = arith.constant -5.000000e-01 : f32
    %add3A_3424 = vector.broadcast %add3A_3423 : f32 to vector<16xf32>
    %add3A_3425 = arith.addf %add3A_3424, %mul3A_3422 : vector<16xf32>
    %mul3A_3426 = arith.mulf %mul3A_3384, %add3A_3425 : vector<16xf32>
    %add3A_3427 = arith.constant 1.000000e+00 : f32
    %add3A_3428 = vector.broadcast %add3A_3427 : f32 to vector<16xf32>
    %add3A_3429 = arith.addf %add3A_3428, %mul3A_3426 : vector<16xf32>
    %neg3A_3430 = arith.constant 0.000000e+00 : f32
    %neg3A_3431 = vector.broadcast %neg3A_3430 : f32 to vector<16xf32>
    %neg3A_3432 = arith.subf %neg3A_3431, %mul3A_3407 : vector<16xf32>
    %mul3A_3433 = arith.mulf %get3A_3372, %neg3A_3432 : vector<16xf32>
    %mul3A_3434 = arith.mulf %get3A_3374, %neg3A_3432 : vector<16xf32>
    %mul3A_3435 = arith.mulf %mul3A_3433, %get3A_3378 : vector<16xf32>
    %mul3A_3436 = arith.mulf %get3A_3374, %get3A_3380 : vector<16xf32>
    %sub3A_3437 = arith.subf %mul3A_3435, %mul3A_3436 : vector<16xf32>
    %mul3A_3438 = arith.mulf %mul3A_3433, %get3A_3380 : vector<16xf32>
    %neg3A_3439 = arith.constant 0.000000e+00 : f32
    %neg3A_3440 = vector.broadcast %neg3A_3439 : f32 to vector<16xf32>
    %neg3A_3441 = arith.subf %neg3A_3440, %mul3A_3438 : vector<16xf32>
    %mul3A_3442 = arith.mulf %get3A_3374, %get3A_3378 : vector<16xf32>
    %sub3A_3443 = arith.subf %neg3A_3441, %mul3A_3442 : vector<16xf32>
    %mul3A_3444 = arith.mulf %get3A_3372, %add3A_3429 : vector<16xf32>
    %mul3A_3445 = arith.mulf %mul3A_3434, %get3A_3378 : vector<16xf32>
    %mul3A_3446 = arith.mulf %get3A_3372, %get3A_3380 : vector<16xf32>
    %add3A_3447 = arith.addf %mul3A_3445, %mul3A_3446 : vector<16xf32>
    %mul3A_3448 = arith.mulf %get3A_3372, %get3A_3378 : vector<16xf32>
    %mul3A_3449 = arith.mulf %mul3A_3434, %get3A_3380 : vector<16xf32>
    %sub3A_3450 = arith.subf %mul3A_3448, %mul3A_3449 : vector<16xf32>
    %mul3A_3451 = arith.mulf %get3A_3374, %add3A_3429 : vector<16xf32>
    %mul3A_3452 = arith.mulf %add3A_3429, %get3A_3378 : vector<16xf32>
    %neg3A_3453 = arith.constant 0.000000e+00 : f32
    %neg3A_3454 = vector.broadcast %neg3A_3453 : f32 to vector<16xf32>
    %neg3A_3455 = arith.subf %neg3A_3454, %mul3A_3452 : vector<16xf32>
    %mul3A_3456 = arith.mulf %add3A_3429, %get3A_3380 : vector<16xf32>
    %swap3A_3457 = arith.constant 4192 : index
    %swap3A_3458 = tpu.vector_load %arg10[%swap3A_3457] {strides = array<i32>} : memref<8704xf32, #tpu.memory_space<vmem>>, vector<16xf32>,
    tpu.vector_store %arg10[%swap3A_3457], %sub3A_3437 {strides = array<i32>} : memref<8704xf32, #tpu.memory_space<vmem>>, vector<16xf32>,
    %swap3A_3459 = arith.constant 4320 : index
    %swap3A_3460 = tpu.vector_load %arg10[%swap3A_3459] {strides = array<i32>} : memref<8704xf32, #tpu.memory_space<vmem>>, vector<16xf32>,
    tpu.vector_store %arg10[%swap3A_3459], %sub3A_3443 {strides = array<i32>} : memref<8704xf32, #tpu.memory_space<vmem>>, vector<16xf32>,
    %swap3A_3461 = arith.constant 4448 : index
    %swap3A_3462 = tpu.vector_load %arg10[%swap3A_3461] {strides = array<i32>} : memref<8704xf32, #tpu.memory_space<vmem>>, vector<16xf32>,
    tpu.vector_store %arg10[%swap3A_3461], %mul3A_3444 {strides = array<i32>} : memref<8704xf32, #tpu.memory_space<vmem>>, vector<16xf32>,
    %swap3A_3463 = arith.constant 6240 : index
    %swap3A_3464 = tpu.vector_load %arg10[%swap3A_3463] {strides = array<i32>} : memref<8704xf32, #tpu.memory_space<vmem>>, vector<16xf32>,
    tpu.vector_store %arg10[%swap3A_3463], %add3A_3447 {strides = array<i32>} : memref<8704xf32, #tpu.memory_space<vmem>>, vector<16xf32>,
    %swap3A_3465 = arith.constant 6368 : index
    %swap3A_3466 = tpu.vector_load %arg10[%swap3A_3465] {strides = array<i32>} : memref<8704xf32, #tpu.memory_space<vmem>>, vector<16xf32>,
    tpu.vector_store %arg10[%swap3A_3465], %sub3A_3450 {strides = array<i32>} : memref<8704xf32, #tpu.memory_space<vmem>>, vector<16xf32>,
    %swap3A_3467 = arith.constant 6496 : index
    %swap3A_3468 = tpu.vector_load %arg10[%swap3A_3467] {strides = array<i32>} : memref<8704xf32, #tpu.memory_space<vmem>>, vector<16xf32>,
    tpu.vector_store %arg10[%swap3A_3467], %mul3A_3451 {strides = array<i32>} : memref<8704xf32, #tpu.memory_space<vmem>>, vector<16xf32>,
    %swap3A_3469 = arith.constant 8288 : index
    %swap3A_3470 = tpu.vector_load %arg10[%swap3A_3469] {strides = array<i32>} : memref<8704xf32, #tpu.memory_space<vmem>>, vector<16xf32>,
    tpu.vector_store %arg10[%swap3A_3469], %neg3A_3455 {strides = array<i32>} : memref<8704xf32, #tpu.memory_space<vmem>>, vector<16xf32>,
    %swap3A_3471 = arith.constant 8416 : index
    %swap3A_3472 = tpu.vector_load %arg10[%swap3A_3471] {strides = array<i32>} : memref<8704xf32, #tpu.memory_space<vmem>>, vector<16xf32>,
    tpu.vector_store %arg10[%swap3A_3471], %mul3A_3456 {strides = array<i32>} : memref<8704xf32, #tpu.memory_space<vmem>>, vector<16xf32>,
    %swap3A_3473 = arith.constant 8544 : index
    %swap3A_3474 = tpu.vector_load %arg10[%swap3A_3473] {strides = array<i32>} : memref<8704xf32, #tpu.memory_space<vmem>>, vector<16xf32>,
    tpu.vector_store %arg10[%swap3A_3473], %neg3A_3432 {strides = array<i32>} : memref<8704xf32, #tpu.memory_space<vmem>>, vector<16xf32>,
    %get3A_3475 = arith.constant 496 : index
    %get3A_3476 = tpu.vector_load %arg10[%get3A_3475] {strides = array<i32>} : memref<8704xf32, #tpu.memory_space<vmem>>, vector<16xf32>,
    %get3A_3477 = arith.constant 1008 : index
    %get3A_3478 = tpu.vector_load %arg10[%get3A_3477] {strides = array<i32>} : memref<8704xf32, #tpu.memory_space<vmem>>, vector<16xf32>,
    %get3A_3479 = arith.constant 1520 : index
    %get3A_3480 = tpu.vector_load %arg10[%get3A_3479] {strides = array<i32>} : memref<8704xf32, #tpu.memory_space<vmem>>, vector<16xf32>,
    %get3A_3481 = arith.constant 2032 : index
    %get3A_3482 = tpu.vector_load %arg10[%get3A_3481] {strides = array<i32>} : memref<8704xf32, #tpu.memory_space<vmem>>, vector<16xf32>,
    %get3A_3483 = arith.constant 2544 : index
    %get3A_3484 = tpu.vector_load %arg10[%get3A_3483] {strides = array<i32>} : memref<8704xf32, #tpu.memory_space<vmem>>, vector<16xf32>,
    %sub3A_3485 = arith.constant 1.57079637 : f32
    %sub3A_3486 = vector.broadcast %sub3A_3485 : f32 to vector<16xf32>
    %sub3A_3487 = arith.subf %get3A_3480, %sub3A_3486 : vector<16xf32>
    %mul3A_3488 = arith.mulf %sub3A_3487, %sub3A_3487 : vector<16xf32>
    %mul3A_3489 = arith.constant -2.50521079E-8 : f32
    %mul3A_3490 = vector.broadcast %mul3A_3489 : f32 to vector<16xf32>
    %mul3A_3491 = arith.mulf %mul3A_3488, %mul3A_3490 : vector<16xf32>
    %add3A_3492 = arith.constant 2.75573188E-6 : f32
    %add3A_3493 = vector.broadcast %add3A_3492 : f32 to vector<16xf32>
    %add3A_3494 = arith.addf %add3A_3493, %mul3A_3491 : vector<16xf32>
    %mul3A_3495 = arith.mulf %mul3A_3488, %add3A_3494 : vector<16xf32>
    %add3A_3496 = arith.constant -1.98412701E-4 : f32
    %add3A_3497 = vector.broadcast %add3A_3496 : f32 to vector<16xf32>
    %add3A_3498 = arith.addf %add3A_3497, %mul3A_3495 : vector<16xf32>
    %mul3A_3499 = arith.mulf %mul3A_3488, %add3A_3498 : vector<16xf32>
    %add3A_3500 = arith.constant 0.00833333377 : f32
    %add3A_3501 = vector.broadcast %add3A_3500 : f32 to vector<16xf32>
    %add3A_3502 = arith.addf %add3A_3501, %mul3A_3499 : vector<16xf32>
    %mul3A_3503 = arith.mulf %mul3A_3488, %add3A_3502 : vector<16xf32>
    %add3A_3504 = arith.constant -0.166666672 : f32
    %add3A_3505 = vector.broadcast %add3A_3504 : f32 to vector<16xf32>
    %add3A_3506 = arith.addf %add3A_3505, %mul3A_3503 : vector<16xf32>
    %mul3A_3507 = arith.mulf %mul3A_3488, %add3A_3506 : vector<16xf32>
    %add3A_3508 = arith.constant 1.000000e+00 : f32
    %add3A_3509 = vector.broadcast %add3A_3508 : f32 to vector<16xf32>
    %add3A_3510 = arith.addf %add3A_3509, %mul3A_3507 : vector<16xf32>
    %mul3A_3511 = arith.mulf %sub3A_3487, %add3A_3510 : vector<16xf32>
    %mul3A_3512 = arith.constant -2.755732E-7 : f32
    %mul3A_3513 = vector.broadcast %mul3A_3512 : f32 to vector<16xf32>
    %mul3A_3514 = arith.mulf %mul3A_3488, %mul3A_3513 : vector<16xf32>
    %add3A_3515 = arith.constant 2.48015876E-5 : f32
    %add3A_3516 = vector.broadcast %add3A_3515 : f32 to vector<16xf32>
    %add3A_3517 = arith.addf %add3A_3516, %mul3A_3514 : vector<16xf32>
    %mul3A_3518 = arith.mulf %mul3A_3488, %add3A_3517 : vector<16xf32>
    %add3A_3519 = arith.constant -0.00138888892 : f32
    %add3A_3520 = vector.broadcast %add3A_3519 : f32 to vector<16xf32>
    %add3A_3521 = arith.addf %add3A_3520, %mul3A_3518 : vector<16xf32>
    %mul3A_3522 = arith.mulf %mul3A_3488, %add3A_3521 : vector<16xf32>
    %add3A_3523 = arith.constant 0.0416666679 : f32
    %add3A_3524 = vector.broadcast %add3A_3523 : f32 to vector<16xf32>
    %add3A_3525 = arith.addf %add3A_3524, %mul3A_3522 : vector<16xf32>
    %mul3A_3526 = arith.mulf %mul3A_3488, %add3A_3525 : vector<16xf32>
    %add3A_3527 = arith.constant -5.000000e-01 : f32
    %add3A_3528 = vector.broadcast %add3A_3527 : f32 to vector<16xf32>
    %add3A_3529 = arith.addf %add3A_3528, %mul3A_3526 : vector<16xf32>
    %mul3A_3530 = arith.mulf %mul3A_3488, %add3A_3529 : vector<16xf32>
    %add3A_3531 = arith.constant 1.000000e+00 : f32
    %add3A_3532 = vector.broadcast %add3A_3531 : f32 to vector<16xf32>
    %add3A_3533 = arith.addf %add3A_3532, %mul3A_3530 : vector<16xf32>
    %neg3A_3534 = arith.constant 0.000000e+00 : f32
    %neg3A_3535 = vector.broadcast %neg3A_3534 : f32 to vector<16xf32>
    %neg3A_3536 = arith.subf %neg3A_3535, %mul3A_3511 : vector<16xf32>
    %mul3A_3537 = arith.mulf %get3A_3476, %neg3A_3536 : vector<16xf32>
    %mul3A_3538 = arith.mulf %get3A_3478, %neg3A_3536 : vector<16xf32>
    %mul3A_3539 = arith.mulf %mul3A_3537, %get3A_3482 : vector<16xf32>
    %mul3A_3540 = arith.mulf %get3A_3478, %get3A_3484 : vector<16xf32>
    %sub3A_3541 = arith.subf %mul3A_3539, %mul3A_3540 : vector<16xf32>
    %mul3A_3542 = arith.mulf %mul3A_3537, %get3A_3484 : vector<16xf32>
    %neg3A_3543 = arith.constant 0.000000e+00 : f32
    %neg3A_3544 = vector.broadcast %neg3A_3543 : f32 to vector<16xf32>
    %neg3A_3545 = arith.subf %neg3A_3544, %mul3A_3542 : vector<16xf32>
    %mul3A_3546 = arith.mulf %get3A_3478, %get3A_3482 : vector<16xf32>
    %sub3A_3547 = arith.subf %neg3A_3545, %mul3A_3546 : vector<16xf32>
    %mul3A_3548 = arith.mulf %get3A_3476, %add3A_3533 : vector<16xf32>
    %mul3A_3549 = arith.mulf %mul3A_3538, %get3A_3482 : vector<16xf32>
    %mul3A_3550 = arith.mulf %get3A_3476, %get3A_3484 : vector<16xf32>
    %add3A_3551 = arith.addf %mul3A_3549, %mul3A_3550 : vector<16xf32>
    %mul3A_3552 = arith.mulf %get3A_3476, %get3A_3482 : vector<16xf32>
    %mul3A_3553 = arith.mulf %mul3A_3538, %get3A_3484 : vector<16xf32>
    %sub3A_3554 = arith.subf %mul3A_3552, %mul3A_3553 : vector<16xf32>
    %mul3A_3555 = arith.mulf %get3A_3478, %add3A_3533 : vector<16xf32>
    %mul3A_3556 = arith.mulf %add3A_3533, %get3A_3482 : vector<16xf32>
    %neg3A_3557 = arith.constant 0.000000e+00 : f32
    %neg3A_3558 = vector.broadcast %neg3A_3557 : f32 to vector<16xf32>
    %neg3A_3559 = arith.subf %neg3A_3558, %mul3A_3556 : vector<16xf32>
    %mul3A_3560 = arith.mulf %add3A_3533, %get3A_3484 : vector<16xf32>
    %swap3A_3561 = arith.constant 4208 : index
    %swap3A_3562 = tpu.vector_load %arg10[%swap3A_3561] {strides = array<i32>} : memref<8704xf32, #tpu.memory_space<vmem>>, vector<16xf32>,
    tpu.vector_store %arg10[%swap3A_3561], %sub3A_3541 {strides = array<i32>} : memref<8704xf32, #tpu.memory_space<vmem>>, vector<16xf32>,
    %swap3A_3563 = arith.constant 4336 : index
    %swap3A_3564 = tpu.vector_load %arg10[%swap3A_3563] {strides = array<i32>} : memref<8704xf32, #tpu.memory_space<vmem>>, vector<16xf32>,
    tpu.vector_store %arg10[%swap3A_3563], %sub3A_3547 {strides = array<i32>} : memref<8704xf32, #tpu.memory_space<vmem>>, vector<16xf32>,
    %swap3A_3565 = arith.constant 4464 : index
    %swap3A_3566 = tpu.vector_load %arg10[%swap3A_3565] {strides = array<i32>} : memref<8704xf32, #tpu.memory_space<vmem>>, vector<16xf32>,
    tpu.vector_store %arg10[%swap3A_3565], %mul3A_3548 {strides = array<i32>} : memref<8704xf32, #tpu.memory_space<vmem>>, vector<16xf32>,
    %swap3A_3567 = arith.constant 6256 : index
    %swap3A_3568 = tpu.vector_load %arg10[%swap3A_3567] {strides = array<i32>} : memref<8704xf32, #tpu.memory_space<vmem>>, vector<16xf32>,
    tpu.vector_store %arg10[%swap3A_3567], %add3A_3551 {strides = array<i32>} : memref<8704xf32, #tpu.memory_space<vmem>>, vector<16xf32>,
    %swap3A_3569 = arith.constant 6384 : index
    %swap3A_3570 = tpu.vector_load %arg10[%swap3A_3569] {strides = array<i32>} : memref<8704xf32, #tpu.memory_space<vmem>>, vector<16xf32>,
    tpu.vector_store %arg10[%swap3A_3569], %sub3A_3554 {strides = array<i32>} : memref<8704xf32, #tpu.memory_space<vmem>>, vector<16xf32>,
    %swap3A_3571 = arith.constant 6512 : index
    %swap3A_3572 = tpu.vector_load %arg10[%swap3A_3571] {strides = array<i32>} : memref<8704xf32, #tpu.memory_space<vmem>>, vector<16xf32>,
    tpu.vector_store %arg10[%swap3A_3571], %mul3A_3555 {strides = array<i32>} : memref<8704xf32, #tpu.memory_space<vmem>>, vector<16xf32>,
    %swap3A_3573 = arith.constant 8304 : index
    %swap3A_3574 = tpu.vector_load %arg10[%swap3A_3573] {strides = array<i32>} : memref<8704xf32, #tpu.memory_space<vmem>>, vector<16xf32>,
    tpu.vector_store %arg10[%swap3A_3573], %neg3A_3559 {strides = array<i32>} : memref<8704xf32, #tpu.memory_space<vmem>>, vector<16xf32>,
    %swap3A_3575 = arith.constant 8432 : index
    %swap3A_3576 = tpu.vector_load %arg10[%swap3A_3575] {strides = array<i32>} : memref<8704xf32, #tpu.memory_space<vmem>>, vector<16xf32>,
    tpu.vector_store %arg10[%swap3A_3575], %mul3A_3560 {strides = array<i32>} : memref<8704xf32, #tpu.memory_space<vmem>>, vector<16xf32>,
    %swap3A_3577 = arith.constant 8560 : index
    %swap3A_3578 = tpu.vector_load %arg10[%swap3A_3577] {strides = array<i32>} : memref<8704xf32, #tpu.memory_space<vmem>>, vector<16xf32>,
    tpu.vector_store %arg10[%swap3A_3577], %neg3A_3536 {strides = array<i32>} : memref<8704xf32, #tpu.memory_space<vmem>>, vector<16xf32>,
    %mul3A_3579 = arith.constant 2048 : i32
    %mul3A_3580 = arith.muli %add3A, %mul3A_3579 : i32
    %add3A_3581 = arith.constant 0 : i32
    %add3A_3582 = arith.addi %add3A_3581, %mul3A_3580 : i32
    %add3A_3583 = arith.constant 1536 : i32
    %add3A_3584 = arith.addi %add3A_3582, %add3A_3583 : i32
    %dma_start3A_3585 = arith.constant 4096 : i32
    %dma_start3A_3586 = tpu.memref_slice %arg10[%dma_start3A_3585] : memref<8704xf32, #tpu.memory_space<vmem>> -> memref<512xf32, #tpu.memory_space<vmem>>
    %dma_start3A_3587 = tpu.memref_slice %arg8[%add3A_3584] : memref<196608xf32, #tpu.memory_space<hbm>> -> memref<512xf32, #tpu.memory_space<hbm>>
    %dma_start3A_3588 = tpu.memref_slice %arg8[%add3A_3584] : memref<196608xf32, #tpu.memory_space<hbm>> -> memref<512xf32, #tpu.memory_space<hbm>>
    %dma_start3A_3589 = arith.constant 4096 : i32
    %dma_start3A_3590 = tpu.memref_slice %arg10[%dma_start3A_3589] : memref<8704xf32, #tpu.memory_space<vmem>> -> memref<512xf32, #tpu.memory_space<vmem>>
    tpu.enqueue_dma source(%dma_start3A_3590 : memref<512xf32, #tpu.memory_space<vmem>>) target(%dma_start3A_3588 : memref<512xf32, #tpu.memory_space<hbm>>) target_semaphore(%arg15 : memref<!tpu.dma_semaphore, #tpu.memory_space<semaphore_mem>>)
    %mul3A_3591 = arith.constant 2048 : i32
    %mul3A_3592 = arith.muli %add3A, %mul3A_3591 : i32
    %add3A_3593 = arith.constant 65536 : i32
    %add3A_3594 = arith.addi %add3A_3593, %mul3A_3592 : i32
    %add3A_3595 = arith.constant 1536 : i32
    %add3A_3596 = arith.addi %add3A_3594, %add3A_3595 : i32
    %dma_start3A_3597 = arith.constant 6144 : i32
    %dma_start3A_3598 = tpu.memref_slice %arg10[%dma_start3A_3597] : memref<8704xf32, #tpu.memory_space<vmem>> -> memref<512xf32, #tpu.memory_space<vmem>>
    %dma_start3A_3599 = tpu.memref_slice %arg8[%add3A_3596] : memref<196608xf32, #tpu.memory_space<hbm>> -> memref<512xf32, #tpu.memory_space<hbm>>
    %dma_start3A_3600 = tpu.memref_slice %arg8[%add3A_3596] : memref<196608xf32, #tpu.memory_space<hbm>> -> memref<512xf32, #tpu.memory_space<hbm>>
    %dma_start3A_3601 = arith.constant 6144 : i32
    %dma_start3A_3602 = tpu.memref_slice %arg10[%dma_start3A_3601] : memref<8704xf32, #tpu.memory_space<vmem>> -> memref<512xf32, #tpu.memory_space<vmem>>
    tpu.enqueue_dma source(%dma_start3A_3602 : memref<512xf32, #tpu.memory_space<vmem>>) target(%dma_start3A_3600 : memref<512xf32, #tpu.memory_space<hbm>>) target_semaphore(%arg15 : memref<!tpu.dma_semaphore, #tpu.memory_space<semaphore_mem>>)
    %mul3A_3603 = arith.constant 2048 : i32
    %mul3A_3604 = arith.muli %add3A, %mul3A_3603 : i32
    %add3A_3605 = arith.constant 131072 : i32
    %add3A_3606 = arith.addi %add3A_3605, %mul3A_3604 : i32
    %add3A_3607 = arith.constant 1536 : i32
    %add3A_3608 = arith.addi %add3A_3606, %add3A_3607 : i32
    %dma_start3A_3609 = arith.constant 8192 : i32
    %dma_start3A_3610 = tpu.memref_slice %arg10[%dma_start3A_3609] : memref<8704xf32, #tpu.memory_space<vmem>> -> memref<512xf32, #tpu.memory_space<vmem>>
    %dma_start3A_3611 = tpu.memref_slice %arg8[%add3A_3608] : memref<196608xf32, #tpu.memory_space<hbm>> -> memref<512xf32, #tpu.memory_space<hbm>>
    %dma_start3A_3612 = tpu.memref_slice %arg8[%add3A_3608] : memref<196608xf32, #tpu.memory_space<hbm>> -> memref<512xf32, #tpu.memory_space<hbm>>
    %dma_start3A_3613 = arith.constant 8192 : i32
    %dma_start3A_3614 = tpu.memref_slice %arg10[%dma_start3A_3613] : memref<8704xf32, #tpu.memory_space<vmem>> -> memref<512xf32, #tpu.memory_space<vmem>>
    tpu.enqueue_dma source(%dma_start3A_3614 : memref<512xf32, #tpu.memory_space<vmem>>) target(%dma_start3A_3612 : memref<512xf32, #tpu.memory_space<hbm>>) target_semaphore(%arg15 : memref<!tpu.dma_semaphore, #tpu.memory_space<semaphore_mem>>)
    %dma_wait3A_3615 = arith.constant 2560 : i32
    %dma_wait3A_3616 = tpu.memref_slice %arg10[%dma_wait3A_3615] : memref<8704xf32, #tpu.memory_space<vmem>> -> memref<512xf32, #tpu.memory_space<vmem>>
    %dma_wait3A_3617 = tpu.memref_slice %arg8[%add3A_950] : memref<196608xf32, #tpu.memory_space<hbm>> -> memref<512xf32, #tpu.memory_space<hbm>>
    %dma_wait3A_3618 = tpu.memref_slice %arg8[%add3A_950] : memref<196608xf32, #tpu.memory_space<hbm>> -> memref<512xf32, #tpu.memory_space<hbm>>
    %dma_wait3A_3619 = arith.constant 2560 : i32
    %dma_wait3A_3620 = tpu.memref_slice %arg10[%dma_wait3A_3619] : memref<8704xf32, #tpu.memory_space<vmem>> -> memref<512xf32, #tpu.memory_space<vmem>>
    tpu.wait_dma2 semaphore(%arg15 : memref<!tpu.dma_semaphore, #tpu.memory_space<semaphore_mem>>) src(%dma_wait3A_3620 : memref<512xf32, #tpu.memory_space<vmem>>) dst(%dma_wait3A_3618 : memref<512xf32, #tpu.memory_space<hbm>>)
    %dma_wait3A_3621 = arith.constant 4608 : i32
    %dma_wait3A_3622 = tpu.memref_slice %arg10[%dma_wait3A_3621] : memref<8704xf32, #tpu.memory_space<vmem>> -> memref<512xf32, #tpu.memory_space<vmem>>
    %dma_wait3A_3623 = tpu.memref_slice %arg8[%add3A_962] : memref<196608xf32, #tpu.memory_space<hbm>> -> memref<512xf32, #tpu.memory_space<hbm>>
    %dma_wait3A_3624 = tpu.memref_slice %arg8[%add3A_962] : memref<196608xf32, #tpu.memory_space<hbm>> -> memref<512xf32, #tpu.memory_space<hbm>>
    %dma_wait3A_3625 = arith.constant 4608 : i32
    %dma_wait3A_3626 = tpu.memref_slice %arg10[%dma_wait3A_3625] : memref<8704xf32, #tpu.memory_space<vmem>> -> memref<512xf32, #tpu.memory_space<vmem>>
    tpu.wait_dma2 semaphore(%arg15 : memref<!tpu.dma_semaphore, #tpu.memory_space<semaphore_mem>>) src(%dma_wait3A_3626 : memref<512xf32, #tpu.memory_space<vmem>>) dst(%dma_wait3A_3624 : memref<512xf32, #tpu.memory_space<hbm>>)
    %dma_wait3A_3627 = arith.constant 6656 : i32
    %dma_wait3A_3628 = tpu.memref_slice %arg10[%dma_wait3A_3627] : memref<8704xf32, #tpu.memory_space<vmem>> -> memref<512xf32, #tpu.memory_space<vmem>>
    %dma_wait3A_3629 = tpu.memref_slice %arg8[%add3A_974] : memref<196608xf32, #tpu.memory_space<hbm>> -> memref<512xf32, #tpu.memory_space<hbm>>
    %dma_wait3A_3630 = tpu.memref_slice %arg8[%add3A_974] : memref<196608xf32, #tpu.memory_space<hbm>> -> memref<512xf32, #tpu.memory_space<hbm>>
    %dma_wait3A_3631 = arith.constant 6656 : i32
    %dma_wait3A_3632 = tpu.memref_slice %arg10[%dma_wait3A_3631] : memref<8704xf32, #tpu.memory_space<vmem>> -> memref<512xf32, #tpu.memory_space<vmem>>
    tpu.wait_dma2 semaphore(%arg15 : memref<!tpu.dma_semaphore, #tpu.memory_space<semaphore_mem>>) src(%dma_wait3A_3632 : memref<512xf32, #tpu.memory_space<vmem>>) dst(%dma_wait3A_3630 : memref<512xf32, #tpu.memory_space<hbm>>)
    %dma_wait3A_3633 = arith.constant 3072 : i32
    %dma_wait3A_3634 = tpu.memref_slice %arg10[%dma_wait3A_3633] : memref<8704xf32, #tpu.memory_space<vmem>> -> memref<512xf32, #tpu.memory_space<vmem>>
    %dma_wait3A_3635 = tpu.memref_slice %arg8[%add3A_1818] : memref<196608xf32, #tpu.memory_space<hbm>> -> memref<512xf32, #tpu.memory_space<hbm>>
    %dma_wait3A_3636 = tpu.memref_slice %arg8[%add3A_1818] : memref<196608xf32, #tpu.memory_space<hbm>> -> memref<512xf32, #tpu.memory_space<hbm>>
    %dma_wait3A_3637 = arith.constant 3072 : i32
    %dma_wait3A_3638 = tpu.memref_slice %arg10[%dma_wait3A_3637] : memref<8704xf32, #tpu.memory_space<vmem>> -> memref<512xf32, #tpu.memory_space<vmem>>
    tpu.wait_dma2 semaphore(%arg15 : memref<!tpu.dma_semaphore, #tpu.memory_space<semaphore_mem>>) src(%dma_wait3A_3638 : memref<512xf32, #tpu.memory_space<vmem>>) dst(%dma_wait3A_3636 : memref<512xf32, #tpu.memory_space<hbm>>)
    %dma_wait3A_3639 = arith.constant 5120 : i32
    %dma_wait3A_3640 = tpu.memref_slice %arg10[%dma_wait3A_3639] : memref<8704xf32, #tpu.memory_space<vmem>> -> memref<512xf32, #tpu.memory_space<vmem>>
    %dma_wait3A_3641 = tpu.memref_slice %arg8[%add3A_1830] : memref<196608xf32, #tpu.memory_space<hbm>> -> memref<512xf32, #tpu.memory_space<hbm>>
    %dma_wait3A_3642 = tpu.memref_slice %arg8[%add3A_1830] : memref<196608xf32, #tpu.memory_space<hbm>> -> memref<512xf32, #tpu.memory_space<hbm>>
    %dma_wait3A_3643 = arith.constant 5120 : i32
    %dma_wait3A_3644 = tpu.memref_slice %arg10[%dma_wait3A_3643] : memref<8704xf32, #tpu.memory_space<vmem>> -> memref<512xf32, #tpu.memory_space<vmem>>
    tpu.wait_dma2 semaphore(%arg15 : memref<!tpu.dma_semaphore, #tpu.memory_space<semaphore_mem>>) src(%dma_wait3A_3644 : memref<512xf32, #tpu.memory_space<vmem>>) dst(%dma_wait3A_3642 : memref<512xf32, #tpu.memory_space<hbm>>)
    %dma_wait3A_3645 = arith.constant 7168 : i32
    %dma_wait3A_3646 = tpu.memref_slice %arg10[%dma_wait3A_3645] : memref<8704xf32, #tpu.memory_space<vmem>> -> memref<512xf32, #tpu.memory_space<vmem>>
    %dma_wait3A_3647 = tpu.memref_slice %arg8[%add3A_1842] : memref<196608xf32, #tpu.memory_space<hbm>> -> memref<512xf32, #tpu.memory_space<hbm>>
    %dma_wait3A_3648 = tpu.memref_slice %arg8[%add3A_1842] : memref<196608xf32, #tpu.memory_space<hbm>> -> memref<512xf32, #tpu.memory_space<hbm>>
    %dma_wait3A_3649 = arith.constant 7168 : i32
    %dma_wait3A_3650 = tpu.memref_slice %arg10[%dma_wait3A_3649] : memref<8704xf32, #tpu.memory_space<vmem>> -> memref<512xf32, #tpu.memory_space<vmem>>
    tpu.wait_dma2 semaphore(%arg15 : memref<!tpu.dma_semaphore, #tpu.memory_space<semaphore_mem>>) src(%dma_wait3A_3650 : memref<512xf32, #tpu.memory_space<vmem>>) dst(%dma_wait3A_3648 : memref<512xf32, #tpu.memory_space<hbm>>)
    %dma_wait3A_3651 = arith.constant 3584 : i32
    %dma_wait3A_3652 = tpu.memref_slice %arg10[%dma_wait3A_3651] : memref<8704xf32, #tpu.memory_space<vmem>> -> memref<512xf32, #tpu.memory_space<vmem>>
    %dma_wait3A_3653 = tpu.memref_slice %arg8[%add3A_2716] : memref<196608xf32, #tpu.memory_space<hbm>> -> memref<512xf32, #tpu.memory_space<hbm>>
    %dma_wait3A_3654 = tpu.memref_slice %arg8[%add3A_2716] : memref<196608xf32, #tpu.memory_space<hbm>> -> memref<512xf32, #tpu.memory_space<hbm>>
    %dma_wait3A_3655 = arith.constant 3584 : i32
    %dma_wait3A_3656 = tpu.memref_slice %arg10[%dma_wait3A_3655] : memref<8704xf32, #tpu.memory_space<vmem>> -> memref<512xf32, #tpu.memory_space<vmem>>
    tpu.wait_dma2 semaphore(%arg15 : memref<!tpu.dma_semaphore, #tpu.memory_space<semaphore_mem>>) src(%dma_wait3A_3656 : memref<512xf32, #tpu.memory_space<vmem>>) dst(%dma_wait3A_3654 : memref<512xf32, #tpu.memory_space<hbm>>)
    %dma_wait3A_3657 = arith.constant 5632 : i32
    %dma_wait3A_3658 = tpu.memref_slice %arg10[%dma_wait3A_3657] : memref<8704xf32, #tpu.memory_space<vmem>> -> memref<512xf32, #tpu.memory_space<vmem>>
    %dma_wait3A_3659 = tpu.memref_slice %arg8[%add3A_2728] : memref<196608xf32, #tpu.memory_space<hbm>> -> memref<512xf32, #tpu.memory_space<hbm>>
    %dma_wait3A_3660 = tpu.memref_slice %arg8[%add3A_2728] : memref<196608xf32, #tpu.memory_space<hbm>> -> memref<512xf32, #tpu.memory_space<hbm>>
    %dma_wait3A_3661 = arith.constant 5632 : i32
    %dma_wait3A_3662 = tpu.memref_slice %arg10[%dma_wait3A_3661] : memref<8704xf32, #tpu.memory_space<vmem>> -> memref<512xf32, #tpu.memory_space<vmem>>
    tpu.wait_dma2 semaphore(%arg15 : memref<!tpu.dma_semaphore, #tpu.memory_space<semaphore_mem>>) src(%dma_wait3A_3662 : memref<512xf32, #tpu.memory_space<vmem>>) dst(%dma_wait3A_3660 : memref<512xf32, #tpu.memory_space<hbm>>)
    %dma_wait3A_3663 = arith.constant 7680 : i32
    %dma_wait3A_3664 = tpu.memref_slice %arg10[%dma_wait3A_3663] : memref<8704xf32, #tpu.memory_space<vmem>> -> memref<512xf32, #tpu.memory_space<vmem>>
    %dma_wait3A_3665 = tpu.memref_slice %arg8[%add3A_2740] : memref<196608xf32, #tpu.memory_space<hbm>> -> memref<512xf32, #tpu.memory_space<hbm>>
    %dma_wait3A_3666 = tpu.memref_slice %arg8[%add3A_2740] : memref<196608xf32, #tpu.memory_space<hbm>> -> memref<512xf32, #tpu.memory_space<hbm>>
    %dma_wait3A_3667 = arith.constant 7680 : i32
    %dma_wait3A_3668 = tpu.memref_slice %arg10[%dma_wait3A_3667] : memref<8704xf32, #tpu.memory_space<vmem>> -> memref<512xf32, #tpu.memory_space<vmem>>
    tpu.wait_dma2 semaphore(%arg15 : memref<!tpu.dma_semaphore, #tpu.memory_space<semaphore_mem>>) src(%dma_wait3A_3668 : memref<512xf32, #tpu.memory_space<vmem>>) dst(%dma_wait3A_3666 : memref<512xf32, #tpu.memory_space<hbm>>)
    %dma_wait3A_3669 = arith.constant 4096 : i32
    %dma_wait3A_3670 = tpu.memref_slice %arg10[%dma_wait3A_3669] : memref<8704xf32, #tpu.memory_space<vmem>> -> memref<512xf32, #tpu.memory_space<vmem>>
    %dma_wait3A_3671 = tpu.memref_slice %arg8[%add3A_3584] : memref<196608xf32, #tpu.memory_space<hbm>> -> memref<512xf32, #tpu.memory_space<hbm>>
    %dma_wait3A_3672 = tpu.memref_slice %arg8[%add3A_3584] : memref<196608xf32, #tpu.memory_space<hbm>> -> memref<512xf32, #tpu.memory_space<hbm>>
    %dma_wait3A_3673 = arith.constant 4096 : i32
    %dma_wait3A_3674 = tpu.memref_slice %arg10[%dma_wait3A_3673] : memref<8704xf32, #tpu.memory_space<vmem>> -> memref<512xf32, #tpu.memory_space<vmem>>
    tpu.wait_dma2 semaphore(%arg15 : memref<!tpu.dma_semaphore, #tpu.memory_space<semaphore_mem>>) src(%dma_wait3A_3674 : memref<512xf32, #tpu.memory_space<vmem>>) dst(%dma_wait3A_3672 : memref<512xf32, #tpu.memory_space<hbm>>)
    %dma_wait3A_3675 = arith.constant 6144 : i32
    %dma_wait3A_3676 = tpu.memref_slice %arg10[%dma_wait3A_3675] : memref<8704xf32, #tpu.memory_space<vmem>> -> memref<512xf32, #tpu.memory_space<vmem>>
    %dma_wait3A_3677 = tpu.memref_slice %arg8[%add3A_3596] : memref<196608xf32, #tpu.memory_space<hbm>> -> memref<512xf32, #tpu.memory_space<hbm>>
    %dma_wait3A_3678 = tpu.memref_slice %arg8[%add3A_3596] : memref<196608xf32, #tpu.memory_space<hbm>> -> memref<512xf32, #tpu.memory_space<hbm>>
    %dma_wait3A_3679 = arith.constant 6144 : i32
    %dma_wait3A_3680 = tpu.memref_slice %arg10[%dma_wait3A_3679] : memref<8704xf32, #tpu.memory_space<vmem>> -> memref<512xf32, #tpu.memory_space<vmem>>
    tpu.wait_dma2 semaphore(%arg15 : memref<!tpu.dma_semaphore, #tpu.memory_space<semaphore_mem>>) src(%dma_wait3A_3680 : memref<512xf32, #tpu.memory_space<vmem>>) dst(%dma_wait3A_3678 : memref<512xf32, #tpu.memory_space<hbm>>)
    %dma_wait3A_3681 = arith.constant 8192 : i32
    %dma_wait3A_3682 = tpu.memref_slice %arg10[%dma_wait3A_3681] : memref<8704xf32, #tpu.memory_space<vmem>> -> memref<512xf32, #tpu.memory_space<vmem>>
    %dma_wait3A_3683 = tpu.memref_slice %arg8[%add3A_3608] : memref<196608xf32, #tpu.memory_space<hbm>> -> memref<512xf32, #tpu.memory_space<hbm>>
    %dma_wait3A_3684 = tpu.memref_slice %arg8[%add3A_3608] : memref<196608xf32, #tpu.memory_space<hbm>> -> memref<512xf32, #tpu.memory_space<hbm>>
    %dma_wait3A_3685 = arith.constant 8192 : i32
    %dma_wait3A_3686 = tpu.memref_slice %arg10[%dma_wait3A_3685] : memref<8704xf32, #tpu.memory_space<vmem>> -> memref<512xf32, #tpu.memory_space<vmem>>
    tpu.wait_dma2 semaphore(%arg15 : memref<!tpu.dma_semaphore, #tpu.memory_space<semaphore_mem>>) src(%dma_wait3A_3686 : memref<512xf32, #tpu.memory_space<vmem>>) dst(%dma_wait3A_3684 : memref<512xf32, #tpu.memory_space<hbm>>)
    return
  }
}

</mosaic_0001>

<sc_bundles>
// kernel: kernel.3.cloned.1.call-start
scs
__scs_entry_jumppad:
0x0: {  	(pc) =	sbr.rel $0x88, $3  }
0x1: {  	(tag) =	ssettag $0x0;
	lr =	simm.s32 $0x1  }
0x2: {  	[smem:$0x3F9B] =	sst lr;
	_ =	strace $0xD0000000  }
0x3: {  	_ = 	snop  }
0x4: {  	_ = 	snop  }
0x5: {  	_ = 	snop  }
0x6: {  	_ = 	snop  }
0x7: {  	_ = 	snop  }
__scs_overlays_trampoline_lowered:
0x8: {  	[smem:$0x3FAA] =	sst s0  }
0x9: {  	[smem:$0x3FAB] =	sst s1  }
0xa: {  	[smem:$0x3FAC] =	sst s2  }
0xb: {  	[smem:$0x3FAD] =	sst s3  }
0xc: {  	[smem:$0x3FAE] =	sst s4  }
0xd: {  	[smem:$0x3FAF] =	sst s5  }
0xe: {  	[smem:$0x3FB0] =	sst s6  }
0xf: {  	[smem:$0x3FB1] =	sst s7  }
0x10: {  	[smem:$0x3FB2] =	sst s8  }
0x11: {  	[smem:$0x3FB3] =	sst s9;
	s0 =	simm.s32 @!p0 $0x0  }
0x12: {  	s1 =	sld [smem:$0x3F99];
	s0 =	simm.s32 @p0 $0x1  }
0x13: {  	[smem:$0x3FB4] =	sst s0;
	s0 =	simm.s32 @!p1 $0x0  }
0x14: {  	s2 =	sld [smem:$0x3F98];
	s0 =	simm.s32 @p1 $0x1  }
0x15: {  	[smem:$0x3FB5] =	sst s0;
	s0 =	simm.s32 @!p2 $0x0  }
0x16: {  	s3 =	sld [smem:$0x3FDB];
	s0 =	simm.s32 @p2 $0x1  }
0x17: {  	s4 =	simm.s32 $0x1BF5;
	[smem:$0x3FB7] =	sst s0  }
0x18: {  	s0 =	sld [smem:$0x3F9A];
	_ =	swait.ge [sflag:s4], $0x0  }
0x19: {  	s7 =	sld [smem:$0x3F9B]  }
0x1a: {  	s8 =	sadd.s32 $0xFFFFE003, lr  }
0x1b: {  	s9 =	sadd.s32 $0xFFFFFEF7, lr;
	s5 =	simm.s32 $0xFFFFFFFF;
	p2 =	slt.u32 s8, $0xFFFFF086  }
0x1c: {  	p1 =	slt.u32 s9, $0xF7A;
	s5 =	simm.s32 @!p2 $0x0  }
0x1d: {  	s5 =	simm.s32 @p1 $0x1;
	p0 =	seq.s32 s7, s2  }
0x1e: {  	s7 =	smul.u32 @!p0 $0xF7A, s2;
	p2 =	seq.s32 @!p0 s5, $0x0  }
0x1f: {  	s9 =	smul.u32 $0xF7A, s1;
	s8 =	simm.s32 @!p0 $0x1BF5;
	p2 =	por !p2, p0  }
0x20: {  	[sflag:s8] =	ssyncset.s32 @!p0 $0xFFFFF086;
	s6 =	sadd.s32 @!p0 s3, s7;
	s7 =	simm.s32 @!p0 $0x108  }
0x21: {  	s3 =	sadd.s32 s3, s9;
	s6 =	sadd.s32 @!p0 $0x88, s6;
	s7 =	simm.s32 @p2 $0x1082  }
0x22: {  	[simem:s7], [sflag:s8] =	dma.local @!p0 [hbm:s6], $0xF7A  }
0x23: {  	s9 =	sor.u32 $0xD0000000, s2;
	s6 =	simm.s32 $0x108;
	_ =	swait.ge @!p0 [sflag:s8], $0x0  }
0x24: {  	s3 =	sadd.s32 $0x88, s3;
	s6 =	simm.s32 @!p1 $0x1082;
	[sflag:s4] =	ssyncset.s32 $0xFFFFF086  }
0x25: {  	[simem:s6], [sflag:s4] =	dma.local [hbm:s3], $0xF7A  }
0x26: {  	[smem:$0x3F9B] =	sst s1;
	(tag) =	ssettag s2;
	_ =	strace s9  }
0x27: {  	s1 =	sld [smem:$0x3FAB]  }
0x28: {  	s2 =	sld [smem:$0x3FAC]  }
0x29: {  	s4 =	sld [smem:$0x3FAE]  }
0x2a: {  	p0 =	seq.s32 s5, $0x0;
	s5 =	sld [smem:$0x3FAF]  }
0x2b: {  	s6 =	sld [smem:$0x3FB0]  }
0x2c: {  	s7 =	sld [smem:$0x3FB1]  }
0x2d: {  	s3 =	simm.s32 $0x108;
	s8 =	sld [smem:$0x3FB2]  }
0x2e: {  	s3 =	simm.s32 @!p0 $0x1082;
	s9 =	sld [smem:$0x3FB3]  }
0x2f: {  	lr =	sadd.s32 s0, s3;
	s0 =	sld [smem:$0x3FAA]  }
0x30: {  	s3 =	sld [smem:$0x3FAD]  }
0x31: {  	[smem:$0x3FB6] =	sst s10  }
0x32: {  	s10 =	sld [smem:$0x3FB4];
	_ =	sdelay $0x3  }
0x33: {  	p0 =	seq.s32 s10, $0x1;
	s10 =	sld [smem:$0x3FB6];
	_ =	sdelay $0x3  }
0x34: {  	[smem:$0x3FB6] =	sst s10  }
0x35: {  	s10 =	sld [smem:$0x3FB5];
	_ =	sdelay $0x3  }
0x36: {  	p1 =	seq.s32 s10, $0x1;
	s10 =	sld [smem:$0x3FB6];
	_ =	sdelay $0x3  }
0x37: {  	[smem:$0x3FB6] =	sst s10  }
0x38: {  	s10 =	sld [smem:$0x3FB7]  }
0x39: {  	_ = 	snop;
	(pc) =	sbr.ind lr, $3  }
0x3a: {  	_ = 	snop  }
0x3b: {  	_ = 	snop  }
0x3c: {  	p2 =	seq.s32 s10, $0x1;
	s10 =	sld [smem:$0x3FB6]  }
0x3d: {  	_ =	shalt  }
0x3e: {  	_ =	shalt  }
0x3f: {  	_ =	shalt  }
0x40: {  	_ =	shalt  }
0x41: {  	_ =	shalt  }
0x42: {  	_ =	shalt  }
0x43: {  	_ =	shalt  }
0x44: {  	_ =	shalt  }
0x45: {  	_ =	shalt  }
0x46: {  	_ =	shalt  }
0x47: {  	_ =	shalt  }
0x48: {  	_ =	shalt  }
0x49: {  	_ =	shalt  }
0x4a: {  	_ =	shalt  }
0x4b: {  	_ =	shalt  }
0x4c: {  	_ =	shalt  }
0x4d: {  	_ =	shalt  }
0x4e: {  	_ =	shalt  }
0x4f: {  	_ =	shalt  }
0x50: {  	_ =	shalt  }
0x51: {  	_ =	shalt  }
0x52: {  	_ =	shalt  }
0x53: {  	_ =	shalt  }
0x54: {  	_ =	shalt  }
0x55: {  	_ =	shalt  }
0x56: {  	_ =	shalt  }
0x57: {  	_ =	shalt  }
0x58: {  	_ =	shalt  }
0x59: {  	_ =	shalt  }
0x5a: {  	_ =	shalt  }
0x5b: {  	_ =	shalt  }
0x5c: {  	_ =	shalt  }
0x5d: {  	_ =	shalt  }
0x5e: {  	_ =	shalt  }
0x5f: {  	_ =	shalt  }
0x60: {  	_ =	shalt  }
0x61: {  	_ =	shalt  }
0x62: {  	_ =	shalt  }
0x63: {  	_ =	shalt  }
0x64: {  	_ =	shalt  }
0x65: {  	_ =	shalt  }
0x66: {  	_ =	shalt  }
0x67: {  	_ =	shalt  }
0x68: {  	_ =	shalt  }
0x69: {  	_ =	shalt  }
0x6a: {  	_ =	shalt  }
0x6b: {  	_ =	shalt  }
0x6c: {  	_ =	shalt  }
0x6d: {  	_ =	shalt  }
0x6e: {  	_ =	shalt  }
0x6f: {  	_ =	shalt  }
0x70: {  	_ =	shalt  }
0x71: {  	_ =	shalt  }
0x72: {  	_ =	shalt  }
0x73: {  	_ =	shalt  }
0x74: {  	_ =	shalt  }
0x75: {  	_ =	shalt  }
0x76: {  	_ =	shalt  }
0x77: {  	_ =	shalt  }
0x78: {  	_ =	shalt  }
0x79: {  	_ =	shalt  }
0x7a: {  	_ =	shalt  }
0x7b: {  	_ =	shalt  }
0x7c: {  	_ =	shalt  }
0x7d: {  	_ =	shalt  }
0x7e: {  	_ =	shalt  }
0x7f: {  	_ =	shalt  }
0x80: {  	_ =	shalt  }
0x81: {  	_ =	shalt  }
0x82: {  	_ =	shalt  }
0x83: {  	_ =	shalt  }
0x84: {  	_ =	shalt  }
0x85: {  	_ =	shalt  }
0x86: {  	_ =	shalt  }
0x87: {  	_ =	shalt  }
.Lfunc_end0:
.L_simem_size_0:
called_computation_lowered:
.L_overlay_start_0:
0x88: {  	s2 =	sld [smem:$0x3FD9]  }
0x89: {  	s3 =	sld [smem:$0x3FFE];
	_ =	sdelay $0x1  }
0x8a: {  	s1 =	srdreg.scid  }
0x8b: {  	s0 =	sand.u32 $0x1, s1  }
0x8c: {  	s18 =	sshll.u32 s0, $0xA;
	s2 =	sadd.s32 s3, s2  }
0x8d: {  	s2 =	sadd.s32 s2, s18  }
0x8e: {  	[smem:$0x3FC2] =	sst s2  }
0x8f: {  	_ = 	snop  }
0x90: {  	s2 =	sld [smem:$0x3FC9]  }
0x91: {  	s19 =	sld [smem:$0x3FC8]  }
0x92: {  	s4 =	sld [smem:$0x3FC7]  }
0x93: {  	s5 =	sld [smem:$0x3FC6]  }
0x94: {  	s6 =	sld [smem:$0x3FC5]  }
0x95: {  	s7 =	sld [smem:$0x3FC4]  }
0x96: {  	s8 =	sld [smem:$0x3FD0];
	(tm) =	ssettm $0x1  }
0x97: {  	s9 =	sld [smem:$0x3FFB];
	_ =	sdelay $0x3  }
0x98: {  	_ =	strace s9  }
0x99: {  	s9 =	sld [smem:$0x3FFC];
	_ =	sdelay $0x3  }
0x9a: {  	_ =	strace s9  }
0x9b: {  	s9 =	sld [smem:$0x3FFD];
	_ =	sdelay $0x3  }
0x9c: {  	_ =	strace s9  }
0x9d: {  	_ =	strace $0x8FFFFFFF  }
0x9e: {  	s20 =	sld [smem:$0x3FDB];
	_ =	sdelay $0x1  }
0x9f: {  	s10 =	simm.s32 $_scs_section_size  }
0xa0: {  	s11 =	simm.s32 $_size__tile_overlayer_lowered;
	s12 =	simm.s32 $_tile_overlayer_lowered  }
0xa1: {  	s23 =	simm.s32 $0x1BFF;
	s22 =	sshll.u32 s12, $0x1;
	s9 =	sadd.s32 s10, s20  }
0xa2: {  	s13 =	simm.s32 $0x0;
	s21 =	sshll.u32 s11, $0x1;
	s11 =	sadd.s32 s22, s9  }
0xa3: {  	[timem:s13], [sflag:s23] =	dma.local [hbm:s11], s21  }
0xa4: {  	_ =	swait.ge [sflag:s23], s21  }
0xa5: {  	s10 =	ssub.s32 $0x0, s21;
	[sflag:s23] =	ssyncset.done $0x0  }
0xa6: {  	[sflag:s23] =	ssyncadd.s32 s10;
	_ =	sdelay $0x1  }
0xa7: {  	s24 =	simm.s32 $0x1B8B  }
0xa8: {  	_ =	swait.ge [sflag:s24], $0x1  }
0xa9: {  	[sflag:s24] =	ssyncset.done $0x0  }
0xaa: {  	s25 =	simm.s32 $0x1B8E;
	[sflag:s24] =	ssyncadd.s32 $0xFFFFFFFF  }
0xab: {  	s26 =	simm.s32 $execute0_lowered;
	[smem:$0x3FD2] =	sst s25  }
0xac: {  	s10 =	sshll.u32 s26, $0x1;
	_ =	strace $0x80000046;
	[dreg:$0x1] =	wrdreg $0xFFFFFFFF  }
0xad: {  	s28 =	simm.s32 $_size_execute0_lowered;
	s9 =	sadd.s32 s9, s10;
	[dreg:$0x0] =	wrdreg $0x0  }
0xae: {  	s10 =	sshll.u32 s28, $0x1;
	[dreg:$0x2] =	wrdreg s9  }
0xaf: {  	[dreg:$0x3] =	wrdreg s10  }
0xb0: {  	[dreg:$0x4] =	wrdreg $0xC0  }
0xb1: {  	_ =	task [dreg:s13], $0x5FFFF  }
0xb2: {  	[dreg:$0x1] =	wrdreg $0xFFFFFFFF  }
0xb3: {  	[dreg:$0x0] =	wrdreg $0x60  }
0xb4: {  	[dreg:$0x2] =	wrdreg s2  }
0xb5: {  	[dreg:$0x3] =	wrdreg s19  }
0xb6: {  	[dreg:$0x4] =	wrdreg s4  }
0xb7: {  	[dreg:$0x5] =	wrdreg s5  }
0xb8: {  	[dreg:$0x6] =	wrdreg s6  }
0xb9: {  	[dreg:$0x7] =	wrdreg s7  }
0xba: {  	[dreg:$0x8] =	wrdreg s8  }
0xbb: {  	[dreg:$0x9] =	wrdreg $0x9  }
0xbc: {  	_ =	task.clear_ibuf [dreg:s13], $0xAFFFF;
	_ =	strace $0x90000046  }
0xbd: {  	s29 =	simm.s32 $0x9;
	_ =	strace $0x80000048  }
0xbe: {  	_ =	swait.ge [sflag:s29], $0x1  }
0xbf: {  	[sflag:s29] =	ssyncadd.s32 $0xFFFFFFFF  }
0xc0: {  	_ =	strace $0x90000048  }
0xc1: {  	_ =	sfence  }
0xc2: {  	s30 =	sld [smem:$0x0];
	_ =	sdelay $0x2  }
0xc3: {  	s31 =	sshll.u32 s1, $0xD;
	s1 =	sshrl.u32 s1, $0x2  }
0xc4: {  	s3 =	sand.u32 $0x4000, s31;
	s1 =	sadd.s32 s1, s30  }
0xc5: {  	s0 =	sor.u32 s3, s0;
	s1 =	sshll.u32 s1, $0x11  }
0xc6: {  	s0 =	sor.u32 s1, s0  }
0xc7: {  	s0 =	sadd.s32 $0x8F2B, s0  }
0xc8: {  	[sflag:s0] =	ssyncadd.remote.s32 $0x1  }
0xc9: {  	_ =	sfence.sel $0xFFFF  }
0xca: {  	[dreg:$0x0] =	wrdreg $0xFFFFFFFF;
	(pc) =	sbr.abs _section_cstart, $3  }
0xcb: {  	[dreg:$0x1] =	wrdreg $0xFFFFFFFF  }
0xcc: {  	_ =	task.clear_ibuf [dreg:s13], $0x2FFFF;
	_ =	strace $0x9FFFFFFF  }
0xcd: {  	(tm) =	ssettm $0x7FFFFFFF  }
tec
execute0_lowered:
.L_overlay_start_1:
0x0: {  	(tag) =	ssettag $0x1  }
0x1: {  	s5 =	rddreg [dreg:$0x0]  }
0x2: {  	s0 =	rddreg [dreg:$0x1]  }
0x3: {  	s2 =	rddreg [dreg:$0x2]  }
0x4: {  	s3 =	rddreg [dreg:$0x3]  }
0x5: {  	s4 =	rddreg [dreg:$0x4]  }
0x6: {  	s7 =	srdreg.scid;
	s6 =	rddreg [dreg:$0x5]  }
0x7: {  	s1 =	stileid.u32;
	s9 =	rddreg [dreg:$0x6]  }
0x8: {  	s19 =	simm.s32 $0x200;
	s10 =	sand.u32 $0x1, s7;
	s7 =	simm.s32 $0x0  }
0x9: {  	s20 =	simm.s32 $0x400;
	s21 =	simm.s32 $0x600;
	[smem:$0x7FF] =	sst s7  }
0xa: {  	s28 =	simm.s32 $0x2000;
	_ =	strace $0x80000047;
	[dreg:$0x14] =	wrdreg s19  }
0xb: {  	s29 =	simm.s32 $0x1200;
	s23 =	sshll.u32 s1, $0x1;
	[dreg:$0x15] =	wrdreg s20  }
0xc: {  	s11 =	sor.u32 s10, s23;
	s23 =	simm.s32 $0x800;
	[dreg:$0x16] =	wrdreg s21  }
0xd: {  	s8 =	sshll.u32 s11, $0x6;
	s24 =	sshll.u32 s11, $0x8;
	[dreg:$0x17] =	wrdreg s23  }
0xe: {  	s8 =	sadd.s32 s5, s8;
	s9 =	sadd.s32 s9, s24;
	s24 =	simm.s32 $0xA00  }
0xf: {  	s30 =	simm.s32 $0x1A00;
	s25 =	sadd.s32 $0x20, s8;
	[dreg:$0x18] =	wrdreg s24  }
0x10: {  	s31 =	simm.s32 $0x2200;
	s5 =	sadd.s32 $0x2000, s9;
	[dreg:$0x8] =	wrdreg s25  }
0x11: {  	s10 =	ssub.s32 $0x2, s10;
	s26 =	sadd.s32 $0x4000, s9;
	[dreg:$0x9] =	wrdreg s5  }
0x12: {  	s22 =	sshrl.u32 s10, $0x1;
	s1 =	sadd.s32 $0x40, s9;
	[dreg:$0xa] =	wrdreg s26  }
0x13: {  	s19 =	simm.s32 $0x1400;
	s11 =	sadd.s32 $0x2040, s9;
	[dreg:$0xb] =	wrdreg s1  }
0x14: {  	s20 =	simm.s32 $0x1C00;
	s12 =	sadd.s32 $0x4040, s9;
	[dreg:$0xc] =	wrdreg s11  }
0x15: {  	s21 =	simm.s32 $0xE00;
	s13 =	sadd.s32 $0x80, s9;
	[dreg:$0xd] =	wrdreg s12  }
0x16: {  	s23 =	simm.s32 $0x1E00;
	s14 =	sadd.s32 $0x2080, s9;
	[dreg:$0xe] =	wrdreg s13  }
0x17: {  	s10 =	ssub.s32 s10, s22;
	s15 =	sadd.s32 $0x4080, s9;
	[dreg:$0xf] =	wrdreg s14  }
0x18: {  	s22 =	simm.s32 $0x1600;
	s16 =	sadd.s32 $0xC0, s9;
	[dreg:$0x10] =	wrdreg s15  }
0x19: {  	s17 =	sadd.s32 $0x20C0, s9;
	s18 =	sadd.s32 $0x40C0, s9;
	[dreg:$0x11] =	wrdreg s16  }
0x1a: {  	s10 =	smax.u32 s10, $0x1;
	s24 =	simm.s32 $0x4;
	[dreg:$0x12] =	wrdreg s17  }
0x1b: {  	[dreg:$0x13] =	wrdreg s18;
	s25 =	simm.s32 $0x300;
	s11 =	simm.s32 $0x100  }
0x1c: {  	s26 =	simm.s32 $0x500;
	s12 =	simm.s32 $0x1;
	s13 =	simm.s32 $0x2  }
0x1d: {  	s15 =	simm.s32 $0x900;
	s16 =	simm.s32 $0xB00;
	s17 =	simm.s32 $0x3  }
0x1e: {  	s18 =	simm.s32 $0xC00;
	s5 =	simm.s32 $0x5;
	[dreg:$0x19] =	wrdreg s25  }
0x1f: {  	[dreg:$0x1a] =	wrdreg s26;
	s25 =	simm.s32 $0x1000;
	s26 =	simm.s32 $0x1800  }
.LBB2_1:
0x20: {  	[tilespmem:s7], [sflag:$0x1] =	stream.linear.gather [hbm4b:s8+s7], $0x100, $0x38;
	[tilespmem:$0x2400] =	vst v63  }
0x21: {  	s1 =	rddreg [dreg:$0x8]  }
0x22: {  	[tilespmem:s11], [sflag:$0x2] =	stream.linear.gather [hbm4b:s1+s7], $0x100, $0x38;
	[tilespmem:$0x2400] =	vst v63  }
0x23: {  	_ =	swait.ge [sflag:s12], $0x100  }
0x24: {  	[sflag:s12] =	ssyncset.done $0x0  }
0x25: {  	s1 =	rddreg [dreg:$0x14];
	[sflag:s12] =	ssyncadd.s32 $0xFFFFFF00  }
0x26: {  	[tilespmem:s1], [sflag:$0x3] =	stream.indirect.gather [hbm4b:s0+s11], $0x1, s7, s11, $0xb8;
	[tilespmem:$0x2400] =	vst v63  }
0x27: {  	s14 =	rddreg [dreg:$0x15]  }
0x28: {  	[tilespmem:s14], [sflag:$0x3] =	stream.indirect.gather [hbm4b:s2+s11], $0x1, s7, s11, $0xb8;
	[tilespmem:$0x2400] =	vst v63  }
0x29: {  	s1 =	rddreg [dreg:$0x16]  }
0x2a: {  	[tilespmem:s1], [sflag:$0x3] =	stream.indirect.gather [hbm4b:s3+s11], $0x1, s7, s11, $0xb8;
	[tilespmem:$0x2400] =	vst v63  }
0x2b: {  	s14 =	rddreg [dreg:$0x17]  }
0x2c: {  	[tilespmem:s14], [sflag:$0x3] =	stream.indirect.gather [hbm4b:s4+s11], $0x1, s7, s11, $0xb8;
	[tilespmem:$0x2400] =	vst v63  }
0x2d: {  	s1 =	rddreg [dreg:$0x18]  }
0x2e: {  	[tilespmem:s1], [sflag:$0x3] =	stream.indirect.gather [hbm4b:s6+s11], $0x1, s7, s11, $0xb8;
	[tilespmem:$0x2400] =	vst v63  }
0x2f: {  	_ =	swait.ge [sflag:s13], $0x100  }
0x30: {  	[sflag:s13] =	ssyncset.done $0x0  }
0x31: {  	s1 =	rddreg [dreg:$0x19];
	[sflag:s13] =	ssyncadd.s32 $0xFFFFFF00  }
0x32: {  	[tilespmem:s1], [sflag:$0x4] =	stream.indirect.gather [hbm4b:s0+s11], $0x1, s11, s11, $0xb8;
	[tilespmem:$0x2400] =	vst v63  }
0x33: {  	s14 =	rddreg [dreg:$0x1a]  }
0x34: {  	[tilespmem:s14], [sflag:$0x4] =	stream.indirect.gather [hbm4b:s2+s11], $0x1, s11, s11, $0xb8;
	[tilespmem:$0x2400] =	vst v63  }
0x35: {  	s14 =	simm.s32 $0x700  }
0x36: {  	[tilespmem:s14], [sflag:$0x4] =	stream.indirect.gather [hbm4b:s3+s11], $0x1, s11, s11, $0xb8;
	[tilespmem:$0x2400] =	vst v63  }
0x37: {  	_ = 	snop  }
0x38: {  	[tilespmem:s15], [sflag:$0x4] =	stream.indirect.gather [hbm4b:s4+s11], $0x1, s11, s11, $0xb8;
	[tilespmem:$0x2400] =	vst v63  }
0x39: {  	_ = 	snop  }
0x3a: {  	[tilespmem:s16], [sflag:$0x4] =	stream.indirect.gather [hbm4b:s6+s11], $0x1, s11, s11, $0xb8;
	[tilespmem:$0x2400] =	vst v63  }
0x3b: {  	_ =	swait.ge [sflag:s17], $0x100  }
0x3c: {  	[sflag:s17] =	ssyncset.done $0x0  }
0x3d: {  	[sflag:s17] =	ssyncadd.s32 $0xFFFFFF00  }
0x3e: {  	_ =	swait.ge [sflag:s17], $0x100  }
0x3f: {  	[sflag:s17] =	ssyncset.done $0x0  }
0x40: {  	[sflag:s17] =	ssyncadd.s32 $0xFFFFFF00  }
0x41: {  	_ =	swait.ge [sflag:s17], $0x100  }
0x42: {  	[sflag:s17] =	ssyncset.done $0x0  }
0x43: {  	[sflag:s17] =	ssyncadd.s32 $0xFFFFFF00  }
0x44: {  	_ =	swait.ge [sflag:s17], $0x100  }
0x45: {  	[sflag:s17] =	ssyncset.done $0x0  }
0x46: {  	[sflag:s17] =	ssyncadd.s32 $0xFFFFFF00  }
0x47: {  	_ =	swait.ge [sflag:s17], $0x100  }
0x48: {  	[sflag:s17] =	ssyncset.done $0x0  }
0x49: {  	[sflag:s17] =	ssyncadd.s32 $0xFFFFFF00  }
0x4a: {  	v0 =	vld [tilespmem:$0x600];
	_ =	sdelay $0x4  }
0x4b: {  	v0 =	vadd.f32 $-1.570796370e+00, v0;
	_ =	sdelay $0x1  }
0x4c: {  	v1 =	vmul.f32 v0, v0;
	_ =	sdelay $0x1  }
0x4d: {  	v2 =	vmul.f32 $2.505210790e-08, v1;
	_ =	sdelay $0x1  }
0x4e: {  	v2 =	vsub.f32 $2.755731880e-06, v2;
	_ =	sdelay $0x1  }
0x4f: {  	v2 =	vmul.f32 v2, v1;
	_ =	sdelay $0x1  }
0x50: {  	v2 =	vadd.f32 $-1.984127010e-04, v2;
	_ =	sdelay $0x1  }
0x51: {  	v2 =	vmul.f32 v2, v1;
	_ =	sdelay $0x1  }
0x52: {  	v2 =	vadd.f32 $8.333333770e-03, v2;
	_ =	sdelay $0x1  }
0x53: {  	v2 =	vmul.f32 v2, v1;
	_ =	sdelay $0x1  }
0x54: {  	v2 =	vadd.f32 $-1.666666720e-01, v2;
	_ =	sdelay $0x1  }
0x55: {  	v2 =	vmul.f32 v2, v1;
	_ =	sdelay $0x1  }
0x56: {  	v3 =	vld [tilespmem:$0x200];
	v2 =	vadd.f32 $1.000000000e+00, v2  }
0x57: {  	v4 =	vld [tilespmem:$0x400]  }
0x58: {  	v5 =	vld [tilespmem:$0x800];
	v0 =	vmul.f32 v2, v0  }
0x59: {  	v35 =	vld [tilespmem:$0xA00]  }
0x5a: {  	v0 =	vsub.f32 $0.0e+00, v0;
	_ =	sdelay $0x1  }
0x5b: {  	v6 =	vmul.f32 v0, v3;
	_ =	sdelay $0x1  }
0x5c: {  	v8 =	vmul.f32 v35, v4;
	v7 =	vmul.f32 v6, v5;
	_ =	sdelay $0x1  }
0x5d: {  	v7 =	vsub.f32 v7, v8;
	_ =	sdelay $0x1  }
0x5e: {  	[tilespmem:$0xC00] =	vst v7  }
0x5f: {  	v7 =	vld [tilespmem:$0x610];
	_ =	sdelay $0x1  }
0x60: {  	v11 =	vld [tilespmem:$0x620];
	_ =	sdelay $0x1  }
0x61: {  	v36 =	vmul.f32 $2.755732000e-07, v1  }
0x62: {  	v7 =	vadd.f32 $-1.570796370e+00, v7  }
0x63: {  	v8 =	vsub.f32 $2.480158760e-05, v36  }
0x64: {  	v11 =	vadd.f32 $-1.570796370e+00, v11;
	v9 =	vmul.f32 v7, v7  }
0x65: {  	v8 =	vmul.f32 v8, v1  }
0x66: {  	v39 =	vmul.f32 v11, v11;
	v10 =	vmul.f32 $2.505210790e-08, v9  }
0x67: {  	v6 =	vmul.f32 v6, v35  }
0x68: {  	v8 =	vadd.f32 $-1.388888920e-03, v8;
	v41 =	vmul.f32 $2.505210790e-08, v39;
	v10 =	vsub.f32 $2.755731880e-06, v10  }
0x69: {  	v40 =	vsub.f32 $0.0e+00, v6  }
0x6a: {  	v18 =	vld [tilespmem:$0x210];
	v8 =	vmul.f32 v8, v1;
	v6 =	vsub.f32 $2.755731880e-06, v41;
	v10 =	vmul.f32 v10, v9  }
0x6b: {  	v15 =	vmul.f32 v5, v4;
	v17 =	vmul.f32 v35, v3;
	v19 =	vld [tilespmem:$0x410]  }
0x6c: {  	v47 =	vld [tilespmem:$0xA10];
	v8 =	vadd.f32 $4.166666790e-02, v8;
	v6 =	vmul.f32 v6, v39;
	v10 =	vadd.f32 $-1.984127010e-04, v10  }
0x6d: {  	v14 =	vmul.f32 v0, v4;
	v46 =	vld [tilespmem:$0x810];
	v12 =	vmul.f32 $2.755732000e-07, v9  }
0x6e: {  	v30 =	vld [tilespmem:$0x420];
	v8 =	vmul.f32 v8, v1;
	v6 =	vadd.f32 $-1.984127010e-04, v6;
	v10 =	vmul.f32 v10, v9  }
0x6f: {  	v42 =	vmul.f32 v14, v5;
	v14 =	vmul.f32 v14, v35;
	v55 =	vld [tilespmem:$0xA20];
	v38 =	vsub.f32 $2.480158760e-05, v12  }
0x70: {  	v53 =	vld [tilespmem:$0x820];
	v8 =	vadd.f32 $-5.000000000e-01, v8;
	v6 =	vmul.f32 v6, v39;
	v37 =	vadd.f32 $8.333333770e-03, v10  }
0x71: {  	v28 =	vld [tilespmem:$0x220];
	v22 =	vmul.f32 v47, v19;
	v10 =	vmul.f32 v38, v9  }
0x72: {  	v1 =	vmul.f32 v8, v1;
	v48 =	vadd.f32 $8.333333770e-03, v6;
	v8 =	vmul.f32 v37, v9  }
0x73: {  	v24 =	vmul.f32 v46, v19;
	v29 =	vmul.f32 v47, v18;
	v10 =	vadd.f32 $-1.388888920e-03, v10  }
0x74: {  	v31 =	vmul.f32 v55, v30;
	v2 =	vmul.f32 v48, v39;
	v8 =	vadd.f32 $-1.666666720e-01, v8  }
0x75: {  	v33 =	vmul.f32 v53, v30;
	v13 =	vadd.f32 $1.000000000e+00, v1;
	v10 =	vmul.f32 v10, v9  }
0x76: {  	v45 =	vld [tilespmem:$0x630];
	v34 =	vmul.f32 v55, v28;
	v2 =	vadd.f32 $-1.666666720e-01, v2;
	v8 =	vmul.f32 v8, v9  }
0x77: {  	v20 =	vmul.f32 $2.755732000e-07, v39;
	v16 =	vmul.f32 v13, v3;
	v10 =	vadd.f32 $4.166666790e-02, v10  }
0x78: {  	v3 =	vmul.f32 v5, v3;
	v2 =	vmul.f32 v2, v39;
	v8 =	vadd.f32 $1.000000000e+00, v8  }
0x79: {  	v51 =	vsub.f32 $2.480158760e-05, v20;
	v4 =	vmul.f32 v13, v4;
	v44 =	vmul.f32 v10, v9  }
0x7a: {  	v5 =	vmul.f32 v13, v5;
	v2 =	vadd.f32 $1.000000000e+00, v2;
	v43 =	vmul.f32 v8, v7  }
0x7b: {  	v13 =	vmul.f32 v13, v35;
	v7 =	vadd.f32 $-5.000000000e-01, v44;
	v8 =	vadd.f32 $-1.570796370e+00, v45  }
0x7c: {  	v35 =	vmul.f32 v53, v28;
	v2 =	vmul.f32 v2, v11;
	v1 =	vsub.f32 $0.0e+00, v43  }
0x7d: {  	v49 =	vmul.f32 v7, v9;
	v23 =	vmul.f32 v8, v8  }
0x7e: {  	v9 =	vmul.f32 v51, v39;
	v2 =	vsub.f32 $0.0e+00, v2;
	v50 =	vmul.f32 v1, v18  }
0x7f: {  	v52 =	vmul.f32 v1, v19;
	v25 =	vmul.f32 $2.505210790e-08, v23  }
0x80: {  	v6 =	vadd.f32 $1.000000000e+00, v49;
	v57 =	vmul.f32 v2, v28;
	v58 =	vmul.f32 $2.755732000e-07, v23  }
0x81: {  	v9 =	vadd.f32 $-1.388888920e-03, v9;
	v59 =	vmul.f32 v2, v30;
	v21 =	vmul.f32 v50, v46  }
0x82: {  	v37 =	vld [tilespmem:$0x430];
	v7 =	vmul.f32 v50, v47;
	v26 =	vmul.f32 v6, v18  }
0x83: {  	v17 =	vadd.f32 v42, v17;
	v44 =	vld [tilespmem:$0xA30];
	v9 =	vmul.f32 v9, v39;
	v27 =	vmul.f32 v52, v46  }
0x84: {  	v15 =	vsub.f32 v40, v15;
	v18 =	vmul.f32 v46, v18;
	v20 =	vmul.f32 v52, v47  }
0x85: {  	v56 =	vld [tilespmem:$0x640];
	v10 =	vsub.f32 v3, v14;
	v19 =	vmul.f32 v6, v19;
	v3 =	vmul.f32 v6, v46  }
0x86: {  	v25 =	vsub.f32 $2.755731880e-06, v25;
	v6 =	vmul.f32 v6, v47;
	v60 =	vmul.f32 v57, v53  }
0x87: {  	v12 =	vsub.f32 $2.480158760e-05, v58;
	v61 =	vmul.f32 v57, v55;
	v63 =	vmul.f32 v59, v53  }
0x88: {  	v36 =	vld [tilespmem:$0x230];
	v50 =	vmul.f32 v44, v37;
	v9 =	vadd.f32 $4.166666790e-02, v9;
	v21 =	vsub.f32 v21, v22  }
0x89: {  	v54 =	vmul.f32 v25, v23;
	v14 =	vadd.f32 v27, v29;
	v18 =	vsub.f32 v18, v20  }
0x8a: {  	v25 =	vadd.f32 $-1.570796370e+00, v56;
	v32 =	vsub.f32 $0.0e+00, v3;
	v20 =	vmul.f32 v59, v55  }
0x8b: {  	v12 =	vmul.f32 v12, v23;
	v3 =	vsub.f32 $0.0e+00, v61;
	v9 =	vmul.f32 v9, v39  }
0x8c: {  	v11 =	vadd.f32 $-1.984127010e-04, v54;
	v27 =	vmul.f32 v25, v25;
	v20 =	vsub.f32 v35, v20;
	v35 =	vld [tilespmem:$0x830]  }
0x8d: {  	v57 =	vmul.f32 v44, v36;
	v29 =	vsub.f32 v60, v31;
	v12 =	vadd.f32 $-1.388888920e-03, v12  }
0x8e: {  	v43 =	vld [tilespmem:$0x650];
	v9 =	vadd.f32 $-5.000000000e-01, v9;
	v11 =	vmul.f32 v11, v23;
	v62 =	vmul.f32 $2.505210790e-08, v27  }
0x8f: {  	v34 =	vadd.f32 v63, v34;
	v12 =	vmul.f32 v12, v23;
	v38 =	vmul.f32 $2.755732000e-07, v27  }
0x90: {  	v9 =	vmul.f32 v9, v39;
	v11 =	vadd.f32 $8.333333770e-03, v11;
	v31 =	vsub.f32 $2.755731880e-06, v62  }
0x91: {  	v12 =	vadd.f32 $4.166666790e-02, v12;
	v46 =	vsub.f32 $2.480158760e-05, v38;
	v58 =	vmul.f32 v35, v36  }
0x92: {  	v11 =	vmul.f32 v11, v23;
	v9 =	vadd.f32 $1.000000000e+00, v9;
	v31 =	vmul.f32 v31, v27  }
0x93: {  	[tilespmem:$0xD00] =	vst v16;
	v22 =	vadd.f32 $-1.570796370e+00, v43;
	v41 =	vmul.f32 v12, v23;
	v16 =	vmul.f32 v46, v27  }
0x94: {  	v11 =	vadd.f32 $-1.666666720e-01, v11;
	v28 =	vmul.f32 v9, v28;
	v40 =	vmul.f32 v9, v53  }
0x95: {  	v63 =	vld [tilespmem:$0x660];
	v42 =	vadd.f32 $-1.984127010e-04, v31;
	v30 =	vmul.f32 v9, v30;
	v52 =	vadd.f32 $-1.388888920e-03, v16  }
0x96: {  	v5 =	vsub.f32 $0.0e+00, v5;
	v59 =	vld [tilespmem:$0x240];
	v16 =	vmul.f32 v22, v22;
	v11 =	vmul.f32 v11, v23  }
0x97: {  	[tilespmem:$0x1400] =	vst v17;
	v60 =	vld [tilespmem:$0x840];
	v33 =	vsub.f32 v3, v33;
	v12 =	vmul.f32 v42, v27;
	v54 =	vmul.f32 v52, v27  }
0x98: {  	[tilespmem:$0x1480] =	vst v10;
	v9 =	vmul.f32 v9, v55;
	v53 =	vmul.f32 v35, v37;
	v11 =	vadd.f32 $1.000000000e+00, v11  }
0x99: {  	v55 =	vmul.f32 $2.505210790e-08, v16;
	v12 =	vadd.f32 $8.333333770e-03, v12;
	v10 =	vadd.f32 $4.166666790e-02, v54  }
0x9a: {  	[tilespmem:$0x1490] =	vst v18;
	v18 =	vadd.f32 $-1.570796370e+00, v63;
	v62 =	vmul.f32 $2.755732000e-07, v16;
	v39 =	vmul.f32 v11, v8  }
0x9b: {  	[tilespmem:$0x1D00] =	vst v0;
	v11 =	vadd.f32 $-5.000000000e-01, v41;
	v12 =	vmul.f32 v12, v27;
	v10 =	vmul.f32 v10, v27  }
0x9c: {  	[tilespmem:$0xD20] =	vst v28;
	v28 =	vmul.f32 v18, v18;
	v52 =	vmul.f32 v60, v59;
	v3 =	vsub.f32 $0.0e+00, v39  }
0x9d: {  	[tilespmem:$0xC80] =	vst v15;
	v11 =	vmul.f32 v11, v23;
	v12 =	vadd.f32 $-1.666666720e-01, v12;
	v10 =	vadd.f32 $-5.000000000e-01, v10  }
0x9e: {  	[tilespmem:$0x1500] =	vst v4;
	v7 =	vsub.f32 $0.0e+00, v7;
	v45 =	vmul.f32 v3, v36;
	v47 =	vmul.f32 v3, v37  }
0x9f: {  	[tilespmem:$0x1C80] =	vst v13;
	v49 =	vadd.f32 $1.000000000e+00, v11;
	v12 =	vmul.f32 v12, v27;
	v10 =	vmul.f32 v10, v27  }
0xa0: {  	[tilespmem:$0x1C00] =	vst v5;
	v11 =	vsub.f32 $2.755731880e-06, v55;
	v48 =	vmul.f32 v45, v35;
	v51 =	vmul.f32 v45, v44  }
0xa1: {  	[tilespmem:$0x1D10] =	vst v1;
	v23 =	vmul.f32 v49, v36;
	v56 =	vmul.f32 v47, v35  }
0xa2: {  	[tilespmem:$0x1D20] =	vst v2;
	v61 =	vld [tilespmem:$0xA40];
	v7 =	vsub.f32 v7, v24;
	v17 =	vmul.f32 v47, v44;
	v11 =	vmul.f32 v11, v16  }
0xa3: {  	[tilespmem:$0x1510] =	vst v19;
	v12 =	vadd.f32 $1.000000000e+00, v12;
	v19 =	vmul.f32 v49, v37;
	v35 =	vmul.f32 v49, v35  }
0xa4: {  	[tilespmem:$0xD10] =	vst v26;
	v36 =	vld [tilespmem:$0x440];
	v4 =	vmul.f32 v49, v44;
	v39 =	vadd.f32 $1.000000000e+00, v10;
	v0 =	vsub.f32 v48, v50  }
0xa5: {  	[tilespmem:$0xC90] =	vst v7;
	v47 =	vmul.f32 $2.505210790e-08, v28;
	v5 =	vsub.f32 $0.0e+00, v51;
	v7 =	vadd.f32 v56, v57  }
0xa6: {  	[tilespmem:$0x1410] =	vst v14;
	v14 =	vsub.f32 v58, v17;
	v12 =	vmul.f32 v12, v25;
	v11 =	vadd.f32 $-1.984127010e-04, v11;
	v56 =	vld [tilespmem:$0x450]  }
0xa7: {  	[tilespmem:$0x1C90] =	vst v6;
	v17 =	vsub.f32 $2.480158760e-05, v62;
	v48 =	vmul.f32 v39, v59;
	v51 =	vmul.f32 v61, v59;
	v58 =	vld [tilespmem:$0x850]  }
0xa8: {  	[tilespmem:$0xC10] =	vst v21;
	v8 =	vsub.f32 $0.0e+00, v40;
	v1 =	vmul.f32 v39, v61;
	v11 =	vmul.f32 v11, v16  }
0xa9: {  	[tilespmem:$0x1C10] =	vst v32;
	v12 =	vsub.f32 $0.0e+00, v12;
	v41 =	vmul.f32 v17, v16;
	v43 =	vmul.f32 v61, v36  }
0xaa: {  	[tilespmem:$0xC20] =	vst v29;
	v5 =	vsub.f32 v5, v53;
	v44 =	vmul.f32 v60, v36;
	v57 =	vmul.f32 v39, v36  }
0xab: {  	[tilespmem:$0x1420] =	vst v34;
	v38 =	vmul.f32 v12, v59;
	v40 =	vadd.f32 $8.333333770e-03, v11;
	v45 =	vmul.f32 v12, v36  }
0xac: {  	[tilespmem:$0xCA0] =	vst v33;
	v53 =	vld [tilespmem:$0x250];
	v11 =	vadd.f32 $-1.388888920e-03, v41;
	v59 =	vmul.f32 v39, v60;
	v34 =	vmul.f32 v58, v56  }
0xad: {  	[tilespmem:$0xD40] =	vst v48;
	v48 =	vld [tilespmem:$0x860];
	v21 =	vmul.f32 v38, v61;
	v10 =	vmul.f32 v40, v16  }
0xae: {  	[tilespmem:$0x14A0] =	vst v20;
	v37 =	vsub.f32 $0.0e+00, v35;
	v41 =	vld [tilespmem:$0x260];
	v42 =	vmul.f32 v38, v60;
	v11 =	vmul.f32 v11, v16  }
0xaf: {  	[tilespmem:$0x1520] =	vst v30;
	v50 =	vmul.f32 v45, v60;
	v60 =	vld [tilespmem:$0xA50];
	v21 =	vsub.f32 $0.0e+00, v21;
	v10 =	vadd.f32 $-1.666666720e-01, v10  }
0xb0: {  	[tilespmem:$0x1CA0] =	vst v9;
	v49 =	vld [tilespmem:$0x670];
	v55 =	vmul.f32 v45, v61;
	v17 =	vsub.f32 v42, v43;
	v11 =	vadd.f32 $4.166666790e-02, v11  }
0xb1: {  	[tilespmem:$0x1C20] =	vst v8;
	v43 =	vld [tilespmem:$0x460];
	v46 =	vsub.f32 v21, v44;
	v10 =	vmul.f32 v10, v16;
	v21 =	vsub.f32 $2.755731880e-06, v47  }
0xb2: {  	[tilespmem:$0x1D30] =	vst v3;
	v39 =	vmul.f32 v58, v53;
	v61 =	vsub.f32 v52, v55;
	v11 =	vmul.f32 v11, v16  }
0xb3: {  	[tilespmem:$0xD30] =	vst v23;
	v3 =	vmul.f32 v48, v41;
	v44 =	vld [tilespmem:$0xA60];
	v10 =	vadd.f32 $1.000000000e+00, v10;
	v21 =	vmul.f32 v21, v28  }
0xb4: {  	[tilespmem:$0x1530] =	vst v19;
	v30 =	vmul.f32 v60, v56;
	v38 =	vmul.f32 v60, v53;
	v11 =	vadd.f32 $-5.000000000e-01, v11  }
0xb5: {  	[tilespmem:$0xCB0] =	vst v5;
	v10 =	vmul.f32 v10, v22;
	v21 =	vadd.f32 $-1.984127010e-04, v21;
	v22 =	vadd.f32 $-1.570796370e+00, v49  }
0xb6: {  	v5 =	vsub.f32 $0.0e+00, v59;
	[tilespmem:$0x14C0] =	vst v61;
	v61 =	vmul.f32 v48, v43;
	v11 =	vmul.f32 v11, v16  }
0xb7: {  	[tilespmem:$0x1CB0] =	vst v4;
	v10 =	vsub.f32 $0.0e+00, v10;
	v62 =	vmul.f32 v21, v28;
	v9 =	vmul.f32 v22, v22  }
0xb8: {  	[tilespmem:$0xC30] =	vst v0;
	v59 =	vmul.f32 v44, v43;
	v21 =	vmul.f32 $2.755732000e-07, v28;
	v11 =	vadd.f32 $1.000000000e+00, v11  }
0xb9: {  	[tilespmem:$0x1430] =	vst v7;
	v63 =	vmul.f32 v10, v53;
	v8 =	vadd.f32 $8.333333770e-03, v62;
	v23 =	vmul.f32 $2.505210790e-08, v9  }
0xba: {  	[tilespmem:$0x14B0] =	vst v14;
	v15 =	vsub.f32 $2.480158760e-05, v21;
	v33 =	vmul.f32 v10, v56;
	v35 =	vmul.f32 v11, v53  }
0xbb: {  	[tilespmem:$0x1C30] =	vst v37;
	v42 =	vmul.f32 $2.755732000e-07, v9;
	v8 =	vmul.f32 v8, v28  }
0xbc: {  	[tilespmem:$0x1CC0] =	vst v1;
	v47 =	vmul.f32 v11, v56;
	v15 =	vmul.f32 v15, v28  }
0xbd: {  	[tilespmem:$0x1D40] =	vst v12;
	v49 =	vmul.f32 v11, v58;
	v32 =	vsub.f32 $2.755731880e-06, v23;
	v8 =	vadd.f32 $-1.666666720e-01, v8  }
0xbe: {  	[tilespmem:$0x1540] =	vst v57;
	v11 =	vmul.f32 v11, v60;
	v27 =	vmul.f32 v63, v58;
	v15 =	vadd.f32 $-1.388888920e-03, v15  }
0xbf: {  	v54 =	vadd.f32 v50, v51;
	[tilespmem:$0x1C40] =	vst v5;
	v14 =	vmul.f32 v32, v9;
	v8 =	vmul.f32 v8, v28  }
0xc0: {  	[tilespmem:$0xCC0] =	vst v46;
	v46 =	vsub.f32 $2.480158760e-05, v42;
	v55 =	vsub.f32 $0.0e+00, v49;
	v15 =	vmul.f32 v15, v28  }
0xc1: {  	[tilespmem:$0xC40] =	vst v17;
	v31 =	vmul.f32 v63, v60;
	v14 =	vadd.f32 $-1.984127010e-04, v14;
	v8 =	vadd.f32 $1.000000000e+00, v8  }
0xc2: {  	[tilespmem:$0x1440] =	vst v54;
	v40 =	vmul.f32 v33, v60;
	v6 =	vsub.f32 v27, v30;
	v15 =	vadd.f32 $4.166666790e-02, v15  }
0xc3: {  	[tilespmem:$0x1D50] =	vst v10;
	v4 =	vsub.f32 $0.0e+00, v31;
	v14 =	vmul.f32 v14, v9;
	v8 =	vmul.f32 v8, v18  }
0xc4: {  	[tilespmem:$0xD50] =	vst v35;
	v0 =	vsub.f32 v39, v40;
	v51 =	vmul.f32 v46, v9;
	v45 =	vmul.f32 v15, v28  }
0xc5: {  	v36 =	vmul.f32 v33, v58;
	[tilespmem:$0x1550] =	vst v47;
	v14 =	vadd.f32 $8.333333770e-03, v14;
	v8 =	vsub.f32 $0.0e+00, v8  }
0xc6: {  	[tilespmem:$0x1CD0] =	vst v11;
	v23 =	vmul.f32 v44, v41;
	v7 =	vadd.f32 $-1.388888920e-03, v51;
	v50 =	vadd.f32 $-5.000000000e-01, v45  }
0xc7: {  	[tilespmem:$0x1C50] =	vst v55;
	v37 =	vsub.f32 v4, v34;
	v14 =	vmul.f32 v14, v9;
	v52 =	vmul.f32 v8, v41  }
0xc8: {  	v4 =	vadd.f32 v36, v38;
	[tilespmem:$0xC50] =	vst v6;
	v58 =	vmul.f32 v7, v9;
	v6 =	vmul.f32 v50, v28  }
0xc9: {  	[tilespmem:$0x14D0] =	vst v0;
	v53 =	vadd.f32 $-1.666666720e-01, v14;
	v54 =	vmul.f32 v8, v43;
	v2 =	vmul.f32 v52, v48  }
0xca: {  	[tilespmem:$0xCD0] =	vst v37;
	v56 =	vmul.f32 v52, v44;
	v57 =	vadd.f32 $1.000000000e+00, v6;
	v6 =	vadd.f32 $4.166666790e-02, v58  }
0xcb: {  	v24 =	vld [tilespmem:$0xA70];
	[tilespmem:$0x1450] =	vst v4;
	v13 =	vmul.f32 v53, v9;
	v20 =	vmul.f32 v54, v48;
	v2 =	vsub.f32 v2, v59  }
0xcc: {  	v21 =	vld [tilespmem:$0x470];
	[tilespmem:$0x1D60] =	vst v8;
	v4 =	vsub.f32 $0.0e+00, v56;
	v62 =	vmul.f32 v57, v41;
	v6 =	vmul.f32 v6, v9  }
0xcd: {  	v63 =	vld [tilespmem:$0x270];
	v14 =	vmul.f32 v54, v44;
	v60 =	vadd.f32 $1.000000000e+00, v13;
	v7 =	vadd.f32 v20, v23;
	[tilespmem:$0xC60] =	vst v2  }
0xce: {  	v25 =	vld [tilespmem:$0x870];
	v4 =	vsub.f32 v4, v61;
	v26 =	vadd.f32 $-5.000000000e-01, v6;
	[tilespmem:$0xD60] =	vst v62  }
0xcf: {  	v3 =	vsub.f32 v3, v14;
	v27 =	vmul.f32 v57, v48;
	v12 =	vmul.f32 v60, v22;
	[tilespmem:$0x1460] =	vst v7  }
0xd0: {  	v5 =	vmul.f32 v57, v43;
	[tilespmem:$0xCE0] =	vst v4;
	v4 =	vmul.f32 v26, v9  }
0xd1: {  	v32 =	vmul.f32 v24, v21;
	v0 =	vmul.f32 v57, v44;
	[tilespmem:$0x14E0] =	vst v3;
	v12 =	vsub.f32 $0.0e+00, v12  }
0xd2: {  	v38 =	vmul.f32 v24, v63;
	v6 =	vsub.f32 $0.0e+00, v27;
	[tilespmem:$0x1560] =	vst v5;
	v30 =	vadd.f32 $1.000000000e+00, v4  }
0xd3: {  	v39 =	vmul.f32 v25, v63;
	[tilespmem:$0x1CE0] =	vst v0;
	v28 =	vmul.f32 v12, v63  }
0xd4: {  	[tilespmem:$0x1C60] =	vst v6;
	v33 =	vmul.f32 v12, v21;
	v36 =	vmul.f32 v30, v63  }
0xd5: {  	[tilespmem:$0x1D70] =	vst v12;
	v31 =	vmul.f32 v28, v25;
	v42 =	vmul.f32 v30, v21  }
0xd6: {  	v37 =	vmul.f32 v33, v25;
	v44 =	vmul.f32 v30, v24;
	[tilespmem:$0xD70] =	vst v36  }
0xd7: {  	v29 =	vmul.f32 v28, v24;
	v6 =	vmul.f32 v33, v24;
	v35 =	vsub.f32 v31, v32;
	[tilespmem:$0x1570] =	vst v42  }
0xd8: {  	v2 =	vmul.f32 v30, v25;
	v40 =	vadd.f32 v37, v38;
	[tilespmem:$0x1CF0] =	vst v44  }
0xd9: {  	v34 =	vmul.f32 v25, v21;
	v1 =	vsub.f32 $0.0e+00, v29;
	v41 =	vsub.f32 v39, v6;
	[tilespmem:$0xC70] =	vst v35  }
0xda: {  	v43 =	vsub.f32 $0.0e+00, v2;
	[tilespmem:$0x1470] =	vst v40  }
0xdb: {  	v1 =	vsub.f32 v1, v34;
	[tilespmem:$0x14F0] =	vst v41  }
0xdc: {  	[tilespmem:$0x1C70] =	vst v43  }
0xdd: {  	[tilespmem:$0xCF0] =	vst v1  }
0xde: {  	[hbm4b:s9+s7] =	stream.linear.scatter [tilespmem:s18], [sflag:$0x5], $0x200, $0x38;
	[tilespmem:$0x2400] =	vst v63  }
0xdf: {  	s1 =	rddreg [dreg:$0x9]  }
0xe0: {  	[hbm4b:s1+s7] =	stream.linear.scatter [tilespmem:s19], [sflag:$0x5], $0x200, $0x38;
	[tilespmem:$0x2400] =	vst v63  }
0xe1: {  	s14 =	rddreg [dreg:$0xa]  }
0xe2: {  	[hbm4b:s14+s7] =	stream.linear.scatter [tilespmem:s20], [sflag:$0x5], $0x200, $0x38;
	[tilespmem:$0x2400] =	vst v63  }
0xe3: {  	v45 =	vld [tilespmem:$0x680];
	_ =	sdelay $0x1  }
0xe4: {  	v48 =	vld [tilespmem:$0x690]  }
0xe5: {  	v52 =	vld [tilespmem:$0x280]  }
0xe6: {  	v53 =	vld [tilespmem:$0x6A0]  }
0xe7: {  	v54 =	vld [tilespmem:$0x480];
	v0 =	vadd.f32 $-1.570796370e+00, v45  }
0xe8: {  	v56 =	vld [tilespmem:$0xA80]  }
0xe9: {  	v58 =	vld [tilespmem:$0x880];
	v46 =	vmul.f32 v0, v0  }
0xea: {  	v37 =	vld [tilespmem:$0x290]  }
0xeb: {  	v38 =	vld [tilespmem:$0x490];
	v47 =	vmul.f32 $2.505210790e-08, v46  }
0xec: {  	v41 =	vld [tilespmem:$0xA90]  }
0xed: {  	v2 =	vsub.f32 $2.755731880e-06, v47  }
0xee: {  	v31 =	vmul.f32 v56, v54  }
0xef: {  	v3 =	vadd.f32 $-1.570796370e+00, v48;
	v33 =	vmul.f32 v58, v54;
	v2 =	vmul.f32 v2, v46  }
0xf0: {  	v40 =	vld [tilespmem:$0x890];
	v8 =	vadd.f32 $-1.570796370e+00, v53;
	v36 =	vmul.f32 v56, v52;
	v7 =	vmul.f32 v58, v52  }
0xf1: {  	v48 =	vmul.f32 v41, v38;
	v53 =	vmul.f32 v41, v37;
	v2 =	vadd.f32 $-1.984127010e-04, v2  }
0xf2: {  	v63 =	vmul.f32 v8, v8;
	v49 =	vmul.f32 $2.755732000e-07, v46  }
0xf3: {  	v50 =	vmul.f32 v3, v3;
	v2 =	vmul.f32 v2, v46  }
0xf4: {  	v30 =	vmul.f32 $2.505210790e-08, v63;
	v42 =	vmul.f32 $2.755732000e-07, v63;
	v4 =	vsub.f32 $2.480158760e-05, v49  }
0xf5: {  	v19 =	vmul.f32 v40, v37;
	v51 =	vmul.f32 $2.505210790e-08, v50;
	v2 =	vadd.f32 $8.333333770e-03, v2  }
0xf6: {  	v13 =	vsub.f32 $2.755731880e-06, v30;
	v44 =	vsub.f32 $2.480158760e-05, v42;
	v4 =	vmul.f32 v4, v46  }
0xf7: {  	v59 =	vmul.f32 $2.755732000e-07, v50;
	v2 =	vmul.f32 v2, v46  }
0xf8: {  	v13 =	vmul.f32 v13, v63;
	v15 =	vmul.f32 v44, v63;
	v4 =	vadd.f32 $-1.388888920e-03, v4  }
0xf9: {  	v6 =	vsub.f32 $2.755731880e-06, v51;
	v49 =	vmul.f32 v40, v38;
	v2 =	vadd.f32 $-1.666666720e-01, v2  }
0xfa: {  	v13 =	vadd.f32 $-1.984127010e-04, v13;
	v15 =	vadd.f32 $-1.388888920e-03, v15;
	v4 =	vmul.f32 v4, v46  }
0xfb: {  	v11 =	vsub.f32 $2.480158760e-05, v59;
	v6 =	vmul.f32 v6, v50;
	v2 =	vmul.f32 v2, v46  }
0xfc: {  	v13 =	vmul.f32 v13, v63;
	v15 =	vmul.f32 v15, v63;
	v4 =	vadd.f32 $4.166666790e-02, v4  }
0xfd: {  	v28 =	vmul.f32 v11, v50;
	v57 =	vadd.f32 $-1.984127010e-04, v6;
	v2 =	vadd.f32 $1.000000000e+00, v2  }
0xfe: {  	v13 =	vadd.f32 $8.333333770e-03, v13;
	v15 =	vadd.f32 $4.166666790e-02, v15;
	v55 =	vmul.f32 v4, v46  }
0xff: {  	v32 =	vadd.f32 $-1.388888920e-03, v28;
	v4 =	vmul.f32 v57, v50;
	v0 =	vmul.f32 v2, v0  }
0x100: {  	v13 =	vmul.f32 v13, v63;
	v15 =	vmul.f32 v15, v63;
	v2 =	vadd.f32 $-5.000000000e-01, v55  }
0x101: {  	v34 =	vmul.f32 v32, v50;
	v4 =	vadd.f32 $8.333333770e-03, v4;
	v0 =	vsub.f32 $0.0e+00, v0  }
0x102: {  	v13 =	vadd.f32 $-1.666666720e-01, v13;
	v15 =	vadd.f32 $-5.000000000e-01, v15;
	v1 =	vmul.f32 v2, v46  }
0x103: {  	v27 =	vmul.f32 v4, v50;
	v60 =	vmul.f32 v0, v52  }
0x104: {  	v39 =	vld [tilespmem:$0x6B0];
	v13 =	vmul.f32 v13, v63;
	v14 =	vmul.f32 v15, v63;
	v26 =	vadd.f32 $1.000000000e+00, v1  }
0x105: {  	v59 =	vld [tilespmem:$0xAA0];
	v61 =	vmul.f32 v0, v54;
	v1 =	vadd.f32 $-1.666666720e-01, v27;
	v62 =	vmul.f32 v60, v56  }
0x106: {  	v55 =	vld [tilespmem:$0x8A0];
	v2 =	vmul.f32 v60, v58;
	v4 =	vmul.f32 v26, v52  }
0x107: {  	v13 =	vadd.f32 $1.000000000e+00, v13;
	v1 =	vmul.f32 v1, v50;
	v9 =	vmul.f32 v26, v54;
	v54 =	vld [tilespmem:$0x4A0]  }
0x108: {  	v14 =	vadd.f32 $1.000000000e+00, v14;
	v35 =	vmul.f32 v61, v58;
	v12 =	vmul.f32 v61, v56;
	v60 =	vld [tilespmem:$0x6C0]  }
0x109: {  	v6 =	vmul.f32 v26, v58;
	v52 =	vld [tilespmem:$0x2A0];
	v29 =	vsub.f32 $0.0e+00, v62;
	v16 =	vsub.f32 v2, v31  }
0x10a: {  	v10 =	vmul.f32 v26, v56;
	v1 =	vadd.f32 $1.000000000e+00, v1;
	v2 =	vadd.f32 $4.166666790e-02, v34  }
0x10b: {  	v56 =	vmul.f32 v13, v8;
	[tilespmem:$0xF00] =	vst v4;
	v4 =	vmul.f32 v14, v59  }
0x10c: {  	v11 =	vsub.f32 v29, v33;
	v1 =	vmul.f32 v1, v3;
	v2 =	vmul.f32 v2, v50  }
0x10d: {  	v3 =	vadd.f32 $-1.570796370e+00, v39;
	v39 =	vmul.f32 v59, v54;
	v25 =	vadd.f32 $-1.570796370e+00, v60  }
0x10e: {  	v44 =	vmul.f32 v55, v52;
	v29 =	vmul.f32 v14, v52;
	v2 =	vadd.f32 $-5.000000000e-01, v2  }
0x10f: {  	[tilespmem:$0xE00] =	vst v16;
	v16 =	vmul.f32 v14, v54;
	v1 =	vsub.f32 $0.0e+00, v1;
	v24 =	vmul.f32 v3, v3  }
0x110: {  	v17 =	vadd.f32 v35, v36;
	v33 =	vmul.f32 v25, v25;
	v2 =	vmul.f32 v2, v50  }
0x111: {  	v7 =	vsub.f32 v7, v12;
	v43 =	vmul.f32 v1, v37;
	v45 =	vmul.f32 v1, v38  }
0x112: {  	v6 =	vsub.f32 $0.0e+00, v6;
	v50 =	vmul.f32 $2.505210790e-08, v24;
	v62 =	vmul.f32 $2.755732000e-07, v24  }
0x113: {  	v46 =	vadd.f32 $1.000000000e+00, v2;
	v47 =	vmul.f32 v43, v40;
	v5 =	vmul.f32 v43, v41  }
0x114: {  	v51 =	vmul.f32 v45, v40;
	v26 =	vsub.f32 $2.755731880e-06, v50;
	v58 =	vmul.f32 v45, v41  }
0x115: {  	v2 =	vsub.f32 $0.0e+00, v56;
	v43 =	vmul.f32 v59, v52;
	v50 =	vmul.f32 $2.755732000e-07, v33  }
0x116: {  	v15 =	vsub.f32 $2.480158760e-05, v62;
	v27 =	vmul.f32 v46, v37;
	v57 =	vmul.f32 v26, v24  }
0x117: {  	v5 =	vsub.f32 $0.0e+00, v5;
	v20 =	vmul.f32 v46, v38;
	v12 =	vmul.f32 v46, v40  }
0x118: {  	v23 =	vsub.f32 v47, v48;
	v18 =	vmul.f32 v46, v41;
	v61 =	vmul.f32 v2, v52  }
0x119: {  	v22 =	vadd.f32 v51, v53;
	v63 =	vmul.f32 v2, v54;
	v15 =	vmul.f32 v15, v24  }
0x11a: {  	v31 =	vld [tilespmem:$0xAB0];
	v13 =	vsub.f32 v19, v58;
	v40 =	vmul.f32 v55, v54;
	v41 =	vmul.f32 $2.505210790e-08, v33  }
0x11b: {  	v45 =	vld [tilespmem:$0x2B0];
	v48 =	vmul.f32 v14, v55;
	v54 =	vsub.f32 $2.480158760e-05, v50;
	v8 =	vadd.f32 $-1.984127010e-04, v57  }
0x11c: {  	v38 =	vmul.f32 v61, v55;
	v26 =	vmul.f32 v61, v59;
	v15 =	vadd.f32 $-1.388888920e-03, v15  }
0x11d: {  	v42 =	vmul.f32 v63, v55;
	v30 =	vsub.f32 $2.755731880e-06, v41;
	v21 =	vmul.f32 v54, v33  }
0x11e: {  	v5 =	vsub.f32 v5, v49;
	v8 =	vmul.f32 v8, v24;
	v15 =	vmul.f32 v15, v24  }
0x11f: {  	v46 =	vld [tilespmem:$0x4B0];
	v19 =	vmul.f32 v63, v59;
	v30 =	vmul.f32 v30, v33;
	v60 =	vadd.f32 $-1.388888920e-03, v21  }
0x120: {  	v47 =	vld [tilespmem:$0x8B0];
	v36 =	vmul.f32 v31, v45;
	v8 =	vadd.f32 $8.333333770e-03, v8;
	v15 =	vadd.f32 $4.166666790e-02, v15  }
0x121: {  	v26 =	vsub.f32 $0.0e+00, v26;
	v30 =	vadd.f32 $-1.984127010e-04, v30;
	v62 =	vmul.f32 v60, v33  }
0x122: {  	v49 =	vld [tilespmem:$0x6D0];
	v28 =	vsub.f32 v38, v39;
	v8 =	vmul.f32 v8, v24;
	v15 =	vmul.f32 v15, v24  }
0x123: {  	[tilespmem:$0x1680] =	vst v7;
	v34 =	vadd.f32 v42, v43;
	v52 =	vmul.f32 v30, v33;
	v7 =	vadd.f32 $4.166666790e-02, v62  }
0x124: {  	v58 =	vmul.f32 v31, v46;
	v8 =	vadd.f32 $-1.666666720e-01, v8;
	v51 =	vadd.f32 $-5.000000000e-01, v15  }
0x125: {  	v61 =	vmul.f32 v47, v46;
	v15 =	vadd.f32 $8.333333770e-03, v52;
	v7 =	vmul.f32 v7, v33  }
0x126: {  	[tilespmem:$0xE80] =	vst v11;
	v26 =	vsub.f32 v26, v40;
	v8 =	vmul.f32 v8, v24;
	v11 =	vmul.f32 v51, v24  }
0x127: {  	[tilespmem:$0x1F00] =	vst v0;
	v43 =	vld [tilespmem:$0xAC0];
	v24 =	vadd.f32 $-1.570796370e+00, v49;
	v15 =	vmul.f32 v15, v33;
	v7 =	vadd.f32 $-5.000000000e-01, v7  }
0x128: {  	[tilespmem:$0x1700] =	vst v9;
	v39 =	vmul.f32 v47, v45;
	v40 =	vld [tilespmem:$0x2C0];
	v8 =	vadd.f32 $1.000000000e+00, v8;
	v57 =	vadd.f32 $1.000000000e+00, v11  }
0x129: {  	[tilespmem:$0x1E80] =	vst v10;
	v41 =	vld [tilespmem:$0x8C0];
	v21 =	vmul.f32 v24, v24;
	v15 =	vadd.f32 $-1.666666720e-01, v15;
	v7 =	vmul.f32 v7, v33  }
0x12a: {  	[tilespmem:$0x1600] =	vst v17;
	v19 =	vsub.f32 v44, v19;
	v3 =	vmul.f32 v8, v3;
	v30 =	vmul.f32 v57, v45  }
0x12b: {  	[tilespmem:$0x1E00] =	vst v6;
	v63 =	vmul.f32 $2.505210790e-08, v21;
	v15 =	vmul.f32 v15, v33;
	v52 =	vadd.f32 $1.000000000e+00, v7  }
0x12c: {  	[tilespmem:$0x1EA0] =	vst v4;
	v44 =	vmul.f32 $2.755732000e-07, v21;
	v9 =	vmul.f32 v57, v31;
	v3 =	vsub.f32 $0.0e+00, v3  }
0x12d: {  	[tilespmem:$0xF20] =	vst v29;
	v11 =	vsub.f32 $2.755731880e-06, v63;
	v60 =	vmul.f32 v52, v40;
	v63 =	vmul.f32 v43, v40  }
0x12e: {  	[tilespmem:$0x1F10] =	vst v1;
	v15 =	vadd.f32 $1.000000000e+00, v15;
	v38 =	vmul.f32 v52, v41;
	v1 =	vmul.f32 v52, v43  }
0x12f: {  	[tilespmem:$0x1720] =	vst v16;
	v49 =	vsub.f32 $2.480158760e-05, v44;
	v53 =	vmul.f32 v3, v45;
	v55 =	vmul.f32 v3, v46  }
0x130: {  	[tilespmem:$0x1F20] =	vst v2;
	v8 =	vsub.f32 $0.0e+00, v48;
	v48 =	vld [tilespmem:$0x4C0];
	v11 =	vmul.f32 v11, v21;
	v15 =	vmul.f32 v15, v25  }
0x131: {  	[tilespmem:$0xE10] =	vst v23;
	v46 =	vmul.f32 v57, v46;
	v54 =	vmul.f32 v49, v21  }
0x132: {  	[tilespmem:$0xF10] =	vst v27;
	v56 =	vmul.f32 v53, v47;
	v59 =	vmul.f32 v53, v31  }
0x133: {  	v12 =	vsub.f32 $0.0e+00, v12;
	[tilespmem:$0x1610] =	vst v22;
	v32 =	vmul.f32 v55, v47;
	v17 =	vmul.f32 v55, v31  }
0x134: {  	[tilespmem:$0x1690] =	vst v13;
	v45 =	vld [tilespmem:$0x6E0];
	v11 =	vadd.f32 $-1.984127010e-04, v11;
	v47 =	vmul.f32 v57, v47;
	v15 =	vsub.f32 $0.0e+00, v15  }
0x135: {  	v35 =	vld [tilespmem:$0x4D0];
	[tilespmem:$0x1710] =	vst v20;
	v57 =	vmul.f32 v41, v48;
	v31 =	vmul.f32 v41, v40;
	v0 =	vsub.f32 v56, v58  }
0x136: {  	v37 =	vld [tilespmem:$0x8D0];
	[tilespmem:$0xE90] =	vst v5;
	v6 =	vsub.f32 $0.0e+00, v59;
	v5 =	vadd.f32 v32, v36;
	v11 =	vmul.f32 v11, v21  }
0x137: {  	[tilespmem:$0x1E90] =	vst v18;
	v42 =	vsub.f32 v39, v17;
	v51 =	vmul.f32 v15, v40;
	v56 =	vmul.f32 v43, v48  }
0x138: {  	[tilespmem:$0x1E10] =	vst v12;
	v50 =	vsub.f32 $0.0e+00, v47;
	v58 =	vmul.f32 v15, v48;
	v36 =	vmul.f32 v52, v48  }
0x139: {  	[tilespmem:$0xE20] =	vst v28;
	v32 =	vld [tilespmem:$0x2D0];
	v22 =	vadd.f32 $-1.570796370e+00, v45;
	v6 =	vsub.f32 v6, v61;
	v55 =	vmul.f32 v51, v41  }
0x13a: {  	[tilespmem:$0x1620] =	vst v34;
	v39 =	vld [tilespmem:$0xAD0];
	v53 =	vadd.f32 $8.333333770e-03, v11;
	v18 =	vmul.f32 v51, v43;
	v62 =	vmul.f32 v58, v41  }
0x13b: {  	v11 =	vadd.f32 $-1.388888920e-03, v54;
	v61 =	vld [tilespmem:$0x6F0];
	v34 =	vmul.f32 v58, v43;
	[tilespmem:$0x1E30] =	vst v50;
	v50 =	vmul.f32 v37, v35  }
0x13c: {  	[tilespmem:$0x16A0] =	vst v19;
	v28 =	vmul.f32 v22, v22;
	v7 =	vmul.f32 v53, v21  }
0x13d: {  	[tilespmem:$0xEA0] =	vst v26;
	v18 =	vsub.f32 $0.0e+00, v18;
	v11 =	vmul.f32 v11, v21;
	v12 =	vsub.f32 v55, v56  }
0x13e: {  	[tilespmem:$0x1E20] =	vst v8;
	v33 =	vadd.f32 v62, v63;
	v4 =	vsub.f32 v31, v34;
	v59 =	vmul.f32 $2.505210790e-08, v28  }
0x13f: {  	[tilespmem:$0x16B0] =	vst v42;
	v42 =	vmul.f32 $2.755732000e-07, v28;
	v45 =	vmul.f32 v39, v35;
	v7 =	vadd.f32 $-1.666666720e-01, v7  }
0x140: {  	[tilespmem:$0xF30] =	vst v30;
	v54 =	vmul.f32 v39, v32;
	v11 =	vadd.f32 $4.166666790e-02, v11;
	v23 =	vadd.f32 $-1.570796370e+00, v61  }
0x141: {  	[tilespmem:$0x1EB0] =	vst v9;
	v62 =	vld [tilespmem:$0xAE0];
	v19 =	vsub.f32 $2.755731880e-06, v59;
	v14 =	vsub.f32 $2.480158760e-05, v42;
	v7 =	vmul.f32 v7, v21  }
0x142: {  	[tilespmem:$0xEB0] =	vst v6;
	v6 =	vsub.f32 $0.0e+00, v38;
	v61 =	vld [tilespmem:$0x4E0];
	v11 =	vmul.f32 v11, v21;
	v8 =	vmul.f32 v23, v23  }
0x143: {  	[tilespmem:$0x1F30] =	vst v3;
	v19 =	vmul.f32 v19, v28;
	v14 =	vmul.f32 v14, v28;
	v7 =	vadd.f32 $1.000000000e+00, v7  }
0x144: {  	[tilespmem:$0xF40] =	vst v60;
	v56 =	vmul.f32 v37, v32;
	v11 =	vadd.f32 $-5.000000000e-01, v11;
	v43 =	vmul.f32 $2.505210790e-08, v8  }
0x145: {  	[tilespmem:$0x1EC0] =	vst v1;
	v19 =	vadd.f32 $-1.984127010e-04, v19;
	v14 =	vadd.f32 $-1.388888920e-03, v14;
	v7 =	vmul.f32 v7, v24  }
0x146: {  	[tilespmem:$0x1730] =	vst v46;
	v59 =	vmul.f32 $2.755732000e-07, v8;
	v11 =	vmul.f32 v11, v21;
	v47 =	vsub.f32 $2.755731880e-06, v43  }
0x147: {  	[tilespmem:$0x1F40] =	vst v15;
	v31 =	vmul.f32 v62, v61;
	v40 =	vmul.f32 v19, v28;
	v7 =	vsub.f32 $0.0e+00, v7  }
0x148: {  	[tilespmem:$0xE30] =	vst v0;
	v55 =	vmul.f32 v14, v28;
	v11 =	vadd.f32 $1.000000000e+00, v11;
	v49 =	vmul.f32 v47, v8  }
0x149: {  	[tilespmem:$0x1630] =	vst v5;
	v5 =	vadd.f32 $8.333333770e-03, v40;
	v41 =	vmul.f32 v7, v32;
	v48 =	vmul.f32 v7, v35  }
0x14a: {  	[tilespmem:$0x1740] =	vst v36;
	v13 =	vadd.f32 $4.166666790e-02, v55;
	v51 =	vmul.f32 v11, v32;
	v21 =	vmul.f32 v11, v35  }
0x14b: {  	[tilespmem:$0xE40] =	vst v12;
	v20 =	vsub.f32 $2.480158760e-05, v59;
	v24 =	vmul.f32 v11, v37;
	v5 =	vmul.f32 v5, v28  }
0x14c: {  	v18 =	vsub.f32 v18, v57;
	[tilespmem:$0x1640] =	vst v33;
	v10 =	vmul.f32 v11, v39;
	v63 =	vmul.f32 v13, v28  }
0x14d: {  	[tilespmem:$0x16C0] =	vst v4;
	v13 =	vmul.f32 v20, v8;
	v44 =	vmul.f32 v41, v37;
	v5 =	vadd.f32 $-1.666666720e-01, v5  }
0x14e: {  	[tilespmem:$0x1E40] =	vst v6;
	v12 =	vadd.f32 $-1.984127010e-04, v49;
	v46 =	vmul.f32 v41, v39;
	v52 =	vmul.f32 v48, v37  }
0x14f: {  	[tilespmem:$0xEC0] =	vst v18;
	v16 =	vsub.f32 $0.0e+00, v24;
	v4 =	vadd.f32 $-5.000000000e-01, v63;
	v5 =	vmul.f32 v5, v28  }
0x150: {  	v58 =	vld [tilespmem:$0x2E0];
	[tilespmem:$0x1F50] =	vst v7;
	v12 =	vmul.f32 v12, v8;
	v13 =	vadd.f32 $-1.388888920e-03, v13;
	v17 =	vsub.f32 v44, v45  }
0x151: {  	v57 =	vmul.f32 v48, v39;
	[tilespmem:$0xF50] =	vst v51;
	v9 =	vsub.f32 $0.0e+00, v46;
	v5 =	vadd.f32 $1.000000000e+00, v5  }
0x152: {  	[tilespmem:$0x1750] =	vst v21;
	v12 =	vadd.f32 $8.333333770e-03, v12;
	v4 =	vmul.f32 v4, v28;
	v30 =	vmul.f32 v13, v8  }
0x153: {  	[tilespmem:$0x1ED0] =	vst v10;
	v60 =	vadd.f32 v52, v54;
	v0 =	vsub.f32 v56, v57;
	v5 =	vmul.f32 v5, v22  }
0x154: {  	[tilespmem:$0x1E50] =	vst v16;
	v12 =	vmul.f32 v12, v8;
	v29 =	vadd.f32 $1.000000000e+00, v4;
	v4 =	vadd.f32 $4.166666790e-02, v30;
	v22 =	vld [tilespmem:$0x8E0]  }
0x155: {  	v37 =	vmul.f32 v62, v58;
	v53 =	vsub.f32 v9, v50;
	[tilespmem:$0xE50] =	vst v17;
	v5 =	vsub.f32 $0.0e+00, v5  }
0x156: {  	[tilespmem:$0x1650] =	vst v60;
	v26 =	vadd.f32 $-1.666666720e-01, v12;
	v33 =	vmul.f32 v29, v58;
	v4 =	vmul.f32 v4, v8  }
0x157: {  	[tilespmem:$0x16D0] =	vst v0;
	v9 =	vmul.f32 v29, v61;
	v25 =	vmul.f32 v5, v58  }
0x158: {  	[tilespmem:$0xED0] =	vst v53;
	v11 =	vmul.f32 v26, v8;
	v4 =	vadd.f32 $-5.000000000e-01, v4;
	v27 =	vmul.f32 v5, v61  }
0x159: {  	v34 =	vld [tilespmem:$0x2F0];
	v0 =	vmul.f32 v29, v62;
	[tilespmem:$0xF60] =	vst v33;
	v2 =	vmul.f32 v25, v22  }
0x15a: {  	v36 =	vld [tilespmem:$0x4F0];
	[tilespmem:$0x1760] =	vst v9;
	v11 =	vadd.f32 $1.000000000e+00, v11;
	v4 =	vmul.f32 v4, v8;
	v35 =	vmul.f32 v27, v22  }
0x15b: {  	v38 =	vld [tilespmem:$0xAF0];
	[tilespmem:$0x1EE0] =	vst v0;
	v3 =	vmul.f32 v22, v58;
	v12 =	vmul.f32 v27, v62;
	v2 =	vsub.f32 v2, v31  }
0x15c: {  	[tilespmem:$0x1F60] =	vst v5;
	v43 =	vadd.f32 $1.000000000e+00, v4;
	v7 =	vadd.f32 v35, v37  }
0x15d: {  	v39 =	vld [tilespmem:$0x8F0];
	v28 =	vmul.f32 v25, v62;
	v11 =	vmul.f32 v11, v23;
	v3 =	vsub.f32 v3, v12;
	[tilespmem:$0xE60] =	vst v2  }
0x15e: {  	v32 =	vmul.f32 v22, v61;
	v49 =	vmul.f32 v43, v34;
	[tilespmem:$0x1660] =	vst v7  }
0x15f: {  	v6 =	vsub.f32 $0.0e+00, v28;
	v11 =	vsub.f32 $0.0e+00, v11;
	v55 =	vmul.f32 v43, v36;
	[tilespmem:$0x16E0] =	vst v3  }
0x160: {  	v45 =	vmul.f32 v38, v36;
	v57 =	vmul.f32 v43, v38;
	[tilespmem:$0xF70] =	vst v49  }
0x161: {  	v40 =	vmul.f32 v29, v22;
	v6 =	vsub.f32 v6, v32;
	v41 =	vmul.f32 v11, v34;
	[tilespmem:$0x1770] =	vst v55  }
0x162: {  	v46 =	vmul.f32 v11, v36;
	v2 =	vmul.f32 v43, v39;
	[tilespmem:$0x1EF0] =	vst v57  }
0x163: {  	[tilespmem:$0xEE0] =	vst v6;
	v6 =	vsub.f32 $0.0e+00, v40;
	v42 =	vmul.f32 v41, v38;
	v44 =	vmul.f32 v41, v39  }
0x164: {  	v51 =	vmul.f32 v38, v34;
	[tilespmem:$0x1F70] =	vst v11;
	v50 =	vmul.f32 v46, v39;
	v56 =	vsub.f32 $0.0e+00, v2  }
0x165: {  	v47 =	vmul.f32 v39, v36;
	[tilespmem:$0x1E60] =	vst v6;
	v1 =	vsub.f32 $0.0e+00, v42;
	v48 =	vsub.f32 v44, v45  }
0x166: {  	v52 =	vmul.f32 v39, v34;
	v6 =	vmul.f32 v46, v38;
	v53 =	vadd.f32 v50, v51;
	[tilespmem:$0x1E70] =	vst v56  }
0x167: {  	v1 =	vsub.f32 v1, v47;
	[tilespmem:$0xE70] =	vst v48  }
0x168: {  	v54 =	vsub.f32 v52, v6;
	[tilespmem:$0x1670] =	vst v53  }
0x169: {  	[tilespmem:$0xEF0] =	vst v1  }
0x16a: {  	s1 =	rddreg [dreg:$0xb];
	[tilespmem:$0x16F0] =	vst v54  }
0x16b: {  	[hbm4b:s1+s7] =	stream.linear.scatter [tilespmem:s21], [sflag:$0x5], $0x200, $0x38;
	[tilespmem:$0x2400] =	vst v63  }
0x16c: {  	s14 =	rddreg [dreg:$0xc]  }
0x16d: {  	[hbm4b:s14+s7] =	stream.linear.scatter [tilespmem:s22], [sflag:$0x5], $0x200, $0x38;
	[tilespmem:$0x2400] =	vst v63  }
0x16e: {  	s1 =	rddreg [dreg:$0xd]  }
0x16f: {  	[hbm4b:s1+s7] =	stream.linear.scatter [tilespmem:s23], [sflag:$0x5], $0x200, $0x38;
	[tilespmem:$0x2400] =	vst v63  }
0x170: {  	_ =	swait.ge [sflag:s24], $0x100  }
0x171: {  	[sflag:s24] =	ssyncset.done $0x0  }
0x172: {  	[sflag:s24] =	ssyncadd.s32 $0xFFFFFF00  }
0x173: {  	_ =	swait.ge [sflag:s24], $0x100  }
0x174: {  	[sflag:s24] =	ssyncset.done $0x0  }
0x175: {  	[sflag:s24] =	ssyncadd.s32 $0xFFFFFF00  }
0x176: {  	_ =	swait.ge [sflag:s24], $0x100  }
0x177: {  	[sflag:s24] =	ssyncset.done $0x0  }
0x178: {  	[sflag:s24] =	ssyncadd.s32 $0xFFFFFF00  }
0x179: {  	_ =	swait.ge [sflag:s24], $0x100  }
0x17a: {  	[sflag:s24] =	ssyncset.done $0x0  }
0x17b: {  	[sflag:s24] =	ssyncadd.s32 $0xFFFFFF00  }
0x17c: {  	_ =	swait.ge [sflag:s24], $0x100  }
0x17d: {  	[sflag:s24] =	ssyncset.done $0x0  }
0x17e: {  	[sflag:s24] =	ssyncadd.s32 $0xFFFFFF00  }
0x17f: {  	v58 =	vld [tilespmem:$0x700];
	_ =	sdelay $0x3  }
0x180: {  	v26 =	vld [tilespmem:$0x720]  }
0x181: {  	v0 =	vadd.f32 $-1.570796370e+00, v58  }
0x182: {  	v27 =	vld [tilespmem:$0x500]  }
0x183: {  	v29 =	vld [tilespmem:$0xB00];
	v59 =	vmul.f32 v0, v0  }
0x184: {  	v61 =	vld [tilespmem:$0x710]  }
0x185: {  	v31 =	vld [tilespmem:$0x900];
	v8 =	vadd.f32 $-1.570796370e+00, v26;
	v60 =	vmul.f32 $2.505210790e-08, v59  }
0x186: {  	v25 =	vld [tilespmem:$0x300]  }
0x187: {  	v36 =	vmul.f32 v8, v8;
	v2 =	vsub.f32 $2.755731880e-06, v60  }
0x188: {  	v42 =	vmul.f32 v29, v27  }
0x189: {  	v41 =	vmul.f32 $2.505210790e-08, v36;
	v2 =	vmul.f32 v2, v59  }
0x18a: {  	v48 =	vld [tilespmem:$0x310];
	v3 =	vadd.f32 $-1.570796370e+00, v61;
	v44 =	vmul.f32 v31, v27;
	v62 =	vmul.f32 $2.755732000e-07, v59  }
0x18b: {  	v51 =	vld [tilespmem:$0x910];
	v47 =	vmul.f32 v29, v25;
	v13 =	vsub.f32 $2.755731880e-06, v41;
	v2 =	vadd.f32 $-1.984127010e-04, v2  }
0x18c: {  	v63 =	vmul.f32 v3, v3;
	v53 =	vmul.f32 $2.755732000e-07, v36;
	v4 =	vsub.f32 $2.480158760e-05, v62  }
0x18d: {  	v13 =	vmul.f32 v13, v36;
	v2 =	vmul.f32 v2, v59  }
0x18e: {  	v7 =	vmul.f32 v31, v25;
	v55 =	vsub.f32 $2.480158760e-05, v53;
	v4 =	vmul.f32 v4, v59  }
0x18f: {  	v24 =	vmul.f32 $2.505210790e-08, v63;
	v13 =	vadd.f32 $-1.984127010e-04, v13;
	v2 =	vadd.f32 $8.333333770e-03, v2  }
0x190: {  	v19 =	vmul.f32 v51, v48;
	v15 =	vmul.f32 v55, v36;
	v4 =	vadd.f32 $-1.388888920e-03, v4  }
0x191: {  	v6 =	vsub.f32 $2.755731880e-06, v24;
	v13 =	vmul.f32 v13, v36;
	v2 =	vmul.f32 v2, v59  }
0x192: {  	v32 =	vmul.f32 $2.755732000e-07, v63;
	v15 =	vadd.f32 $-1.388888920e-03, v15;
	v4 =	vmul.f32 v4, v59  }
0x193: {  	v49 =	vld [tilespmem:$0x510];
	v6 =	vmul.f32 v6, v63;
	v13 =	vadd.f32 $8.333333770e-03, v13;
	v2 =	vadd.f32 $-1.666666720e-01, v2  }
0x194: {  	v11 =	vsub.f32 $2.480158760e-05, v32;
	v15 =	vmul.f32 v15, v36;
	v4 =	vadd.f32 $4.166666790e-02, v4  }
0x195: {  	v30 =	vadd.f32 $-1.984127010e-04, v6;
	v13 =	vmul.f32 v13, v36;
	v2 =	vmul.f32 v2, v59  }
0x196: {  	v39 =	vmul.f32 v11, v63;
	v15 =	vadd.f32 $4.166666790e-02, v15;
	v28 =	vmul.f32 v4, v59  }
0x197: {  	v4 =	vmul.f32 v30, v63;
	v13 =	vadd.f32 $-1.666666720e-01, v13;
	v2 =	vadd.f32 $1.000000000e+00, v2  }
0x198: {  	v60 =	vmul.f32 v51, v49;
	v43 =	vadd.f32 $-1.388888920e-03, v39;
	v15 =	vmul.f32 v15, v36  }
0x199: {  	v52 =	vld [tilespmem:$0xB10];
	v4 =	vadd.f32 $8.333333770e-03, v4;
	v13 =	vmul.f32 v13, v36;
	v0 =	vmul.f32 v2, v0  }
0x19a: {  	v45 =	vmul.f32 v43, v63;
	v15 =	vadd.f32 $-5.000000000e-01, v15;
	v2 =	vadd.f32 $-5.000000000e-01, v28  }
0x19b: {  	v38 =	vmul.f32 v4, v63;
	v13 =	vadd.f32 $1.000000000e+00, v13;
	v0 =	vsub.f32 $0.0e+00, v0  }
0x19c: {  	v14 =	vmul.f32 v15, v36;
	v1 =	vmul.f32 v2, v59  }
0x19d: {  	v43 =	vmul.f32 v13, v8;
	v33 =	vmul.f32 v0, v25  }
0x19e: {  	v59 =	vmul.f32 v52, v49;
	v37 =	vadd.f32 $1.000000000e+00, v1;
	v1 =	vadd.f32 $-1.666666720e-01, v38  }
0x19f: {  	v34 =	vmul.f32 v0, v27;
	v35 =	vmul.f32 v33, v29  }
0x1a0: {  	v50 =	vld [tilespmem:$0x730];
	v2 =	vmul.f32 v33, v31;
	v1 =	vmul.f32 v1, v63  }
0x1a1: {  	v41 =	vld [tilespmem:$0x520];
	v14 =	vadd.f32 $1.000000000e+00, v14;
	v4 =	vmul.f32 v37, v25;
	v46 =	vmul.f32 v34, v31  }
0x1a2: {  	v12 =	vmul.f32 v34, v29;
	v16 =	vsub.f32 v2, v42;
	v1 =	vadd.f32 $1.000000000e+00, v1;
	v42 =	vld [tilespmem:$0x920]  }
0x1a3: {  	v9 =	vmul.f32 v37, v27;
	v2 =	vadd.f32 $4.166666790e-02, v45;
	v17 =	vadd.f32 v46, v47;
	v46 =	vld [tilespmem:$0xB20]  }
0x1a4: {  	v6 =	vmul.f32 v37, v31;
	v10 =	vmul.f32 v37, v29;
	v40 =	vsub.f32 $0.0e+00, v35;
	v47 =	vld [tilespmem:$0x740]  }
0x1a5: {  	v1 =	vmul.f32 v1, v3;
	v2 =	vmul.f32 v2, v63;
	v3 =	vadd.f32 $-1.570796370e+00, v50  }
0x1a6: {  	v11 =	vsub.f32 v40, v44;
	v40 =	vmul.f32 v52, v48;
	[tilespmem:$0x1000] =	vst v16;
	v16 =	vmul.f32 v14, v41  }
0x1a7: {  	v2 =	vadd.f32 $-5.000000000e-01, v2;
	v1 =	vsub.f32 $0.0e+00, v1;
	v24 =	vmul.f32 v3, v3  }
0x1a8: {  	v7 =	vsub.f32 v7, v12;
	[tilespmem:$0x1100] =	vst v4;
	v53 =	vmul.f32 v42, v41;
	v4 =	vmul.f32 v14, v46  }
0x1a9: {  	v25 =	vadd.f32 $-1.570796370e+00, v47;
	v2 =	vmul.f32 v2, v63;
	v54 =	vmul.f32 v1, v48  }
0x1aa: {  	v6 =	vsub.f32 $0.0e+00, v6;
	v56 =	vmul.f32 v1, v49;
	v61 =	vmul.f32 $2.505210790e-08, v24  }
0x1ab: {  	v33 =	vmul.f32 v25, v25;
	v57 =	vadd.f32 $1.000000000e+00, v2;
	v58 =	vmul.f32 v54, v51  }
0x1ac: {  	v5 =	vmul.f32 v54, v52;
	v62 =	vmul.f32 v56, v51;
	v26 =	vsub.f32 $2.755731880e-06, v61  }
0x1ad: {  	v63 =	vld [tilespmem:$0x320];
	v45 =	vmul.f32 v56, v52;
	v2 =	vsub.f32 $0.0e+00, v43;
	v54 =	vmul.f32 $2.505210790e-08, v33  }
0x1ae: {  	v5 =	vsub.f32 $0.0e+00, v5;
	v27 =	vmul.f32 v57, v48;
	v44 =	vmul.f32 v26, v24  }
0x1af: {  	v23 =	vsub.f32 v58, v59;
	v20 =	vmul.f32 v57, v49;
	v12 =	vmul.f32 v57, v51  }
0x1b0: {  	v18 =	vmul.f32 v57, v52;
	v22 =	vadd.f32 v62, v40;
	v49 =	vmul.f32 $2.755732000e-07, v24  }
0x1b1: {  	v50 =	vmul.f32 v2, v41;
	v52 =	vmul.f32 v46, v41;
	v8 =	vadd.f32 $-1.984127010e-04, v44  }
0x1b2: {  	v62 =	vmul.f32 $2.755732000e-07, v33;
	v48 =	vmul.f32 v2, v63;
	v15 =	vsub.f32 $2.480158760e-05, v49  }
0x1b3: {  	v13 =	vsub.f32 v19, v45;
	v56 =	vmul.f32 v46, v63;
	v8 =	vmul.f32 v8, v24  }
0x1b4: {  	v30 =	vsub.f32 $2.755731880e-06, v54;
	v40 =	vsub.f32 $2.480158760e-05, v62;
	v15 =	vmul.f32 v15, v24  }
0x1b5: {  	v57 =	vmul.f32 v42, v63;
	v29 =	vmul.f32 v14, v63;
	v8 =	vadd.f32 $8.333333770e-03, v8  }
0x1b6: {  	v55 =	vmul.f32 v50, v42;
	v21 =	vmul.f32 v40, v33;
	v15 =	vadd.f32 $-1.388888920e-03, v15  }
0x1b7: {  	v5 =	vsub.f32 v5, v60;
	v19 =	vmul.f32 v50, v46;
	v8 =	vmul.f32 v8, v24  }
0x1b8: {  	v31 =	vld [tilespmem:$0xB30];
	v26 =	vmul.f32 v48, v46;
	v46 =	vadd.f32 $-1.388888920e-03, v21;
	v15 =	vmul.f32 v15, v24  }
0x1b9: {  	v59 =	vld [tilespmem:$0x530];
	v60 =	vmul.f32 v14, v42;
	v30 =	vmul.f32 v30, v33;
	v8 =	vadd.f32 $-1.666666720e-01, v8  }
0x1ba: {  	v35 =	vld [tilespmem:$0x930];
	v51 =	vmul.f32 v48, v42;
	v48 =	vmul.f32 v46, v33;
	v15 =	vadd.f32 $4.166666790e-02, v15  }
0x1bb: {  	v58 =	vld [tilespmem:$0x330];
	v34 =	vadd.f32 v55, v56;
	v30 =	vadd.f32 $-1.984127010e-04, v30;
	v8 =	vmul.f32 v8, v24  }
0x1bc: {  	[tilespmem:$0x1880] =	vst v7;
	v61 =	vld [tilespmem:$0x750];
	v26 =	vsub.f32 $0.0e+00, v26;
	v7 =	vadd.f32 $4.166666790e-02, v48;
	v15 =	vmul.f32 v15, v24  }
0x1bd: {  	v28 =	vsub.f32 v51, v52;
	v30 =	vmul.f32 v30, v33;
	v8 =	vadd.f32 $1.000000000e+00, v8  }
0x1be: {  	v44 =	vmul.f32 v31, v59;
	v7 =	vmul.f32 v7, v33;
	v63 =	vadd.f32 $-5.000000000e-01, v15  }
0x1bf: {  	[tilespmem:$0x2100] =	vst v0;
	v47 =	vmul.f32 v35, v59;
	v15 =	vadd.f32 $8.333333770e-03, v30;
	v3 =	vmul.f32 v8, v3  }
0x1c0: {  	[tilespmem:$0x1080] =	vst v11;
	v51 =	vmul.f32 v31, v58;
	v7 =	vadd.f32 $-5.000000000e-01, v7;
	v11 =	vmul.f32 v63, v24  }
0x1c1: {  	[tilespmem:$0x1900] =	vst v9;
	v24 =	vadd.f32 $-1.570796370e+00, v61;
	v15 =	vmul.f32 v15, v33;
	v3 =	vsub.f32 $0.0e+00, v3  }
0x1c2: {  	[tilespmem:$0x2080] =	vst v10;
	v56 =	vld [tilespmem:$0xB40];
	v52 =	vmul.f32 v35, v58;
	v7 =	vmul.f32 v7, v33;
	v43 =	vadd.f32 $1.000000000e+00, v11  }
0x1c3: {  	[tilespmem:$0x1800] =	vst v17;
	v61 =	vld [tilespmem:$0x540];
	v21 =	vmul.f32 v24, v24;
	v15 =	vadd.f32 $-1.666666720e-01, v15;
	v39 =	vmul.f32 v3, v58  }
0x1c4: {  	[tilespmem:$0x2000] =	vst v6;
	v54 =	vld [tilespmem:$0x940];
	v19 =	vsub.f32 v57, v19;
	v41 =	vmul.f32 v3, v59;
	v30 =	vmul.f32 v43, v58  }
0x1c5: {  	[tilespmem:$0x1920] =	vst v16;
	v26 =	vsub.f32 v26, v53;
	v49 =	vmul.f32 $2.505210790e-08, v21;
	v15 =	vmul.f32 v15, v33  }
0x1c6: {  	[tilespmem:$0x2110] =	vst v1;
	v32 =	vadd.f32 $1.000000000e+00, v7;
	v57 =	vmul.f32 $2.755732000e-07, v21;
	v59 =	vmul.f32 v43, v59  }
0x1c7: {  	[tilespmem:$0x20A0] =	vst v4;
	v53 =	vld [tilespmem:$0x340];
	v8 =	vsub.f32 $0.0e+00, v60;
	v60 =	vmul.f32 v43, v35;
	v9 =	vmul.f32 v43, v31  }
0x1c8: {  	[tilespmem:$0x2120] =	vst v2;
	v1 =	vmul.f32 v32, v56;
	v37 =	vmul.f32 v56, v61  }
0x1c9: {  	[tilespmem:$0x1010] =	vst v23;
	v38 =	vmul.f32 v54, v61;
	v42 =	vmul.f32 v39, v35  }
0x1ca: {  	v12 =	vsub.f32 $0.0e+00, v12;
	[tilespmem:$0x1110] =	vst v27;
	v58 =	vld [tilespmem:$0x760];
	v45 =	vmul.f32 v39, v31;
	v50 =	vmul.f32 v41, v35  }
0x1cb: {  	[tilespmem:$0x1810] =	vst v22;
	v11 =	vsub.f32 $2.755731880e-06, v49;
	v17 =	vmul.f32 v41, v31;
	v15 =	vadd.f32 $1.000000000e+00, v15  }
0x1cc: {  	[tilespmem:$0x1890] =	vst v13;
	v62 =	vsub.f32 $2.480158760e-05, v57;
	v41 =	vmul.f32 v32, v53;
	v0 =	vsub.f32 v42, v44  }
0x1cd: {  	[tilespmem:$0x1090] =	vst v5;
	v6 =	vsub.f32 $0.0e+00, v45;
	v11 =	vmul.f32 v11, v21;
	v5 =	vadd.f32 v50, v51  }
0x1ce: {  	[tilespmem:$0x1910] =	vst v20;
	v55 =	vsub.f32 v52, v17;
	v15 =	vmul.f32 v15, v25;
	v35 =	vmul.f32 v62, v21  }
0x1cf: {  	[tilespmem:$0x2090] =	vst v18;
	v42 =	vld [tilespmem:$0x770];
	v44 =	vmul.f32 v56, v53;
	v45 =	vmul.f32 v54, v53;
	v22 =	vadd.f32 $-1.570796370e+00, v58  }
0x1d0: {  	[tilespmem:$0x1120] =	vst v29;
	v50 =	vmul.f32 v32, v61;
	v11 =	vadd.f32 $-1.984127010e-04, v11;
	v15 =	vsub.f32 $0.0e+00, v15  }
0x1d1: {  	[tilespmem:$0x1020] =	vst v28;
	v52 =	vmul.f32 v32, v54;
	v6 =	vsub.f32 v6, v47;
	v28 =	vmul.f32 v22, v22  }
0x1d2: {  	[tilespmem:$0x2010] =	vst v12;
	v46 =	vld [tilespmem:$0x350];
	v63 =	vsub.f32 $0.0e+00, v60;
	v11 =	vmul.f32 v11, v21;
	v31 =	vmul.f32 v15, v53  }
0x1d3: {  	v49 =	vld [tilespmem:$0x550];
	v39 =	vmul.f32 v15, v61;
	[tilespmem:$0x10B0] =	vst v6;
	v6 =	vsub.f32 $0.0e+00, v52;
	v40 =	vmul.f32 $2.505210790e-08, v28  }
0x1d4: {  	[tilespmem:$0x1820] =	vst v34;
	v51 =	vld [tilespmem:$0x950];
	v23 =	vadd.f32 $-1.570796370e+00, v42;
	v33 =	vadd.f32 $8.333333770e-03, v11;
	v36 =	vmul.f32 v31, v54  }
0x1d5: {  	[tilespmem:$0x18A0] =	vst v19;
	v53 =	vld [tilespmem:$0xB50];
	v18 =	vmul.f32 v31, v56;
	v11 =	vadd.f32 $-1.388888920e-03, v35;
	v43 =	vmul.f32 v39, v54  }
0x1d6: {  	[tilespmem:$0x10A0] =	vst v26;
	v48 =	vmul.f32 v39, v56;
	v56 =	vmul.f32 $2.755732000e-07, v28;
	v19 =	vsub.f32 $2.755731880e-06, v40  }
0x1d7: {  	[tilespmem:$0x2020] =	vst v8;
	v8 =	vmul.f32 v23, v23;
	v7 =	vmul.f32 v33, v21;
	v18 =	vsub.f32 $0.0e+00, v18  }
0x1d8: {  	[tilespmem:$0x2130] =	vst v3;
	v11 =	vmul.f32 v11, v21;
	v12 =	vsub.f32 v36, v37;
	v47 =	vadd.f32 v43, v44  }
0x1d9: {  	[tilespmem:$0x1130] =	vst v30;
	v4 =	vsub.f32 v45, v48;
	v33 =	vmul.f32 v51, v46;
	v19 =	vmul.f32 v19, v28  }
0x1da: {  	[tilespmem:$0x1930] =	vst v59;
	v35 =	vld [tilespmem:$0x360];
	v14 =	vsub.f32 $2.480158760e-05, v56;
	v57 =	vmul.f32 $2.505210790e-08, v8;
	v59 =	vmul.f32 v53, v49  }
0x1db: {  	[tilespmem:$0x20B0] =	vst v9;
	v39 =	vld [tilespmem:$0xB60];
	v31 =	vmul.f32 v53, v46;
	v36 =	vmul.f32 $2.755732000e-07, v8;
	v7 =	vadd.f32 $-1.666666720e-01, v7  }
0x1dc: {  	[tilespmem:$0x20C0] =	vst v1;
	v18 =	vsub.f32 v18, v38;
	v11 =	vadd.f32 $4.166666790e-02, v11;
	v14 =	vmul.f32 v14, v28  }
0x1dd: {  	[tilespmem:$0x2030] =	vst v63;
	v19 =	vadd.f32 $-1.984127010e-04, v19;
	v61 =	vsub.f32 $2.755731880e-06, v57;
	v7 =	vmul.f32 v7, v21  }
0x1de: {  	[tilespmem:$0x1140] =	vst v41;
	v41 =	vsub.f32 $2.480158760e-05, v36;
	v11 =	vmul.f32 v11, v21;
	v14 =	vadd.f32 $-1.388888920e-03, v14  }
0x1df: {  	[tilespmem:$0x1030] =	vst v0;
	v54 =	vmul.f32 v19, v28;
	v63 =	vmul.f32 v61, v8;
	v7 =	vadd.f32 $1.000000000e+00, v7  }
0x1e0: {  	[tilespmem:$0x1830] =	vst v5;
	v57 =	vmul.f32 v39, v35;
	v11 =	vadd.f32 $-5.000000000e-01, v11;
	v32 =	vmul.f32 v14, v28  }
0x1e1: {  	[tilespmem:$0x1040] =	vst v12;
	v5 =	vadd.f32 $8.333333770e-03, v54;
	v12 =	vadd.f32 $-1.984127010e-04, v63;
	v7 =	vmul.f32 v7, v24  }
0x1e2: {  	[tilespmem:$0x18B0] =	vst v55;
	v11 =	vmul.f32 v11, v21;
	v21 =	vmul.f32 v51, v49;
	v13 =	vadd.f32 $4.166666790e-02, v32  }
0x1e3: {  	[tilespmem:$0x1940] =	vst v50;
	v5 =	vmul.f32 v5, v28;
	v12 =	vmul.f32 v12, v8;
	v7 =	vsub.f32 $0.0e+00, v7  }
0x1e4: {  	[tilespmem:$0x2140] =	vst v15;
	v11 =	vadd.f32 $1.000000000e+00, v11;
	v40 =	vmul.f32 v13, v28;
	v13 =	vmul.f32 v41, v8  }
0x1e5: {  	[tilespmem:$0x2040] =	vst v6;
	v5 =	vadd.f32 $-1.666666720e-01, v5;
	v55 =	vmul.f32 v7, v46;
	v62 =	vmul.f32 v7, v49  }
0x1e6: {  	[tilespmem:$0x1840] =	vst v47;
	v12 =	vadd.f32 $8.333333770e-03, v12;
	v24 =	vmul.f32 v11, v46;
	v42 =	vmul.f32 v11, v49  }
0x1e7: {  	[tilespmem:$0x18C0] =	vst v4;
	v44 =	vmul.f32 v11, v51;
	v10 =	vmul.f32 v11, v53  }
0x1e8: {  	[tilespmem:$0x10C0] =	vst v18;
	v4 =	vadd.f32 $-5.000000000e-01, v40;
	v5 =	vmul.f32 v5, v28;
	v12 =	vmul.f32 v12, v8  }
0x1e9: {  	v13 =	vadd.f32 $-1.388888920e-03, v13;
	[tilespmem:$0x2150] =	vst v7;
	v58 =	vmul.f32 v55, v51;
	v60 =	vmul.f32 v55, v53  }
0x1ea: {  	v29 =	vmul.f32 v62, v51;
	v34 =	vmul.f32 v62, v53;
	[tilespmem:$0x1150] =	vst v24;
	v16 =	vsub.f32 $0.0e+00, v44  }
0x1eb: {  	v38 =	vld [tilespmem:$0x560];
	v4 =	vmul.f32 v4, v28;
	[tilespmem:$0x1950] =	vst v42;
	v5 =	vadd.f32 $1.000000000e+00, v5;
	v46 =	vadd.f32 $-1.666666720e-01, v12  }
0x1ec: {  	v50 =	vmul.f32 v13, v8;
	[tilespmem:$0x20D0] =	vst v10;
	v17 =	vsub.f32 v58, v59;
	v9 =	vsub.f32 $0.0e+00, v60  }
0x1ed: {  	v37 =	vadd.f32 v29, v31;
	v49 =	vadd.f32 $1.000000000e+00, v4;
	[tilespmem:$0x2050] =	vst v16;
	v5 =	vmul.f32 v5, v22  }
0x1ee: {  	v43 =	vld [tilespmem:$0x960];
	v0 =	vsub.f32 v33, v34;
	v4 =	vadd.f32 $4.166666790e-02, v50;
	v11 =	vmul.f32 v46, v8;
	[tilespmem:$0x1050] =	vst v17  }
0x1ef: {  	v30 =	vsub.f32 v9, v21;
	[tilespmem:$0x1850] =	vst v37;
	v53 =	vmul.f32 v49, v35;
	v5 =	vsub.f32 $0.0e+00, v5  }
0x1f0: {  	[tilespmem:$0x18D0] =	vst v0;
	v4 =	vmul.f32 v4, v8;
	v9 =	vmul.f32 v49, v38;
	v11 =	vadd.f32 $1.000000000e+00, v11  }
0x1f1: {  	v56 =	vld [tilespmem:$0x570];
	v0 =	vmul.f32 v49, v39;
	[tilespmem:$0x10D0] =	vst v30;
	v45 =	vmul.f32 v5, v35  }
0x1f2: {  	v54 =	vld [tilespmem:$0x370];
	v4 =	vadd.f32 $-5.000000000e-01, v4;
	[tilespmem:$0x1160] =	vst v53;
	v47 =	vmul.f32 v5, v38;
	v11 =	vmul.f32 v11, v23  }
0x1f3: {  	v51 =	vmul.f32 v39, v38;
	v58 =	vld [tilespmem:$0xB70];
	[tilespmem:$0x1960] =	vst v9;
	v2 =	vmul.f32 v45, v43  }
0x1f4: {  	[tilespmem:$0x20E0] =	vst v0;
	v4 =	vmul.f32 v4, v8;
	v55 =	vmul.f32 v47, v43;
	v11 =	vsub.f32 $0.0e+00, v11  }
0x1f5: {  	v3 =	vmul.f32 v43, v35;
	[tilespmem:$0x2160] =	vst v5;
	v12 =	vmul.f32 v47, v39;
	v2 =	vsub.f32 v2, v51  }
0x1f6: {  	v59 =	vld [tilespmem:$0x970];
	v48 =	vmul.f32 v45, v39;
	v63 =	vadd.f32 $1.000000000e+00, v4;
	v7 =	vadd.f32 v55, v57;
	[tilespmem:$0x2170] =	vst v11  }
0x1f7: {  	v52 =	vmul.f32 v43, v38;
	v60 =	vmul.f32 v49, v43;
	v3 =	vsub.f32 v3, v12;
	[tilespmem:$0x1060] =	vst v2  }
0x1f8: {  	v15 =	vmul.f32 v58, v56;
	v6 =	vsub.f32 $0.0e+00, v48;
	v20 =	vmul.f32 v63, v54;
	[tilespmem:$0x1860] =	vst v7  }
0x1f9: {  	v61 =	vmul.f32 v11, v54;
	v26 =	vmul.f32 v63, v56;
	[tilespmem:$0x18E0] =	vst v3  }
0x1fa: {  	v22 =	vmul.f32 v58, v54;
	v16 =	vmul.f32 v11, v56;
	v6 =	vsub.f32 v6, v52;
	[tilespmem:$0x1170] =	vst v20  }
0x1fb: {  	v28 =	vmul.f32 v63, v58;
	v12 =	vmul.f32 v61, v59;
	[tilespmem:$0x1970] =	vst v26  }
0x1fc: {  	v62 =	vmul.f32 v61, v58;
	v21 =	vmul.f32 v16, v59;
	[tilespmem:$0x10E0] =	vst v6;
	v6 =	vsub.f32 $0.0e+00, v60  }
0x1fd: {  	v2 =	vmul.f32 v63, v59;
	[tilespmem:$0x20F0] =	vst v28;
	v19 =	vsub.f32 v12, v15  }
0x1fe: {  	v18 =	vmul.f32 v59, v56;
	v1 =	vsub.f32 $0.0e+00, v62;
	v24 =	vadd.f32 v21, v22;
	[tilespmem:$0x2060] =	vst v6  }
0x1ff: {  	v23 =	vmul.f32 v59, v54;
	v27 =	vsub.f32 $0.0e+00, v2;
	v6 =	vmul.f32 v16, v58;
	[tilespmem:$0x1070] =	vst v19  }
0x200: {  	v1 =	vsub.f32 v1, v18;
	[tilespmem:$0x1870] =	vst v24  }
0x201: {  	[tilespmem:$0x2070] =	vst v27;
	v25 =	vsub.f32 v23, v6  }
0x202: {  	[tilespmem:$0x10F0] =	vst v1  }
0x203: {  	s1 =	rddreg [dreg:$0xe];
	[tilespmem:$0x18F0] =	vst v25  }
0x204: {  	[hbm4b:s1+s7] =	stream.linear.scatter [tilespmem:s25], [sflag:$0x5], $0x200, $0x38;
	[tilespmem:$0x2400] =	vst v63  }
0x205: {  	s14 =	rddreg [dreg:$0xf]  }
0x206: {  	[hbm4b:s14+s7] =	stream.linear.scatter [tilespmem:s26], [sflag:$0x5], $0x200, $0x38;
	[tilespmem:$0x2400] =	vst v63  }
0x207: {  	s1 =	rddreg [dreg:$0x10]  }
0x208: {  	[hbm4b:s1+s7] =	stream.linear.scatter [tilespmem:s28], [sflag:$0x5], $0x200, $0x38;
	[tilespmem:$0x2400] =	vst v63  }
0x209: {  	v29 =	vld [tilespmem:$0x780]  }
0x20a: {  	v32 =	vld [tilespmem:$0x790];
	_ =	sdelay $0x3  }
0x20b: {  	v0 =	vadd.f32 $-1.570796370e+00, v29  }
0x20c: {  	v3 =	vadd.f32 $-1.570796370e+00, v32  }
0x20d: {  	v30 =	vmul.f32 v0, v0  }
0x20e: {  	v34 =	vmul.f32 v3, v3  }
0x20f: {  	v31 =	vmul.f32 $2.505210790e-08, v30  }
0x210: {  	v35 =	vmul.f32 $2.505210790e-08, v34  }
0x211: {  	v40 =	vld [tilespmem:$0x7A0];
	v2 =	vsub.f32 $2.755731880e-06, v31  }
0x212: {  	v33 =	vmul.f32 $2.755732000e-07, v30;
	v6 =	vsub.f32 $2.755731880e-06, v35  }
0x213: {  	v44 =	vmul.f32 $2.755732000e-07, v34;
	v2 =	vmul.f32 v2, v30  }
0x214: {  	v4 =	vsub.f32 $2.480158760e-05, v33;
	v6 =	vmul.f32 v6, v34  }
0x215: {  	v12 =	vsub.f32 $2.480158760e-05, v44;
	v2 =	vadd.f32 $-1.984127010e-04, v2  }
0x216: {  	v41 =	vld [tilespmem:$0xB80];
	v4 =	vmul.f32 v4, v30;
	v39 =	vadd.f32 $-1.984127010e-04, v6;
	v6 =	vadd.f32 $-1.570796370e+00, v40  }
0x217: {  	v42 =	vld [tilespmem:$0x580];
	v2 =	vmul.f32 v2, v30  }
0x218: {  	v37 =	vld [tilespmem:$0x980];
	v48 =	vmul.f32 v12, v34;
	v4 =	vadd.f32 $-1.388888920e-03, v4;
	v12 =	vmul.f32 v6, v6  }
0x219: {  	v2 =	vadd.f32 $8.333333770e-03, v2  }
0x21a: {  	v36 =	vld [tilespmem:$0x380];
	v4 =	vmul.f32 v4, v30;
	v51 =	vmul.f32 $2.505210790e-08, v12  }
0x21b: {  	v57 =	vld [tilespmem:$0x590];
	v33 =	vmul.f32 $2.755732000e-07, v12;
	v2 =	vmul.f32 v2, v30  }
0x21c: {  	v63 =	vld [tilespmem:$0xB90];
	v49 =	vmul.f32 v41, v42;
	v4 =	vadd.f32 $4.166666790e-02, v4;
	v53 =	vsub.f32 $2.755731880e-06, v51  }
0x21d: {  	v50 =	vmul.f32 v37, v42;
	v21 =	vsub.f32 $2.480158760e-05, v33;
	v51 =	vld [tilespmem:$0x7C0];
	v2 =	vadd.f32 $-1.666666720e-01, v2  }
0x21e: {  	v38 =	vmul.f32 v4, v30;
	v4 =	vmul.f32 v39, v34  }
0x21f: {  	v39 =	vmul.f32 v21, v12;
	v2 =	vmul.f32 v2, v30  }
0x220: {  	v55 =	vmul.f32 v41, v36;
	v45 =	vadd.f32 $8.333333770e-03, v4;
	v4 =	vmul.f32 v53, v12  }
0x221: {  	v56 =	vld [tilespmem:$0x390];
	v7 =	vmul.f32 v37, v36;
	v16 =	vadd.f32 $-1.388888920e-03, v39;
	v2 =	vadd.f32 $1.000000000e+00, v2  }
0x222: {  	v40 =	vmul.f32 v63, v57;
	v62 =	vadd.f32 $-1.984127010e-04, v4;
	v26 =	vadd.f32 $-1.570796370e+00, v51  }
0x223: {  	v16 =	vmul.f32 v16, v12;
	v0 =	vmul.f32 v2, v0;
	v2 =	vadd.f32 $-5.000000000e-01, v38  }
0x224: {  	v31 =	vmul.f32 v62, v12;
	v33 =	vmul.f32 v26, v26  }
0x225: {  	v16 =	vadd.f32 $4.166666790e-02, v16;
	v0 =	vsub.f32 $0.0e+00, v0;
	v1 =	vmul.f32 v2, v30  }
0x226: {  	v2 =	vmul.f32 v45, v34;
	v45 =	vmul.f32 v63, v56  }
0x227: {  	v16 =	vmul.f32 v16, v12;
	v43 =	vmul.f32 v0, v36;
	v47 =	vadd.f32 $1.000000000e+00, v1  }
0x228: {  	v58 =	vld [tilespmem:$0x7B0];
	v2 =	vadd.f32 $-1.666666720e-01, v2;
	v1 =	vadd.f32 $-1.388888920e-03, v48;
	v52 =	vmul.f32 v0, v42  }
0x229: {  	v60 =	vld [tilespmem:$0x990];
	v46 =	vmul.f32 v43, v37;
	v11 =	vmul.f32 v43, v41  }
0x22a: {  	v48 =	vld [tilespmem:$0x5A0];
	v2 =	vmul.f32 v2, v34;
	v1 =	vmul.f32 v1, v34  }
0x22b: {  	v54 =	vmul.f32 v52, v37;
	v59 =	vmul.f32 v52, v41;
	v52 =	vld [tilespmem:$0xBA0]  }
0x22c: {  	v19 =	vmul.f32 v47, v36;
	v10 =	vmul.f32 v47, v42;
	v14 =	vsub.f32 v46, v49;
	v46 =	vld [tilespmem:$0x3A0]  }
0x22d: {  	v8 =	vmul.f32 v47, v37;
	v2 =	vadd.f32 $1.000000000e+00, v2;
	v1 =	vadd.f32 $4.166666790e-02, v1;
	v49 =	vld [tilespmem:$0x9A0]  }
0x22e: {  	v16 =	vadd.f32 $-5.000000000e-01, v16;
	v4 =	vmul.f32 v47, v41;
	v42 =	vmul.f32 v60, v57  }
0x22f: {  	v2 =	vmul.f32 v2, v3;
	v61 =	vmul.f32 v1, v34;
	v3 =	vadd.f32 $-1.570796370e+00, v58  }
0x230: {  	v47 =	vmul.f32 v60, v56;
	v7 =	vsub.f32 v7, v59;
	v59 =	vmul.f32 v52, v48  }
0x231: {  	v1 =	vsub.f32 $0.0e+00, v2;
	v30 =	vadd.f32 $-5.000000000e-01, v61;
	v23 =	vmul.f32 v3, v3  }
0x232: {  	v11 =	vsub.f32 $0.0e+00, v11;
	v61 =	vmul.f32 $2.505210790e-08, v33;
	v27 =	vmul.f32 v49, v46  }
0x233: {  	v15 =	vadd.f32 v54, v55;
	v32 =	vmul.f32 v1, v56;
	v2 =	vmul.f32 v30, v34  }
0x234: {  	v34 =	vadd.f32 $8.333333770e-03, v31;
	v35 =	vmul.f32 v1, v57;
	v41 =	vmul.f32 $2.505210790e-08, v23  }
0x235: {  	v11 =	vsub.f32 v11, v50;
	v55 =	vmul.f32 $2.755732000e-07, v23;
	v36 =	vmul.f32 v32, v60  }
0x236: {  	v5 =	vmul.f32 v34, v12;
	v38 =	vmul.f32 v32, v63;
	v43 =	vsub.f32 $2.755731880e-06, v41  }
0x237: {  	v37 =	vadd.f32 $1.000000000e+00, v2;
	v44 =	vmul.f32 v35, v60;
	v13 =	vmul.f32 v35, v63  }
0x238: {  	v17 =	vsub.f32 $2.480158760e-05, v55;
	v5 =	vadd.f32 $-1.666666720e-01, v5;
	v22 =	vmul.f32 v43, v23  }
0x239: {  	v2 =	vsub.f32 $0.0e+00, v38;
	v18 =	vmul.f32 v37, v56;
	v20 =	vmul.f32 v37, v57  }
0x23a: {  	v21 =	vsub.f32 v36, v40;
	v54 =	vmul.f32 v37, v60;
	v9 =	vmul.f32 v37, v63  }
0x23b: {  	v17 =	vmul.f32 v17, v23;
	v60 =	vmul.f32 v49, v48;
	v36 =	vsub.f32 $2.755731880e-06, v61;
	v40 =	vld [tilespmem:$0x7D0]  }
0x23c: {  	v5 =	vmul.f32 v5, v12;
	v50 =	vadd.f32 $-1.984127010e-04, v22;
	v12 =	vmul.f32 v16, v12  }
0x23d: {  	v39 =	vld [tilespmem:$0x3B0];
	v63 =	vmul.f32 v52, v46;
	v22 =	vadd.f32 v44, v45;
	v17 =	vadd.f32 $-1.388888920e-03, v17  }
0x23e: {  	v43 =	vmul.f32 v36, v33;
	v45 =	vld [tilespmem:$0xBB0];
	v5 =	vadd.f32 $1.000000000e+00, v5;
	v12 =	vadd.f32 $1.000000000e+00, v12  }
0x23f: {  	v25 =	vsub.f32 v2, v42;
	v53 =	vmul.f32 v50, v23;
	v17 =	vmul.f32 v17, v23  }
0x240: {  	v40 =	vadd.f32 $-1.570796370e+00, v40;
	v5 =	vmul.f32 v5, v6;
	v35 =	vmul.f32 v12, v46  }
0x241: {  	v17 =	vadd.f32 $4.166666790e-02, v17;
	v29 =	vmul.f32 v12, v48;
	v30 =	vmul.f32 v12, v49  }
0x242: {  	v6 =	vsub.f32 $0.0e+00, v54;
	v12 =	vmul.f32 v12, v52;
	v28 =	vmul.f32 v40, v40  }
0x243: {  	v32 =	vld [tilespmem:$0x5B0];
	v61 =	vmul.f32 v45, v39;
	v2 =	vsub.f32 $0.0e+00, v5;
	v17 =	vmul.f32 v17, v23  }
0x244: {  	v5 =	vadd.f32 $8.333333770e-03, v53;
	v54 =	vmul.f32 $2.505210790e-08, v28;
	v42 =	vmul.f32 $2.755732000e-07, v28  }
0x245: {  	v44 =	vld [tilespmem:$0x9B0];
	v56 =	vmul.f32 v2, v46;
	v57 =	vmul.f32 v2, v48  }
0x246: {  	v8 =	vsub.f32 $0.0e+00, v8;
	v5 =	vmul.f32 v5, v23;
	v46 =	vmul.f32 $2.755732000e-07, v33  }
0x247: {  	v17 =	vadd.f32 $-5.000000000e-01, v17;
	v58 =	vmul.f32 v56, v49;
	v24 =	vmul.f32 v56, v52  }
0x248: {  	v5 =	vadd.f32 $-1.666666720e-01, v5;
	v62 =	vmul.f32 v57, v49;
	v16 =	vmul.f32 v57, v52  }
0x249: {  	v48 =	vmul.f32 v17, v23;
	v50 =	vsub.f32 $2.480158760e-05, v46;
	v52 =	vmul.f32 v45, v32  }
0x24a: {  	[tilespmem:$0x1280] =	vst v11;
	v11 =	vsub.f32 $2.755731880e-06, v54;
	v56 =	vmul.f32 v44, v32;
	v5 =	vmul.f32 v5, v23  }
0x24b: {  	[tilespmem:$0x1A00] =	vst v15;
	v24 =	vsub.f32 $0.0e+00, v24;
	v15 =	vadd.f32 v62, v63;
	v23 =	vmul.f32 v50, v33  }
0x24c: {  	[tilespmem:$0x2300] =	vst v0;
	v53 =	vadd.f32 $1.000000000e+00, v48;
	v62 =	vmul.f32 v44, v39;
	v5 =	vadd.f32 $1.000000000e+00, v5  }
0x24d: {  	[tilespmem:$0x1300] =	vst v19;
	v24 =	vsub.f32 v24, v60;
	v23 =	vadd.f32 $-1.388888920e-03, v23;
	v60 =	vmul.f32 v11, v28  }
0x24e: {  	[tilespmem:$0x2200] =	vst v8;
	v13 =	vsub.f32 v47, v13;
	v37 =	vld [tilespmem:$0x5C0];
	v8 =	vmul.f32 v53, v39;
	v3 =	vmul.f32 v5, v3  }
0x24f: {  	[tilespmem:$0x1B00] =	vst v10;
	v38 =	vld [tilespmem:$0x9C0];
	v5 =	vadd.f32 $-1.984127010e-04, v43;
	v23 =	vmul.f32 v23, v33;
	v10 =	vadd.f32 $-1.984127010e-04, v60  }
0x250: {  	[tilespmem:$0x1A80] =	vst v7;
	v19 =	vmul.f32 v53, v32;
	v7 =	vmul.f32 v53, v45;
	v3 =	vsub.f32 $0.0e+00, v3  }
0x251: {  	[tilespmem:$0x2280] =	vst v4;
	v5 =	vmul.f32 v5, v33;
	v23 =	vadd.f32 $4.166666790e-02, v23;
	v10 =	vmul.f32 v10, v28  }
0x252: {  	[tilespmem:$0x1200] =	vst v14;
	v31 =	vsub.f32 v58, v59;
	v47 =	vmul.f32 v3, v39;
	v49 =	vmul.f32 v3, v32  }
0x253: {  	[tilespmem:$0x2310] =	vst v1;
	v5 =	vadd.f32 $8.333333770e-03, v5;
	v23 =	vmul.f32 v23, v33;
	v39 =	vmul.f32 v53, v44  }
0x254: {  	[tilespmem:$0x1210] =	vst v21;
	v36 =	vld [tilespmem:$0x5D0];
	v57 =	vsub.f32 v27, v16;
	v53 =	vmul.f32 v38, v37;
	v51 =	vmul.f32 v47, v44  }
0x255: {  	[tilespmem:$0x1310] =	vst v18;
	v43 =	vld [tilespmem:$0x7E0];
	v10 =	vadd.f32 $8.333333770e-03, v10;
	v5 =	vmul.f32 v5, v33;
	v55 =	vmul.f32 v47, v45  }
0x256: {  	[tilespmem:$0x1A90] =	vst v13;
	v63 =	vld [tilespmem:$0x3C0];
	v58 =	vmul.f32 v49, v44;
	v17 =	vmul.f32 v49, v45;
	v41 =	vadd.f32 $-5.000000000e-01, v23  }
0x257: {  	[tilespmem:$0x1A20] =	vst v15;
	v15 =	vld [tilespmem:$0xBD0];
	v23 =	vsub.f32 $2.480158760e-05, v42;
	v10 =	vmul.f32 v10, v28;
	v5 =	vadd.f32 $-1.666666720e-01, v5  }
0x258: {  	[tilespmem:$0x1A10] =	vst v22;
	v44 =	vld [tilespmem:$0xBC0];
	v59 =	vsub.f32 $0.0e+00, v55;
	v18 =	vsub.f32 v51, v52;
	v22 =	vmul.f32 v41, v33  }
0x259: {  	[tilespmem:$0x1B10] =	vst v20;
	v46 =	vadd.f32 v58, v61;
	v50 =	vmul.f32 v23, v28;
	v10 =	vadd.f32 $-1.666666720e-01, v10  }
0x25a: {  	[tilespmem:$0x2290] =	vst v9;
	v48 =	vsub.f32 v62, v17;
	v23 =	vadd.f32 $-1.570796370e+00, v43;
	v5 =	vmul.f32 v5, v33  }
0x25b: {  	[tilespmem:$0x1290] =	vst v25;
	v0 =	vsub.f32 v59, v56;
	v17 =	vadd.f32 $-1.388888920e-03, v50;
	v10 =	vmul.f32 v10, v28  }
0x25c: {  	v22 =	vadd.f32 $1.000000000e+00, v22;
	v59 =	vmul.f32 v38, v63;
	[tilespmem:$0x1A30] =	vst v46;
	v46 =	vmul.f32 v15, v36  }
0x25d: {  	[tilespmem:$0x1AA0] =	vst v57;
	v52 =	vmul.f32 v44, v37;
	v57 =	vmul.f32 v44, v63;
	v5 =	vadd.f32 $1.000000000e+00, v5  }
0x25e: {  	[tilespmem:$0x2210] =	vst v6;
	v17 =	vmul.f32 v17, v28;
	v54 =	vmul.f32 v22, v63  }
0x25f: {  	[tilespmem:$0x1320] =	vst v35;
	v10 =	vadd.f32 $1.000000000e+00, v10;
	v5 =	vmul.f32 v5, v26;
	v26 =	vmul.f32 v23, v23  }
0x260: {  	[tilespmem:$0x1B20] =	vst v29;
	v60 =	vld [tilespmem:$0x3D0];
	v14 =	vmul.f32 v22, v38;
	v35 =	vmul.f32 v22, v44;
	v17 =	vadd.f32 $4.166666790e-02, v17  }
0x261: {  	[tilespmem:$0x22A0] =	vst v12;
	v58 =	vld [tilespmem:$0x7F0];
	v10 =	vmul.f32 v10, v40;
	v5 =	vsub.f32 $0.0e+00, v5;
	v55 =	vmul.f32 $2.505210790e-08, v26  }
0x262: {  	[tilespmem:$0x2320] =	vst v2;
	v45 =	vsub.f32 $0.0e+00, v30;
	v17 =	vmul.f32 v17, v28;
	v43 =	vmul.f32 $2.755732000e-07, v26  }
0x263: {  	[tilespmem:$0x1220] =	vst v31;
	v10 =	vsub.f32 $0.0e+00, v10;
	v47 =	vmul.f32 v5, v63;
	v49 =	vmul.f32 v5, v37  }
0x264: {  	v34 =	vld [tilespmem:$0x9D0];
	[tilespmem:$0x12A0] =	vst v24;
	v30 =	vsub.f32 $2.755731880e-06, v55;
	v63 =	vmul.f32 v22, v37;
	v17 =	vadd.f32 $-5.000000000e-01, v17  }
0x265: {  	[tilespmem:$0x1330] =	vst v8;
	v37 =	vsub.f32 $0.0e+00, v39;
	v39 =	vmul.f32 v10, v60;
	v51 =	vmul.f32 v47, v38  }
0x266: {  	[tilespmem:$0x1B30] =	vst v19;
	v22 =	vadd.f32 $-1.570796370e+00, v58;
	v11 =	vmul.f32 v47, v44;
	v56 =	vmul.f32 v49, v38  }
0x267: {  	[tilespmem:$0x22B0] =	vst v7;
	v16 =	vmul.f32 v49, v44;
	v33 =	vmul.f32 v30, v26  }
0x268: {  	[tilespmem:$0x1340] =	vst v54;
	v54 =	vsub.f32 $0.0e+00, v14;
	v38 =	vmul.f32 v17, v28;
	v24 =	vmul.f32 v22, v22  }
0x269: {  	[tilespmem:$0x2330] =	vst v3;
	v42 =	vmul.f32 v39, v15;
	v17 =	vmul.f32 v39, v34;
	v11 =	vsub.f32 $0.0e+00, v11  }
0x26a: {  	[tilespmem:$0x2220] =	vst v45;
	v47 =	vmul.f32 v34, v36;
	v61 =	vsub.f32 v51, v52;
	v21 =	vadd.f32 $-1.984127010e-04, v33  }
0x26b: {  	[tilespmem:$0x1230] =	vst v18;
	v49 =	vmul.f32 v10, v36;
	v41 =	vsub.f32 v59, v16;
	v16 =	vsub.f32 $2.480158760e-05, v43  }
0x26c: {  	[tilespmem:$0x1AB0] =	vst v48;
	v40 =	vadd.f32 v56, v57;
	v45 =	vmul.f32 $2.505210790e-08, v24;
	v21 =	vmul.f32 v21, v26  }
0x26d: {  	[tilespmem:$0x12B0] =	vst v0;
	v6 =	vsub.f32 $0.0e+00, v42;
	v48 =	vsub.f32 v17, v46;
	v16 =	vmul.f32 v16, v26  }
0x26e: {  	[tilespmem:$0x22C0] =	vst v35;
	v52 =	vmul.f32 v49, v34;
	v44 =	vadd.f32 $8.333333770e-03, v21;
	v21 =	vsub.f32 $2.755731880e-06, v45  }
0x26f: {  	[tilespmem:$0x2240] =	vst v54;
	v57 =	vmul.f32 v34, v60;
	v8 =	vmul.f32 v49, v15;
	v16 =	vadd.f32 $-1.388888920e-03, v16  }
0x270: {  	[tilespmem:$0x2340] =	vst v5;
	v55 =	vadd.f32 $1.000000000e+00, v38;
	v19 =	vmul.f32 v44, v26;
	v51 =	vmul.f32 v21, v24  }
0x271: {  	v58 =	vld [tilespmem:$0x3E0];
	[tilespmem:$0x2350] =	vst v10;
	v59 =	vmul.f32 $2.755732000e-07, v24;
	v62 =	vsub.f32 v11, v53;
	v56 =	vmul.f32 v16, v26  }
0x272: {  	[tilespmem:$0x1B40] =	vst v63;
	v63 =	vld [tilespmem:$0xBE0];
	v53 =	vmul.f32 v15, v60;
	v50 =	vadd.f32 $-1.666666720e-01, v19;
	v12 =	vadd.f32 $-1.984127010e-04, v51  }
0x273: {  	[tilespmem:$0x2230] =	vst v37;
	v60 =	vmul.f32 v55, v60;
	v25 =	vmul.f32 v55, v34;
	v13 =	vadd.f32 $4.166666790e-02, v56  }
0x274: {  	[tilespmem:$0x1240] =	vst v61;
	v19 =	vsub.f32 $2.480158760e-05, v59;
	v7 =	vmul.f32 v50, v26;
	v12 =	vmul.f32 v12, v24  }
0x275: {  	v6 =	vsub.f32 v6, v47;
	[tilespmem:$0x1A40] =	vst v40;
	v9 =	vmul.f32 v55, v15;
	v17 =	vmul.f32 v13, v26  }
0x276: {  	[tilespmem:$0x1AC0] =	vst v41;
	v61 =	vld [tilespmem:$0x5E0];
	v13 =	vmul.f32 v19, v24;
	v7 =	vadd.f32 $1.000000000e+00, v7;
	v12 =	vadd.f32 $8.333333770e-03, v12  }
0x277: {  	v41 =	vmul.f32 v63, v58;
	[tilespmem:$0x12C0] =	vst v62;
	v62 =	vsub.f32 v57, v8;
	v8 =	vadd.f32 $-5.000000000e-01, v17  }
0x278: {  	[tilespmem:$0x1250] =	vst v48;
	v13 =	vadd.f32 $-1.388888920e-03, v13;
	v7 =	vmul.f32 v7, v23;
	v12 =	vmul.f32 v12, v24  }
0x279: {  	v2 =	vadd.f32 v52, v53;
	[tilespmem:$0x12D0] =	vst v6;
	v3 =	vsub.f32 $0.0e+00, v25;
	v28 =	vmul.f32 v8, v26  }
0x27a: {  	[tilespmem:$0x1350] =	vst v60;
	v33 =	vmul.f32 v13, v24;
	v7 =	vsub.f32 $0.0e+00, v7;
	v12 =	vadd.f32 $-1.666666720e-01, v12  }
0x27b: {  	[tilespmem:$0x22D0] =	vst v9;
	v21 =	vmul.f32 v55, v36;
	v34 =	vmul.f32 v63, v61;
	v23 =	vld [tilespmem:$0x9E0];
	v31 =	vadd.f32 $1.000000000e+00, v28  }
0x27c: {  	[tilespmem:$0x1A50] =	vst v2;
	v6 =	vadd.f32 $4.166666790e-02, v33;
	v27 =	vmul.f32 v7, v58;
	v12 =	vmul.f32 v12, v24  }
0x27d: {  	[tilespmem:$0x1AD0] =	vst v62;
	v29 =	vmul.f32 v7, v61;
	v36 =	vmul.f32 v31, v58  }
0x27e: {  	v37 =	vld [tilespmem:$0x3F0];
	[tilespmem:$0x2250] =	vst v3;
	v6 =	vmul.f32 v6, v24;
	v48 =	vmul.f32 v31, v61;
	v12 =	vadd.f32 $1.000000000e+00, v12  }
0x27f: {  	v42 =	vld [tilespmem:$0xBF0];
	[tilespmem:$0x1B50] =	vst v21;
	v0 =	vmul.f32 v31, v63;
	v30 =	vmul.f32 v27, v63  }
0x280: {  	v40 =	vld [tilespmem:$0x5F0];
	[tilespmem:$0x2360] =	vst v7;
	v46 =	vmul.f32 v31, v23;
	v39 =	vmul.f32 v12, v22  }
0x281: {  	v43 =	vld [tilespmem:$0x9F0];
	v35 =	vmul.f32 v23, v61;
	v44 =	vadd.f32 $-5.000000000e-01, v6;
	[tilespmem:$0x1360] =	vst v36;
	v2 =	vsub.f32 $0.0e+00, v30  }
0x282: {  	v32 =	vmul.f32 v27, v23;
	[tilespmem:$0x1B60] =	vst v48;
	v6 =	vsub.f32 $0.0e+00, v46;
	v9 =	vsub.f32 $0.0e+00, v39  }
0x283: {  	v11 =	vmul.f32 v23, v58;
	v38 =	vmul.f32 v29, v23;
	[tilespmem:$0x22E0] =	vst v0;
	v2 =	vsub.f32 v2, v35  }
0x284: {  	v8 =	vmul.f32 v29, v63;
	v4 =	vsub.f32 v32, v34;
	[tilespmem:$0x2260] =	vst v6;
	v47 =	vmul.f32 v9, v37  }
0x285: {  	v51 =	vmul.f32 v42, v40;
	v3 =	vadd.f32 v38, v41;
	[tilespmem:$0x12E0] =	vst v2;
	v2 =	vmul.f32 v44, v24  }
0x286: {  	v45 =	vsub.f32 v11, v8;
	[tilespmem:$0x1260] =	vst v4;
	v52 =	vmul.f32 v9, v40;
	v50 =	vmul.f32 v47, v43  }
0x287: {  	v57 =	vmul.f32 v42, v37;
	[tilespmem:$0x1A60] =	vst v3;
	v2 =	vadd.f32 $1.000000000e+00, v2  }
0x288: {  	v58 =	vmul.f32 v43, v37;
	[tilespmem:$0x1AE0] =	vst v45;
	v56 =	vmul.f32 v52, v43;
	v54 =	vsub.f32 v50, v51  }
0x289: {  	[tilespmem:$0x2370] =	vst v9;
	v6 =	vmul.f32 v52, v42;
	v55 =	vmul.f32 v2, v37  }
0x28a: {  	v49 =	vmul.f32 v47, v42;
	v59 =	vadd.f32 v56, v57;
	[tilespmem:$0x1270] =	vst v54  }
0x28b: {  	v60 =	vsub.f32 v58, v6;
	[tilespmem:$0x1370] =	vst v55  }
0x28c: {  	v53 =	vmul.f32 v43, v40;
	v1 =	vsub.f32 $0.0e+00, v49;
	v61 =	vmul.f32 v2, v40;
	[tilespmem:$0x1A70] =	vst v59  }
0x28d: {  	v4 =	vmul.f32 v2, v43;
	v63 =	vmul.f32 v2, v42;
	[tilespmem:$0x1AF0] =	vst v60  }
0x28e: {  	v1 =	vsub.f32 v1, v53;
	[tilespmem:$0x1B70] =	vst v61  }
0x28f: {  	v62 =	vsub.f32 $0.0e+00, v4;
	[tilespmem:$0x22F0] =	vst v63  }
0x290: {  	[tilespmem:$0x12F0] =	vst v1  }
0x291: {  	s1 =	rddreg [dreg:$0x11];
	[tilespmem:$0x2270] =	vst v62  }
0x292: {  	[hbm4b:s1+s7] =	stream.linear.scatter [tilespmem:s29], [sflag:$0x5], $0x200, $0x38;
	[tilespmem:$0x2400] =	vst v63  }
0x293: {  	s14 =	rddreg [dreg:$0x12]  }
0x294: {  	[hbm4b:s14+s7] =	stream.linear.scatter [tilespmem:s30], [sflag:$0x5], $0x200, $0x38;
	[tilespmem:$0x2400] =	vst v63  }
0x295: {  	s1 =	rddreg [dreg:$0x13]  }
0x296: {  	[hbm4b:s1+s7] =	stream.linear.scatter [tilespmem:s31], [sflag:$0x5], $0x200, $0x38;
	[tilespmem:$0x2400] =	vst v63  }
0x297: {  	_ =	swait.ge [sflag:s5], $0x200  }
0x298: {  	[sflag:s5] =	ssyncset.done $0x0  }
0x299: {  	[sflag:s5] =	ssyncadd.s32 $0xFFFFFE00  }
0x29a: {  	_ =	swait.ge [sflag:s5], $0x200  }
0x29b: {  	[sflag:s5] =	ssyncset.done $0x0  }
0x29c: {  	[sflag:s5] =	ssyncadd.s32 $0xFFFFFE00  }
0x29d: {  	_ =	swait.ge [sflag:s5], $0x200  }
0x29e: {  	[sflag:s5] =	ssyncset.done $0x0  }
0x29f: {  	[sflag:s5] =	ssyncadd.s32 $0xFFFFFE00  }
0x2a0: {  	_ =	swait.ge [sflag:s5], $0x200  }
0x2a1: {  	[sflag:s5] =	ssyncset.done $0x0  }
0x2a2: {  	[sflag:s5] =	ssyncadd.s32 $0xFFFFFE00  }
0x2a3: {  	_ =	swait.ge [sflag:s5], $0x200  }
0x2a4: {  	[sflag:s5] =	ssyncset.done $0x0  }
0x2a5: {  	[sflag:s5] =	ssyncadd.s32 $0xFFFFFE00  }
0x2a6: {  	_ =	swait.ge [sflag:s5], $0x200  }
0x2a7: {  	[sflag:s5] =	ssyncset.done $0x0  }
0x2a8: {  	[sflag:s5] =	ssyncadd.s32 $0xFFFFFE00  }
0x2a9: {  	_ =	swait.ge [sflag:s5], $0x200  }
0x2aa: {  	[sflag:s5] =	ssyncset.done $0x0  }
0x2ab: {  	[sflag:s5] =	ssyncadd.s32 $0xFFFFFE00  }
0x2ac: {  	_ =	swait.ge [sflag:s5], $0x200  }
0x2ad: {  	[sflag:s5] =	ssyncset.done $0x0  }
0x2ae: {  	[sflag:s5] =	ssyncadd.s32 $0xFFFFFE00  }
0x2af: {  	_ =	swait.ge [sflag:s5], $0x200  }
0x2b0: {  	[sflag:s5] =	ssyncset.done $0x0  }
0x2b1: {  	[sflag:s5] =	ssyncadd.s32 $0xFFFFFE00  }
0x2b2: {  	_ =	swait.ge [sflag:s5], $0x200  }
0x2b3: {  	[sflag:s5] =	ssyncset.done $0x0  }
0x2b4: {  	[sflag:s5] =	ssyncadd.s32 $0xFFFFFE00  }
0x2b5: {  	p0 =	sne.s32 s10, $0x1;
	_ =	swait.ge [sflag:s5], $0x200  }
.Ltmp0:
0x2b6: {  	[sflag:s5] =	ssyncset.done $0x0;
	(pc) =	sbr.rel @p0 .LBB2_1-.Ltmp0, $4  }
0x2b7: {  	[sflag:s5] =	ssyncadd.s32 $0xFFFFFE00  }
0x2b8: {  	_ =	swait.ge [sflag:s5], $0x200  }
0x2b9: {  	[sflag:s5] =	ssyncset.done $0x0  }
0x2ba: {  	s10 =	sadd.s32 $0xFFFFFFFF, s10;
	[sflag:s5] =	ssyncadd.s32 $0xFFFFFE00  }
0x2bb: {  	_ =	sfence.sel $0x180000  }
0x2bc: {  	[bflag:$0x0] =	sbarrier.arrive $0xFFFF  }
0x2bd: {  	_ =	strace $0x90000047  }
0x2be: {  	s0 =	stileid.u32;
	[bflag:$0x2] =	sbarrier.arrive $0xFFFF  }
0x2bf: {  	p0 =	sne.s32 s0, $0x0;
	s0 =	rddreg [dreg:$0x7]  }
0x2c0: {  	s0 =	sadd.s32 @!p0 $0x100000, s0  }
0x2c1: {  	[sflag:s0] =	ssyncadd.tile.s32 @!p0 $0x1;
	_ =	shalt  }
.Lfunc_end2:
_tile_overlayer_lowered:
.L_overlay_start_2:
0x2c2: {  	(tag) =	ssettag $0x2  }
0x2c3: {  	s0 =	rddreg [dreg:$0x0];
	s2 =	stileid.u32  }
0x2c4: {  	s1 =	rddreg [dreg:$0x1];
	p0 =	sne.s32 s2, $0x0  }
0x2c5: {  	s3 =	rddreg [dreg:$0x2];
	[bflag:$0x3] =	sbarrier.arrive $0xFFFF;
	s2 =	simm.s32 @!p0 $0x1C06  }
0x2c6: {  	[timem:s3], [sflag:s2] =	dma.local @!p0 [hbm:s0], s1  }
0x2c7: {  	s0 =	simm.s32 @!p0 $0x6  }
0x2c8: {  	_ =	swait.ge @!p0 [sflag:s0], s1  }
0x2c9: {  	s1 =	ssub.s32 @!p0 $0x0, s1;
	[sflag:s0] =	ssyncset.done @!p0 $0x0  }
0x2ca: {  	[sflag:s0] =	ssyncadd.s32 @!p0 s1  }
0x2cb: {  	[bflag:$0x3] =	sbarrier.arrive $0xFFFF  }
0x2cc: {  	_ =	shalt  }

</sc_bundles>
